<compile_context>
chip_gen: v7x
topology: tpu7x:2x2x1
jax: 0.10.2.dev20260603
libtpu: 0.0.44.dev20260713+nightly
codegen_flags: <defaults>
</compile_context>

<pallas_src>
import functools

import jax
import jax.numpy as jnp
from jax import lax
from jax.experimental import pallas as pl
from jax.experimental.pallas import tpu as pltpu
from jax.experimental.pallas import tpu_sc as plsc

ALPHA = 0.4
SEQ = 2048
FEAT = 768
BATCH = 4
CHUNKS = 4
NC, NS = 2, 16
NW = NC * NS
ROWS_W = SEQ // NW
HALF = ROWS_W // 2
QTR = 16
NT = FEAT // 16
OUT_ROWS = BATCH * CHUNKS * SEQ


def _build_sc_call():
    mesh = plsc.VectorSubcoreMesh(core_axis_name="c", subcore_axis_name="s")

    @functools.partial(
        pl.kernel,
        mesh=mesh,
        out_type=jax.ShapeDtypeStruct((BATCH * CHUNKS, SEQ, FEAT), jnp.float32),
        scratch_types=[
            pltpu.VMEM((HALF, FEAT), jnp.float32),
            pltpu.VMEM((HALF, FEAT), jnp.float32),
            pltpu.VMEM((4, FEAT), jnp.float32),
            pltpu.VMEM((4, FEAT), jnp.float32),
            pltpu.VMEM((2, QTR, FEAT), jnp.float32),
            pltpu.SemaphoreType.DMA,
            pltpu.SemaphoreType.DMA,
            pltpu.SemaphoreType.DMA,
            pltpu.SemaphoreType.DMA,
        ],
    )
    def pe_kernel(table, out, g0, g1, head, cq, bufs, si, s0, sa, sb):
        w = lax.axis_index("s") * NC + lax.axis_index("c")
        j0 = w * ROWS_W
        cp_head = pltpu.async_copy(table.at[pl.ds(0, 4), :], head, si)
        cp_g0 = pltpu.async_copy(table.at[pl.ds(j0, HALF), :], g0, si)
        cp_g1 = pltpu.async_copy(table.at[pl.ds(j0 + HALF, HALF), :], g1, si)

        a = ALPHA
        s = a / (1.0 - a)
        cp_head.wait()
        cp_g0.wait()
        cp_q0a = pltpu.async_copy(g0, out.at[0, pl.ds(j0, HALF), :], s0)
        for t in range(NT):
            sl = pl.ds(t * 16, 16)
            p0 = head[0, sl]
            pq = head[1, sl]
            cq[1, sl] = s * (pq - a * p0) - a * p0

        gsem = (sa, sb)
        pending = {}
        cp_q0b = None
        for ph in range(2 * HALF // QTR):
            seg = g0 if ph * QTR < HALF else g1
            r0 = ph * QTR % HALF
            gen = ph % 2
            if ph * QTR == HALF:
                cp_g1.wait()
                cp_q0b = pltpu.async_copy(
                    g1, out.at[0, pl.ds(j0 + HALF, HALF), :], s0
                )
            if ph >= 2:
                pending[ph - 2].wait()
            buf = bufs.at[gen]

            @plsc.parallel_loop(0, NT)
            def body(t, _seg=seg, _buf=buf, _r0=r0):
                sl = pl.ds(t * 16, 16)
                c1 = cq[1, sl]
                for r in range(QTR):
                    _buf[r, sl] = _seg[_r0 + r, sl] + c1

            pending[ph] = pltpu.async_copy(
                buf, out.at[1, pl.ds(j0 + ph * QTR, QTR), :], gsem[gen]
            )
        cp_q0a.wait()
        cp_q0b.wait()
        pending[2].wait()
        pending[3].wait()

    return pe_kernel


def _tc_body(table_ref, big_ref, out_ref):
    q = lax.rem(pl.program_id(0) + 2, CHUNKS)
    t = table_ref[...]
    a = ALPHA
    s = a / (1.0 - a)
    p0 = t[0:1, :]
    pq = (
        jnp.where(q == 0, t[0:1, :], 0.0)
        + jnp.where(q == 1, t[1:2, :], 0.0)
        + jnp.where(q == 2, t[2:3, :], 0.0)
        + jnp.where(q == 3, t[3:4, :], 0.0)
    )
    c = s * (pq - a * p0) - a * p0
    out_ref[0] = t + c


def _build_tc_call():
    nblk = BATCH * CHUNKS
    return pl.pallas_call(
        _tc_body,
        grid=(BATCH * CHUNKS - 2,),
        in_specs=[
            pl.BlockSpec((SEQ, FEAT), lambda k: (0, 0)),
            pl.BlockSpec(memory_space=pl.ANY),
        ],
        out_specs=pl.BlockSpec((1, SEQ, FEAT), lambda k: (k + 2, 0, 0)),
        out_shape=jax.ShapeDtypeStruct((nblk, SEQ, FEAT), jnp.float32),
        input_output_aliases={1: 0},
    )


_sc_call = _build_sc_call()
_tc_call = _build_tc_call()


@jax.jit
def _pe_full(position_embeddings):
    sc_out = _sc_call(position_embeddings)
    return _tc_call(position_embeddings, sc_out)


def kernel(inputs, position_embeddings):
    return _pe_full(position_embeddings).reshape(inputs.shape)

# --- scband reference (transcript-rebuilt; emitter-appended) ---
"""Pipeline reference for scband-position-embedding-32023276159439 (READ-ONLY COPY).

The authoritative reference and input builder live on the scoring server;
editing this copy changes nothing except your own understanding.
"""

import jax, jax.numpy as jnp
import numpy as np

SEQUENCE_LENGTH = 2048
ALPHA = 0.4


def setup_inputs(seed: int = 0) -> dict:
    key = jax.random.key(seed)
    k1, k2 = jax.random.split(key)
    inputs = jax.random.normal(k1, (4, 8192, 768), dtype=jnp.float32)
    # glorot_uniform for shape [sequence_length, feature_size]
    fan_in, fan_out = SEQUENCE_LENGTH, 768
    limit = float(np.sqrt(6.0 / (fan_in + fan_out)))
    position_embeddings = jax.random.uniform(
        k2, (SEQUENCE_LENGTH, 768), dtype=jnp.float32, minval=-limit, maxval=limit
    )
    return {"inputs": inputs, "position_embeddings": position_embeddings}


def reference(inputs, position_embeddings):
    shape = inputs.shape
    feature_length = shape[-1]
    sequence_length = shape[-2]
    if sequence_length < SEQUENCE_LENGTH:
        start_index = 0
        pe = jax.lax.dynamic_slice(
            position_embeddings, (start_index, 0), (sequence_length, feature_length)
        )
    else:
        embeddings = position_embeddings - ALPHA * position_embeddings[:1]
        embeddings = embeddings / (1.0 - ALPHA)
        position_ids = jnp.arange(sequence_length, dtype=jnp.int32)
        embeddings_x = jnp.take(embeddings, position_ids // SEQUENCE_LENGTH, axis=0)
        embeddings_y = jnp.take(embeddings, position_ids % SEQUENCE_LENGTH, axis=0)
        pe = ALPHA * embeddings_x + (1.0 - ALPHA) * embeddings_y
    return jnp.broadcast_to(pe, shape)

if __name__ == "__main__":
    import jax
    _d = setup_inputs()
    print(jax.jit(kernel)(*tuple(_d.values())))

</pallas_src>

<mosaic_0001>
#map = affine_map<(d0, d1) -> (0, 0)>
#map1 = affine_map<(d0, d1) -> (0, 0, 0)>
module attributes {stable_mosaic.version = 14 : i64} {
  func.func @pe_kernel(%arg0: i32, %arg1: i32, %arg2: memref<2048x768xf32, #tpu.memory_space<hbm>>, %arg3: memref<16x2048x768xf32, #tpu.memory_space<hbm>>, %arg4: memref<32x768xf32, #tpu.memory_space<vmem>>, %arg5: memref<32x768xf32, #tpu.memory_space<vmem>>, %arg6: memref<4x768xf32, #tpu.memory_space<vmem>>, %arg7: memref<4x768xf32, #tpu.memory_space<vmem>>, %arg8: memref<2x16x768xf32, #tpu.memory_space<vmem>>, %arg9: memref<!tpu.dma_semaphore, #tpu.memory_space<semaphore_mem>>, %arg10: memref<!tpu.dma_semaphore, #tpu.memory_space<semaphore_mem>>, %arg11: memref<!tpu.dma_semaphore, #tpu.memory_space<semaphore_mem>>, %arg12: memref<!tpu.dma_semaphore, #tpu.memory_space<semaphore_mem>>) attributes {dimension_semantics = [#tpu.dimension_semantics<core_parallel>, #tpu.dimension_semantics<subcore_parallel>], iteration_bounds = array<i64: 2, 16>, scalar_prefetch = 0 : i64, scratch_operands = 9 : i64, tpu.core_type = #tpu.core_type<sc_vector_subcore>, window_params = [{transform_indices = #map}, {transform_indices = #map1}]} {
    %mul3A = arith.constant 2 : i32
    %mul3A_0 = arith.muli %arg1, %mul3A : i32
    %add3A = arith.addi %mul3A_0, %arg0 : i32
    %mul3A_1 = arith.constant 64 : i32
    %mul3A_2 = arith.muli %add3A, %mul3A_1 : i32
    %dma_start3A = arith.constant 0 : i32
    %dma_start3A_3 = arith.constant 0 : i32
    %dma_start3A_4 = tpu.memref_slice %arg2[%dma_start3A, %dma_start3A_3] : memref<2048x768xf32, #tpu.memory_space<hbm>> -> memref<4x768xf32, #tpu.memory_space<hbm>>
    %dma_start3A_5 = arith.constant 0 : i32
    %dma_start3A_6 = arith.constant 0 : i32
    %dma_start3A_7 = tpu.memref_slice %arg2[%dma_start3A_5, %dma_start3A_6] : memref<2048x768xf32, #tpu.memory_space<hbm>> -> memref<4x768xf32, #tpu.memory_space<hbm>>
    tpu.enqueue_dma source(%dma_start3A_7 : memref<4x768xf32, #tpu.memory_space<hbm>>) target(%arg6 : memref<4x768xf32, #tpu.memory_space<vmem>>) target_semaphore(%arg9 : memref<!tpu.dma_semaphore, #tpu.memory_space<semaphore_mem>>)
    %dma_start3A_8 = arith.constant 0 : i32
    %dma_start3A_9 = tpu.memref_slice %arg2[%mul3A_2, %dma_start3A_8] : memref<2048x768xf32, #tpu.memory_space<hbm>> -> memref<32x768xf32, #tpu.memory_space<hbm>>
    %dma_start3A_10 = arith.constant 0 : i32
    %dma_start3A_11 = tpu.memref_slice %arg2[%mul3A_2, %dma_start3A_10] : memref<2048x768xf32, #tpu.memory_space<hbm>> -> memref<32x768xf32, #tpu.memory_space<hbm>>
    tpu.enqueue_dma source(%dma_start3A_11 : memref<32x768xf32, #tpu.memory_space<hbm>>) target(%arg4 : memref<32x768xf32, #tpu.memory_space<vmem>>) target_semaphore(%arg9 : memref<!tpu.dma_semaphore, #tpu.memory_space<semaphore_mem>>)
    %add3A_12 = arith.constant 32 : i32
    %add3A_13 = arith.addi %mul3A_2, %add3A_12 : i32
    %dma_start3A_14 = arith.constant 0 : i32
    %dma_start3A_15 = tpu.memref_slice %arg2[%add3A_13, %dma_start3A_14] : memref<2048x768xf32, #tpu.memory_space<hbm>> -> memref<32x768xf32, #tpu.memory_space<hbm>>
    %dma_start3A_16 = arith.constant 0 : i32
    %dma_start3A_17 = tpu.memref_slice %arg2[%add3A_13, %dma_start3A_16] : memref<2048x768xf32, #tpu.memory_space<hbm>> -> memref<32x768xf32, #tpu.memory_space<hbm>>
    tpu.enqueue_dma source(%dma_start3A_17 : memref<32x768xf32, #tpu.memory_space<hbm>>) target(%arg5 : memref<32x768xf32, #tpu.memory_space<vmem>>) target_semaphore(%arg9 : memref<!tpu.dma_semaphore, #tpu.memory_space<semaphore_mem>>)
    %dma_wait3A = arith.constant 0 : i32
    %dma_wait3A_18 = arith.constant 0 : i32
    %dma_wait3A_19 = tpu.memref_slice %arg2[%dma_wait3A, %dma_wait3A_18] : memref<2048x768xf32, #tpu.memory_space<hbm>> -> memref<4x768xf32, #tpu.memory_space<hbm>>
    %dma_wait3A_20 = arith.constant 0 : i32
    %dma_wait3A_21 = arith.constant 0 : i32
    %dma_wait3A_22 = tpu.memref_slice %arg2[%dma_wait3A_20, %dma_wait3A_21] : memref<2048x768xf32, #tpu.memory_space<hbm>> -> memref<4x768xf32, #tpu.memory_space<hbm>>
    tpu.wait_dma2 semaphore(%arg9 : memref<!tpu.dma_semaphore, #tpu.memory_space<semaphore_mem>>) src(%dma_wait3A_22 : memref<4x768xf32, #tpu.memory_space<hbm>>) dst(%arg6 : memref<4x768xf32, #tpu.memory_space<vmem>>)
    %dma_wait3A_23 = arith.constant 0 : i32
    %dma_wait3A_24 = tpu.memref_slice %arg2[%mul3A_2, %dma_wait3A_23] : memref<2048x768xf32, #tpu.memory_space<hbm>> -> memref<32x768xf32, #tpu.memory_space<hbm>>
    %dma_wait3A_25 = arith.constant 0 : i32
    %dma_wait3A_26 = tpu.memref_slice %arg2[%mul3A_2, %dma_wait3A_25] : memref<2048x768xf32, #tpu.memory_space<hbm>> -> memref<32x768xf32, #tpu.memory_space<hbm>>
    tpu.wait_dma2 semaphore(%arg9 : memref<!tpu.dma_semaphore, #tpu.memory_space<semaphore_mem>>) src(%dma_wait3A_26 : memref<32x768xf32, #tpu.memory_space<hbm>>) dst(%arg4 : memref<32x768xf32, #tpu.memory_space<vmem>>)
    %dma_start3A_27 = arith.constant 0 : i32
    %dma_start3A_28 = arith.constant 0 : i32
    %dma_start3A_29 = tpu.memref_slice %arg3[%dma_start3A_27, %mul3A_2, %dma_start3A_28] : memref<16x2048x768xf32, #tpu.memory_space<hbm>> -> memref<1x32x768xf32, #tpu.memory_space<hbm>>
    %dma_start3A_30 = tpu.memref_squeeze %dma_start3A_29 : memref<1x32x768xf32, #tpu.memory_space<hbm>> -> memref<32x768xf32, #tpu.memory_space<hbm>>
    %dma_start3A_31 = arith.constant 0 : i32
    %dma_start3A_32 = tpu.memref_slice %arg3[%dma_start3A_27, %mul3A_2, %dma_start3A_31] : memref<16x2048x768xf32, #tpu.memory_space<hbm>> -> memref<1x32x768xf32, #tpu.memory_space<hbm>>
    %dma_start3A_33 = tpu.memref_squeeze %dma_start3A_32 : memref<1x32x768xf32, #tpu.memory_space<hbm>> -> memref<32x768xf32, #tpu.memory_space<hbm>>
    tpu.enqueue_dma source(%arg4 : memref<32x768xf32, #tpu.memory_space<vmem>>) target(%dma_start3A_33 : memref<32x768xf32, #tpu.memory_space<hbm>>) target_semaphore(%arg10 : memref<!tpu.dma_semaphore, #tpu.memory_space<semaphore_mem>>)
    %get3A = arith.constant 0 : i32
    %get3A_34 = arith.index_cast %get3A : i32 to index
    %get3A_35 = arith.constant 0 : index
    %get3A_36 = tpu.vector_load %arg6[%get3A_34, %get3A_35] {strides = array<i32>} : memref<4x768xf32, #tpu.memory_space<vmem>>, vector<1x16xf32>,
    %get3A_37 = vector.shape_cast %get3A_36 : vector<1x16xf32> to vector<16xf32>
    %get3A_38 = arith.constant 1 : i32
    %get3A_39 = arith.index_cast %get3A_38 : i32 to index
    %get3A_40 = arith.constant 0 : index
    %get3A_41 = tpu.vector_load %arg6[%get3A_39, %get3A_40] {strides = array<i32>} : memref<4x768xf32, #tpu.memory_space<vmem>>, vector<1x16xf32>,
    %get3A_42 = vector.shape_cast %get3A_41 : vector<1x16xf32> to vector<16xf32>
    %mul3A_43 = arith.constant 4.000000e-01 : f32
    %mul3A_44 = vector.broadcast %mul3A_43 : f32 to vector<16xf32>
    %mul3A_45 = arith.mulf %mul3A_44, %get3A_37 : vector<16xf32>
    %sub3A = arith.subf %get3A_42, %mul3A_45 : vector<16xf32>
    %mul3A_46 = arith.constant 0.666666686 : f32
    %mul3A_47 = vector.broadcast %mul3A_46 : f32 to vector<16xf32>
    %mul3A_48 = arith.mulf %mul3A_47, %sub3A : vector<16xf32>
    %mul3A_49 = arith.constant 4.000000e-01 : f32
    %mul3A_50 = vector.broadcast %mul3A_49 : f32 to vector<16xf32>
    %mul3A_51 = arith.mulf %mul3A_50, %get3A_37 : vector<16xf32>
    %sub3A_52 = arith.subf %mul3A_48, %mul3A_51 : vector<16xf32>
    %swap3A = arith.constant 1 : i32
    %swap3A_53 = arith.index_cast %swap3A : i32 to index
    %swap3A_54 = arith.constant 0 : index
    %swap3A_55 = tpu.vector_load %arg7[%swap3A_53, %swap3A_54] {strides = array<i32>} : memref<4x768xf32, #tpu.memory_space<vmem>>, vector<1x16xf32>,
    %swap3A_56 = vector.shape_cast %swap3A_55 : vector<1x16xf32> to vector<16xf32>
    %swap3A_57 = vector.shape_cast %sub3A_52 : vector<16xf32> to vector<1x16xf32>
    tpu.vector_store %arg7[%swap3A_53, %swap3A_54], %swap3A_57 {strides = array<i32>} : memref<4x768xf32, #tpu.memory_space<vmem>>, vector<1x16xf32>,
    %get3A_58 = arith.constant 0 : i32
    %get3A_59 = arith.index_cast %get3A_58 : i32 to index
    %get3A_60 = arith.constant 16 : index
    %get3A_61 = tpu.vector_load %arg6[%get3A_59, %get3A_60] {strides = array<i32>} : memref<4x768xf32, #tpu.memory_space<vmem>>, vector<1x16xf32>,
    %get3A_62 = vector.shape_cast %get3A_61 : vector<1x16xf32> to vector<16xf32>
    %get3A_63 = arith.constant 1 : i32
    %get3A_64 = arith.index_cast %get3A_63 : i32 to index
    %get3A_65 = arith.constant 16 : index
    %get3A_66 = tpu.vector_load %arg6[%get3A_64, %get3A_65] {strides = array<i32>} : memref<4x768xf32, #tpu.memory_space<vmem>>, vector<1x16xf32>,
    %get3A_67 = vector.shape_cast %get3A_66 : vector<1x16xf32> to vector<16xf32>
    %mul3A_68 = arith.constant 4.000000e-01 : f32
    %mul3A_69 = vector.broadcast %mul3A_68 : f32 to vector<16xf32>
    %mul3A_70 = arith.mulf %mul3A_69, %get3A_62 : vector<16xf32>
    %sub3A_71 = arith.subf %get3A_67, %mul3A_70 : vector<16xf32>
    %mul3A_72 = arith.constant 0.666666686 : f32
    %mul3A_73 = vector.broadcast %mul3A_72 : f32 to vector<16xf32>
    %mul3A_74 = arith.mulf %mul3A_73, %sub3A_71 : vector<16xf32>
    %mul3A_75 = arith.constant 4.000000e-01 : f32
    %mul3A_76 = vector.broadcast %mul3A_75 : f32 to vector<16xf32>
    %mul3A_77 = arith.mulf %mul3A_76, %get3A_62 : vector<16xf32>
    %sub3A_78 = arith.subf %mul3A_74, %mul3A_77 : vector<16xf32>
    %swap3A_79 = arith.constant 1 : i32
    %swap3A_80 = arith.index_cast %swap3A_79 : i32 to index
    %swap3A_81 = arith.constant 16 : index
    %swap3A_82 = tpu.vector_load %arg7[%swap3A_80, %swap3A_81] {strides = array<i32>} : memref<4x768xf32, #tpu.memory_space<vmem>>, vector<1x16xf32>,
    %swap3A_83 = vector.shape_cast %swap3A_82 : vector<1x16xf32> to vector<16xf32>
    %swap3A_84 = vector.shape_cast %sub3A_78 : vector<16xf32> to vector<1x16xf32>
    tpu.vector_store %arg7[%swap3A_80, %swap3A_81], %swap3A_84 {strides = array<i32>} : memref<4x768xf32, #tpu.memory_space<vmem>>, vector<1x16xf32>,
    %get3A_85 = arith.constant 0 : i32
    %get3A_86 = arith.index_cast %get3A_85 : i32 to index
    %get3A_87 = arith.constant 32 : index
    %get3A_88 = tpu.vector_load %arg6[%get3A_86, %get3A_87] {strides = array<i32>} : memref<4x768xf32, #tpu.memory_space<vmem>>, vector<1x16xf32>,
    %get3A_89 = vector.shape_cast %get3A_88 : vector<1x16xf32> to vector<16xf32>
    %get3A_90 = arith.constant 1 : i32
    %get3A_91 = arith.index_cast %get3A_90 : i32 to index
    %get3A_92 = arith.constant 32 : index
    %get3A_93 = tpu.vector_load %arg6[%get3A_91, %get3A_92] {strides = array<i32>} : memref<4x768xf32, #tpu.memory_space<vmem>>, vector<1x16xf32>,
    %get3A_94 = vector.shape_cast %get3A_93 : vector<1x16xf32> to vector<16xf32>
    %mul3A_95 = arith.constant 4.000000e-01 : f32
    %mul3A_96 = vector.broadcast %mul3A_95 : f32 to vector<16xf32>
    %mul3A_97 = arith.mulf %mul3A_96, %get3A_89 : vector<16xf32>
    %sub3A_98 = arith.subf %get3A_94, %mul3A_97 : vector<16xf32>
    %mul3A_99 = arith.constant 0.666666686 : f32
    %mul3A_100 = vector.broadcast %mul3A_99 : f32 to vector<16xf32>
    %mul3A_101 = arith.mulf %mul3A_100, %sub3A_98 : vector<16xf32>
    %mul3A_102 = arith.constant 4.000000e-01 : f32
    %mul3A_103 = vector.broadcast %mul3A_102 : f32 to vector<16xf32>
    %mul3A_104 = arith.mulf %mul3A_103, %get3A_89 : vector<16xf32>
    %sub3A_105 = arith.subf %mul3A_101, %mul3A_104 : vector<16xf32>
    %swap3A_106 = arith.constant 1 : i32
    %swap3A_107 = arith.index_cast %swap3A_106 : i32 to index
    %swap3A_108 = arith.constant 32 : index
    %swap3A_109 = tpu.vector_load %arg7[%swap3A_107, %swap3A_108] {strides = array<i32>} : memref<4x768xf32, #tpu.memory_space<vmem>>, vector<1x16xf32>,
    %swap3A_110 = vector.shape_cast %swap3A_109 : vector<1x16xf32> to vector<16xf32>
    %swap3A_111 = vector.shape_cast %sub3A_105 : vector<16xf32> to vector<1x16xf32>
    tpu.vector_store %arg7[%swap3A_107, %swap3A_108], %swap3A_111 {strides = array<i32>} : memref<4x768xf32, #tpu.memory_space<vmem>>, vector<1x16xf32>,
    %get3A_112 = arith.constant 0 : i32
    %get3A_113 = arith.index_cast %get3A_112 : i32 to index
    %get3A_114 = arith.constant 48 : index
    %get3A_115 = tpu.vector_load %arg6[%get3A_113, %get3A_114] {strides = array<i32>} : memref<4x768xf32, #tpu.memory_space<vmem>>, vector<1x16xf32>,
    %get3A_116 = vector.shape_cast %get3A_115 : vector<1x16xf32> to vector<16xf32>
    %get3A_117 = arith.constant 1 : i32
    %get3A_118 = arith.index_cast %get3A_117 : i32 to index
    %get3A_119 = arith.constant 48 : index
    %get3A_120 = tpu.vector_load %arg6[%get3A_118, %get3A_119] {strides = array<i32>} : memref<4x768xf32, #tpu.memory_space<vmem>>, vector<1x16xf32>,
    %get3A_121 = vector.shape_cast %get3A_120 : vector<1x16xf32> to vector<16xf32>
    %mul3A_122 = arith.constant 4.000000e-01 : f32
    %mul3A_123 = vector.broadcast %mul3A_122 : f32 to vector<16xf32>
    %mul3A_124 = arith.mulf %mul3A_123, %get3A_116 : vector<16xf32>
    %sub3A_125 = arith.subf %get3A_121, %mul3A_124 : vector<16xf32>
    %mul3A_126 = arith.constant 0.666666686 : f32
    %mul3A_127 = vector.broadcast %mul3A_126 : f32 to vector<16xf32>
    %mul3A_128 = arith.mulf %mul3A_127, %sub3A_125 : vector<16xf32>
    %mul3A_129 = arith.constant 4.000000e-01 : f32
    %mul3A_130 = vector.broadcast %mul3A_129 : f32 to vector<16xf32>
    %mul3A_131 = arith.mulf %mul3A_130, %get3A_116 : vector<16xf32>
    %sub3A_132 = arith.subf %mul3A_128, %mul3A_131 : vector<16xf32>
    %swap3A_133 = arith.constant 1 : i32
    %swap3A_134 = arith.index_cast %swap3A_133 : i32 to index
    %swap3A_135 = arith.constant 48 : index
    %swap3A_136 = tpu.vector_load %arg7[%swap3A_134, %swap3A_135] {strides = array<i32>} : memref<4x768xf32, #tpu.memory_space<vmem>>, vector<1x16xf32>,
    %swap3A_137 = vector.shape_cast %swap3A_136 : vector<1x16xf32> to vector<16xf32>
    %swap3A_138 = vector.shape_cast %sub3A_132 : vector<16xf32> to vector<1x16xf32>
    tpu.vector_store %arg7[%swap3A_134, %swap3A_135], %swap3A_138 {strides = array<i32>} : memref<4x768xf32, #tpu.memory_space<vmem>>, vector<1x16xf32>,
    %get3A_139 = arith.constant 0 : i32
    %get3A_140 = arith.index_cast %get3A_139 : i32 to index
    %get3A_141 = arith.constant 64 : index
    %get3A_142 = tpu.vector_load %arg6[%get3A_140, %get3A_141] {strides = array<i32>} : memref<4x768xf32, #tpu.memory_space<vmem>>, vector<1x16xf32>,
    %get3A_143 = vector.shape_cast %get3A_142 : vector<1x16xf32> to vector<16xf32>
    %get3A_144 = arith.constant 1 : i32
    %get3A_145 = arith.index_cast %get3A_144 : i32 to index
    %get3A_146 = arith.constant 64 : index
    %get3A_147 = tpu.vector_load %arg6[%get3A_145, %get3A_146] {strides = array<i32>} : memref<4x768xf32, #tpu.memory_space<vmem>>, vector<1x16xf32>,
    %get3A_148 = vector.shape_cast %get3A_147 : vector<1x16xf32> to vector<16xf32>
    %mul3A_149 = arith.constant 4.000000e-01 : f32
    %mul3A_150 = vector.broadcast %mul3A_149 : f32 to vector<16xf32>
    %mul3A_151 = arith.mulf %mul3A_150, %get3A_143 : vector<16xf32>
    %sub3A_152 = arith.subf %get3A_148, %mul3A_151 : vector<16xf32>
    %mul3A_153 = arith.constant 0.666666686 : f32
    %mul3A_154 = vector.broadcast %mul3A_153 : f32 to vector<16xf32>
    %mul3A_155 = arith.mulf %mul3A_154, %sub3A_152 : vector<16xf32>
    %mul3A_156 = arith.constant 4.000000e-01 : f32
    %mul3A_157 = vector.broadcast %mul3A_156 : f32 to vector<16xf32>
    %mul3A_158 = arith.mulf %mul3A_157, %get3A_143 : vector<16xf32>
    %sub3A_159 = arith.subf %mul3A_155, %mul3A_158 : vector<16xf32>
    %swap3A_160 = arith.constant 1 : i32
    %swap3A_161 = arith.index_cast %swap3A_160 : i32 to index
    %swap3A_162 = arith.constant 64 : index
    %swap3A_163 = tpu.vector_load %arg7[%swap3A_161, %swap3A_162] {strides = array<i32>} : memref<4x768xf32, #tpu.memory_space<vmem>>, vector<1x16xf32>,
    %swap3A_164 = vector.shape_cast %swap3A_163 : vector<1x16xf32> to vector<16xf32>
    %swap3A_165 = vector.shape_cast %sub3A_159 : vector<16xf32> to vector<1x16xf32>
    tpu.vector_store %arg7[%swap3A_161, %swap3A_162], %swap3A_165 {strides = array<i32>} : memref<4x768xf32, #tpu.memory_space<vmem>>, vector<1x16xf32>,
    %get3A_166 = arith.constant 0 : i32
    %get3A_167 = arith.index_cast %get3A_166 : i32 to index
    %get3A_168 = arith.constant 80 : index
    %get3A_169 = tpu.vector_load %arg6[%get3A_167, %get3A_168] {strides = array<i32>} : memref<4x768xf32, #tpu.memory_space<vmem>>, vector<1x16xf32>,
    %get3A_170 = vector.shape_cast %get3A_169 : vector<1x16xf32> to vector<16xf32>
    %get3A_171 = arith.constant 1 : i32
    %get3A_172 = arith.index_cast %get3A_171 : i32 to index
    %get3A_173 = arith.constant 80 : index
    %get3A_174 = tpu.vector_load %arg6[%get3A_172, %get3A_173] {strides = array<i32>} : memref<4x768xf32, #tpu.memory_space<vmem>>, vector<1x16xf32>,
    %get3A_175 = vector.shape_cast %get3A_174 : vector<1x16xf32> to vector<16xf32>
    %mul3A_176 = arith.constant 4.000000e-01 : f32
    %mul3A_177 = vector.broadcast %mul3A_176 : f32 to vector<16xf32>
    %mul3A_178 = arith.mulf %mul3A_177, %get3A_170 : vector<16xf32>
    %sub3A_179 = arith.subf %get3A_175, %mul3A_178 : vector<16xf32>
    %mul3A_180 = arith.constant 0.666666686 : f32
    %mul3A_181 = vector.broadcast %mul3A_180 : f32 to vector<16xf32>
    %mul3A_182 = arith.mulf %mul3A_181, %sub3A_179 : vector<16xf32>
    %mul3A_183 = arith.constant 4.000000e-01 : f32
    %mul3A_184 = vector.broadcast %mul3A_183 : f32 to vector<16xf32>
    %mul3A_185 = arith.mulf %mul3A_184, %get3A_170 : vector<16xf32>
    %sub3A_186 = arith.subf %mul3A_182, %mul3A_185 : vector<16xf32>
    %swap3A_187 = arith.constant 1 : i32
    %swap3A_188 = arith.index_cast %swap3A_187 : i32 to index
    %swap3A_189 = arith.constant 80 : index
    %swap3A_190 = tpu.vector_load %arg7[%swap3A_188, %swap3A_189] {strides = array<i32>} : memref<4x768xf32, #tpu.memory_space<vmem>>, vector<1x16xf32>,
    %swap3A_191 = vector.shape_cast %swap3A_190 : vector<1x16xf32> to vector<16xf32>
    %swap3A_192 = vector.shape_cast %sub3A_186 : vector<16xf32> to vector<1x16xf32>
    tpu.vector_store %arg7[%swap3A_188, %swap3A_189], %swap3A_192 {strides = array<i32>} : memref<4x768xf32, #tpu.memory_space<vmem>>, vector<1x16xf32>,
    %get3A_193 = arith.constant 0 : i32
    %get3A_194 = arith.index_cast %get3A_193 : i32 to index
    %get3A_195 = arith.constant 96 : index
    %get3A_196 = tpu.vector_load %arg6[%get3A_194, %get3A_195] {strides = array<i32>} : memref<4x768xf32, #tpu.memory_space<vmem>>, vector<1x16xf32>,
    %get3A_197 = vector.shape_cast %get3A_196 : vector<1x16xf32> to vector<16xf32>
    %get3A_198 = arith.constant 1 : i32
    %get3A_199 = arith.index_cast %get3A_198 : i32 to index
    %get3A_200 = arith.constant 96 : index
    %get3A_201 = tpu.vector_load %arg6[%get3A_199, %get3A_200] {strides = array<i32>} : memref<4x768xf32, #tpu.memory_space<vmem>>, vector<1x16xf32>,
    %get3A_202 = vector.shape_cast %get3A_201 : vector<1x16xf32> to vector<16xf32>
    %mul3A_203 = arith.constant 4.000000e-01 : f32
    %mul3A_204 = vector.broadcast %mul3A_203 : f32 to vector<16xf32>
    %mul3A_205 = arith.mulf %mul3A_204, %get3A_197 : vector<16xf32>
    %sub3A_206 = arith.subf %get3A_202, %mul3A_205 : vector<16xf32>
    %mul3A_207 = arith.constant 0.666666686 : f32
    %mul3A_208 = vector.broadcast %mul3A_207 : f32 to vector<16xf32>
    %mul3A_209 = arith.mulf %mul3A_208, %sub3A_206 : vector<16xf32>
    %mul3A_210 = arith.constant 4.000000e-01 : f32
    %mul3A_211 = vector.broadcast %mul3A_210 : f32 to vector<16xf32>
    %mul3A_212 = arith.mulf %mul3A_211, %get3A_197 : vector<16xf32>
    %sub3A_213 = arith.subf %mul3A_209, %mul3A_212 : vector<16xf32>
    %swap3A_214 = arith.constant 1 : i32
    %swap3A_215 = arith.index_cast %swap3A_214 : i32 to index
    %swap3A_216 = arith.constant 96 : index
    %swap3A_217 = tpu.vector_load %arg7[%swap3A_215, %swap3A_216] {strides = array<i32>} : memref<4x768xf32, #tpu.memory_space<vmem>>, vector<1x16xf32>,
    %swap3A_218 = vector.shape_cast %swap3A_217 : vector<1x16xf32> to vector<16xf32>
    %swap3A_219 = vector.shape_cast %sub3A_213 : vector<16xf32> to vector<1x16xf32>
    tpu.vector_store %arg7[%swap3A_215, %swap3A_216], %swap3A_219 {strides = array<i32>} : memref<4x768xf32, #tpu.memory_space<vmem>>, vector<1x16xf32>,
    %get3A_220 = arith.constant 0 : i32
    %get3A_221 = arith.index_cast %get3A_220 : i32 to index
    %get3A_222 = arith.constant 112 : index
    %get3A_223 = tpu.vector_load %arg6[%get3A_221, %get3A_222] {strides = array<i32>} : memref<4x768xf32, #tpu.memory_space<vmem>>, vector<1x16xf32>,
    %get3A_224 = vector.shape_cast %get3A_223 : vector<1x16xf32> to vector<16xf32>
    %get3A_225 = arith.constant 1 : i32
    %get3A_226 = arith.index_cast %get3A_225 : i32 to index
    %get3A_227 = arith.constant 112 : index
    %get3A_228 = tpu.vector_load %arg6[%get3A_226, %get3A_227] {strides = array<i32>} : memref<4x768xf32, #tpu.memory_space<vmem>>, vector<1x16xf32>,
    %get3A_229 = vector.shape_cast %get3A_228 : vector<1x16xf32> to vector<16xf32>
    %mul3A_230 = arith.constant 4.000000e-01 : f32
    %mul3A_231 = vector.broadcast %mul3A_230 : f32 to vector<16xf32>
    %mul3A_232 = arith.mulf %mul3A_231, %get3A_224 : vector<16xf32>
    %sub3A_233 = arith.subf %get3A_229, %mul3A_232 : vector<16xf32>
    %mul3A_234 = arith.constant 0.666666686 : f32
    %mul3A_235 = vector.broadcast %mul3A_234 : f32 to vector<16xf32>
    %mul3A_236 = arith.mulf %mul3A_235, %sub3A_233 : vector<16xf32>
    %mul3A_237 = arith.constant 4.000000e-01 : f32
    %mul3A_238 = vector.broadcast %mul3A_237 : f32 to vector<16xf32>
    %mul3A_239 = arith.mulf %mul3A_238, %get3A_224 : vector<16xf32>
    %sub3A_240 = arith.subf %mul3A_236, %mul3A_239 : vector<16xf32>
    %swap3A_241 = arith.constant 1 : i32
    %swap3A_242 = arith.index_cast %swap3A_241 : i32 to index
    %swap3A_243 = arith.constant 112 : index
    %swap3A_244 = tpu.vector_load %arg7[%swap3A_242, %swap3A_243] {strides = array<i32>} : memref<4x768xf32, #tpu.memory_space<vmem>>, vector<1x16xf32>,
    %swap3A_245 = vector.shape_cast %swap3A_244 : vector<1x16xf32> to vector<16xf32>
    %swap3A_246 = vector.shape_cast %sub3A_240 : vector<16xf32> to vector<1x16xf32>
    tpu.vector_store %arg7[%swap3A_242, %swap3A_243], %swap3A_246 {strides = array<i32>} : memref<4x768xf32, #tpu.memory_space<vmem>>, vector<1x16xf32>,
    %get3A_247 = arith.constant 0 : i32
    %get3A_248 = arith.index_cast %get3A_247 : i32 to index
    %get3A_249 = arith.constant 128 : index
    %get3A_250 = tpu.vector_load %arg6[%get3A_248, %get3A_249] {strides = array<i32>} : memref<4x768xf32, #tpu.memory_space<vmem>>, vector<1x16xf32>,
    %get3A_251 = vector.shape_cast %get3A_250 : vector<1x16xf32> to vector<16xf32>
    %get3A_252 = arith.constant 1 : i32
    %get3A_253 = arith.index_cast %get3A_252 : i32 to index
    %get3A_254 = arith.constant 128 : index
    %get3A_255 = tpu.vector_load %arg6[%get3A_253, %get3A_254] {strides = array<i32>} : memref<4x768xf32, #tpu.memory_space<vmem>>, vector<1x16xf32>,
    %get3A_256 = vector.shape_cast %get3A_255 : vector<1x16xf32> to vector<16xf32>
    %mul3A_257 = arith.constant 4.000000e-01 : f32
    %mul3A_258 = vector.broadcast %mul3A_257 : f32 to vector<16xf32>
    %mul3A_259 = arith.mulf %mul3A_258, %get3A_251 : vector<16xf32>
    %sub3A_260 = arith.subf %get3A_256, %mul3A_259 : vector<16xf32>
    %mul3A_261 = arith.constant 0.666666686 : f32
    %mul3A_262 = vector.broadcast %mul3A_261 : f32 to vector<16xf32>
    %mul3A_263 = arith.mulf %mul3A_262, %sub3A_260 : vector<16xf32>
    %mul3A_264 = arith.constant 4.000000e-01 : f32
    %mul3A_265 = vector.broadcast %mul3A_264 : f32 to vector<16xf32>
    %mul3A_266 = arith.mulf %mul3A_265, %get3A_251 : vector<16xf32>
    %sub3A_267 = arith.subf %mul3A_263, %mul3A_266 : vector<16xf32>
    %swap3A_268 = arith.constant 1 : i32
    %swap3A_269 = arith.index_cast %swap3A_268 : i32 to index
    %swap3A_270 = arith.constant 128 : index
    %swap3A_271 = tpu.vector_load %arg7[%swap3A_269, %swap3A_270] {strides = array<i32>} : memref<4x768xf32, #tpu.memory_space<vmem>>, vector<1x16xf32>,
    %swap3A_272 = vector.shape_cast %swap3A_271 : vector<1x16xf32> to vector<16xf32>
    %swap3A_273 = vector.shape_cast %sub3A_267 : vector<16xf32> to vector<1x16xf32>
    tpu.vector_store %arg7[%swap3A_269, %swap3A_270], %swap3A_273 {strides = array<i32>} : memref<4x768xf32, #tpu.memory_space<vmem>>, vector<1x16xf32>,
    %get3A_274 = arith.constant 0 : i32
    %get3A_275 = arith.index_cast %get3A_274 : i32 to index
    %get3A_276 = arith.constant 144 : index
    %get3A_277 = tpu.vector_load %arg6[%get3A_275, %get3A_276] {strides = array<i32>} : memref<4x768xf32, #tpu.memory_space<vmem>>, vector<1x16xf32>,
    %get3A_278 = vector.shape_cast %get3A_277 : vector<1x16xf32> to vector<16xf32>
    %get3A_279 = arith.constant 1 : i32
    %get3A_280 = arith.index_cast %get3A_279 : i32 to index
    %get3A_281 = arith.constant 144 : index
    %get3A_282 = tpu.vector_load %arg6[%get3A_280, %get3A_281] {strides = array<i32>} : memref<4x768xf32, #tpu.memory_space<vmem>>, vector<1x16xf32>,
    %get3A_283 = vector.shape_cast %get3A_282 : vector<1x16xf32> to vector<16xf32>
    %mul3A_284 = arith.constant 4.000000e-01 : f32
    %mul3A_285 = vector.broadcast %mul3A_284 : f32 to vector<16xf32>
    %mul3A_286 = arith.mulf %mul3A_285, %get3A_278 : vector<16xf32>
    %sub3A_287 = arith.subf %get3A_283, %mul3A_286 : vector<16xf32>
    %mul3A_288 = arith.constant 0.666666686 : f32
    %mul3A_289 = vector.broadcast %mul3A_288 : f32 to vector<16xf32>
    %mul3A_290 = arith.mulf %mul3A_289, %sub3A_287 : vector<16xf32>
    %mul3A_291 = arith.constant 4.000000e-01 : f32
    %mul3A_292 = vector.broadcast %mul3A_291 : f32 to vector<16xf32>
    %mul3A_293 = arith.mulf %mul3A_292, %get3A_278 : vector<16xf32>
    %sub3A_294 = arith.subf %mul3A_290, %mul3A_293 : vector<16xf32>
    %swap3A_295 = arith.constant 1 : i32
    %swap3A_296 = arith.index_cast %swap3A_295 : i32 to index
    %swap3A_297 = arith.constant 144 : index
    %swap3A_298 = tpu.vector_load %arg7[%swap3A_296, %swap3A_297] {strides = array<i32>} : memref<4x768xf32, #tpu.memory_space<vmem>>, vector<1x16xf32>,
    %swap3A_299 = vector.shape_cast %swap3A_298 : vector<1x16xf32> to vector<16xf32>
    %swap3A_300 = vector.shape_cast %sub3A_294 : vector<16xf32> to vector<1x16xf32>
    tpu.vector_store %arg7[%swap3A_296, %swap3A_297], %swap3A_300 {strides = array<i32>} : memref<4x768xf32, #tpu.memory_space<vmem>>, vector<1x16xf32>,
    %get3A_301 = arith.constant 0 : i32
    %get3A_302 = arith.index_cast %get3A_301 : i32 to index
    %get3A_303 = arith.constant 160 : index
    %get3A_304 = tpu.vector_load %arg6[%get3A_302, %get3A_303] {strides = array<i32>} : memref<4x768xf32, #tpu.memory_space<vmem>>, vector<1x16xf32>,
    %get3A_305 = vector.shape_cast %get3A_304 : vector<1x16xf32> to vector<16xf32>
    %get3A_306 = arith.constant 1 : i32
    %get3A_307 = arith.index_cast %get3A_306 : i32 to index
    %get3A_308 = arith.constant 160 : index
    %get3A_309 = tpu.vector_load %arg6[%get3A_307, %get3A_308] {strides = array<i32>} : memref<4x768xf32, #tpu.memory_space<vmem>>, vector<1x16xf32>,
    %get3A_310 = vector.shape_cast %get3A_309 : vector<1x16xf32> to vector<16xf32>
    %mul3A_311 = arith.constant 4.000000e-01 : f32
    %mul3A_312 = vector.broadcast %mul3A_311 : f32 to vector<16xf32>
    %mul3A_313 = arith.mulf %mul3A_312, %get3A_305 : vector<16xf32>
    %sub3A_314 = arith.subf %get3A_310, %mul3A_313 : vector<16xf32>
    %mul3A_315 = arith.constant 0.666666686 : f32
    %mul3A_316 = vector.broadcast %mul3A_315 : f32 to vector<16xf32>
    %mul3A_317 = arith.mulf %mul3A_316, %sub3A_314 : vector<16xf32>
    %mul3A_318 = arith.constant 4.000000e-01 : f32
    %mul3A_319 = vector.broadcast %mul3A_318 : f32 to vector<16xf32>
    %mul3A_320 = arith.mulf %mul3A_319, %get3A_305 : vector<16xf32>
    %sub3A_321 = arith.subf %mul3A_317, %mul3A_320 : vector<16xf32>
    %swap3A_322 = arith.constant 1 : i32
    %swap3A_323 = arith.index_cast %swap3A_322 : i32 to index
    %swap3A_324 = arith.constant 160 : index
    %swap3A_325 = tpu.vector_load %arg7[%swap3A_323, %swap3A_324] {strides = array<i32>} : memref<4x768xf32, #tpu.memory_space<vmem>>, vector<1x16xf32>,
    %swap3A_326 = vector.shape_cast %swap3A_325 : vector<1x16xf32> to vector<16xf32>
    %swap3A_327 = vector.shape_cast %sub3A_321 : vector<16xf32> to vector<1x16xf32>
    tpu.vector_store %arg7[%swap3A_323, %swap3A_324], %swap3A_327 {strides = array<i32>} : memref<4x768xf32, #tpu.memory_space<vmem>>, vector<1x16xf32>,
    %get3A_328 = arith.constant 0 : i32
    %get3A_329 = arith.index_cast %get3A_328 : i32 to index
    %get3A_330 = arith.constant 176 : index
    %get3A_331 = tpu.vector_load %arg6[%get3A_329, %get3A_330] {strides = array<i32>} : memref<4x768xf32, #tpu.memory_space<vmem>>, vector<1x16xf32>,
    %get3A_332 = vector.shape_cast %get3A_331 : vector<1x16xf32> to vector<16xf32>
    %get3A_333 = arith.constant 1 : i32
    %get3A_334 = arith.index_cast %get3A_333 : i32 to index
    %get3A_335 = arith.constant 176 : index
    %get3A_336 = tpu.vector_load %arg6[%get3A_334, %get3A_335] {strides = array<i32>} : memref<4x768xf32, #tpu.memory_space<vmem>>, vector<1x16xf32>,
    %get3A_337 = vector.shape_cast %get3A_336 : vector<1x16xf32> to vector<16xf32>
    %mul3A_338 = arith.constant 4.000000e-01 : f32
    %mul3A_339 = vector.broadcast %mul3A_338 : f32 to vector<16xf32>
    %mul3A_340 = arith.mulf %mul3A_339, %get3A_332 : vector<16xf32>
    %sub3A_341 = arith.subf %get3A_337, %mul3A_340 : vector<16xf32>
    %mul3A_342 = arith.constant 0.666666686 : f32
    %mul3A_343 = vector.broadcast %mul3A_342 : f32 to vector<16xf32>
    %mul3A_344 = arith.mulf %mul3A_343, %sub3A_341 : vector<16xf32>
    %mul3A_345 = arith.constant 4.000000e-01 : f32
    %mul3A_346 = vector.broadcast %mul3A_345 : f32 to vector<16xf32>
    %mul3A_347 = arith.mulf %mul3A_346, %get3A_332 : vector<16xf32>
    %sub3A_348 = arith.subf %mul3A_344, %mul3A_347 : vector<16xf32>
    %swap3A_349 = arith.constant 1 : i32
    %swap3A_350 = arith.index_cast %swap3A_349 : i32 to index
    %swap3A_351 = arith.constant 176 : index
    %swap3A_352 = tpu.vector_load %arg7[%swap3A_350, %swap3A_351] {strides = array<i32>} : memref<4x768xf32, #tpu.memory_space<vmem>>, vector<1x16xf32>,
    %swap3A_353 = vector.shape_cast %swap3A_352 : vector<1x16xf32> to vector<16xf32>
    %swap3A_354 = vector.shape_cast %sub3A_348 : vector<16xf32> to vector<1x16xf32>
    tpu.vector_store %arg7[%swap3A_350, %swap3A_351], %swap3A_354 {strides = array<i32>} : memref<4x768xf32, #tpu.memory_space<vmem>>, vector<1x16xf32>,
    %get3A_355 = arith.constant 0 : i32
    %get3A_356 = arith.index_cast %get3A_355 : i32 to index
    %get3A_357 = arith.constant 192 : index
    %get3A_358 = tpu.vector_load %arg6[%get3A_356, %get3A_357] {strides = array<i32>} : memref<4x768xf32, #tpu.memory_space<vmem>>, vector<1x16xf32>,
    %get3A_359 = vector.shape_cast %get3A_358 : vector<1x16xf32> to vector<16xf32>
    %get3A_360 = arith.constant 1 : i32
    %get3A_361 = arith.index_cast %get3A_360 : i32 to index
    %get3A_362 = arith.constant 192 : index
    %get3A_363 = tpu.vector_load %arg6[%get3A_361, %get3A_362] {strides = array<i32>} : memref<4x768xf32, #tpu.memory_space<vmem>>, vector<1x16xf32>,
    %get3A_364 = vector.shape_cast %get3A_363 : vector<1x16xf32> to vector<16xf32>
    %mul3A_365 = arith.constant 4.000000e-01 : f32
    %mul3A_366 = vector.broadcast %mul3A_365 : f32 to vector<16xf32>
    %mul3A_367 = arith.mulf %mul3A_366, %get3A_359 : vector<16xf32>
    %sub3A_368 = arith.subf %get3A_364, %mul3A_367 : vector<16xf32>
    %mul3A_369 = arith.constant 0.666666686 : f32
    %mul3A_370 = vector.broadcast %mul3A_369 : f32 to vector<16xf32>
    %mul3A_371 = arith.mulf %mul3A_370, %sub3A_368 : vector<16xf32>
    %mul3A_372 = arith.constant 4.000000e-01 : f32
    %mul3A_373 = vector.broadcast %mul3A_372 : f32 to vector<16xf32>
    %mul3A_374 = arith.mulf %mul3A_373, %get3A_359 : vector<16xf32>
    %sub3A_375 = arith.subf %mul3A_371, %mul3A_374 : vector<16xf32>
    %swap3A_376 = arith.constant 1 : i32
    %swap3A_377 = arith.index_cast %swap3A_376 : i32 to index
    %swap3A_378 = arith.constant 192 : index
    %swap3A_379 = tpu.vector_load %arg7[%swap3A_377, %swap3A_378] {strides = array<i32>} : memref<4x768xf32, #tpu.memory_space<vmem>>, vector<1x16xf32>,
    %swap3A_380 = vector.shape_cast %swap3A_379 : vector<1x16xf32> to vector<16xf32>
    %swap3A_381 = vector.shape_cast %sub3A_375 : vector<16xf32> to vector<1x16xf32>
    tpu.vector_store %arg7[%swap3A_377, %swap3A_378], %swap3A_381 {strides = array<i32>} : memref<4x768xf32, #tpu.memory_space<vmem>>, vector<1x16xf32>,
    %get3A_382 = arith.constant 0 : i32
    %get3A_383 = arith.index_cast %get3A_382 : i32 to index
    %get3A_384 = arith.constant 208 : index
    %get3A_385 = tpu.vector_load %arg6[%get3A_383, %get3A_384] {strides = array<i32>} : memref<4x768xf32, #tpu.memory_space<vmem>>, vector<1x16xf32>,
    %get3A_386 = vector.shape_cast %get3A_385 : vector<1x16xf32> to vector<16xf32>
    %get3A_387 = arith.constant 1 : i32
    %get3A_388 = arith.index_cast %get3A_387 : i32 to index
    %get3A_389 = arith.constant 208 : index
    %get3A_390 = tpu.vector_load %arg6[%get3A_388, %get3A_389] {strides = array<i32>} : memref<4x768xf32, #tpu.memory_space<vmem>>, vector<1x16xf32>,
    %get3A_391 = vector.shape_cast %get3A_390 : vector<1x16xf32> to vector<16xf32>
    %mul3A_392 = arith.constant 4.000000e-01 : f32
    %mul3A_393 = vector.broadcast %mul3A_392 : f32 to vector<16xf32>
    %mul3A_394 = arith.mulf %mul3A_393, %get3A_386 : vector<16xf32>
    %sub3A_395 = arith.subf %get3A_391, %mul3A_394 : vector<16xf32>
    %mul3A_396 = arith.constant 0.666666686 : f32
    %mul3A_397 = vector.broadcast %mul3A_396 : f32 to vector<16xf32>
    %mul3A_398 = arith.mulf %mul3A_397, %sub3A_395 : vector<16xf32>
    %mul3A_399 = arith.constant 4.000000e-01 : f32
    %mul3A_400 = vector.broadcast %mul3A_399 : f32 to vector<16xf32>
    %mul3A_401 = arith.mulf %mul3A_400, %get3A_386 : vector<16xf32>
    %sub3A_402 = arith.subf %mul3A_398, %mul3A_401 : vector<16xf32>
    %swap3A_403 = arith.constant 1 : i32
    %swap3A_404 = arith.index_cast %swap3A_403 : i32 to index
    %swap3A_405 = arith.constant 208 : index
    %swap3A_406 = tpu.vector_load %arg7[%swap3A_404, %swap3A_405] {strides = array<i32>} : memref<4x768xf32, #tpu.memory_space<vmem>>, vector<1x16xf32>,
    %swap3A_407 = vector.shape_cast %swap3A_406 : vector<1x16xf32> to vector<16xf32>
    %swap3A_408 = vector.shape_cast %sub3A_402 : vector<16xf32> to vector<1x16xf32>
    tpu.vector_store %arg7[%swap3A_404, %swap3A_405], %swap3A_408 {strides = array<i32>} : memref<4x768xf32, #tpu.memory_space<vmem>>, vector<1x16xf32>,
    %get3A_409 = arith.constant 0 : i32
    %get3A_410 = arith.index_cast %get3A_409 : i32 to index
    %get3A_411 = arith.constant 224 : index
    %get3A_412 = tpu.vector_load %arg6[%get3A_410, %get3A_411] {strides = array<i32>} : memref<4x768xf32, #tpu.memory_space<vmem>>, vector<1x16xf32>,
    %get3A_413 = vector.shape_cast %get3A_412 : vector<1x16xf32> to vector<16xf32>
    %get3A_414 = arith.constant 1 : i32
    %get3A_415 = arith.index_cast %get3A_414 : i32 to index
    %get3A_416 = arith.constant 224 : index
    %get3A_417 = tpu.vector_load %arg6[%get3A_415, %get3A_416] {strides = array<i32>} : memref<4x768xf32, #tpu.memory_space<vmem>>, vector<1x16xf32>,
    %get3A_418 = vector.shape_cast %get3A_417 : vector<1x16xf32> to vector<16xf32>
    %mul3A_419 = arith.constant 4.000000e-01 : f32
    %mul3A_420 = vector.broadcast %mul3A_419 : f32 to vector<16xf32>
    %mul3A_421 = arith.mulf %mul3A_420, %get3A_413 : vector<16xf32>
    %sub3A_422 = arith.subf %get3A_418, %mul3A_421 : vector<16xf32>
    %mul3A_423 = arith.constant 0.666666686 : f32
    %mul3A_424 = vector.broadcast %mul3A_423 : f32 to vector<16xf32>
    %mul3A_425 = arith.mulf %mul3A_424, %sub3A_422 : vector<16xf32>
    %mul3A_426 = arith.constant 4.000000e-01 : f32
    %mul3A_427 = vector.broadcast %mul3A_426 : f32 to vector<16xf32>
    %mul3A_428 = arith.mulf %mul3A_427, %get3A_413 : vector<16xf32>
    %sub3A_429 = arith.subf %mul3A_425, %mul3A_428 : vector<16xf32>
    %swap3A_430 = arith.constant 1 : i32
    %swap3A_431 = arith.index_cast %swap3A_430 : i32 to index
    %swap3A_432 = arith.constant 224 : index
    %swap3A_433 = tpu.vector_load %arg7[%swap3A_431, %swap3A_432] {strides = array<i32>} : memref<4x768xf32, #tpu.memory_space<vmem>>, vector<1x16xf32>,
    %swap3A_434 = vector.shape_cast %swap3A_433 : vector<1x16xf32> to vector<16xf32>
    %swap3A_435 = vector.shape_cast %sub3A_429 : vector<16xf32> to vector<1x16xf32>
    tpu.vector_store %arg7[%swap3A_431, %swap3A_432], %swap3A_435 {strides = array<i32>} : memref<4x768xf32, #tpu.memory_space<vmem>>, vector<1x16xf32>,
    %get3A_436 = arith.constant 0 : i32
    %get3A_437 = arith.index_cast %get3A_436 : i32 to index
    %get3A_438 = arith.constant 240 : index
    %get3A_439 = tpu.vector_load %arg6[%get3A_437, %get3A_438] {strides = array<i32>} : memref<4x768xf32, #tpu.memory_space<vmem>>, vector<1x16xf32>,
    %get3A_440 = vector.shape_cast %get3A_439 : vector<1x16xf32> to vector<16xf32>
    %get3A_441 = arith.constant 1 : i32
    %get3A_442 = arith.index_cast %get3A_441 : i32 to index
    %get3A_443 = arith.constant 240 : index
    %get3A_444 = tpu.vector_load %arg6[%get3A_442, %get3A_443] {strides = array<i32>} : memref<4x768xf32, #tpu.memory_space<vmem>>, vector<1x16xf32>,
    %get3A_445 = vector.shape_cast %get3A_444 : vector<1x16xf32> to vector<16xf32>
    %mul3A_446 = arith.constant 4.000000e-01 : f32
    %mul3A_447 = vector.broadcast %mul3A_446 : f32 to vector<16xf32>
    %mul3A_448 = arith.mulf %mul3A_447, %get3A_440 : vector<16xf32>
    %sub3A_449 = arith.subf %get3A_445, %mul3A_448 : vector<16xf32>
    %mul3A_450 = arith.constant 0.666666686 : f32
    %mul3A_451 = vector.broadcast %mul3A_450 : f32 to vector<16xf32>
    %mul3A_452 = arith.mulf %mul3A_451, %sub3A_449 : vector<16xf32>
    %mul3A_453 = arith.constant 4.000000e-01 : f32
    %mul3A_454 = vector.broadcast %mul3A_453 : f32 to vector<16xf32>
    %mul3A_455 = arith.mulf %mul3A_454, %get3A_440 : vector<16xf32>
    %sub3A_456 = arith.subf %mul3A_452, %mul3A_455 : vector<16xf32>
    %swap3A_457 = arith.constant 1 : i32
    %swap3A_458 = arith.index_cast %swap3A_457 : i32 to index
    %swap3A_459 = arith.constant 240 : index
    %swap3A_460 = tpu.vector_load %arg7[%swap3A_458, %swap3A_459] {strides = array<i32>} : memref<4x768xf32, #tpu.memory_space<vmem>>, vector<1x16xf32>,
    %swap3A_461 = vector.shape_cast %swap3A_460 : vector<1x16xf32> to vector<16xf32>
    %swap3A_462 = vector.shape_cast %sub3A_456 : vector<16xf32> to vector<1x16xf32>
    tpu.vector_store %arg7[%swap3A_458, %swap3A_459], %swap3A_462 {strides = array<i32>} : memref<4x768xf32, #tpu.memory_space<vmem>>, vector<1x16xf32>,
    %get3A_463 = arith.constant 0 : i32
    %get3A_464 = arith.index_cast %get3A_463 : i32 to index
    %get3A_465 = arith.constant 256 : index
    %get3A_466 = tpu.vector_load %arg6[%get3A_464, %get3A_465] {strides = array<i32>} : memref<4x768xf32, #tpu.memory_space<vmem>>, vector<1x16xf32>,
    %get3A_467 = vector.shape_cast %get3A_466 : vector<1x16xf32> to vector<16xf32>
    %get3A_468 = arith.constant 1 : i32
    %get3A_469 = arith.index_cast %get3A_468 : i32 to index
    %get3A_470 = arith.constant 256 : index
    %get3A_471 = tpu.vector_load %arg6[%get3A_469, %get3A_470] {strides = array<i32>} : memref<4x768xf32, #tpu.memory_space<vmem>>, vector<1x16xf32>,
    %get3A_472 = vector.shape_cast %get3A_471 : vector<1x16xf32> to vector<16xf32>
    %mul3A_473 = arith.constant 4.000000e-01 : f32
    %mul3A_474 = vector.broadcast %mul3A_473 : f32 to vector<16xf32>
    %mul3A_475 = arith.mulf %mul3A_474, %get3A_467 : vector<16xf32>
    %sub3A_476 = arith.subf %get3A_472, %mul3A_475 : vector<16xf32>
    %mul3A_477 = arith.constant 0.666666686 : f32
    %mul3A_478 = vector.broadcast %mul3A_477 : f32 to vector<16xf32>
    %mul3A_479 = arith.mulf %mul3A_478, %sub3A_476 : vector<16xf32>
    %mul3A_480 = arith.constant 4.000000e-01 : f32
    %mul3A_481 = vector.broadcast %mul3A_480 : f32 to vector<16xf32>
    %mul3A_482 = arith.mulf %mul3A_481, %get3A_467 : vector<16xf32>
    %sub3A_483 = arith.subf %mul3A_479, %mul3A_482 : vector<16xf32>
    %swap3A_484 = arith.constant 1 : i32
    %swap3A_485 = arith.index_cast %swap3A_484 : i32 to index
    %swap3A_486 = arith.constant 256 : index
    %swap3A_487 = tpu.vector_load %arg7[%swap3A_485, %swap3A_486] {strides = array<i32>} : memref<4x768xf32, #tpu.memory_space<vmem>>, vector<1x16xf32>,
    %swap3A_488 = vector.shape_cast %swap3A_487 : vector<1x16xf32> to vector<16xf32>
    %swap3A_489 = vector.shape_cast %sub3A_483 : vector<16xf32> to vector<1x16xf32>
    tpu.vector_store %arg7[%swap3A_485, %swap3A_486], %swap3A_489 {strides = array<i32>} : memref<4x768xf32, #tpu.memory_space<vmem>>, vector<1x16xf32>,
    %get3A_490 = arith.constant 0 : i32
    %get3A_491 = arith.index_cast %get3A_490 : i32 to index
    %get3A_492 = arith.constant 272 : index
    %get3A_493 = tpu.vector_load %arg6[%get3A_491, %get3A_492] {strides = array<i32>} : memref<4x768xf32, #tpu.memory_space<vmem>>, vector<1x16xf32>,
    %get3A_494 = vector.shape_cast %get3A_493 : vector<1x16xf32> to vector<16xf32>
    %get3A_495 = arith.constant 1 : i32
    %get3A_496 = arith.index_cast %get3A_495 : i32 to index
    %get3A_497 = arith.constant 272 : index
    %get3A_498 = tpu.vector_load %arg6[%get3A_496, %get3A_497] {strides = array<i32>} : memref<4x768xf32, #tpu.memory_space<vmem>>, vector<1x16xf32>,
    %get3A_499 = vector.shape_cast %get3A_498 : vector<1x16xf32> to vector<16xf32>
    %mul3A_500 = arith.constant 4.000000e-01 : f32
    %mul3A_501 = vector.broadcast %mul3A_500 : f32 to vector<16xf32>
    %mul3A_502 = arith.mulf %mul3A_501, %get3A_494 : vector<16xf32>
    %sub3A_503 = arith.subf %get3A_499, %mul3A_502 : vector<16xf32>
    %mul3A_504 = arith.constant 0.666666686 : f32
    %mul3A_505 = vector.broadcast %mul3A_504 : f32 to vector<16xf32>
    %mul3A_506 = arith.mulf %mul3A_505, %sub3A_503 : vector<16xf32>
    %mul3A_507 = arith.constant 4.000000e-01 : f32
    %mul3A_508 = vector.broadcast %mul3A_507 : f32 to vector<16xf32>
    %mul3A_509 = arith.mulf %mul3A_508, %get3A_494 : vector<16xf32>
    %sub3A_510 = arith.subf %mul3A_506, %mul3A_509 : vector<16xf32>
    %swap3A_511 = arith.constant 1 : i32
    %swap3A_512 = arith.index_cast %swap3A_511 : i32 to index
    %swap3A_513 = arith.constant 272 : index
    %swap3A_514 = tpu.vector_load %arg7[%swap3A_512, %swap3A_513] {strides = array<i32>} : memref<4x768xf32, #tpu.memory_space<vmem>>, vector<1x16xf32>,
    %swap3A_515 = vector.shape_cast %swap3A_514 : vector<1x16xf32> to vector<16xf32>
    %swap3A_516 = vector.shape_cast %sub3A_510 : vector<16xf32> to vector<1x16xf32>
    tpu.vector_store %arg7[%swap3A_512, %swap3A_513], %swap3A_516 {strides = array<i32>} : memref<4x768xf32, #tpu.memory_space<vmem>>, vector<1x16xf32>,
    %get3A_517 = arith.constant 0 : i32
    %get3A_518 = arith.index_cast %get3A_517 : i32 to index
    %get3A_519 = arith.constant 288 : index
    %get3A_520 = tpu.vector_load %arg6[%get3A_518, %get3A_519] {strides = array<i32>} : memref<4x768xf32, #tpu.memory_space<vmem>>, vector<1x16xf32>,
    %get3A_521 = vector.shape_cast %get3A_520 : vector<1x16xf32> to vector<16xf32>
    %get3A_522 = arith.constant 1 : i32
    %get3A_523 = arith.index_cast %get3A_522 : i32 to index
    %get3A_524 = arith.constant 288 : index
    %get3A_525 = tpu.vector_load %arg6[%get3A_523, %get3A_524] {strides = array<i32>} : memref<4x768xf32, #tpu.memory_space<vmem>>, vector<1x16xf32>,
    %get3A_526 = vector.shape_cast %get3A_525 : vector<1x16xf32> to vector<16xf32>
    %mul3A_527 = arith.constant 4.000000e-01 : f32
    %mul3A_528 = vector.broadcast %mul3A_527 : f32 to vector<16xf32>
    %mul3A_529 = arith.mulf %mul3A_528, %get3A_521 : vector<16xf32>
    %sub3A_530 = arith.subf %get3A_526, %mul3A_529 : vector<16xf32>
    %mul3A_531 = arith.constant 0.666666686 : f32
    %mul3A_532 = vector.broadcast %mul3A_531 : f32 to vector<16xf32>
    %mul3A_533 = arith.mulf %mul3A_532, %sub3A_530 : vector<16xf32>
    %mul3A_534 = arith.constant 4.000000e-01 : f32
    %mul3A_535 = vector.broadcast %mul3A_534 : f32 to vector<16xf32>
    %mul3A_536 = arith.mulf %mul3A_535, %get3A_521 : vector<16xf32>
    %sub3A_537 = arith.subf %mul3A_533, %mul3A_536 : vector<16xf32>
    %swap3A_538 = arith.constant 1 : i32
    %swap3A_539 = arith.index_cast %swap3A_538 : i32 to index
    %swap3A_540 = arith.constant 288 : index
    %swap3A_541 = tpu.vector_load %arg7[%swap3A_539, %swap3A_540] {strides = array<i32>} : memref<4x768xf32, #tpu.memory_space<vmem>>, vector<1x16xf32>,
    %swap3A_542 = vector.shape_cast %swap3A_541 : vector<1x16xf32> to vector<16xf32>
    %swap3A_543 = vector.shape_cast %sub3A_537 : vector<16xf32> to vector<1x16xf32>
    tpu.vector_store %arg7[%swap3A_539, %swap3A_540], %swap3A_543 {strides = array<i32>} : memref<4x768xf32, #tpu.memory_space<vmem>>, vector<1x16xf32>,
    %get3A_544 = arith.constant 0 : i32
    %get3A_545 = arith.index_cast %get3A_544 : i32 to index
    %get3A_546 = arith.constant 304 : index
    %get3A_547 = tpu.vector_load %arg6[%get3A_545, %get3A_546] {strides = array<i32>} : memref<4x768xf32, #tpu.memory_space<vmem>>, vector<1x16xf32>,
    %get3A_548 = vector.shape_cast %get3A_547 : vector<1x16xf32> to vector<16xf32>
    %get3A_549 = arith.constant 1 : i32
    %get3A_550 = arith.index_cast %get3A_549 : i32 to index
    %get3A_551 = arith.constant 304 : index
    %get3A_552 = tpu.vector_load %arg6[%get3A_550, %get3A_551] {strides = array<i32>} : memref<4x768xf32, #tpu.memory_space<vmem>>, vector<1x16xf32>,
    %get3A_553 = vector.shape_cast %get3A_552 : vector<1x16xf32> to vector<16xf32>
    %mul3A_554 = arith.constant 4.000000e-01 : f32
    %mul3A_555 = vector.broadcast %mul3A_554 : f32 to vector<16xf32>
    %mul3A_556 = arith.mulf %mul3A_555, %get3A_548 : vector<16xf32>
    %sub3A_557 = arith.subf %get3A_553, %mul3A_556 : vector<16xf32>
    %mul3A_558 = arith.constant 0.666666686 : f32
    %mul3A_559 = vector.broadcast %mul3A_558 : f32 to vector<16xf32>
    %mul3A_560 = arith.mulf %mul3A_559, %sub3A_557 : vector<16xf32>
    %mul3A_561 = arith.constant 4.000000e-01 : f32
    %mul3A_562 = vector.broadcast %mul3A_561 : f32 to vector<16xf32>
    %mul3A_563 = arith.mulf %mul3A_562, %get3A_548 : vector<16xf32>
    %sub3A_564 = arith.subf %mul3A_560, %mul3A_563 : vector<16xf32>
    %swap3A_565 = arith.constant 1 : i32
    %swap3A_566 = arith.index_cast %swap3A_565 : i32 to index
    %swap3A_567 = arith.constant 304 : index
    %swap3A_568 = tpu.vector_load %arg7[%swap3A_566, %swap3A_567] {strides = array<i32>} : memref<4x768xf32, #tpu.memory_space<vmem>>, vector<1x16xf32>,
    %swap3A_569 = vector.shape_cast %swap3A_568 : vector<1x16xf32> to vector<16xf32>
    %swap3A_570 = vector.shape_cast %sub3A_564 : vector<16xf32> to vector<1x16xf32>
    tpu.vector_store %arg7[%swap3A_566, %swap3A_567], %swap3A_570 {strides = array<i32>} : memref<4x768xf32, #tpu.memory_space<vmem>>, vector<1x16xf32>,
    %get3A_571 = arith.constant 0 : i32
    %get3A_572 = arith.index_cast %get3A_571 : i32 to index
    %get3A_573 = arith.constant 320 : index
    %get3A_574 = tpu.vector_load %arg6[%get3A_572, %get3A_573] {strides = array<i32>} : memref<4x768xf32, #tpu.memory_space<vmem>>, vector<1x16xf32>,
    %get3A_575 = vector.shape_cast %get3A_574 : vector<1x16xf32> to vector<16xf32>
    %get3A_576 = arith.constant 1 : i32
    %get3A_577 = arith.index_cast %get3A_576 : i32 to index
    %get3A_578 = arith.constant 320 : index
    %get3A_579 = tpu.vector_load %arg6[%get3A_577, %get3A_578] {strides = array<i32>} : memref<4x768xf32, #tpu.memory_space<vmem>>, vector<1x16xf32>,
    %get3A_580 = vector.shape_cast %get3A_579 : vector<1x16xf32> to vector<16xf32>
    %mul3A_581 = arith.constant 4.000000e-01 : f32
    %mul3A_582 = vector.broadcast %mul3A_581 : f32 to vector<16xf32>
    %mul3A_583 = arith.mulf %mul3A_582, %get3A_575 : vector<16xf32>
    %sub3A_584 = arith.subf %get3A_580, %mul3A_583 : vector<16xf32>
    %mul3A_585 = arith.constant 0.666666686 : f32
    %mul3A_586 = vector.broadcast %mul3A_585 : f32 to vector<16xf32>
    %mul3A_587 = arith.mulf %mul3A_586, %sub3A_584 : vector<16xf32>
    %mul3A_588 = arith.constant 4.000000e-01 : f32
    %mul3A_589 = vector.broadcast %mul3A_588 : f32 to vector<16xf32>
    %mul3A_590 = arith.mulf %mul3A_589, %get3A_575 : vector<16xf32>
    %sub3A_591 = arith.subf %mul3A_587, %mul3A_590 : vector<16xf32>
    %swap3A_592 = arith.constant 1 : i32
    %swap3A_593 = arith.index_cast %swap3A_592 : i32 to index
    %swap3A_594 = arith.constant 320 : index
    %swap3A_595 = tpu.vector_load %arg7[%swap3A_593, %swap3A_594] {strides = array<i32>} : memref<4x768xf32, #tpu.memory_space<vmem>>, vector<1x16xf32>,
    %swap3A_596 = vector.shape_cast %swap3A_595 : vector<1x16xf32> to vector<16xf32>
    %swap3A_597 = vector.shape_cast %sub3A_591 : vector<16xf32> to vector<1x16xf32>
    tpu.vector_store %arg7[%swap3A_593, %swap3A_594], %swap3A_597 {strides = array<i32>} : memref<4x768xf32, #tpu.memory_space<vmem>>, vector<1x16xf32>,
    %get3A_598 = arith.constant 0 : i32
    %get3A_599 = arith.index_cast %get3A_598 : i32 to index
    %get3A_600 = arith.constant 336 : index
    %get3A_601 = tpu.vector_load %arg6[%get3A_599, %get3A_600] {strides = array<i32>} : memref<4x768xf32, #tpu.memory_space<vmem>>, vector<1x16xf32>,
    %get3A_602 = vector.shape_cast %get3A_601 : vector<1x16xf32> to vector<16xf32>
    %get3A_603 = arith.constant 1 : i32
    %get3A_604 = arith.index_cast %get3A_603 : i32 to index
    %get3A_605 = arith.constant 336 : index
    %get3A_606 = tpu.vector_load %arg6[%get3A_604, %get3A_605] {strides = array<i32>} : memref<4x768xf32, #tpu.memory_space<vmem>>, vector<1x16xf32>,
    %get3A_607 = vector.shape_cast %get3A_606 : vector<1x16xf32> to vector<16xf32>
    %mul3A_608 = arith.constant 4.000000e-01 : f32
    %mul3A_609 = vector.broadcast %mul3A_608 : f32 to vector<16xf32>
    %mul3A_610 = arith.mulf %mul3A_609, %get3A_602 : vector<16xf32>
    %sub3A_611 = arith.subf %get3A_607, %mul3A_610 : vector<16xf32>
    %mul3A_612 = arith.constant 0.666666686 : f32
    %mul3A_613 = vector.broadcast %mul3A_612 : f32 to vector<16xf32>
    %mul3A_614 = arith.mulf %mul3A_613, %sub3A_611 : vector<16xf32>
    %mul3A_615 = arith.constant 4.000000e-01 : f32
    %mul3A_616 = vector.broadcast %mul3A_615 : f32 to vector<16xf32>
    %mul3A_617 = arith.mulf %mul3A_616, %get3A_602 : vector<16xf32>
    %sub3A_618 = arith.subf %mul3A_614, %mul3A_617 : vector<16xf32>
    %swap3A_619 = arith.constant 1 : i32
    %swap3A_620 = arith.index_cast %swap3A_619 : i32 to index
    %swap3A_621 = arith.constant 336 : index
    %swap3A_622 = tpu.vector_load %arg7[%swap3A_620, %swap3A_621] {strides = array<i32>} : memref<4x768xf32, #tpu.memory_space<vmem>>, vector<1x16xf32>,
    %swap3A_623 = vector.shape_cast %swap3A_622 : vector<1x16xf32> to vector<16xf32>
    %swap3A_624 = vector.shape_cast %sub3A_618 : vector<16xf32> to vector<1x16xf32>
    tpu.vector_store %arg7[%swap3A_620, %swap3A_621], %swap3A_624 {strides = array<i32>} : memref<4x768xf32, #tpu.memory_space<vmem>>, vector<1x16xf32>,
    %get3A_625 = arith.constant 0 : i32
    %get3A_626 = arith.index_cast %get3A_625 : i32 to index
    %get3A_627 = arith.constant 352 : index
    %get3A_628 = tpu.vector_load %arg6[%get3A_626, %get3A_627] {strides = array<i32>} : memref<4x768xf32, #tpu.memory_space<vmem>>, vector<1x16xf32>,
    %get3A_629 = vector.shape_cast %get3A_628 : vector<1x16xf32> to vector<16xf32>
    %get3A_630 = arith.constant 1 : i32
    %get3A_631 = arith.index_cast %get3A_630 : i32 to index
    %get3A_632 = arith.constant 352 : index
    %get3A_633 = tpu.vector_load %arg6[%get3A_631, %get3A_632] {strides = array<i32>} : memref<4x768xf32, #tpu.memory_space<vmem>>, vector<1x16xf32>,
    %get3A_634 = vector.shape_cast %get3A_633 : vector<1x16xf32> to vector<16xf32>
    %mul3A_635 = arith.constant 4.000000e-01 : f32
    %mul3A_636 = vector.broadcast %mul3A_635 : f32 to vector<16xf32>
    %mul3A_637 = arith.mulf %mul3A_636, %get3A_629 : vector<16xf32>
    %sub3A_638 = arith.subf %get3A_634, %mul3A_637 : vector<16xf32>
    %mul3A_639 = arith.constant 0.666666686 : f32
    %mul3A_640 = vector.broadcast %mul3A_639 : f32 to vector<16xf32>
    %mul3A_641 = arith.mulf %mul3A_640, %sub3A_638 : vector<16xf32>
    %mul3A_642 = arith.constant 4.000000e-01 : f32
    %mul3A_643 = vector.broadcast %mul3A_642 : f32 to vector<16xf32>
    %mul3A_644 = arith.mulf %mul3A_643, %get3A_629 : vector<16xf32>
    %sub3A_645 = arith.subf %mul3A_641, %mul3A_644 : vector<16xf32>
    %swap3A_646 = arith.constant 1 : i32
    %swap3A_647 = arith.index_cast %swap3A_646 : i32 to index
    %swap3A_648 = arith.constant 352 : index
    %swap3A_649 = tpu.vector_load %arg7[%swap3A_647, %swap3A_648] {strides = array<i32>} : memref<4x768xf32, #tpu.memory_space<vmem>>, vector<1x16xf32>,
    %swap3A_650 = vector.shape_cast %swap3A_649 : vector<1x16xf32> to vector<16xf32>
    %swap3A_651 = vector.shape_cast %sub3A_645 : vector<16xf32> to vector<1x16xf32>
    tpu.vector_store %arg7[%swap3A_647, %swap3A_648], %swap3A_651 {strides = array<i32>} : memref<4x768xf32, #tpu.memory_space<vmem>>, vector<1x16xf32>,
    %get3A_652 = arith.constant 0 : i32
    %get3A_653 = arith.index_cast %get3A_652 : i32 to index
    %get3A_654 = arith.constant 368 : index
    %get3A_655 = tpu.vector_load %arg6[%get3A_653, %get3A_654] {strides = array<i32>} : memref<4x768xf32, #tpu.memory_space<vmem>>, vector<1x16xf32>,
    %get3A_656 = vector.shape_cast %get3A_655 : vector<1x16xf32> to vector<16xf32>
    %get3A_657 = arith.constant 1 : i32
    %get3A_658 = arith.index_cast %get3A_657 : i32 to index
    %get3A_659 = arith.constant 368 : index
    %get3A_660 = tpu.vector_load %arg6[%get3A_658, %get3A_659] {strides = array<i32>} : memref<4x768xf32, #tpu.memory_space<vmem>>, vector<1x16xf32>,
    %get3A_661 = vector.shape_cast %get3A_660 : vector<1x16xf32> to vector<16xf32>
    %mul3A_662 = arith.constant 4.000000e-01 : f32
    %mul3A_663 = vector.broadcast %mul3A_662 : f32 to vector<16xf32>
    %mul3A_664 = arith.mulf %mul3A_663, %get3A_656 : vector<16xf32>
    %sub3A_665 = arith.subf %get3A_661, %mul3A_664 : vector<16xf32>
    %mul3A_666 = arith.constant 0.666666686 : f32
    %mul3A_667 = vector.broadcast %mul3A_666 : f32 to vector<16xf32>
    %mul3A_668 = arith.mulf %mul3A_667, %sub3A_665 : vector<16xf32>
    %mul3A_669 = arith.constant 4.000000e-01 : f32
    %mul3A_670 = vector.broadcast %mul3A_669 : f32 to vector<16xf32>
    %mul3A_671 = arith.mulf %mul3A_670, %get3A_656 : vector<16xf32>
    %sub3A_672 = arith.subf %mul3A_668, %mul3A_671 : vector<16xf32>
    %swap3A_673 = arith.constant 1 : i32
    %swap3A_674 = arith.index_cast %swap3A_673 : i32 to index
    %swap3A_675 = arith.constant 368 : index
    %swap3A_676 = tpu.vector_load %arg7[%swap3A_674, %swap3A_675] {strides = array<i32>} : memref<4x768xf32, #tpu.memory_space<vmem>>, vector<1x16xf32>,
    %swap3A_677 = vector.shape_cast %swap3A_676 : vector<1x16xf32> to vector<16xf32>
    %swap3A_678 = vector.shape_cast %sub3A_672 : vector<16xf32> to vector<1x16xf32>
    tpu.vector_store %arg7[%swap3A_674, %swap3A_675], %swap3A_678 {strides = array<i32>} : memref<4x768xf32, #tpu.memory_space<vmem>>, vector<1x16xf32>,
    %get3A_679 = arith.constant 0 : i32
    %get3A_680 = arith.index_cast %get3A_679 : i32 to index
    %get3A_681 = arith.constant 384 : index
    %get3A_682 = tpu.vector_load %arg6[%get3A_680, %get3A_681] {strides = array<i32>} : memref<4x768xf32, #tpu.memory_space<vmem>>, vector<1x16xf32>,
    %get3A_683 = vector.shape_cast %get3A_682 : vector<1x16xf32> to vector<16xf32>
    %get3A_684 = arith.constant 1 : i32
    %get3A_685 = arith.index_cast %get3A_684 : i32 to index
    %get3A_686 = arith.constant 384 : index
    %get3A_687 = tpu.vector_load %arg6[%get3A_685, %get3A_686] {strides = array<i32>} : memref<4x768xf32, #tpu.memory_space<vmem>>, vector<1x16xf32>,
    %get3A_688 = vector.shape_cast %get3A_687 : vector<1x16xf32> to vector<16xf32>
    %mul3A_689 = arith.constant 4.000000e-01 : f32
    %mul3A_690 = vector.broadcast %mul3A_689 : f32 to vector<16xf32>
    %mul3A_691 = arith.mulf %mul3A_690, %get3A_683 : vector<16xf32>
    %sub3A_692 = arith.subf %get3A_688, %mul3A_691 : vector<16xf32>
    %mul3A_693 = arith.constant 0.666666686 : f32
    %mul3A_694 = vector.broadcast %mul3A_693 : f32 to vector<16xf32>
    %mul3A_695 = arith.mulf %mul3A_694, %sub3A_692 : vector<16xf32>
    %mul3A_696 = arith.constant 4.000000e-01 : f32
    %mul3A_697 = vector.broadcast %mul3A_696 : f32 to vector<16xf32>
    %mul3A_698 = arith.mulf %mul3A_697, %get3A_683 : vector<16xf32>
    %sub3A_699 = arith.subf %mul3A_695, %mul3A_698 : vector<16xf32>
    %swap3A_700 = arith.constant 1 : i32
    %swap3A_701 = arith.index_cast %swap3A_700 : i32 to index
    %swap3A_702 = arith.constant 384 : index
    %swap3A_703 = tpu.vector_load %arg7[%swap3A_701, %swap3A_702] {strides = array<i32>} : memref<4x768xf32, #tpu.memory_space<vmem>>, vector<1x16xf32>,
    %swap3A_704 = vector.shape_cast %swap3A_703 : vector<1x16xf32> to vector<16xf32>
    %swap3A_705 = vector.shape_cast %sub3A_699 : vector<16xf32> to vector<1x16xf32>
    tpu.vector_store %arg7[%swap3A_701, %swap3A_702], %swap3A_705 {strides = array<i32>} : memref<4x768xf32, #tpu.memory_space<vmem>>, vector<1x16xf32>,
    %get3A_706 = arith.constant 0 : i32
    %get3A_707 = arith.index_cast %get3A_706 : i32 to index
    %get3A_708 = arith.constant 400 : index
    %get3A_709 = tpu.vector_load %arg6[%get3A_707, %get3A_708] {strides = array<i32>} : memref<4x768xf32, #tpu.memory_space<vmem>>, vector<1x16xf32>,
    %get3A_710 = vector.shape_cast %get3A_709 : vector<1x16xf32> to vector<16xf32>
    %get3A_711 = arith.constant 1 : i32
    %get3A_712 = arith.index_cast %get3A_711 : i32 to index
    %get3A_713 = arith.constant 400 : index
    %get3A_714 = tpu.vector_load %arg6[%get3A_712, %get3A_713] {strides = array<i32>} : memref<4x768xf32, #tpu.memory_space<vmem>>, vector<1x16xf32>,
    %get3A_715 = vector.shape_cast %get3A_714 : vector<1x16xf32> to vector<16xf32>
    %mul3A_716 = arith.constant 4.000000e-01 : f32
    %mul3A_717 = vector.broadcast %mul3A_716 : f32 to vector<16xf32>
    %mul3A_718 = arith.mulf %mul3A_717, %get3A_710 : vector<16xf32>
    %sub3A_719 = arith.subf %get3A_715, %mul3A_718 : vector<16xf32>
    %mul3A_720 = arith.constant 0.666666686 : f32
    %mul3A_721 = vector.broadcast %mul3A_720 : f32 to vector<16xf32>
    %mul3A_722 = arith.mulf %mul3A_721, %sub3A_719 : vector<16xf32>
    %mul3A_723 = arith.constant 4.000000e-01 : f32
    %mul3A_724 = vector.broadcast %mul3A_723 : f32 to vector<16xf32>
    %mul3A_725 = arith.mulf %mul3A_724, %get3A_710 : vector<16xf32>
    %sub3A_726 = arith.subf %mul3A_722, %mul3A_725 : vector<16xf32>
    %swap3A_727 = arith.constant 1 : i32
    %swap3A_728 = arith.index_cast %swap3A_727 : i32 to index
    %swap3A_729 = arith.constant 400 : index
    %swap3A_730 = tpu.vector_load %arg7[%swap3A_728, %swap3A_729] {strides = array<i32>} : memref<4x768xf32, #tpu.memory_space<vmem>>, vector<1x16xf32>,
    %swap3A_731 = vector.shape_cast %swap3A_730 : vector<1x16xf32> to vector<16xf32>
    %swap3A_732 = vector.shape_cast %sub3A_726 : vector<16xf32> to vector<1x16xf32>
    tpu.vector_store %arg7[%swap3A_728, %swap3A_729], %swap3A_732 {strides = array<i32>} : memref<4x768xf32, #tpu.memory_space<vmem>>, vector<1x16xf32>,
    %get3A_733 = arith.constant 0 : i32
    %get3A_734 = arith.index_cast %get3A_733 : i32 to index
    %get3A_735 = arith.constant 416 : index
    %get3A_736 = tpu.vector_load %arg6[%get3A_734, %get3A_735] {strides = array<i32>} : memref<4x768xf32, #tpu.memory_space<vmem>>, vector<1x16xf32>,
    %get3A_737 = vector.shape_cast %get3A_736 : vector<1x16xf32> to vector<16xf32>
    %get3A_738 = arith.constant 1 : i32
    %get3A_739 = arith.index_cast %get3A_738 : i32 to index
    %get3A_740 = arith.constant 416 : index
    %get3A_741 = tpu.vector_load %arg6[%get3A_739, %get3A_740] {strides = array<i32>} : memref<4x768xf32, #tpu.memory_space<vmem>>, vector<1x16xf32>,
    %get3A_742 = vector.shape_cast %get3A_741 : vector<1x16xf32> to vector<16xf32>
    %mul3A_743 = arith.constant 4.000000e-01 : f32
    %mul3A_744 = vector.broadcast %mul3A_743 : f32 to vector<16xf32>
    %mul3A_745 = arith.mulf %mul3A_744, %get3A_737 : vector<16xf32>
    %sub3A_746 = arith.subf %get3A_742, %mul3A_745 : vector<16xf32>
    %mul3A_747 = arith.constant 0.666666686 : f32
    %mul3A_748 = vector.broadcast %mul3A_747 : f32 to vector<16xf32>
    %mul3A_749 = arith.mulf %mul3A_748, %sub3A_746 : vector<16xf32>
    %mul3A_750 = arith.constant 4.000000e-01 : f32
    %mul3A_751 = vector.broadcast %mul3A_750 : f32 to vector<16xf32>
    %mul3A_752 = arith.mulf %mul3A_751, %get3A_737 : vector<16xf32>
    %sub3A_753 = arith.subf %mul3A_749, %mul3A_752 : vector<16xf32>
    %swap3A_754 = arith.constant 1 : i32
    %swap3A_755 = arith.index_cast %swap3A_754 : i32 to index
    %swap3A_756 = arith.constant 416 : index
    %swap3A_757 = tpu.vector_load %arg7[%swap3A_755, %swap3A_756] {strides = array<i32>} : memref<4x768xf32, #tpu.memory_space<vmem>>, vector<1x16xf32>,
    %swap3A_758 = vector.shape_cast %swap3A_757 : vector<1x16xf32> to vector<16xf32>
    %swap3A_759 = vector.shape_cast %sub3A_753 : vector<16xf32> to vector<1x16xf32>
    tpu.vector_store %arg7[%swap3A_755, %swap3A_756], %swap3A_759 {strides = array<i32>} : memref<4x768xf32, #tpu.memory_space<vmem>>, vector<1x16xf32>,
    %get3A_760 = arith.constant 0 : i32
    %get3A_761 = arith.index_cast %get3A_760 : i32 to index
    %get3A_762 = arith.constant 432 : index
    %get3A_763 = tpu.vector_load %arg6[%get3A_761, %get3A_762] {strides = array<i32>} : memref<4x768xf32, #tpu.memory_space<vmem>>, vector<1x16xf32>,
    %get3A_764 = vector.shape_cast %get3A_763 : vector<1x16xf32> to vector<16xf32>
    %get3A_765 = arith.constant 1 : i32
    %get3A_766 = arith.index_cast %get3A_765 : i32 to index
    %get3A_767 = arith.constant 432 : index
    %get3A_768 = tpu.vector_load %arg6[%get3A_766, %get3A_767] {strides = array<i32>} : memref<4x768xf32, #tpu.memory_space<vmem>>, vector<1x16xf32>,
    %get3A_769 = vector.shape_cast %get3A_768 : vector<1x16xf32> to vector<16xf32>
    %mul3A_770 = arith.constant 4.000000e-01 : f32
    %mul3A_771 = vector.broadcast %mul3A_770 : f32 to vector<16xf32>
    %mul3A_772 = arith.mulf %mul3A_771, %get3A_764 : vector<16xf32>
    %sub3A_773 = arith.subf %get3A_769, %mul3A_772 : vector<16xf32>
    %mul3A_774 = arith.constant 0.666666686 : f32
    %mul3A_775 = vector.broadcast %mul3A_774 : f32 to vector<16xf32>
    %mul3A_776 = arith.mulf %mul3A_775, %sub3A_773 : vector<16xf32>
    %mul3A_777 = arith.constant 4.000000e-01 : f32
    %mul3A_778 = vector.broadcast %mul3A_777 : f32 to vector<16xf32>
    %mul3A_779 = arith.mulf %mul3A_778, %get3A_764 : vector<16xf32>
    %sub3A_780 = arith.subf %mul3A_776, %mul3A_779 : vector<16xf32>
    %swap3A_781 = arith.constant 1 : i32
    %swap3A_782 = arith.index_cast %swap3A_781 : i32 to index
    %swap3A_783 = arith.constant 432 : index
    %swap3A_784 = tpu.vector_load %arg7[%swap3A_782, %swap3A_783] {strides = array<i32>} : memref<4x768xf32, #tpu.memory_space<vmem>>, vector<1x16xf32>,
    %swap3A_785 = vector.shape_cast %swap3A_784 : vector<1x16xf32> to vector<16xf32>
    %swap3A_786 = vector.shape_cast %sub3A_780 : vector<16xf32> to vector<1x16xf32>
    tpu.vector_store %arg7[%swap3A_782, %swap3A_783], %swap3A_786 {strides = array<i32>} : memref<4x768xf32, #tpu.memory_space<vmem>>, vector<1x16xf32>,
    %get3A_787 = arith.constant 0 : i32
    %get3A_788 = arith.index_cast %get3A_787 : i32 to index
    %get3A_789 = arith.constant 448 : index
    %get3A_790 = tpu.vector_load %arg6[%get3A_788, %get3A_789] {strides = array<i32>} : memref<4x768xf32, #tpu.memory_space<vmem>>, vector<1x16xf32>,
    %get3A_791 = vector.shape_cast %get3A_790 : vector<1x16xf32> to vector<16xf32>
    %get3A_792 = arith.constant 1 : i32
    %get3A_793 = arith.index_cast %get3A_792 : i32 to index
    %get3A_794 = arith.constant 448 : index
    %get3A_795 = tpu.vector_load %arg6[%get3A_793, %get3A_794] {strides = array<i32>} : memref<4x768xf32, #tpu.memory_space<vmem>>, vector<1x16xf32>,
    %get3A_796 = vector.shape_cast %get3A_795 : vector<1x16xf32> to vector<16xf32>
    %mul3A_797 = arith.constant 4.000000e-01 : f32
    %mul3A_798 = vector.broadcast %mul3A_797 : f32 to vector<16xf32>
    %mul3A_799 = arith.mulf %mul3A_798, %get3A_791 : vector<16xf32>
    %sub3A_800 = arith.subf %get3A_796, %mul3A_799 : vector<16xf32>
    %mul3A_801 = arith.constant 0.666666686 : f32
    %mul3A_802 = vector.broadcast %mul3A_801 : f32 to vector<16xf32>
    %mul3A_803 = arith.mulf %mul3A_802, %sub3A_800 : vector<16xf32>
    %mul3A_804 = arith.constant 4.000000e-01 : f32
    %mul3A_805 = vector.broadcast %mul3A_804 : f32 to vector<16xf32>
    %mul3A_806 = arith.mulf %mul3A_805, %get3A_791 : vector<16xf32>
    %sub3A_807 = arith.subf %mul3A_803, %mul3A_806 : vector<16xf32>
    %swap3A_808 = arith.constant 1 : i32
    %swap3A_809 = arith.index_cast %swap3A_808 : i32 to index
    %swap3A_810 = arith.constant 448 : index
    %swap3A_811 = tpu.vector_load %arg7[%swap3A_809, %swap3A_810] {strides = array<i32>} : memref<4x768xf32, #tpu.memory_space<vmem>>, vector<1x16xf32>,
    %swap3A_812 = vector.shape_cast %swap3A_811 : vector<1x16xf32> to vector<16xf32>
    %swap3A_813 = vector.shape_cast %sub3A_807 : vector<16xf32> to vector<1x16xf32>
    tpu.vector_store %arg7[%swap3A_809, %swap3A_810], %swap3A_813 {strides = array<i32>} : memref<4x768xf32, #tpu.memory_space<vmem>>, vector<1x16xf32>,
    %get3A_814 = arith.constant 0 : i32
    %get3A_815 = arith.index_cast %get3A_814 : i32 to index
    %get3A_816 = arith.constant 464 : index
    %get3A_817 = tpu.vector_load %arg6[%get3A_815, %get3A_816] {strides = array<i32>} : memref<4x768xf32, #tpu.memory_space<vmem>>, vector<1x16xf32>,
    %get3A_818 = vector.shape_cast %get3A_817 : vector<1x16xf32> to vector<16xf32>
    %get3A_819 = arith.constant 1 : i32
    %get3A_820 = arith.index_cast %get3A_819 : i32 to index
    %get3A_821 = arith.constant 464 : index
    %get3A_822 = tpu.vector_load %arg6[%get3A_820, %get3A_821] {strides = array<i32>} : memref<4x768xf32, #tpu.memory_space<vmem>>, vector<1x16xf32>,
    %get3A_823 = vector.shape_cast %get3A_822 : vector<1x16xf32> to vector<16xf32>
    %mul3A_824 = arith.constant 4.000000e-01 : f32
    %mul3A_825 = vector.broadcast %mul3A_824 : f32 to vector<16xf32>
    %mul3A_826 = arith.mulf %mul3A_825, %get3A_818 : vector<16xf32>
    %sub3A_827 = arith.subf %get3A_823, %mul3A_826 : vector<16xf32>
    %mul3A_828 = arith.constant 0.666666686 : f32
    %mul3A_829 = vector.broadcast %mul3A_828 : f32 to vector<16xf32>
    %mul3A_830 = arith.mulf %mul3A_829, %sub3A_827 : vector<16xf32>
    %mul3A_831 = arith.constant 4.000000e-01 : f32
    %mul3A_832 = vector.broadcast %mul3A_831 : f32 to vector<16xf32>
    %mul3A_833 = arith.mulf %mul3A_832, %get3A_818 : vector<16xf32>
    %sub3A_834 = arith.subf %mul3A_830, %mul3A_833 : vector<16xf32>
    %swap3A_835 = arith.constant 1 : i32
    %swap3A_836 = arith.index_cast %swap3A_835 : i32 to index
    %swap3A_837 = arith.constant 464 : index
    %swap3A_838 = tpu.vector_load %arg7[%swap3A_836, %swap3A_837] {strides = array<i32>} : memref<4x768xf32, #tpu.memory_space<vmem>>, vector<1x16xf32>,
    %swap3A_839 = vector.shape_cast %swap3A_838 : vector<1x16xf32> to vector<16xf32>
    %swap3A_840 = vector.shape_cast %sub3A_834 : vector<16xf32> to vector<1x16xf32>
    tpu.vector_store %arg7[%swap3A_836, %swap3A_837], %swap3A_840 {strides = array<i32>} : memref<4x768xf32, #tpu.memory_space<vmem>>, vector<1x16xf32>,
    %get3A_841 = arith.constant 0 : i32
    %get3A_842 = arith.index_cast %get3A_841 : i32 to index
    %get3A_843 = arith.constant 480 : index
    %get3A_844 = tpu.vector_load %arg6[%get3A_842, %get3A_843] {strides = array<i32>} : memref<4x768xf32, #tpu.memory_space<vmem>>, vector<1x16xf32>,
    %get3A_845 = vector.shape_cast %get3A_844 : vector<1x16xf32> to vector<16xf32>
    %get3A_846 = arith.constant 1 : i32
    %get3A_847 = arith.index_cast %get3A_846 : i32 to index
    %get3A_848 = arith.constant 480 : index
    %get3A_849 = tpu.vector_load %arg6[%get3A_847, %get3A_848] {strides = array<i32>} : memref<4x768xf32, #tpu.memory_space<vmem>>, vector<1x16xf32>,
    %get3A_850 = vector.shape_cast %get3A_849 : vector<1x16xf32> to vector<16xf32>
    %mul3A_851 = arith.constant 4.000000e-01 : f32
    %mul3A_852 = vector.broadcast %mul3A_851 : f32 to vector<16xf32>
    %mul3A_853 = arith.mulf %mul3A_852, %get3A_845 : vector<16xf32>
    %sub3A_854 = arith.subf %get3A_850, %mul3A_853 : vector<16xf32>
    %mul3A_855 = arith.constant 0.666666686 : f32
    %mul3A_856 = vector.broadcast %mul3A_855 : f32 to vector<16xf32>
    %mul3A_857 = arith.mulf %mul3A_856, %sub3A_854 : vector<16xf32>
    %mul3A_858 = arith.constant 4.000000e-01 : f32
    %mul3A_859 = vector.broadcast %mul3A_858 : f32 to vector<16xf32>
    %mul3A_860 = arith.mulf %mul3A_859, %get3A_845 : vector<16xf32>
    %sub3A_861 = arith.subf %mul3A_857, %mul3A_860 : vector<16xf32>
    %swap3A_862 = arith.constant 1 : i32
    %swap3A_863 = arith.index_cast %swap3A_862 : i32 to index
    %swap3A_864 = arith.constant 480 : index
    %swap3A_865 = tpu.vector_load %arg7[%swap3A_863, %swap3A_864] {strides = array<i32>} : memref<4x768xf32, #tpu.memory_space<vmem>>, vector<1x16xf32>,
    %swap3A_866 = vector.shape_cast %swap3A_865 : vector<1x16xf32> to vector<16xf32>
    %swap3A_867 = vector.shape_cast %sub3A_861 : vector<16xf32> to vector<1x16xf32>
    tpu.vector_store %arg7[%swap3A_863, %swap3A_864], %swap3A_867 {strides = array<i32>} : memref<4x768xf32, #tpu.memory_space<vmem>>, vector<1x16xf32>,
    %get3A_868 = arith.constant 0 : i32
    %get3A_869 = arith.index_cast %get3A_868 : i32 to index
    %get3A_870 = arith.constant 496 : index
    %get3A_871 = tpu.vector_load %arg6[%get3A_869, %get3A_870] {strides = array<i32>} : memref<4x768xf32, #tpu.memory_space<vmem>>, vector<1x16xf32>,
    %get3A_872 = vector.shape_cast %get3A_871 : vector<1x16xf32> to vector<16xf32>
    %get3A_873 = arith.constant 1 : i32
    %get3A_874 = arith.index_cast %get3A_873 : i32 to index
    %get3A_875 = arith.constant 496 : index
    %get3A_876 = tpu.vector_load %arg6[%get3A_874, %get3A_875] {strides = array<i32>} : memref<4x768xf32, #tpu.memory_space<vmem>>, vector<1x16xf32>,
    %get3A_877 = vector.shape_cast %get3A_876 : vector<1x16xf32> to vector<16xf32>
    %mul3A_878 = arith.constant 4.000000e-01 : f32
    %mul3A_879 = vector.broadcast %mul3A_878 : f32 to vector<16xf32>
    %mul3A_880 = arith.mulf %mul3A_879, %get3A_872 : vector<16xf32>
    %sub3A_881 = arith.subf %get3A_877, %mul3A_880 : vector<16xf32>
    %mul3A_882 = arith.constant 0.666666686 : f32
    %mul3A_883 = vector.broadcast %mul3A_882 : f32 to vector<16xf32>
    %mul3A_884 = arith.mulf %mul3A_883, %sub3A_881 : vector<16xf32>
    %mul3A_885 = arith.constant 4.000000e-01 : f32
    %mul3A_886 = vector.broadcast %mul3A_885 : f32 to vector<16xf32>
    %mul3A_887 = arith.mulf %mul3A_886, %get3A_872 : vector<16xf32>
    %sub3A_888 = arith.subf %mul3A_884, %mul3A_887 : vector<16xf32>
    %swap3A_889 = arith.constant 1 : i32
    %swap3A_890 = arith.index_cast %swap3A_889 : i32 to index
    %swap3A_891 = arith.constant 496 : index
    %swap3A_892 = tpu.vector_load %arg7[%swap3A_890, %swap3A_891] {strides = array<i32>} : memref<4x768xf32, #tpu.memory_space<vmem>>, vector<1x16xf32>,
    %swap3A_893 = vector.shape_cast %swap3A_892 : vector<1x16xf32> to vector<16xf32>
    %swap3A_894 = vector.shape_cast %sub3A_888 : vector<16xf32> to vector<1x16xf32>
    tpu.vector_store %arg7[%swap3A_890, %swap3A_891], %swap3A_894 {strides = array<i32>} : memref<4x768xf32, #tpu.memory_space<vmem>>, vector<1x16xf32>,
    %get3A_895 = arith.constant 0 : i32
    %get3A_896 = arith.index_cast %get3A_895 : i32 to index
    %get3A_897 = arith.constant 512 : index
    %get3A_898 = tpu.vector_load %arg6[%get3A_896, %get3A_897] {strides = array<i32>} : memref<4x768xf32, #tpu.memory_space<vmem>>, vector<1x16xf32>,
    %get3A_899 = vector.shape_cast %get3A_898 : vector<1x16xf32> to vector<16xf32>
    %get3A_900 = arith.constant 1 : i32
    %get3A_901 = arith.index_cast %get3A_900 : i32 to index
    %get3A_902 = arith.constant 512 : index
    %get3A_903 = tpu.vector_load %arg6[%get3A_901, %get3A_902] {strides = array<i32>} : memref<4x768xf32, #tpu.memory_space<vmem>>, vector<1x16xf32>,
    %get3A_904 = vector.shape_cast %get3A_903 : vector<1x16xf32> to vector<16xf32>
    %mul3A_905 = arith.constant 4.000000e-01 : f32
    %mul3A_906 = vector.broadcast %mul3A_905 : f32 to vector<16xf32>
    %mul3A_907 = arith.mulf %mul3A_906, %get3A_899 : vector<16xf32>
    %sub3A_908 = arith.subf %get3A_904, %mul3A_907 : vector<16xf32>
    %mul3A_909 = arith.constant 0.666666686 : f32
    %mul3A_910 = vector.broadcast %mul3A_909 : f32 to vector<16xf32>
    %mul3A_911 = arith.mulf %mul3A_910, %sub3A_908 : vector<16xf32>
    %mul3A_912 = arith.constant 4.000000e-01 : f32
    %mul3A_913 = vector.broadcast %mul3A_912 : f32 to vector<16xf32>
    %mul3A_914 = arith.mulf %mul3A_913, %get3A_899 : vector<16xf32>
    %sub3A_915 = arith.subf %mul3A_911, %mul3A_914 : vector<16xf32>
    %swap3A_916 = arith.constant 1 : i32
    %swap3A_917 = arith.index_cast %swap3A_916 : i32 to index
    %swap3A_918 = arith.constant 512 : index
    %swap3A_919 = tpu.vector_load %arg7[%swap3A_917, %swap3A_918] {strides = array<i32>} : memref<4x768xf32, #tpu.memory_space<vmem>>, vector<1x16xf32>,
    %swap3A_920 = vector.shape_cast %swap3A_919 : vector<1x16xf32> to vector<16xf32>
    %swap3A_921 = vector.shape_cast %sub3A_915 : vector<16xf32> to vector<1x16xf32>
    tpu.vector_store %arg7[%swap3A_917, %swap3A_918], %swap3A_921 {strides = array<i32>} : memref<4x768xf32, #tpu.memory_space<vmem>>, vector<1x16xf32>,
    %get3A_922 = arith.constant 0 : i32
    %get3A_923 = arith.index_cast %get3A_922 : i32 to index
    %get3A_924 = arith.constant 528 : index
    %get3A_925 = tpu.vector_load %arg6[%get3A_923, %get3A_924] {strides = array<i32>} : memref<4x768xf32, #tpu.memory_space<vmem>>, vector<1x16xf32>,
    %get3A_926 = vector.shape_cast %get3A_925 : vector<1x16xf32> to vector<16xf32>
    %get3A_927 = arith.constant 1 : i32
    %get3A_928 = arith.index_cast %get3A_927 : i32 to index
    %get3A_929 = arith.constant 528 : index
    %get3A_930 = tpu.vector_load %arg6[%get3A_928, %get3A_929] {strides = array<i32>} : memref<4x768xf32, #tpu.memory_space<vmem>>, vector<1x16xf32>,
    %get3A_931 = vector.shape_cast %get3A_930 : vector<1x16xf32> to vector<16xf32>
    %mul3A_932 = arith.constant 4.000000e-01 : f32
    %mul3A_933 = vector.broadcast %mul3A_932 : f32 to vector<16xf32>
    %mul3A_934 = arith.mulf %mul3A_933, %get3A_926 : vector<16xf32>
    %sub3A_935 = arith.subf %get3A_931, %mul3A_934 : vector<16xf32>
    %mul3A_936 = arith.constant 0.666666686 : f32
    %mul3A_937 = vector.broadcast %mul3A_936 : f32 to vector<16xf32>
    %mul3A_938 = arith.mulf %mul3A_937, %sub3A_935 : vector<16xf32>
    %mul3A_939 = arith.constant 4.000000e-01 : f32
    %mul3A_940 = vector.broadcast %mul3A_939 : f32 to vector<16xf32>
    %mul3A_941 = arith.mulf %mul3A_940, %get3A_926 : vector<16xf32>
    %sub3A_942 = arith.subf %mul3A_938, %mul3A_941 : vector<16xf32>
    %swap3A_943 = arith.constant 1 : i32
    %swap3A_944 = arith.index_cast %swap3A_943 : i32 to index
    %swap3A_945 = arith.constant 528 : index
    %swap3A_946 = tpu.vector_load %arg7[%swap3A_944, %swap3A_945] {strides = array<i32>} : memref<4x768xf32, #tpu.memory_space<vmem>>, vector<1x16xf32>,
    %swap3A_947 = vector.shape_cast %swap3A_946 : vector<1x16xf32> to vector<16xf32>
    %swap3A_948 = vector.shape_cast %sub3A_942 : vector<16xf32> to vector<1x16xf32>
    tpu.vector_store %arg7[%swap3A_944, %swap3A_945], %swap3A_948 {strides = array<i32>} : memref<4x768xf32, #tpu.memory_space<vmem>>, vector<1x16xf32>,
    %get3A_949 = arith.constant 0 : i32
    %get3A_950 = arith.index_cast %get3A_949 : i32 to index
    %get3A_951 = arith.constant 544 : index
    %get3A_952 = tpu.vector_load %arg6[%get3A_950, %get3A_951] {strides = array<i32>} : memref<4x768xf32, #tpu.memory_space<vmem>>, vector<1x16xf32>,
    %get3A_953 = vector.shape_cast %get3A_952 : vector<1x16xf32> to vector<16xf32>
    %get3A_954 = arith.constant 1 : i32
    %get3A_955 = arith.index_cast %get3A_954 : i32 to index
    %get3A_956 = arith.constant 544 : index
    %get3A_957 = tpu.vector_load %arg6[%get3A_955, %get3A_956] {strides = array<i32>} : memref<4x768xf32, #tpu.memory_space<vmem>>, vector<1x16xf32>,
    %get3A_958 = vector.shape_cast %get3A_957 : vector<1x16xf32> to vector<16xf32>
    %mul3A_959 = arith.constant 4.000000e-01 : f32
    %mul3A_960 = vector.broadcast %mul3A_959 : f32 to vector<16xf32>
    %mul3A_961 = arith.mulf %mul3A_960, %get3A_953 : vector<16xf32>
    %sub3A_962 = arith.subf %get3A_958, %mul3A_961 : vector<16xf32>
    %mul3A_963 = arith.constant 0.666666686 : f32
    %mul3A_964 = vector.broadcast %mul3A_963 : f32 to vector<16xf32>
    %mul3A_965 = arith.mulf %mul3A_964, %sub3A_962 : vector<16xf32>
    %mul3A_966 = arith.constant 4.000000e-01 : f32
    %mul3A_967 = vector.broadcast %mul3A_966 : f32 to vector<16xf32>
    %mul3A_968 = arith.mulf %mul3A_967, %get3A_953 : vector<16xf32>
    %sub3A_969 = arith.subf %mul3A_965, %mul3A_968 : vector<16xf32>
    %swap3A_970 = arith.constant 1 : i32
    %swap3A_971 = arith.index_cast %swap3A_970 : i32 to index
    %swap3A_972 = arith.constant 544 : index
    %swap3A_973 = tpu.vector_load %arg7[%swap3A_971, %swap3A_972] {strides = array<i32>} : memref<4x768xf32, #tpu.memory_space<vmem>>, vector<1x16xf32>,
    %swap3A_974 = vector.shape_cast %swap3A_973 : vector<1x16xf32> to vector<16xf32>
    %swap3A_975 = vector.shape_cast %sub3A_969 : vector<16xf32> to vector<1x16xf32>
    tpu.vector_store %arg7[%swap3A_971, %swap3A_972], %swap3A_975 {strides = array<i32>} : memref<4x768xf32, #tpu.memory_space<vmem>>, vector<1x16xf32>,
    %get3A_976 = arith.constant 0 : i32
    %get3A_977 = arith.index_cast %get3A_976 : i32 to index
    %get3A_978 = arith.constant 560 : index
    %get3A_979 = tpu.vector_load %arg6[%get3A_977, %get3A_978] {strides = array<i32>} : memref<4x768xf32, #tpu.memory_space<vmem>>, vector<1x16xf32>,
    %get3A_980 = vector.shape_cast %get3A_979 : vector<1x16xf32> to vector<16xf32>
    %get3A_981 = arith.constant 1 : i32
    %get3A_982 = arith.index_cast %get3A_981 : i32 to index
    %get3A_983 = arith.constant 560 : index
    %get3A_984 = tpu.vector_load %arg6[%get3A_982, %get3A_983] {strides = array<i32>} : memref<4x768xf32, #tpu.memory_space<vmem>>, vector<1x16xf32>,
    %get3A_985 = vector.shape_cast %get3A_984 : vector<1x16xf32> to vector<16xf32>
    %mul3A_986 = arith.constant 4.000000e-01 : f32
    %mul3A_987 = vector.broadcast %mul3A_986 : f32 to vector<16xf32>
    %mul3A_988 = arith.mulf %mul3A_987, %get3A_980 : vector<16xf32>
    %sub3A_989 = arith.subf %get3A_985, %mul3A_988 : vector<16xf32>
    %mul3A_990 = arith.constant 0.666666686 : f32
    %mul3A_991 = vector.broadcast %mul3A_990 : f32 to vector<16xf32>
    %mul3A_992 = arith.mulf %mul3A_991, %sub3A_989 : vector<16xf32>
    %mul3A_993 = arith.constant 4.000000e-01 : f32
    %mul3A_994 = vector.broadcast %mul3A_993 : f32 to vector<16xf32>
    %mul3A_995 = arith.mulf %mul3A_994, %get3A_980 : vector<16xf32>
    %sub3A_996 = arith.subf %mul3A_992, %mul3A_995 : vector<16xf32>
    %swap3A_997 = arith.constant 1 : i32
    %swap3A_998 = arith.index_cast %swap3A_997 : i32 to index
    %swap3A_999 = arith.constant 560 : index
    %swap3A_1000 = tpu.vector_load %arg7[%swap3A_998, %swap3A_999] {strides = array<i32>} : memref<4x768xf32, #tpu.memory_space<vmem>>, vector<1x16xf32>,
    %swap3A_1001 = vector.shape_cast %swap3A_1000 : vector<1x16xf32> to vector<16xf32>
    %swap3A_1002 = vector.shape_cast %sub3A_996 : vector<16xf32> to vector<1x16xf32>
    tpu.vector_store %arg7[%swap3A_998, %swap3A_999], %swap3A_1002 {strides = array<i32>} : memref<4x768xf32, #tpu.memory_space<vmem>>, vector<1x16xf32>,
    %get3A_1003 = arith.constant 0 : i32
    %get3A_1004 = arith.index_cast %get3A_1003 : i32 to index
    %get3A_1005 = arith.constant 576 : index
    %get3A_1006 = tpu.vector_load %arg6[%get3A_1004, %get3A_1005] {strides = array<i32>} : memref<4x768xf32, #tpu.memory_space<vmem>>, vector<1x16xf32>,
    %get3A_1007 = vector.shape_cast %get3A_1006 : vector<1x16xf32> to vector<16xf32>
    %get3A_1008 = arith.constant 1 : i32
    %get3A_1009 = arith.index_cast %get3A_1008 : i32 to index
    %get3A_1010 = arith.constant 576 : index
    %get3A_1011 = tpu.vector_load %arg6[%get3A_1009, %get3A_1010] {strides = array<i32>} : memref<4x768xf32, #tpu.memory_space<vmem>>, vector<1x16xf32>,
    %get3A_1012 = vector.shape_cast %get3A_1011 : vector<1x16xf32> to vector<16xf32>
    %mul3A_1013 = arith.constant 4.000000e-01 : f32
    %mul3A_1014 = vector.broadcast %mul3A_1013 : f32 to vector<16xf32>
    %mul3A_1015 = arith.mulf %mul3A_1014, %get3A_1007 : vector<16xf32>
    %sub3A_1016 = arith.subf %get3A_1012, %mul3A_1015 : vector<16xf32>
    %mul3A_1017 = arith.constant 0.666666686 : f32
    %mul3A_1018 = vector.broadcast %mul3A_1017 : f32 to vector<16xf32>
    %mul3A_1019 = arith.mulf %mul3A_1018, %sub3A_1016 : vector<16xf32>
    %mul3A_1020 = arith.constant 4.000000e-01 : f32
    %mul3A_1021 = vector.broadcast %mul3A_1020 : f32 to vector<16xf32>
    %mul3A_1022 = arith.mulf %mul3A_1021, %get3A_1007 : vector<16xf32>
    %sub3A_1023 = arith.subf %mul3A_1019, %mul3A_1022 : vector<16xf32>
    %swap3A_1024 = arith.constant 1 : i32
    %swap3A_1025 = arith.index_cast %swap3A_1024 : i32 to index
    %swap3A_1026 = arith.constant 576 : index
    %swap3A_1027 = tpu.vector_load %arg7[%swap3A_1025, %swap3A_1026] {strides = array<i32>} : memref<4x768xf32, #tpu.memory_space<vmem>>, vector<1x16xf32>,
    %swap3A_1028 = vector.shape_cast %swap3A_1027 : vector<1x16xf32> to vector<16xf32>
    %swap3A_1029 = vector.shape_cast %sub3A_1023 : vector<16xf32> to vector<1x16xf32>
    tpu.vector_store %arg7[%swap3A_1025, %swap3A_1026], %swap3A_1029 {strides = array<i32>} : memref<4x768xf32, #tpu.memory_space<vmem>>, vector<1x16xf32>,
    %get3A_1030 = arith.constant 0 : i32
    %get3A_1031 = arith.index_cast %get3A_1030 : i32 to index
    %get3A_1032 = arith.constant 592 : index
    %get3A_1033 = tpu.vector_load %arg6[%get3A_1031, %get3A_1032] {strides = array<i32>} : memref<4x768xf32, #tpu.memory_space<vmem>>, vector<1x16xf32>,
    %get3A_1034 = vector.shape_cast %get3A_1033 : vector<1x16xf32> to vector<16xf32>
    %get3A_1035 = arith.constant 1 : i32
    %get3A_1036 = arith.index_cast %get3A_1035 : i32 to index
    %get3A_1037 = arith.constant 592 : index
    %get3A_1038 = tpu.vector_load %arg6[%get3A_1036, %get3A_1037] {strides = array<i32>} : memref<4x768xf32, #tpu.memory_space<vmem>>, vector<1x16xf32>,
    %get3A_1039 = vector.shape_cast %get3A_1038 : vector<1x16xf32> to vector<16xf32>
    %mul3A_1040 = arith.constant 4.000000e-01 : f32
    %mul3A_1041 = vector.broadcast %mul3A_1040 : f32 to vector<16xf32>
    %mul3A_1042 = arith.mulf %mul3A_1041, %get3A_1034 : vector<16xf32>
    %sub3A_1043 = arith.subf %get3A_1039, %mul3A_1042 : vector<16xf32>
    %mul3A_1044 = arith.constant 0.666666686 : f32
    %mul3A_1045 = vector.broadcast %mul3A_1044 : f32 to vector<16xf32>
    %mul3A_1046 = arith.mulf %mul3A_1045, %sub3A_1043 : vector<16xf32>
    %mul3A_1047 = arith.constant 4.000000e-01 : f32
    %mul3A_1048 = vector.broadcast %mul3A_1047 : f32 to vector<16xf32>
    %mul3A_1049 = arith.mulf %mul3A_1048, %get3A_1034 : vector<16xf32>
    %sub3A_1050 = arith.subf %mul3A_1046, %mul3A_1049 : vector<16xf32>
    %swap3A_1051 = arith.constant 1 : i32
    %swap3A_1052 = arith.index_cast %swap3A_1051 : i32 to index
    %swap3A_1053 = arith.constant 592 : index
    %swap3A_1054 = tpu.vector_load %arg7[%swap3A_1052, %swap3A_1053] {strides = array<i32>} : memref<4x768xf32, #tpu.memory_space<vmem>>, vector<1x16xf32>,
    %swap3A_1055 = vector.shape_cast %swap3A_1054 : vector<1x16xf32> to vector<16xf32>
    %swap3A_1056 = vector.shape_cast %sub3A_1050 : vector<16xf32> to vector<1x16xf32>
    tpu.vector_store %arg7[%swap3A_1052, %swap3A_1053], %swap3A_1056 {strides = array<i32>} : memref<4x768xf32, #tpu.memory_space<vmem>>, vector<1x16xf32>,
    %get3A_1057 = arith.constant 0 : i32
    %get3A_1058 = arith.index_cast %get3A_1057 : i32 to index
    %get3A_1059 = arith.constant 608 : index
    %get3A_1060 = tpu.vector_load %arg6[%get3A_1058, %get3A_1059] {strides = array<i32>} : memref<4x768xf32, #tpu.memory_space<vmem>>, vector<1x16xf32>,
    %get3A_1061 = vector.shape_cast %get3A_1060 : vector<1x16xf32> to vector<16xf32>
    %get3A_1062 = arith.constant 1 : i32
    %get3A_1063 = arith.index_cast %get3A_1062 : i32 to index
    %get3A_1064 = arith.constant 608 : index
    %get3A_1065 = tpu.vector_load %arg6[%get3A_1063, %get3A_1064] {strides = array<i32>} : memref<4x768xf32, #tpu.memory_space<vmem>>, vector<1x16xf32>,
    %get3A_1066 = vector.shape_cast %get3A_1065 : vector<1x16xf32> to vector<16xf32>
    %mul3A_1067 = arith.constant 4.000000e-01 : f32
    %mul3A_1068 = vector.broadcast %mul3A_1067 : f32 to vector<16xf32>
    %mul3A_1069 = arith.mulf %mul3A_1068, %get3A_1061 : vector<16xf32>
    %sub3A_1070 = arith.subf %get3A_1066, %mul3A_1069 : vector<16xf32>
    %mul3A_1071 = arith.constant 0.666666686 : f32
    %mul3A_1072 = vector.broadcast %mul3A_1071 : f32 to vector<16xf32>
    %mul3A_1073 = arith.mulf %mul3A_1072, %sub3A_1070 : vector<16xf32>
    %mul3A_1074 = arith.constant 4.000000e-01 : f32
    %mul3A_1075 = vector.broadcast %mul3A_1074 : f32 to vector<16xf32>
    %mul3A_1076 = arith.mulf %mul3A_1075, %get3A_1061 : vector<16xf32>
    %sub3A_1077 = arith.subf %mul3A_1073, %mul3A_1076 : vector<16xf32>
    %swap3A_1078 = arith.constant 1 : i32
    %swap3A_1079 = arith.index_cast %swap3A_1078 : i32 to index
    %swap3A_1080 = arith.constant 608 : index
    %swap3A_1081 = tpu.vector_load %arg7[%swap3A_1079, %swap3A_1080] {strides = array<i32>} : memref<4x768xf32, #tpu.memory_space<vmem>>, vector<1x16xf32>,
    %swap3A_1082 = vector.shape_cast %swap3A_1081 : vector<1x16xf32> to vector<16xf32>
    %swap3A_1083 = vector.shape_cast %sub3A_1077 : vector<16xf32> to vector<1x16xf32>
    tpu.vector_store %arg7[%swap3A_1079, %swap3A_1080], %swap3A_1083 {strides = array<i32>} : memref<4x768xf32, #tpu.memory_space<vmem>>, vector<1x16xf32>,
    %get3A_1084 = arith.constant 0 : i32
    %get3A_1085 = arith.index_cast %get3A_1084 : i32 to index
    %get3A_1086 = arith.constant 624 : index
    %get3A_1087 = tpu.vector_load %arg6[%get3A_1085, %get3A_1086] {strides = array<i32>} : memref<4x768xf32, #tpu.memory_space<vmem>>, vector<1x16xf32>,
    %get3A_1088 = vector.shape_cast %get3A_1087 : vector<1x16xf32> to vector<16xf32>
    %get3A_1089 = arith.constant 1 : i32
    %get3A_1090 = arith.index_cast %get3A_1089 : i32 to index
    %get3A_1091 = arith.constant 624 : index
    %get3A_1092 = tpu.vector_load %arg6[%get3A_1090, %get3A_1091] {strides = array<i32>} : memref<4x768xf32, #tpu.memory_space<vmem>>, vector<1x16xf32>,
    %get3A_1093 = vector.shape_cast %get3A_1092 : vector<1x16xf32> to vector<16xf32>
    %mul3A_1094 = arith.constant 4.000000e-01 : f32
    %mul3A_1095 = vector.broadcast %mul3A_1094 : f32 to vector<16xf32>
    %mul3A_1096 = arith.mulf %mul3A_1095, %get3A_1088 : vector<16xf32>
    %sub3A_1097 = arith.subf %get3A_1093, %mul3A_1096 : vector<16xf32>
    %mul3A_1098 = arith.constant 0.666666686 : f32
    %mul3A_1099 = vector.broadcast %mul3A_1098 : f32 to vector<16xf32>
    %mul3A_1100 = arith.mulf %mul3A_1099, %sub3A_1097 : vector<16xf32>
    %mul3A_1101 = arith.constant 4.000000e-01 : f32
    %mul3A_1102 = vector.broadcast %mul3A_1101 : f32 to vector<16xf32>
    %mul3A_1103 = arith.mulf %mul3A_1102, %get3A_1088 : vector<16xf32>
    %sub3A_1104 = arith.subf %mul3A_1100, %mul3A_1103 : vector<16xf32>
    %swap3A_1105 = arith.constant 1 : i32
    %swap3A_1106 = arith.index_cast %swap3A_1105 : i32 to index
    %swap3A_1107 = arith.constant 624 : index
    %swap3A_1108 = tpu.vector_load %arg7[%swap3A_1106, %swap3A_1107] {strides = array<i32>} : memref<4x768xf32, #tpu.memory_space<vmem>>, vector<1x16xf32>,
    %swap3A_1109 = vector.shape_cast %swap3A_1108 : vector<1x16xf32> to vector<16xf32>
    %swap3A_1110 = vector.shape_cast %sub3A_1104 : vector<16xf32> to vector<1x16xf32>
    tpu.vector_store %arg7[%swap3A_1106, %swap3A_1107], %swap3A_1110 {strides = array<i32>} : memref<4x768xf32, #tpu.memory_space<vmem>>, vector<1x16xf32>,
    %get3A_1111 = arith.constant 0 : i32
    %get3A_1112 = arith.index_cast %get3A_1111 : i32 to index
    %get3A_1113 = arith.constant 640 : index
    %get3A_1114 = tpu.vector_load %arg6[%get3A_1112, %get3A_1113] {strides = array<i32>} : memref<4x768xf32, #tpu.memory_space<vmem>>, vector<1x16xf32>,
    %get3A_1115 = vector.shape_cast %get3A_1114 : vector<1x16xf32> to vector<16xf32>
    %get3A_1116 = arith.constant 1 : i32
    %get3A_1117 = arith.index_cast %get3A_1116 : i32 to index
    %get3A_1118 = arith.constant 640 : index
    %get3A_1119 = tpu.vector_load %arg6[%get3A_1117, %get3A_1118] {strides = array<i32>} : memref<4x768xf32, #tpu.memory_space<vmem>>, vector<1x16xf32>,
    %get3A_1120 = vector.shape_cast %get3A_1119 : vector<1x16xf32> to vector<16xf32>
    %mul3A_1121 = arith.constant 4.000000e-01 : f32
    %mul3A_1122 = vector.broadcast %mul3A_1121 : f32 to vector<16xf32>
    %mul3A_1123 = arith.mulf %mul3A_1122, %get3A_1115 : vector<16xf32>
    %sub3A_1124 = arith.subf %get3A_1120, %mul3A_1123 : vector<16xf32>
    %mul3A_1125 = arith.constant 0.666666686 : f32
    %mul3A_1126 = vector.broadcast %mul3A_1125 : f32 to vector<16xf32>
    %mul3A_1127 = arith.mulf %mul3A_1126, %sub3A_1124 : vector<16xf32>
    %mul3A_1128 = arith.constant 4.000000e-01 : f32
    %mul3A_1129 = vector.broadcast %mul3A_1128 : f32 to vector<16xf32>
    %mul3A_1130 = arith.mulf %mul3A_1129, %get3A_1115 : vector<16xf32>
    %sub3A_1131 = arith.subf %mul3A_1127, %mul3A_1130 : vector<16xf32>
    %swap3A_1132 = arith.constant 1 : i32
    %swap3A_1133 = arith.index_cast %swap3A_1132 : i32 to index
    %swap3A_1134 = arith.constant 640 : index
    %swap3A_1135 = tpu.vector_load %arg7[%swap3A_1133, %swap3A_1134] {strides = array<i32>} : memref<4x768xf32, #tpu.memory_space<vmem>>, vector<1x16xf32>,
    %swap3A_1136 = vector.shape_cast %swap3A_1135 : vector<1x16xf32> to vector<16xf32>
    %swap3A_1137 = vector.shape_cast %sub3A_1131 : vector<16xf32> to vector<1x16xf32>
    tpu.vector_store %arg7[%swap3A_1133, %swap3A_1134], %swap3A_1137 {strides = array<i32>} : memref<4x768xf32, #tpu.memory_space<vmem>>, vector<1x16xf32>,
    %get3A_1138 = arith.constant 0 : i32
    %get3A_1139 = arith.index_cast %get3A_1138 : i32 to index
    %get3A_1140 = arith.constant 656 : index
    %get3A_1141 = tpu.vector_load %arg6[%get3A_1139, %get3A_1140] {strides = array<i32>} : memref<4x768xf32, #tpu.memory_space<vmem>>, vector<1x16xf32>,
    %get3A_1142 = vector.shape_cast %get3A_1141 : vector<1x16xf32> to vector<16xf32>
    %get3A_1143 = arith.constant 1 : i32
    %get3A_1144 = arith.index_cast %get3A_1143 : i32 to index
    %get3A_1145 = arith.constant 656 : index
    %get3A_1146 = tpu.vector_load %arg6[%get3A_1144, %get3A_1145] {strides = array<i32>} : memref<4x768xf32, #tpu.memory_space<vmem>>, vector<1x16xf32>,
    %get3A_1147 = vector.shape_cast %get3A_1146 : vector<1x16xf32> to vector<16xf32>
    %mul3A_1148 = arith.constant 4.000000e-01 : f32
    %mul3A_1149 = vector.broadcast %mul3A_1148 : f32 to vector<16xf32>
    %mul3A_1150 = arith.mulf %mul3A_1149, %get3A_1142 : vector<16xf32>
    %sub3A_1151 = arith.subf %get3A_1147, %mul3A_1150 : vector<16xf32>
    %mul3A_1152 = arith.constant 0.666666686 : f32
    %mul3A_1153 = vector.broadcast %mul3A_1152 : f32 to vector<16xf32>
    %mul3A_1154 = arith.mulf %mul3A_1153, %sub3A_1151 : vector<16xf32>
    %mul3A_1155 = arith.constant 4.000000e-01 : f32
    %mul3A_1156 = vector.broadcast %mul3A_1155 : f32 to vector<16xf32>
    %mul3A_1157 = arith.mulf %mul3A_1156, %get3A_1142 : vector<16xf32>
    %sub3A_1158 = arith.subf %mul3A_1154, %mul3A_1157 : vector<16xf32>
    %swap3A_1159 = arith.constant 1 : i32
    %swap3A_1160 = arith.index_cast %swap3A_1159 : i32 to index
    %swap3A_1161 = arith.constant 656 : index
    %swap3A_1162 = tpu.vector_load %arg7[%swap3A_1160, %swap3A_1161] {strides = array<i32>} : memref<4x768xf32, #tpu.memory_space<vmem>>, vector<1x16xf32>,
    %swap3A_1163 = vector.shape_cast %swap3A_1162 : vector<1x16xf32> to vector<16xf32>
    %swap3A_1164 = vector.shape_cast %sub3A_1158 : vector<16xf32> to vector<1x16xf32>
    tpu.vector_store %arg7[%swap3A_1160, %swap3A_1161], %swap3A_1164 {strides = array<i32>} : memref<4x768xf32, #tpu.memory_space<vmem>>, vector<1x16xf32>,
    %get3A_1165 = arith.constant 0 : i32
    %get3A_1166 = arith.index_cast %get3A_1165 : i32 to index
    %get3A_1167 = arith.constant 672 : index
    %get3A_1168 = tpu.vector_load %arg6[%get3A_1166, %get3A_1167] {strides = array<i32>} : memref<4x768xf32, #tpu.memory_space<vmem>>, vector<1x16xf32>,
    %get3A_1169 = vector.shape_cast %get3A_1168 : vector<1x16xf32> to vector<16xf32>
    %get3A_1170 = arith.constant 1 : i32
    %get3A_1171 = arith.index_cast %get3A_1170 : i32 to index
    %get3A_1172 = arith.constant 672 : index
    %get3A_1173 = tpu.vector_load %arg6[%get3A_1171, %get3A_1172] {strides = array<i32>} : memref<4x768xf32, #tpu.memory_space<vmem>>, vector<1x16xf32>,
    %get3A_1174 = vector.shape_cast %get3A_1173 : vector<1x16xf32> to vector<16xf32>
    %mul3A_1175 = arith.constant 4.000000e-01 : f32
    %mul3A_1176 = vector.broadcast %mul3A_1175 : f32 to vector<16xf32>
    %mul3A_1177 = arith.mulf %mul3A_1176, %get3A_1169 : vector<16xf32>
    %sub3A_1178 = arith.subf %get3A_1174, %mul3A_1177 : vector<16xf32>
    %mul3A_1179 = arith.constant 0.666666686 : f32
    %mul3A_1180 = vector.broadcast %mul3A_1179 : f32 to vector<16xf32>
    %mul3A_1181 = arith.mulf %mul3A_1180, %sub3A_1178 : vector<16xf32>
    %mul3A_1182 = arith.constant 4.000000e-01 : f32
    %mul3A_1183 = vector.broadcast %mul3A_1182 : f32 to vector<16xf32>
    %mul3A_1184 = arith.mulf %mul3A_1183, %get3A_1169 : vector<16xf32>
    %sub3A_1185 = arith.subf %mul3A_1181, %mul3A_1184 : vector<16xf32>
    %swap3A_1186 = arith.constant 1 : i32
    %swap3A_1187 = arith.index_cast %swap3A_1186 : i32 to index
    %swap3A_1188 = arith.constant 672 : index
    %swap3A_1189 = tpu.vector_load %arg7[%swap3A_1187, %swap3A_1188] {strides = array<i32>} : memref<4x768xf32, #tpu.memory_space<vmem>>, vector<1x16xf32>,
    %swap3A_1190 = vector.shape_cast %swap3A_1189 : vector<1x16xf32> to vector<16xf32>
    %swap3A_1191 = vector.shape_cast %sub3A_1185 : vector<16xf32> to vector<1x16xf32>
    tpu.vector_store %arg7[%swap3A_1187, %swap3A_1188], %swap3A_1191 {strides = array<i32>} : memref<4x768xf32, #tpu.memory_space<vmem>>, vector<1x16xf32>,
    %get3A_1192 = arith.constant 0 : i32
    %get3A_1193 = arith.index_cast %get3A_1192 : i32 to index
    %get3A_1194 = arith.constant 688 : index
    %get3A_1195 = tpu.vector_load %arg6[%get3A_1193, %get3A_1194] {strides = array<i32>} : memref<4x768xf32, #tpu.memory_space<vmem>>, vector<1x16xf32>,
    %get3A_1196 = vector.shape_cast %get3A_1195 : vector<1x16xf32> to vector<16xf32>
    %get3A_1197 = arith.constant 1 : i32
    %get3A_1198 = arith.index_cast %get3A_1197 : i32 to index
    %get3A_1199 = arith.constant 688 : index
    %get3A_1200 = tpu.vector_load %arg6[%get3A_1198, %get3A_1199] {strides = array<i32>} : memref<4x768xf32, #tpu.memory_space<vmem>>, vector<1x16xf32>,
    %get3A_1201 = vector.shape_cast %get3A_1200 : vector<1x16xf32> to vector<16xf32>
    %mul3A_1202 = arith.constant 4.000000e-01 : f32
    %mul3A_1203 = vector.broadcast %mul3A_1202 : f32 to vector<16xf32>
    %mul3A_1204 = arith.mulf %mul3A_1203, %get3A_1196 : vector<16xf32>
    %sub3A_1205 = arith.subf %get3A_1201, %mul3A_1204 : vector<16xf32>
    %mul3A_1206 = arith.constant 0.666666686 : f32
    %mul3A_1207 = vector.broadcast %mul3A_1206 : f32 to vector<16xf32>
    %mul3A_1208 = arith.mulf %mul3A_1207, %sub3A_1205 : vector<16xf32>
    %mul3A_1209 = arith.constant 4.000000e-01 : f32
    %mul3A_1210 = vector.broadcast %mul3A_1209 : f32 to vector<16xf32>
    %mul3A_1211 = arith.mulf %mul3A_1210, %get3A_1196 : vector<16xf32>
    %sub3A_1212 = arith.subf %mul3A_1208, %mul3A_1211 : vector<16xf32>
    %swap3A_1213 = arith.constant 1 : i32
    %swap3A_1214 = arith.index_cast %swap3A_1213 : i32 to index
    %swap3A_1215 = arith.constant 688 : index
    %swap3A_1216 = tpu.vector_load %arg7[%swap3A_1214, %swap3A_1215] {strides = array<i32>} : memref<4x768xf32, #tpu.memory_space<vmem>>, vector<1x16xf32>,
    %swap3A_1217 = vector.shape_cast %swap3A_1216 : vector<1x16xf32> to vector<16xf32>
    %swap3A_1218 = vector.shape_cast %sub3A_1212 : vector<16xf32> to vector<1x16xf32>
    tpu.vector_store %arg7[%swap3A_1214, %swap3A_1215], %swap3A_1218 {strides = array<i32>} : memref<4x768xf32, #tpu.memory_space<vmem>>, vector<1x16xf32>,
    %get3A_1219 = arith.constant 0 : i32
    %get3A_1220 = arith.index_cast %get3A_1219 : i32 to index
    %get3A_1221 = arith.constant 704 : index
    %get3A_1222 = tpu.vector_load %arg6[%get3A_1220, %get3A_1221] {strides = array<i32>} : memref<4x768xf32, #tpu.memory_space<vmem>>, vector<1x16xf32>,
    %get3A_1223 = vector.shape_cast %get3A_1222 : vector<1x16xf32> to vector<16xf32>
    %get3A_1224 = arith.constant 1 : i32
    %get3A_1225 = arith.index_cast %get3A_1224 : i32 to index
    %get3A_1226 = arith.constant 704 : index
    %get3A_1227 = tpu.vector_load %arg6[%get3A_1225, %get3A_1226] {strides = array<i32>} : memref<4x768xf32, #tpu.memory_space<vmem>>, vector<1x16xf32>,
    %get3A_1228 = vector.shape_cast %get3A_1227 : vector<1x16xf32> to vector<16xf32>
    %mul3A_1229 = arith.constant 4.000000e-01 : f32
    %mul3A_1230 = vector.broadcast %mul3A_1229 : f32 to vector<16xf32>
    %mul3A_1231 = arith.mulf %mul3A_1230, %get3A_1223 : vector<16xf32>
    %sub3A_1232 = arith.subf %get3A_1228, %mul3A_1231 : vector<16xf32>
    %mul3A_1233 = arith.constant 0.666666686 : f32
    %mul3A_1234 = vector.broadcast %mul3A_1233 : f32 to vector<16xf32>
    %mul3A_1235 = arith.mulf %mul3A_1234, %sub3A_1232 : vector<16xf32>
    %mul3A_1236 = arith.constant 4.000000e-01 : f32
    %mul3A_1237 = vector.broadcast %mul3A_1236 : f32 to vector<16xf32>
    %mul3A_1238 = arith.mulf %mul3A_1237, %get3A_1223 : vector<16xf32>
    %sub3A_1239 = arith.subf %mul3A_1235, %mul3A_1238 : vector<16xf32>
    %swap3A_1240 = arith.constant 1 : i32
    %swap3A_1241 = arith.index_cast %swap3A_1240 : i32 to index
    %swap3A_1242 = arith.constant 704 : index
    %swap3A_1243 = tpu.vector_load %arg7[%swap3A_1241, %swap3A_1242] {strides = array<i32>} : memref<4x768xf32, #tpu.memory_space<vmem>>, vector<1x16xf32>,
    %swap3A_1244 = vector.shape_cast %swap3A_1243 : vector<1x16xf32> to vector<16xf32>
    %swap3A_1245 = vector.shape_cast %sub3A_1239 : vector<16xf32> to vector<1x16xf32>
    tpu.vector_store %arg7[%swap3A_1241, %swap3A_1242], %swap3A_1245 {strides = array<i32>} : memref<4x768xf32, #tpu.memory_space<vmem>>, vector<1x16xf32>,
    %get3A_1246 = arith.constant 0 : i32
    %get3A_1247 = arith.index_cast %get3A_1246 : i32 to index
    %get3A_1248 = arith.constant 720 : index
    %get3A_1249 = tpu.vector_load %arg6[%get3A_1247, %get3A_1248] {strides = array<i32>} : memref<4x768xf32, #tpu.memory_space<vmem>>, vector<1x16xf32>,
    %get3A_1250 = vector.shape_cast %get3A_1249 : vector<1x16xf32> to vector<16xf32>
    %get3A_1251 = arith.constant 1 : i32
    %get3A_1252 = arith.index_cast %get3A_1251 : i32 to index
    %get3A_1253 = arith.constant 720 : index
    %get3A_1254 = tpu.vector_load %arg6[%get3A_1252, %get3A_1253] {strides = array<i32>} : memref<4x768xf32, #tpu.memory_space<vmem>>, vector<1x16xf32>,
    %get3A_1255 = vector.shape_cast %get3A_1254 : vector<1x16xf32> to vector<16xf32>
    %mul3A_1256 = arith.constant 4.000000e-01 : f32
    %mul3A_1257 = vector.broadcast %mul3A_1256 : f32 to vector<16xf32>
    %mul3A_1258 = arith.mulf %mul3A_1257, %get3A_1250 : vector<16xf32>
    %sub3A_1259 = arith.subf %get3A_1255, %mul3A_1258 : vector<16xf32>
    %mul3A_1260 = arith.constant 0.666666686 : f32
    %mul3A_1261 = vector.broadcast %mul3A_1260 : f32 to vector<16xf32>
    %mul3A_1262 = arith.mulf %mul3A_1261, %sub3A_1259 : vector<16xf32>
    %mul3A_1263 = arith.constant 4.000000e-01 : f32
    %mul3A_1264 = vector.broadcast %mul3A_1263 : f32 to vector<16xf32>
    %mul3A_1265 = arith.mulf %mul3A_1264, %get3A_1250 : vector<16xf32>
    %sub3A_1266 = arith.subf %mul3A_1262, %mul3A_1265 : vector<16xf32>
    %swap3A_1267 = arith.constant 1 : i32
    %swap3A_1268 = arith.index_cast %swap3A_1267 : i32 to index
    %swap3A_1269 = arith.constant 720 : index
    %swap3A_1270 = tpu.vector_load %arg7[%swap3A_1268, %swap3A_1269] {strides = array<i32>} : memref<4x768xf32, #tpu.memory_space<vmem>>, vector<1x16xf32>,
    %swap3A_1271 = vector.shape_cast %swap3A_1270 : vector<1x16xf32> to vector<16xf32>
    %swap3A_1272 = vector.shape_cast %sub3A_1266 : vector<16xf32> to vector<1x16xf32>
    tpu.vector_store %arg7[%swap3A_1268, %swap3A_1269], %swap3A_1272 {strides = array<i32>} : memref<4x768xf32, #tpu.memory_space<vmem>>, vector<1x16xf32>,
    %get3A_1273 = arith.constant 0 : i32
    %get3A_1274 = arith.index_cast %get3A_1273 : i32 to index
    %get3A_1275 = arith.constant 736 : index
    %get3A_1276 = tpu.vector_load %arg6[%get3A_1274, %get3A_1275] {strides = array<i32>} : memref<4x768xf32, #tpu.memory_space<vmem>>, vector<1x16xf32>,
    %get3A_1277 = vector.shape_cast %get3A_1276 : vector<1x16xf32> to vector<16xf32>
    %get3A_1278 = arith.constant 1 : i32
    %get3A_1279 = arith.index_cast %get3A_1278 : i32 to index
    %get3A_1280 = arith.constant 736 : index
    %get3A_1281 = tpu.vector_load %arg6[%get3A_1279, %get3A_1280] {strides = array<i32>} : memref<4x768xf32, #tpu.memory_space<vmem>>, vector<1x16xf32>,
    %get3A_1282 = vector.shape_cast %get3A_1281 : vector<1x16xf32> to vector<16xf32>
    %mul3A_1283 = arith.constant 4.000000e-01 : f32
    %mul3A_1284 = vector.broadcast %mul3A_1283 : f32 to vector<16xf32>
    %mul3A_1285 = arith.mulf %mul3A_1284, %get3A_1277 : vector<16xf32>
    %sub3A_1286 = arith.subf %get3A_1282, %mul3A_1285 : vector<16xf32>
    %mul3A_1287 = arith.constant 0.666666686 : f32
    %mul3A_1288 = vector.broadcast %mul3A_1287 : f32 to vector<16xf32>
    %mul3A_1289 = arith.mulf %mul3A_1288, %sub3A_1286 : vector<16xf32>
    %mul3A_1290 = arith.constant 4.000000e-01 : f32
    %mul3A_1291 = vector.broadcast %mul3A_1290 : f32 to vector<16xf32>
    %mul3A_1292 = arith.mulf %mul3A_1291, %get3A_1277 : vector<16xf32>
    %sub3A_1293 = arith.subf %mul3A_1289, %mul3A_1292 : vector<16xf32>
    %swap3A_1294 = arith.constant 1 : i32
    %swap3A_1295 = arith.index_cast %swap3A_1294 : i32 to index
    %swap3A_1296 = arith.constant 736 : index
    %swap3A_1297 = tpu.vector_load %arg7[%swap3A_1295, %swap3A_1296] {strides = array<i32>} : memref<4x768xf32, #tpu.memory_space<vmem>>, vector<1x16xf32>,
    %swap3A_1298 = vector.shape_cast %swap3A_1297 : vector<1x16xf32> to vector<16xf32>
    %swap3A_1299 = vector.shape_cast %sub3A_1293 : vector<16xf32> to vector<1x16xf32>
    tpu.vector_store %arg7[%swap3A_1295, %swap3A_1296], %swap3A_1299 {strides = array<i32>} : memref<4x768xf32, #tpu.memory_space<vmem>>, vector<1x16xf32>,
    %get3A_1300 = arith.constant 0 : i32
    %get3A_1301 = arith.index_cast %get3A_1300 : i32 to index
    %get3A_1302 = arith.constant 752 : index
    %get3A_1303 = tpu.vector_load %arg6[%get3A_1301, %get3A_1302] {strides = array<i32>} : memref<4x768xf32, #tpu.memory_space<vmem>>, vector<1x16xf32>,
    %get3A_1304 = vector.shape_cast %get3A_1303 : vector<1x16xf32> to vector<16xf32>
    %get3A_1305 = arith.constant 1 : i32
    %get3A_1306 = arith.index_cast %get3A_1305 : i32 to index
    %get3A_1307 = arith.constant 752 : index
    %get3A_1308 = tpu.vector_load %arg6[%get3A_1306, %get3A_1307] {strides = array<i32>} : memref<4x768xf32, #tpu.memory_space<vmem>>, vector<1x16xf32>,
    %get3A_1309 = vector.shape_cast %get3A_1308 : vector<1x16xf32> to vector<16xf32>
    %mul3A_1310 = arith.constant 4.000000e-01 : f32
    %mul3A_1311 = vector.broadcast %mul3A_1310 : f32 to vector<16xf32>
    %mul3A_1312 = arith.mulf %mul3A_1311, %get3A_1304 : vector<16xf32>
    %sub3A_1313 = arith.subf %get3A_1309, %mul3A_1312 : vector<16xf32>
    %mul3A_1314 = arith.constant 0.666666686 : f32
    %mul3A_1315 = vector.broadcast %mul3A_1314 : f32 to vector<16xf32>
    %mul3A_1316 = arith.mulf %mul3A_1315, %sub3A_1313 : vector<16xf32>
    %mul3A_1317 = arith.constant 4.000000e-01 : f32
    %mul3A_1318 = vector.broadcast %mul3A_1317 : f32 to vector<16xf32>
    %mul3A_1319 = arith.mulf %mul3A_1318, %get3A_1304 : vector<16xf32>
    %sub3A_1320 = arith.subf %mul3A_1316, %mul3A_1319 : vector<16xf32>
    %swap3A_1321 = arith.constant 1 : i32
    %swap3A_1322 = arith.index_cast %swap3A_1321 : i32 to index
    %swap3A_1323 = arith.constant 752 : index
    %swap3A_1324 = tpu.vector_load %arg7[%swap3A_1322, %swap3A_1323] {strides = array<i32>} : memref<4x768xf32, #tpu.memory_space<vmem>>, vector<1x16xf32>,
    %swap3A_1325 = vector.shape_cast %swap3A_1324 : vector<1x16xf32> to vector<16xf32>
    %swap3A_1326 = vector.shape_cast %sub3A_1320 : vector<16xf32> to vector<1x16xf32>
    tpu.vector_store %arg7[%swap3A_1322, %swap3A_1323], %swap3A_1326 {strides = array<i32>} : memref<4x768xf32, #tpu.memory_space<vmem>>, vector<1x16xf32>,
    %parallel_loop3A = arith.constant 0 : i32
    %parallel_loop3A_1327 = arith.constant 48 : i32
    %parallel_loop3A_1328 = arith.constant 1 : i32
    %parallel_loop3A_1329 = arith.constant 0 : i32
    scf.for %parallel_loop3A_1505 = %parallel_loop3A to %parallel_loop3A_1327 step %parallel_loop3A_1328  : i32 {
      %parallel_loop3A_1506 = arith.constant 16 : i32
      %parallel_loop3A_1507 = arith.muli %parallel_loop3A_1505, %parallel_loop3A_1506 : i32
      %parallel_loop3A_1508 = arith.constant 1 : i32
      %parallel_loop3A_1509 = arith.index_cast %parallel_loop3A_1508 : i32 to index
      %parallel_loop3A_1510 = arith.index_cast %parallel_loop3A_1507 : i32 to index
      %parallel_loop3A_1511 = tpu.vector_load %arg7[%parallel_loop3A_1509, %parallel_loop3A_1510] {strides = array<i32>} : memref<4x768xf32, #tpu.memory_space<vmem>>, vector<1x16xf32>,
      %parallel_loop3A_1512 = vector.shape_cast %parallel_loop3A_1511 : vector<1x16xf32> to vector<16xf32>
      %parallel_loop3A_1513 = arith.constant 0 : i32
      %parallel_loop3A_1514 = arith.index_cast %parallel_loop3A_1513 : i32 to index
      %parallel_loop3A_1515 = arith.index_cast %parallel_loop3A_1507 : i32 to index
      %parallel_loop3A_1516 = tpu.vector_load %arg4[%parallel_loop3A_1514, %parallel_loop3A_1515] {strides = array<i32>} : memref<32x768xf32, #tpu.memory_space<vmem>>, vector<1x16xf32>,
      %parallel_loop3A_1517 = vector.shape_cast %parallel_loop3A_1516 : vector<1x16xf32> to vector<16xf32>
      %parallel_loop3A_1518 = arith.addf %parallel_loop3A_1517, %parallel_loop3A_1512 : vector<16xf32>
      %parallel_loop3A_1519 = arith.constant 0 : i32
      %parallel_loop3A_1520 = arith.constant 0 : i32
      %parallel_loop3A_1521 = arith.constant 0 : i32
      %parallel_loop3A_1522 = tpu.memref_slice %arg8[%parallel_loop3A_1329, %parallel_loop3A_1520, %parallel_loop3A_1521] : memref<2x16x768xf32, #tpu.memory_space<vmem>> -> memref<1x16x768xf32, #tpu.memory_space<vmem>>
      %parallel_loop3A_1523 = tpu.memref_squeeze %parallel_loop3A_1522 : memref<1x16x768xf32, #tpu.memory_space<vmem>> -> memref<16x768xf32, #tpu.memory_space<vmem>>
      %parallel_loop3A_1524 = arith.index_cast %parallel_loop3A_1519 : i32 to index
      %parallel_loop3A_1525 = arith.index_cast %parallel_loop3A_1507 : i32 to index
      %parallel_loop3A_1526 = tpu.vector_load %parallel_loop3A_1523[%parallel_loop3A_1524, %parallel_loop3A_1525] {strides = array<i32>} : memref<16x768xf32, #tpu.memory_space<vmem>>, vector<1x16xf32>,
      %parallel_loop3A_1527 = vector.shape_cast %parallel_loop3A_1526 : vector<1x16xf32> to vector<16xf32>
      %parallel_loop3A_1528 = vector.shape_cast %parallel_loop3A_1518 : vector<16xf32> to vector<1x16xf32>
      tpu.vector_store %parallel_loop3A_1523[%parallel_loop3A_1524, %parallel_loop3A_1525], %parallel_loop3A_1528 {strides = array<i32>} : memref<16x768xf32, #tpu.memory_space<vmem>>, vector<1x16xf32>,
      %parallel_loop3A_1529 = arith.constant 1 : i32
      %parallel_loop3A_1530 = arith.index_cast %parallel_loop3A_1529 : i32 to index
      %parallel_loop3A_1531 = arith.index_cast %parallel_loop3A_1507 : i32 to index
      %parallel_loop3A_1532 = tpu.vector_load %arg4[%parallel_loop3A_1530, %parallel_loop3A_1531] {strides = array<i32>} : memref<32x768xf32, #tpu.memory_space<vmem>>, vector<1x16xf32>,
      %parallel_loop3A_1533 = vector.shape_cast %parallel_loop3A_1532 : vector<1x16xf32> to vector<16xf32>
      %parallel_loop3A_1534 = arith.addf %parallel_loop3A_1533, %parallel_loop3A_1512 : vector<16xf32>
      %parallel_loop3A_1535 = arith.constant 1 : i32
      %parallel_loop3A_1536 = arith.constant 0 : i32
      %parallel_loop3A_1537 = arith.constant 0 : i32
      %parallel_loop3A_1538 = tpu.memref_slice %arg8[%parallel_loop3A_1329, %parallel_loop3A_1536, %parallel_loop3A_1537] : memref<2x16x768xf32, #tpu.memory_space<vmem>> -> memref<1x16x768xf32, #tpu.memory_space<vmem>>
      %parallel_loop3A_1539 = tpu.memref_squeeze %parallel_loop3A_1538 : memref<1x16x768xf32, #tpu.memory_space<vmem>> -> memref<16x768xf32, #tpu.memory_space<vmem>>
      %parallel_loop3A_1540 = arith.index_cast %parallel_loop3A_1535 : i32 to index
      %parallel_loop3A_1541 = arith.index_cast %parallel_loop3A_1507 : i32 to index
      %parallel_loop3A_1542 = tpu.vector_load %parallel_loop3A_1539[%parallel_loop3A_1540, %parallel_loop3A_1541] {strides = array<i32>} : memref<16x768xf32, #tpu.memory_space<vmem>>, vector<1x16xf32>,
      %parallel_loop3A_1543 = vector.shape_cast %parallel_loop3A_1542 : vector<1x16xf32> to vector<16xf32>
      %parallel_loop3A_1544 = vector.shape_cast %parallel_loop3A_1534 : vector<16xf32> to vector<1x16xf32>
      tpu.vector_store %parallel_loop3A_1539[%parallel_loop3A_1540, %parallel_loop3A_1541], %parallel_loop3A_1544 {strides = array<i32>} : memref<16x768xf32, #tpu.memory_space<vmem>>, vector<1x16xf32>,
      %parallel_loop3A_1545 = arith.constant 2 : i32
      %parallel_loop3A_1546 = arith.index_cast %parallel_loop3A_1545 : i32 to index
      %parallel_loop3A_1547 = arith.index_cast %parallel_loop3A_1507 : i32 to index
      %parallel_loop3A_1548 = tpu.vector_load %arg4[%parallel_loop3A_1546, %parallel_loop3A_1547] {strides = array<i32>} : memref<32x768xf32, #tpu.memory_space<vmem>>, vector<1x16xf32>,
      %parallel_loop3A_1549 = vector.shape_cast %parallel_loop3A_1548 : vector<1x16xf32> to vector<16xf32>
      %parallel_loop3A_1550 = arith.addf %parallel_loop3A_1549, %parallel_loop3A_1512 : vector<16xf32>
      %parallel_loop3A_1551 = arith.constant 2 : i32
      %parallel_loop3A_1552 = arith.constant 0 : i32
      %parallel_loop3A_1553 = arith.constant 0 : i32
      %parallel_loop3A_1554 = tpu.memref_slice %arg8[%parallel_loop3A_1329, %parallel_loop3A_1552, %parallel_loop3A_1553] : memref<2x16x768xf32, #tpu.memory_space<vmem>> -> memref<1x16x768xf32, #tpu.memory_space<vmem>>
      %parallel_loop3A_1555 = tpu.memref_squeeze %parallel_loop3A_1554 : memref<1x16x768xf32, #tpu.memory_space<vmem>> -> memref<16x768xf32, #tpu.memory_space<vmem>>
      %parallel_loop3A_1556 = arith.index_cast %parallel_loop3A_1551 : i32 to index
      %parallel_loop3A_1557 = arith.index_cast %parallel_loop3A_1507 : i32 to index
      %parallel_loop3A_1558 = tpu.vector_load %parallel_loop3A_1555[%parallel_loop3A_1556, %parallel_loop3A_1557] {strides = array<i32>} : memref<16x768xf32, #tpu.memory_space<vmem>>, vector<1x16xf32>,
      %parallel_loop3A_1559 = vector.shape_cast %parallel_loop3A_1558 : vector<1x16xf32> to vector<16xf32>
      %parallel_loop3A_1560 = vector.shape_cast %parallel_loop3A_1550 : vector<16xf32> to vector<1x16xf32>
      tpu.vector_store %parallel_loop3A_1555[%parallel_loop3A_1556, %parallel_loop3A_1557], %parallel_loop3A_1560 {strides = array<i32>} : memref<16x768xf32, #tpu.memory_space<vmem>>, vector<1x16xf32>,
      %parallel_loop3A_1561 = arith.constant 3 : i32
      %parallel_loop3A_1562 = arith.index_cast %parallel_loop3A_1561 : i32 to index
      %parallel_loop3A_1563 = arith.index_cast %parallel_loop3A_1507 : i32 to index
      %parallel_loop3A_1564 = tpu.vector_load %arg4[%parallel_loop3A_1562, %parallel_loop3A_1563] {strides = array<i32>} : memref<32x768xf32, #tpu.memory_space<vmem>>, vector<1x16xf32>,
      %parallel_loop3A_1565 = vector.shape_cast %parallel_loop3A_1564 : vector<1x16xf32> to vector<16xf32>
      %parallel_loop3A_1566 = arith.addf %parallel_loop3A_1565, %parallel_loop3A_1512 : vector<16xf32>
      %parallel_loop3A_1567 = arith.constant 3 : i32
      %parallel_loop3A_1568 = arith.constant 0 : i32
      %parallel_loop3A_1569 = arith.constant 0 : i32
      %parallel_loop3A_1570 = tpu.memref_slice %arg8[%parallel_loop3A_1329, %parallel_loop3A_1568, %parallel_loop3A_1569] : memref<2x16x768xf32, #tpu.memory_space<vmem>> -> memref<1x16x768xf32, #tpu.memory_space<vmem>>
      %parallel_loop3A_1571 = tpu.memref_squeeze %parallel_loop3A_1570 : memref<1x16x768xf32, #tpu.memory_space<vmem>> -> memref<16x768xf32, #tpu.memory_space<vmem>>
      %parallel_loop3A_1572 = arith.index_cast %parallel_loop3A_1567 : i32 to index
      %parallel_loop3A_1573 = arith.index_cast %parallel_loop3A_1507 : i32 to index
      %parallel_loop3A_1574 = tpu.vector_load %parallel_loop3A_1571[%parallel_loop3A_1572, %parallel_loop3A_1573] {strides = array<i32>} : memref<16x768xf32, #tpu.memory_space<vmem>>, vector<1x16xf32>,
      %parallel_loop3A_1575 = vector.shape_cast %parallel_loop3A_1574 : vector<1x16xf32> to vector<16xf32>
      %parallel_loop3A_1576 = vector.shape_cast %parallel_loop3A_1566 : vector<16xf32> to vector<1x16xf32>
      tpu.vector_store %parallel_loop3A_1571[%parallel_loop3A_1572, %parallel_loop3A_1573], %parallel_loop3A_1576 {strides = array<i32>} : memref<16x768xf32, #tpu.memory_space<vmem>>, vector<1x16xf32>,
      %parallel_loop3A_1577 = arith.constant 4 : i32
      %parallel_loop3A_1578 = arith.index_cast %parallel_loop3A_1577 : i32 to index
      %parallel_loop3A_1579 = arith.index_cast %parallel_loop3A_1507 : i32 to index
      %parallel_loop3A_1580 = tpu.vector_load %arg4[%parallel_loop3A_1578, %parallel_loop3A_1579] {strides = array<i32>} : memref<32x768xf32, #tpu.memory_space<vmem>>, vector<1x16xf32>,
      %parallel_loop3A_1581 = vector.shape_cast %parallel_loop3A_1580 : vector<1x16xf32> to vector<16xf32>
      %parallel_loop3A_1582 = arith.addf %parallel_loop3A_1581, %parallel_loop3A_1512 : vector<16xf32>
      %parallel_loop3A_1583 = arith.constant 4 : i32
      %parallel_loop3A_1584 = arith.constant 0 : i32
      %parallel_loop3A_1585 = arith.constant 0 : i32
      %parallel_loop3A_1586 = tpu.memref_slice %arg8[%parallel_loop3A_1329, %parallel_loop3A_1584, %parallel_loop3A_1585] : memref<2x16x768xf32, #tpu.memory_space<vmem>> -> memref<1x16x768xf32, #tpu.memory_space<vmem>>
      %parallel_loop3A_1587 = tpu.memref_squeeze %parallel_loop3A_1586 : memref<1x16x768xf32, #tpu.memory_space<vmem>> -> memref<16x768xf32, #tpu.memory_space<vmem>>
      %parallel_loop3A_1588 = arith.index_cast %parallel_loop3A_1583 : i32 to index
      %parallel_loop3A_1589 = arith.index_cast %parallel_loop3A_1507 : i32 to index
      %parallel_loop3A_1590 = tpu.vector_load %parallel_loop3A_1587[%parallel_loop3A_1588, %parallel_loop3A_1589] {strides = array<i32>} : memref<16x768xf32, #tpu.memory_space<vmem>>, vector<1x16xf32>,
      %parallel_loop3A_1591 = vector.shape_cast %parallel_loop3A_1590 : vector<1x16xf32> to vector<16xf32>
      %parallel_loop3A_1592 = vector.shape_cast %parallel_loop3A_1582 : vector<16xf32> to vector<1x16xf32>
      tpu.vector_store %parallel_loop3A_1587[%parallel_loop3A_1588, %parallel_loop3A_1589], %parallel_loop3A_1592 {strides = array<i32>} : memref<16x768xf32, #tpu.memory_space<vmem>>, vector<1x16xf32>,
      %parallel_loop3A_1593 = arith.constant 5 : i32
      %parallel_loop3A_1594 = arith.index_cast %parallel_loop3A_1593 : i32 to index
      %parallel_loop3A_1595 = arith.index_cast %parallel_loop3A_1507 : i32 to index
      %parallel_loop3A_1596 = tpu.vector_load %arg4[%parallel_loop3A_1594, %parallel_loop3A_1595] {strides = array<i32>} : memref<32x768xf32, #tpu.memory_space<vmem>>, vector<1x16xf32>,
      %parallel_loop3A_1597 = vector.shape_cast %parallel_loop3A_1596 : vector<1x16xf32> to vector<16xf32>
      %parallel_loop3A_1598 = arith.addf %parallel_loop3A_1597, %parallel_loop3A_1512 : vector<16xf32>
      %parallel_loop3A_1599 = arith.constant 5 : i32
      %parallel_loop3A_1600 = arith.constant 0 : i32
      %parallel_loop3A_1601 = arith.constant 0 : i32
      %parallel_loop3A_1602 = tpu.memref_slice %arg8[%parallel_loop3A_1329, %parallel_loop3A_1600, %parallel_loop3A_1601] : memref<2x16x768xf32, #tpu.memory_space<vmem>> -> memref<1x16x768xf32, #tpu.memory_space<vmem>>
      %parallel_loop3A_1603 = tpu.memref_squeeze %parallel_loop3A_1602 : memref<1x16x768xf32, #tpu.memory_space<vmem>> -> memref<16x768xf32, #tpu.memory_space<vmem>>
      %parallel_loop3A_1604 = arith.index_cast %parallel_loop3A_1599 : i32 to index
      %parallel_loop3A_1605 = arith.index_cast %parallel_loop3A_1507 : i32 to index
      %parallel_loop3A_1606 = tpu.vector_load %parallel_loop3A_1603[%parallel_loop3A_1604, %parallel_loop3A_1605] {strides = array<i32>} : memref<16x768xf32, #tpu.memory_space<vmem>>, vector<1x16xf32>,
      %parallel_loop3A_1607 = vector.shape_cast %parallel_loop3A_1606 : vector<1x16xf32> to vector<16xf32>
      %parallel_loop3A_1608 = vector.shape_cast %parallel_loop3A_1598 : vector<16xf32> to vector<1x16xf32>
      tpu.vector_store %parallel_loop3A_1603[%parallel_loop3A_1604, %parallel_loop3A_1605], %parallel_loop3A_1608 {strides = array<i32>} : memref<16x768xf32, #tpu.memory_space<vmem>>, vector<1x16xf32>,
      %parallel_loop3A_1609 = arith.constant 6 : i32
      %parallel_loop3A_1610 = arith.index_cast %parallel_loop3A_1609 : i32 to index
      %parallel_loop3A_1611 = arith.index_cast %parallel_loop3A_1507 : i32 to index
      %parallel_loop3A_1612 = tpu.vector_load %arg4[%parallel_loop3A_1610, %parallel_loop3A_1611] {strides = array<i32>} : memref<32x768xf32, #tpu.memory_space<vmem>>, vector<1x16xf32>,
      %parallel_loop3A_1613 = vector.shape_cast %parallel_loop3A_1612 : vector<1x16xf32> to vector<16xf32>
      %parallel_loop3A_1614 = arith.addf %parallel_loop3A_1613, %parallel_loop3A_1512 : vector<16xf32>
      %parallel_loop3A_1615 = arith.constant 6 : i32
      %parallel_loop3A_1616 = arith.constant 0 : i32
      %parallel_loop3A_1617 = arith.constant 0 : i32
      %parallel_loop3A_1618 = tpu.memref_slice %arg8[%parallel_loop3A_1329, %parallel_loop3A_1616, %parallel_loop3A_1617] : memref<2x16x768xf32, #tpu.memory_space<vmem>> -> memref<1x16x768xf32, #tpu.memory_space<vmem>>
      %parallel_loop3A_1619 = tpu.memref_squeeze %parallel_loop3A_1618 : memref<1x16x768xf32, #tpu.memory_space<vmem>> -> memref<16x768xf32, #tpu.memory_space<vmem>>
      %parallel_loop3A_1620 = arith.index_cast %parallel_loop3A_1615 : i32 to index
      %parallel_loop3A_1621 = arith.index_cast %parallel_loop3A_1507 : i32 to index
      %parallel_loop3A_1622 = tpu.vector_load %parallel_loop3A_1619[%parallel_loop3A_1620, %parallel_loop3A_1621] {strides = array<i32>} : memref<16x768xf32, #tpu.memory_space<vmem>>, vector<1x16xf32>,
      %parallel_loop3A_1623 = vector.shape_cast %parallel_loop3A_1622 : vector<1x16xf32> to vector<16xf32>
      %parallel_loop3A_1624 = vector.shape_cast %parallel_loop3A_1614 : vector<16xf32> to vector<1x16xf32>
      tpu.vector_store %parallel_loop3A_1619[%parallel_loop3A_1620, %parallel_loop3A_1621], %parallel_loop3A_1624 {strides = array<i32>} : memref<16x768xf32, #tpu.memory_space<vmem>>, vector<1x16xf32>,
      %parallel_loop3A_1625 = arith.constant 7 : i32
      %parallel_loop3A_1626 = arith.index_cast %parallel_loop3A_1625 : i32 to index
      %parallel_loop3A_1627 = arith.index_cast %parallel_loop3A_1507 : i32 to index
      %parallel_loop3A_1628 = tpu.vector_load %arg4[%parallel_loop3A_1626, %parallel_loop3A_1627] {strides = array<i32>} : memref<32x768xf32, #tpu.memory_space<vmem>>, vector<1x16xf32>,
      %parallel_loop3A_1629 = vector.shape_cast %parallel_loop3A_1628 : vector<1x16xf32> to vector<16xf32>
      %parallel_loop3A_1630 = arith.addf %parallel_loop3A_1629, %parallel_loop3A_1512 : vector<16xf32>
      %parallel_loop3A_1631 = arith.constant 7 : i32
      %parallel_loop3A_1632 = arith.constant 0 : i32
      %parallel_loop3A_1633 = arith.constant 0 : i32
      %parallel_loop3A_1634 = tpu.memref_slice %arg8[%parallel_loop3A_1329, %parallel_loop3A_1632, %parallel_loop3A_1633] : memref<2x16x768xf32, #tpu.memory_space<vmem>> -> memref<1x16x768xf32, #tpu.memory_space<vmem>>
      %parallel_loop3A_1635 = tpu.memref_squeeze %parallel_loop3A_1634 : memref<1x16x768xf32, #tpu.memory_space<vmem>> -> memref<16x768xf32, #tpu.memory_space<vmem>>
      %parallel_loop3A_1636 = arith.index_cast %parallel_loop3A_1631 : i32 to index
      %parallel_loop3A_1637 = arith.index_cast %parallel_loop3A_1507 : i32 to index
      %parallel_loop3A_1638 = tpu.vector_load %parallel_loop3A_1635[%parallel_loop3A_1636, %parallel_loop3A_1637] {strides = array<i32>} : memref<16x768xf32, #tpu.memory_space<vmem>>, vector<1x16xf32>,
      %parallel_loop3A_1639 = vector.shape_cast %parallel_loop3A_1638 : vector<1x16xf32> to vector<16xf32>
      %parallel_loop3A_1640 = vector.shape_cast %parallel_loop3A_1630 : vector<16xf32> to vector<1x16xf32>
      tpu.vector_store %parallel_loop3A_1635[%parallel_loop3A_1636, %parallel_loop3A_1637], %parallel_loop3A_1640 {strides = array<i32>} : memref<16x768xf32, #tpu.memory_space<vmem>>, vector<1x16xf32>,
      %parallel_loop3A_1641 = arith.constant 8 : i32
      %parallel_loop3A_1642 = arith.index_cast %parallel_loop3A_1641 : i32 to index
      %parallel_loop3A_1643 = arith.index_cast %parallel_loop3A_1507 : i32 to index
      %parallel_loop3A_1644 = tpu.vector_load %arg4[%parallel_loop3A_1642, %parallel_loop3A_1643] {strides = array<i32>} : memref<32x768xf32, #tpu.memory_space<vmem>>, vector<1x16xf32>,
      %parallel_loop3A_1645 = vector.shape_cast %parallel_loop3A_1644 : vector<1x16xf32> to vector<16xf32>
      %parallel_loop3A_1646 = arith.addf %parallel_loop3A_1645, %parallel_loop3A_1512 : vector<16xf32>
      %parallel_loop3A_1647 = arith.constant 8 : i32
      %parallel_loop3A_1648 = arith.constant 0 : i32
      %parallel_loop3A_1649 = arith.constant 0 : i32
      %parallel_loop3A_1650 = tpu.memref_slice %arg8[%parallel_loop3A_1329, %parallel_loop3A_1648, %parallel_loop3A_1649] : memref<2x16x768xf32, #tpu.memory_space<vmem>> -> memref<1x16x768xf32, #tpu.memory_space<vmem>>
      %parallel_loop3A_1651 = tpu.memref_squeeze %parallel_loop3A_1650 : memref<1x16x768xf32, #tpu.memory_space<vmem>> -> memref<16x768xf32, #tpu.memory_space<vmem>>
      %parallel_loop3A_1652 = arith.index_cast %parallel_loop3A_1647 : i32 to index
      %parallel_loop3A_1653 = arith.index_cast %parallel_loop3A_1507 : i32 to index
      %parallel_loop3A_1654 = tpu.vector_load %parallel_loop3A_1651[%parallel_loop3A_1652, %parallel_loop3A_1653] {strides = array<i32>} : memref<16x768xf32, #tpu.memory_space<vmem>>, vector<1x16xf32>,
      %parallel_loop3A_1655 = vector.shape_cast %parallel_loop3A_1654 : vector<1x16xf32> to vector<16xf32>
      %parallel_loop3A_1656 = vector.shape_cast %parallel_loop3A_1646 : vector<16xf32> to vector<1x16xf32>
      tpu.vector_store %parallel_loop3A_1651[%parallel_loop3A_1652, %parallel_loop3A_1653], %parallel_loop3A_1656 {strides = array<i32>} : memref<16x768xf32, #tpu.memory_space<vmem>>, vector<1x16xf32>,
      %parallel_loop3A_1657 = arith.constant 9 : i32
      %parallel_loop3A_1658 = arith.index_cast %parallel_loop3A_1657 : i32 to index
      %parallel_loop3A_1659 = arith.index_cast %parallel_loop3A_1507 : i32 to index
      %parallel_loop3A_1660 = tpu.vector_load %arg4[%parallel_loop3A_1658, %parallel_loop3A_1659] {strides = array<i32>} : memref<32x768xf32, #tpu.memory_space<vmem>>, vector<1x16xf32>,
      %parallel_loop3A_1661 = vector.shape_cast %parallel_loop3A_1660 : vector<1x16xf32> to vector<16xf32>
      %parallel_loop3A_1662 = arith.addf %parallel_loop3A_1661, %parallel_loop3A_1512 : vector<16xf32>
      %parallel_loop3A_1663 = arith.constant 9 : i32
      %parallel_loop3A_1664 = arith.constant 0 : i32
      %parallel_loop3A_1665 = arith.constant 0 : i32
      %parallel_loop3A_1666 = tpu.memref_slice %arg8[%parallel_loop3A_1329, %parallel_loop3A_1664, %parallel_loop3A_1665] : memref<2x16x768xf32, #tpu.memory_space<vmem>> -> memref<1x16x768xf32, #tpu.memory_space<vmem>>
      %parallel_loop3A_1667 = tpu.memref_squeeze %parallel_loop3A_1666 : memref<1x16x768xf32, #tpu.memory_space<vmem>> -> memref<16x768xf32, #tpu.memory_space<vmem>>
      %parallel_loop3A_1668 = arith.index_cast %parallel_loop3A_1663 : i32 to index
      %parallel_loop3A_1669 = arith.index_cast %parallel_loop3A_1507 : i32 to index
      %parallel_loop3A_1670 = tpu.vector_load %parallel_loop3A_1667[%parallel_loop3A_1668, %parallel_loop3A_1669] {strides = array<i32>} : memref<16x768xf32, #tpu.memory_space<vmem>>, vector<1x16xf32>,
      %parallel_loop3A_1671 = vector.shape_cast %parallel_loop3A_1670 : vector<1x16xf32> to vector<16xf32>
      %parallel_loop3A_1672 = vector.shape_cast %parallel_loop3A_1662 : vector<16xf32> to vector<1x16xf32>
      tpu.vector_store %parallel_loop3A_1667[%parallel_loop3A_1668, %parallel_loop3A_1669], %parallel_loop3A_1672 {strides = array<i32>} : memref<16x768xf32, #tpu.memory_space<vmem>>, vector<1x16xf32>,
      %parallel_loop3A_1673 = arith.constant 10 : i32
      %parallel_loop3A_1674 = arith.index_cast %parallel_loop3A_1673 : i32 to index
      %parallel_loop3A_1675 = arith.index_cast %parallel_loop3A_1507 : i32 to index
      %parallel_loop3A_1676 = tpu.vector_load %arg4[%parallel_loop3A_1674, %parallel_loop3A_1675] {strides = array<i32>} : memref<32x768xf32, #tpu.memory_space<vmem>>, vector<1x16xf32>,
      %parallel_loop3A_1677 = vector.shape_cast %parallel_loop3A_1676 : vector<1x16xf32> to vector<16xf32>
      %parallel_loop3A_1678 = arith.addf %parallel_loop3A_1677, %parallel_loop3A_1512 : vector<16xf32>
      %parallel_loop3A_1679 = arith.constant 10 : i32
      %parallel_loop3A_1680 = arith.constant 0 : i32
      %parallel_loop3A_1681 = arith.constant 0 : i32
      %parallel_loop3A_1682 = tpu.memref_slice %arg8[%parallel_loop3A_1329, %parallel_loop3A_1680, %parallel_loop3A_1681] : memref<2x16x768xf32, #tpu.memory_space<vmem>> -> memref<1x16x768xf32, #tpu.memory_space<vmem>>
      %parallel_loop3A_1683 = tpu.memref_squeeze %parallel_loop3A_1682 : memref<1x16x768xf32, #tpu.memory_space<vmem>> -> memref<16x768xf32, #tpu.memory_space<vmem>>
      %parallel_loop3A_1684 = arith.index_cast %parallel_loop3A_1679 : i32 to index
      %parallel_loop3A_1685 = arith.index_cast %parallel_loop3A_1507 : i32 to index
      %parallel_loop3A_1686 = tpu.vector_load %parallel_loop3A_1683[%parallel_loop3A_1684, %parallel_loop3A_1685] {strides = array<i32>} : memref<16x768xf32, #tpu.memory_space<vmem>>, vector<1x16xf32>,
      %parallel_loop3A_1687 = vector.shape_cast %parallel_loop3A_1686 : vector<1x16xf32> to vector<16xf32>
      %parallel_loop3A_1688 = vector.shape_cast %parallel_loop3A_1678 : vector<16xf32> to vector<1x16xf32>
      tpu.vector_store %parallel_loop3A_1683[%parallel_loop3A_1684, %parallel_loop3A_1685], %parallel_loop3A_1688 {strides = array<i32>} : memref<16x768xf32, #tpu.memory_space<vmem>>, vector<1x16xf32>,
      %parallel_loop3A_1689 = arith.constant 11 : i32
      %parallel_loop3A_1690 = arith.index_cast %parallel_loop3A_1689 : i32 to index
      %parallel_loop3A_1691 = arith.index_cast %parallel_loop3A_1507 : i32 to index
      %parallel_loop3A_1692 = tpu.vector_load %arg4[%parallel_loop3A_1690, %parallel_loop3A_1691] {strides = array<i32>} : memref<32x768xf32, #tpu.memory_space<vmem>>, vector<1x16xf32>,
      %parallel_loop3A_1693 = vector.shape_cast %parallel_loop3A_1692 : vector<1x16xf32> to vector<16xf32>
      %parallel_loop3A_1694 = arith.addf %parallel_loop3A_1693, %parallel_loop3A_1512 : vector<16xf32>
      %parallel_loop3A_1695 = arith.constant 11 : i32
      %parallel_loop3A_1696 = arith.constant 0 : i32
      %parallel_loop3A_1697 = arith.constant 0 : i32
      %parallel_loop3A_1698 = tpu.memref_slice %arg8[%parallel_loop3A_1329, %parallel_loop3A_1696, %parallel_loop3A_1697] : memref<2x16x768xf32, #tpu.memory_space<vmem>> -> memref<1x16x768xf32, #tpu.memory_space<vmem>>
      %parallel_loop3A_1699 = tpu.memref_squeeze %parallel_loop3A_1698 : memref<1x16x768xf32, #tpu.memory_space<vmem>> -> memref<16x768xf32, #tpu.memory_space<vmem>>
      %parallel_loop3A_1700 = arith.index_cast %parallel_loop3A_1695 : i32 to index
      %parallel_loop3A_1701 = arith.index_cast %parallel_loop3A_1507 : i32 to index
      %parallel_loop3A_1702 = tpu.vector_load %parallel_loop3A_1699[%parallel_loop3A_1700, %parallel_loop3A_1701] {strides = array<i32>} : memref<16x768xf32, #tpu.memory_space<vmem>>, vector<1x16xf32>,
      %parallel_loop3A_1703 = vector.shape_cast %parallel_loop3A_1702 : vector<1x16xf32> to vector<16xf32>
      %parallel_loop3A_1704 = vector.shape_cast %parallel_loop3A_1694 : vector<16xf32> to vector<1x16xf32>
      tpu.vector_store %parallel_loop3A_1699[%parallel_loop3A_1700, %parallel_loop3A_1701], %parallel_loop3A_1704 {strides = array<i32>} : memref<16x768xf32, #tpu.memory_space<vmem>>, vector<1x16xf32>,
      %parallel_loop3A_1705 = arith.constant 12 : i32
      %parallel_loop3A_1706 = arith.index_cast %parallel_loop3A_1705 : i32 to index
      %parallel_loop3A_1707 = arith.index_cast %parallel_loop3A_1507 : i32 to index
      %parallel_loop3A_1708 = tpu.vector_load %arg4[%parallel_loop3A_1706, %parallel_loop3A_1707] {strides = array<i32>} : memref<32x768xf32, #tpu.memory_space<vmem>>, vector<1x16xf32>,
      %parallel_loop3A_1709 = vector.shape_cast %parallel_loop3A_1708 : vector<1x16xf32> to vector<16xf32>
      %parallel_loop3A_1710 = arith.addf %parallel_loop3A_1709, %parallel_loop3A_1512 : vector<16xf32>
      %parallel_loop3A_1711 = arith.constant 12 : i32
      %parallel_loop3A_1712 = arith.constant 0 : i32
      %parallel_loop3A_1713 = arith.constant 0 : i32
      %parallel_loop3A_1714 = tpu.memref_slice %arg8[%parallel_loop3A_1329, %parallel_loop3A_1712, %parallel_loop3A_1713] : memref<2x16x768xf32, #tpu.memory_space<vmem>> -> memref<1x16x768xf32, #tpu.memory_space<vmem>>
      %parallel_loop3A_1715 = tpu.memref_squeeze %parallel_loop3A_1714 : memref<1x16x768xf32, #tpu.memory_space<vmem>> -> memref<16x768xf32, #tpu.memory_space<vmem>>
      %parallel_loop3A_1716 = arith.index_cast %parallel_loop3A_1711 : i32 to index
      %parallel_loop3A_1717 = arith.index_cast %parallel_loop3A_1507 : i32 to index
      %parallel_loop3A_1718 = tpu.vector_load %parallel_loop3A_1715[%parallel_loop3A_1716, %parallel_loop3A_1717] {strides = array<i32>} : memref<16x768xf32, #tpu.memory_space<vmem>>, vector<1x16xf32>,
      %parallel_loop3A_1719 = vector.shape_cast %parallel_loop3A_1718 : vector<1x16xf32> to vector<16xf32>
      %parallel_loop3A_1720 = vector.shape_cast %parallel_loop3A_1710 : vector<16xf32> to vector<1x16xf32>
      tpu.vector_store %parallel_loop3A_1715[%parallel_loop3A_1716, %parallel_loop3A_1717], %parallel_loop3A_1720 {strides = array<i32>} : memref<16x768xf32, #tpu.memory_space<vmem>>, vector<1x16xf32>,
      %parallel_loop3A_1721 = arith.constant 13 : i32
      %parallel_loop3A_1722 = arith.index_cast %parallel_loop3A_1721 : i32 to index
      %parallel_loop3A_1723 = arith.index_cast %parallel_loop3A_1507 : i32 to index
      %parallel_loop3A_1724 = tpu.vector_load %arg4[%parallel_loop3A_1722, %parallel_loop3A_1723] {strides = array<i32>} : memref<32x768xf32, #tpu.memory_space<vmem>>, vector<1x16xf32>,
      %parallel_loop3A_1725 = vector.shape_cast %parallel_loop3A_1724 : vector<1x16xf32> to vector<16xf32>
      %parallel_loop3A_1726 = arith.addf %parallel_loop3A_1725, %parallel_loop3A_1512 : vector<16xf32>
      %parallel_loop3A_1727 = arith.constant 13 : i32
      %parallel_loop3A_1728 = arith.constant 0 : i32
      %parallel_loop3A_1729 = arith.constant 0 : i32
      %parallel_loop3A_1730 = tpu.memref_slice %arg8[%parallel_loop3A_1329, %parallel_loop3A_1728, %parallel_loop3A_1729] : memref<2x16x768xf32, #tpu.memory_space<vmem>> -> memref<1x16x768xf32, #tpu.memory_space<vmem>>
      %parallel_loop3A_1731 = tpu.memref_squeeze %parallel_loop3A_1730 : memref<1x16x768xf32, #tpu.memory_space<vmem>> -> memref<16x768xf32, #tpu.memory_space<vmem>>
      %parallel_loop3A_1732 = arith.index_cast %parallel_loop3A_1727 : i32 to index
      %parallel_loop3A_1733 = arith.index_cast %parallel_loop3A_1507 : i32 to index
      %parallel_loop3A_1734 = tpu.vector_load %parallel_loop3A_1731[%parallel_loop3A_1732, %parallel_loop3A_1733] {strides = array<i32>} : memref<16x768xf32, #tpu.memory_space<vmem>>, vector<1x16xf32>,
      %parallel_loop3A_1735 = vector.shape_cast %parallel_loop3A_1734 : vector<1x16xf32> to vector<16xf32>
      %parallel_loop3A_1736 = vector.shape_cast %parallel_loop3A_1726 : vector<16xf32> to vector<1x16xf32>
      tpu.vector_store %parallel_loop3A_1731[%parallel_loop3A_1732, %parallel_loop3A_1733], %parallel_loop3A_1736 {strides = array<i32>} : memref<16x768xf32, #tpu.memory_space<vmem>>, vector<1x16xf32>,
      %parallel_loop3A_1737 = arith.constant 14 : i32
      %parallel_loop3A_1738 = arith.index_cast %parallel_loop3A_1737 : i32 to index
      %parallel_loop3A_1739 = arith.index_cast %parallel_loop3A_1507 : i32 to index
      %parallel_loop3A_1740 = tpu.vector_load %arg4[%parallel_loop3A_1738, %parallel_loop3A_1739] {strides = array<i32>} : memref<32x768xf32, #tpu.memory_space<vmem>>, vector<1x16xf32>,
      %parallel_loop3A_1741 = vector.shape_cast %parallel_loop3A_1740 : vector<1x16xf32> to vector<16xf32>
      %parallel_loop3A_1742 = arith.addf %parallel_loop3A_1741, %parallel_loop3A_1512 : vector<16xf32>
      %parallel_loop3A_1743 = arith.constant 14 : i32
      %parallel_loop3A_1744 = arith.constant 0 : i32
      %parallel_loop3A_1745 = arith.constant 0 : i32
      %parallel_loop3A_1746 = tpu.memref_slice %arg8[%parallel_loop3A_1329, %parallel_loop3A_1744, %parallel_loop3A_1745] : memref<2x16x768xf32, #tpu.memory_space<vmem>> -> memref<1x16x768xf32, #tpu.memory_space<vmem>>
      %parallel_loop3A_1747 = tpu.memref_squeeze %parallel_loop3A_1746 : memref<1x16x768xf32, #tpu.memory_space<vmem>> -> memref<16x768xf32, #tpu.memory_space<vmem>>
      %parallel_loop3A_1748 = arith.index_cast %parallel_loop3A_1743 : i32 to index
      %parallel_loop3A_1749 = arith.index_cast %parallel_loop3A_1507 : i32 to index
      %parallel_loop3A_1750 = tpu.vector_load %parallel_loop3A_1747[%parallel_loop3A_1748, %parallel_loop3A_1749] {strides = array<i32>} : memref<16x768xf32, #tpu.memory_space<vmem>>, vector<1x16xf32>,
      %parallel_loop3A_1751 = vector.shape_cast %parallel_loop3A_1750 : vector<1x16xf32> to vector<16xf32>
      %parallel_loop3A_1752 = vector.shape_cast %parallel_loop3A_1742 : vector<16xf32> to vector<1x16xf32>
      tpu.vector_store %parallel_loop3A_1747[%parallel_loop3A_1748, %parallel_loop3A_1749], %parallel_loop3A_1752 {strides = array<i32>} : memref<16x768xf32, #tpu.memory_space<vmem>>, vector<1x16xf32>,
      %parallel_loop3A_1753 = arith.constant 15 : i32
      %parallel_loop3A_1754 = arith.index_cast %parallel_loop3A_1753 : i32 to index
      %parallel_loop3A_1755 = arith.index_cast %parallel_loop3A_1507 : i32 to index
      %parallel_loop3A_1756 = tpu.vector_load %arg4[%parallel_loop3A_1754, %parallel_loop3A_1755] {strides = array<i32>} : memref<32x768xf32, #tpu.memory_space<vmem>>, vector<1x16xf32>,
      %parallel_loop3A_1757 = vector.shape_cast %parallel_loop3A_1756 : vector<1x16xf32> to vector<16xf32>
      %parallel_loop3A_1758 = arith.addf %parallel_loop3A_1757, %parallel_loop3A_1512 : vector<16xf32>
      %parallel_loop3A_1759 = arith.constant 15 : i32
      %parallel_loop3A_1760 = arith.constant 0 : i32
      %parallel_loop3A_1761 = arith.constant 0 : i32
      %parallel_loop3A_1762 = tpu.memref_slice %arg8[%parallel_loop3A_1329, %parallel_loop3A_1760, %parallel_loop3A_1761] : memref<2x16x768xf32, #tpu.memory_space<vmem>> -> memref<1x16x768xf32, #tpu.memory_space<vmem>>
      %parallel_loop3A_1763 = tpu.memref_squeeze %parallel_loop3A_1762 : memref<1x16x768xf32, #tpu.memory_space<vmem>> -> memref<16x768xf32, #tpu.memory_space<vmem>>
      %parallel_loop3A_1764 = arith.index_cast %parallel_loop3A_1759 : i32 to index
      %parallel_loop3A_1765 = arith.index_cast %parallel_loop3A_1507 : i32 to index
      %parallel_loop3A_1766 = tpu.vector_load %parallel_loop3A_1763[%parallel_loop3A_1764, %parallel_loop3A_1765] {strides = array<i32>} : memref<16x768xf32, #tpu.memory_space<vmem>>, vector<1x16xf32>,
      %parallel_loop3A_1767 = vector.shape_cast %parallel_loop3A_1766 : vector<1x16xf32> to vector<16xf32>
      %parallel_loop3A_1768 = vector.shape_cast %parallel_loop3A_1758 : vector<16xf32> to vector<1x16xf32>
      tpu.vector_store %parallel_loop3A_1763[%parallel_loop3A_1764, %parallel_loop3A_1765], %parallel_loop3A_1768 {strides = array<i32>} : memref<16x768xf32, #tpu.memory_space<vmem>>, vector<1x16xf32>,
    } {sc.loop_unroll_factor = 1 : i64, sc.parallel_access}
    %add3A_1330 = arith.constant 0 : i32
    %add3A_1331 = arith.addi %mul3A_2, %add3A_1330 : i32
    %dma_start3A_1332 = arith.constant 0 : i32
    %dma_start3A_1333 = arith.constant 1 : i32
    %dma_start3A_1334 = arith.constant 0 : i32
    %dma_start3A_1335 = arith.constant 0 : i32
    %dma_start3A_1336 = tpu.memref_slice %arg8[%dma_start3A_1332, %dma_start3A_1334, %dma_start3A_1335] : memref<2x16x768xf32, #tpu.memory_space<vmem>> -> memref<1x16x768xf32, #tpu.memory_space<vmem>>
    %dma_start3A_1337 = tpu.memref_squeeze %dma_start3A_1336 : memref<1x16x768xf32, #tpu.memory_space<vmem>> -> memref<16x768xf32, #tpu.memory_space<vmem>>
    %dma_start3A_1338 = arith.constant 0 : i32
    %dma_start3A_1339 = tpu.memref_slice %arg3[%dma_start3A_1333, %add3A_1331, %dma_start3A_1338] : memref<16x2048x768xf32, #tpu.memory_space<hbm>> -> memref<1x16x768xf32, #tpu.memory_space<hbm>>
    %dma_start3A_1340 = tpu.memref_squeeze %dma_start3A_1339 : memref<1x16x768xf32, #tpu.memory_space<hbm>> -> memref<16x768xf32, #tpu.memory_space<hbm>>
    %dma_start3A_1341 = arith.constant 0 : i32
    %dma_start3A_1342 = tpu.memref_slice %arg3[%dma_start3A_1333, %add3A_1331, %dma_start3A_1341] : memref<16x2048x768xf32, #tpu.memory_space<hbm>> -> memref<1x16x768xf32, #tpu.memory_space<hbm>>
    %dma_start3A_1343 = tpu.memref_squeeze %dma_start3A_1342 : memref<1x16x768xf32, #tpu.memory_space<hbm>> -> memref<16x768xf32, #tpu.memory_space<hbm>>
    %dma_start3A_1344 = arith.constant 0 : i32
    %dma_start3A_1345 = arith.constant 0 : i32
    %dma_start3A_1346 = tpu.memref_slice %arg8[%dma_start3A_1332, %dma_start3A_1344, %dma_start3A_1345] : memref<2x16x768xf32, #tpu.memory_space<vmem>> -> memref<1x16x768xf32, #tpu.memory_space<vmem>>
    %dma_start3A_1347 = tpu.memref_squeeze %dma_start3A_1346 : memref<1x16x768xf32, #tpu.memory_space<vmem>> -> memref<16x768xf32, #tpu.memory_space<vmem>>
    tpu.enqueue_dma source(%dma_start3A_1347 : memref<16x768xf32, #tpu.memory_space<vmem>>) target(%dma_start3A_1343 : memref<16x768xf32, #tpu.memory_space<hbm>>) target_semaphore(%arg11 : memref<!tpu.dma_semaphore, #tpu.memory_space<semaphore_mem>>)
    %parallel_loop3A_1348 = arith.constant 0 : i32
    %parallel_loop3A_1349 = arith.constant 48 : i32
    %parallel_loop3A_1350 = arith.constant 1 : i32
    %parallel_loop3A_1351 = arith.constant 1 : i32
    scf.for %parallel_loop3A_1505 = %parallel_loop3A_1348 to %parallel_loop3A_1349 step %parallel_loop3A_1350  : i32 {
      %parallel_loop3A_1506 = arith.constant 16 : i32
      %parallel_loop3A_1507 = arith.muli %parallel_loop3A_1505, %parallel_loop3A_1506 : i32
      %parallel_loop3A_1508 = arith.constant 1 : i32
      %parallel_loop3A_1509 = arith.index_cast %parallel_loop3A_1508 : i32 to index
      %parallel_loop3A_1510 = arith.index_cast %parallel_loop3A_1507 : i32 to index
      %parallel_loop3A_1511 = tpu.vector_load %arg7[%parallel_loop3A_1509, %parallel_loop3A_1510] {strides = array<i32>} : memref<4x768xf32, #tpu.memory_space<vmem>>, vector<1x16xf32>,
      %parallel_loop3A_1512 = vector.shape_cast %parallel_loop3A_1511 : vector<1x16xf32> to vector<16xf32>
      %parallel_loop3A_1513 = arith.constant 16 : i32
      %parallel_loop3A_1514 = arith.index_cast %parallel_loop3A_1513 : i32 to index
      %parallel_loop3A_1515 = arith.index_cast %parallel_loop3A_1507 : i32 to index
      %parallel_loop3A_1516 = tpu.vector_load %arg4[%parallel_loop3A_1514, %parallel_loop3A_1515] {strides = array<i32>} : memref<32x768xf32, #tpu.memory_space<vmem>>, vector<1x16xf32>,
      %parallel_loop3A_1517 = vector.shape_cast %parallel_loop3A_1516 : vector<1x16xf32> to vector<16xf32>
      %parallel_loop3A_1518 = arith.addf %parallel_loop3A_1517, %parallel_loop3A_1512 : vector<16xf32>
      %parallel_loop3A_1519 = arith.constant 0 : i32
      %parallel_loop3A_1520 = arith.constant 0 : i32
      %parallel_loop3A_1521 = arith.constant 0 : i32
      %parallel_loop3A_1522 = tpu.memref_slice %arg8[%parallel_loop3A_1351, %parallel_loop3A_1520, %parallel_loop3A_1521] : memref<2x16x768xf32, #tpu.memory_space<vmem>> -> memref<1x16x768xf32, #tpu.memory_space<vmem>>
      %parallel_loop3A_1523 = tpu.memref_squeeze %parallel_loop3A_1522 : memref<1x16x768xf32, #tpu.memory_space<vmem>> -> memref<16x768xf32, #tpu.memory_space<vmem>>
      %parallel_loop3A_1524 = arith.index_cast %parallel_loop3A_1519 : i32 to index
      %parallel_loop3A_1525 = arith.index_cast %parallel_loop3A_1507 : i32 to index
      %parallel_loop3A_1526 = tpu.vector_load %parallel_loop3A_1523[%parallel_loop3A_1524, %parallel_loop3A_1525] {strides = array<i32>} : memref<16x768xf32, #tpu.memory_space<vmem>>, vector<1x16xf32>,
      %parallel_loop3A_1527 = vector.shape_cast %parallel_loop3A_1526 : vector<1x16xf32> to vector<16xf32>
      %parallel_loop3A_1528 = vector.shape_cast %parallel_loop3A_1518 : vector<16xf32> to vector<1x16xf32>
      tpu.vector_store %parallel_loop3A_1523[%parallel_loop3A_1524, %parallel_loop3A_1525], %parallel_loop3A_1528 {strides = array<i32>} : memref<16x768xf32, #tpu.memory_space<vmem>>, vector<1x16xf32>,
      %parallel_loop3A_1529 = arith.constant 17 : i32
      %parallel_loop3A_1530 = arith.index_cast %parallel_loop3A_1529 : i32 to index
      %parallel_loop3A_1531 = arith.index_cast %parallel_loop3A_1507 : i32 to index
      %parallel_loop3A_1532 = tpu.vector_load %arg4[%parallel_loop3A_1530, %parallel_loop3A_1531] {strides = array<i32>} : memref<32x768xf32, #tpu.memory_space<vmem>>, vector<1x16xf32>,
      %parallel_loop3A_1533 = vector.shape_cast %parallel_loop3A_1532 : vector<1x16xf32> to vector<16xf32>
      %parallel_loop3A_1534 = arith.addf %parallel_loop3A_1533, %parallel_loop3A_1512 : vector<16xf32>
      %parallel_loop3A_1535 = arith.constant 1 : i32
      %parallel_loop3A_1536 = arith.constant 0 : i32
      %parallel_loop3A_1537 = arith.constant 0 : i32
      %parallel_loop3A_1538 = tpu.memref_slice %arg8[%parallel_loop3A_1351, %parallel_loop3A_1536, %parallel_loop3A_1537] : memref<2x16x768xf32, #tpu.memory_space<vmem>> -> memref<1x16x768xf32, #tpu.memory_space<vmem>>
      %parallel_loop3A_1539 = tpu.memref_squeeze %parallel_loop3A_1538 : memref<1x16x768xf32, #tpu.memory_space<vmem>> -> memref<16x768xf32, #tpu.memory_space<vmem>>
      %parallel_loop3A_1540 = arith.index_cast %parallel_loop3A_1535 : i32 to index
      %parallel_loop3A_1541 = arith.index_cast %parallel_loop3A_1507 : i32 to index
      %parallel_loop3A_1542 = tpu.vector_load %parallel_loop3A_1539[%parallel_loop3A_1540, %parallel_loop3A_1541] {strides = array<i32>} : memref<16x768xf32, #tpu.memory_space<vmem>>, vector<1x16xf32>,
      %parallel_loop3A_1543 = vector.shape_cast %parallel_loop3A_1542 : vector<1x16xf32> to vector<16xf32>
      %parallel_loop3A_1544 = vector.shape_cast %parallel_loop3A_1534 : vector<16xf32> to vector<1x16xf32>
      tpu.vector_store %parallel_loop3A_1539[%parallel_loop3A_1540, %parallel_loop3A_1541], %parallel_loop3A_1544 {strides = array<i32>} : memref<16x768xf32, #tpu.memory_space<vmem>>, vector<1x16xf32>,
      %parallel_loop3A_1545 = arith.constant 18 : i32
      %parallel_loop3A_1546 = arith.index_cast %parallel_loop3A_1545 : i32 to index
      %parallel_loop3A_1547 = arith.index_cast %parallel_loop3A_1507 : i32 to index
      %parallel_loop3A_1548 = tpu.vector_load %arg4[%parallel_loop3A_1546, %parallel_loop3A_1547] {strides = array<i32>} : memref<32x768xf32, #tpu.memory_space<vmem>>, vector<1x16xf32>,
      %parallel_loop3A_1549 = vector.shape_cast %parallel_loop3A_1548 : vector<1x16xf32> to vector<16xf32>
      %parallel_loop3A_1550 = arith.addf %parallel_loop3A_1549, %parallel_loop3A_1512 : vector<16xf32>
      %parallel_loop3A_1551 = arith.constant 2 : i32
      %parallel_loop3A_1552 = arith.constant 0 : i32
      %parallel_loop3A_1553 = arith.constant 0 : i32
      %parallel_loop3A_1554 = tpu.memref_slice %arg8[%parallel_loop3A_1351, %parallel_loop3A_1552, %parallel_loop3A_1553] : memref<2x16x768xf32, #tpu.memory_space<vmem>> -> memref<1x16x768xf32, #tpu.memory_space<vmem>>
      %parallel_loop3A_1555 = tpu.memref_squeeze %parallel_loop3A_1554 : memref<1x16x768xf32, #tpu.memory_space<vmem>> -> memref<16x768xf32, #tpu.memory_space<vmem>>
      %parallel_loop3A_1556 = arith.index_cast %parallel_loop3A_1551 : i32 to index
      %parallel_loop3A_1557 = arith.index_cast %parallel_loop3A_1507 : i32 to index
      %parallel_loop3A_1558 = tpu.vector_load %parallel_loop3A_1555[%parallel_loop3A_1556, %parallel_loop3A_1557] {strides = array<i32>} : memref<16x768xf32, #tpu.memory_space<vmem>>, vector<1x16xf32>,
      %parallel_loop3A_1559 = vector.shape_cast %parallel_loop3A_1558 : vector<1x16xf32> to vector<16xf32>
      %parallel_loop3A_1560 = vector.shape_cast %parallel_loop3A_1550 : vector<16xf32> to vector<1x16xf32>
      tpu.vector_store %parallel_loop3A_1555[%parallel_loop3A_1556, %parallel_loop3A_1557], %parallel_loop3A_1560 {strides = array<i32>} : memref<16x768xf32, #tpu.memory_space<vmem>>, vector<1x16xf32>,
      %parallel_loop3A_1561 = arith.constant 19 : i32
      %parallel_loop3A_1562 = arith.index_cast %parallel_loop3A_1561 : i32 to index
      %parallel_loop3A_1563 = arith.index_cast %parallel_loop3A_1507 : i32 to index
      %parallel_loop3A_1564 = tpu.vector_load %arg4[%parallel_loop3A_1562, %parallel_loop3A_1563] {strides = array<i32>} : memref<32x768xf32, #tpu.memory_space<vmem>>, vector<1x16xf32>,
      %parallel_loop3A_1565 = vector.shape_cast %parallel_loop3A_1564 : vector<1x16xf32> to vector<16xf32>
      %parallel_loop3A_1566 = arith.addf %parallel_loop3A_1565, %parallel_loop3A_1512 : vector<16xf32>
      %parallel_loop3A_1567 = arith.constant 3 : i32
      %parallel_loop3A_1568 = arith.constant 0 : i32
      %parallel_loop3A_1569 = arith.constant 0 : i32
      %parallel_loop3A_1570 = tpu.memref_slice %arg8[%parallel_loop3A_1351, %parallel_loop3A_1568, %parallel_loop3A_1569] : memref<2x16x768xf32, #tpu.memory_space<vmem>> -> memref<1x16x768xf32, #tpu.memory_space<vmem>>
      %parallel_loop3A_1571 = tpu.memref_squeeze %parallel_loop3A_1570 : memref<1x16x768xf32, #tpu.memory_space<vmem>> -> memref<16x768xf32, #tpu.memory_space<vmem>>
      %parallel_loop3A_1572 = arith.index_cast %parallel_loop3A_1567 : i32 to index
      %parallel_loop3A_1573 = arith.index_cast %parallel_loop3A_1507 : i32 to index
      %parallel_loop3A_1574 = tpu.vector_load %parallel_loop3A_1571[%parallel_loop3A_1572, %parallel_loop3A_1573] {strides = array<i32>} : memref<16x768xf32, #tpu.memory_space<vmem>>, vector<1x16xf32>,
      %parallel_loop3A_1575 = vector.shape_cast %parallel_loop3A_1574 : vector<1x16xf32> to vector<16xf32>
      %parallel_loop3A_1576 = vector.shape_cast %parallel_loop3A_1566 : vector<16xf32> to vector<1x16xf32>
      tpu.vector_store %parallel_loop3A_1571[%parallel_loop3A_1572, %parallel_loop3A_1573], %parallel_loop3A_1576 {strides = array<i32>} : memref<16x768xf32, #tpu.memory_space<vmem>>, vector<1x16xf32>,
      %parallel_loop3A_1577 = arith.constant 20 : i32
      %parallel_loop3A_1578 = arith.index_cast %parallel_loop3A_1577 : i32 to index
      %parallel_loop3A_1579 = arith.index_cast %parallel_loop3A_1507 : i32 to index
      %parallel_loop3A_1580 = tpu.vector_load %arg4[%parallel_loop3A_1578, %parallel_loop3A_1579] {strides = array<i32>} : memref<32x768xf32, #tpu.memory_space<vmem>>, vector<1x16xf32>,
      %parallel_loop3A_1581 = vector.shape_cast %parallel_loop3A_1580 : vector<1x16xf32> to vector<16xf32>
      %parallel_loop3A_1582 = arith.addf %parallel_loop3A_1581, %parallel_loop3A_1512 : vector<16xf32>
      %parallel_loop3A_1583 = arith.constant 4 : i32
      %parallel_loop3A_1584 = arith.constant 0 : i32
      %parallel_loop3A_1585 = arith.constant 0 : i32
      %parallel_loop3A_1586 = tpu.memref_slice %arg8[%parallel_loop3A_1351, %parallel_loop3A_1584, %parallel_loop3A_1585] : memref<2x16x768xf32, #tpu.memory_space<vmem>> -> memref<1x16x768xf32, #tpu.memory_space<vmem>>
      %parallel_loop3A_1587 = tpu.memref_squeeze %parallel_loop3A_1586 : memref<1x16x768xf32, #tpu.memory_space<vmem>> -> memref<16x768xf32, #tpu.memory_space<vmem>>
      %parallel_loop3A_1588 = arith.index_cast %parallel_loop3A_1583 : i32 to index
      %parallel_loop3A_1589 = arith.index_cast %parallel_loop3A_1507 : i32 to index
      %parallel_loop3A_1590 = tpu.vector_load %parallel_loop3A_1587[%parallel_loop3A_1588, %parallel_loop3A_1589] {strides = array<i32>} : memref<16x768xf32, #tpu.memory_space<vmem>>, vector<1x16xf32>,
      %parallel_loop3A_1591 = vector.shape_cast %parallel_loop3A_1590 : vector<1x16xf32> to vector<16xf32>
      %parallel_loop3A_1592 = vector.shape_cast %parallel_loop3A_1582 : vector<16xf32> to vector<1x16xf32>
      tpu.vector_store %parallel_loop3A_1587[%parallel_loop3A_1588, %parallel_loop3A_1589], %parallel_loop3A_1592 {strides = array<i32>} : memref<16x768xf32, #tpu.memory_space<vmem>>, vector<1x16xf32>,
      %parallel_loop3A_1593 = arith.constant 21 : i32
      %parallel_loop3A_1594 = arith.index_cast %parallel_loop3A_1593 : i32 to index
      %parallel_loop3A_1595 = arith.index_cast %parallel_loop3A_1507 : i32 to index
      %parallel_loop3A_1596 = tpu.vector_load %arg4[%parallel_loop3A_1594, %parallel_loop3A_1595] {strides = array<i32>} : memref<32x768xf32, #tpu.memory_space<vmem>>, vector<1x16xf32>,
      %parallel_loop3A_1597 = vector.shape_cast %parallel_loop3A_1596 : vector<1x16xf32> to vector<16xf32>
      %parallel_loop3A_1598 = arith.addf %parallel_loop3A_1597, %parallel_loop3A_1512 : vector<16xf32>
      %parallel_loop3A_1599 = arith.constant 5 : i32
      %parallel_loop3A_1600 = arith.constant 0 : i32
      %parallel_loop3A_1601 = arith.constant 0 : i32
      %parallel_loop3A_1602 = tpu.memref_slice %arg8[%parallel_loop3A_1351, %parallel_loop3A_1600, %parallel_loop3A_1601] : memref<2x16x768xf32, #tpu.memory_space<vmem>> -> memref<1x16x768xf32, #tpu.memory_space<vmem>>
      %parallel_loop3A_1603 = tpu.memref_squeeze %parallel_loop3A_1602 : memref<1x16x768xf32, #tpu.memory_space<vmem>> -> memref<16x768xf32, #tpu.memory_space<vmem>>
      %parallel_loop3A_1604 = arith.index_cast %parallel_loop3A_1599 : i32 to index
      %parallel_loop3A_1605 = arith.index_cast %parallel_loop3A_1507 : i32 to index
      %parallel_loop3A_1606 = tpu.vector_load %parallel_loop3A_1603[%parallel_loop3A_1604, %parallel_loop3A_1605] {strides = array<i32>} : memref<16x768xf32, #tpu.memory_space<vmem>>, vector<1x16xf32>,
      %parallel_loop3A_1607 = vector.shape_cast %parallel_loop3A_1606 : vector<1x16xf32> to vector<16xf32>
      %parallel_loop3A_1608 = vector.shape_cast %parallel_loop3A_1598 : vector<16xf32> to vector<1x16xf32>
      tpu.vector_store %parallel_loop3A_1603[%parallel_loop3A_1604, %parallel_loop3A_1605], %parallel_loop3A_1608 {strides = array<i32>} : memref<16x768xf32, #tpu.memory_space<vmem>>, vector<1x16xf32>,
      %parallel_loop3A_1609 = arith.constant 22 : i32
      %parallel_loop3A_1610 = arith.index_cast %parallel_loop3A_1609 : i32 to index
      %parallel_loop3A_1611 = arith.index_cast %parallel_loop3A_1507 : i32 to index
      %parallel_loop3A_1612 = tpu.vector_load %arg4[%parallel_loop3A_1610, %parallel_loop3A_1611] {strides = array<i32>} : memref<32x768xf32, #tpu.memory_space<vmem>>, vector<1x16xf32>,
      %parallel_loop3A_1613 = vector.shape_cast %parallel_loop3A_1612 : vector<1x16xf32> to vector<16xf32>
      %parallel_loop3A_1614 = arith.addf %parallel_loop3A_1613, %parallel_loop3A_1512 : vector<16xf32>
      %parallel_loop3A_1615 = arith.constant 6 : i32
      %parallel_loop3A_1616 = arith.constant 0 : i32
      %parallel_loop3A_1617 = arith.constant 0 : i32
      %parallel_loop3A_1618 = tpu.memref_slice %arg8[%parallel_loop3A_1351, %parallel_loop3A_1616, %parallel_loop3A_1617] : memref<2x16x768xf32, #tpu.memory_space<vmem>> -> memref<1x16x768xf32, #tpu.memory_space<vmem>>
      %parallel_loop3A_1619 = tpu.memref_squeeze %parallel_loop3A_1618 : memref<1x16x768xf32, #tpu.memory_space<vmem>> -> memref<16x768xf32, #tpu.memory_space<vmem>>
      %parallel_loop3A_1620 = arith.index_cast %parallel_loop3A_1615 : i32 to index
      %parallel_loop3A_1621 = arith.index_cast %parallel_loop3A_1507 : i32 to index
      %parallel_loop3A_1622 = tpu.vector_load %parallel_loop3A_1619[%parallel_loop3A_1620, %parallel_loop3A_1621] {strides = array<i32>} : memref<16x768xf32, #tpu.memory_space<vmem>>, vector<1x16xf32>,
      %parallel_loop3A_1623 = vector.shape_cast %parallel_loop3A_1622 : vector<1x16xf32> to vector<16xf32>
      %parallel_loop3A_1624 = vector.shape_cast %parallel_loop3A_1614 : vector<16xf32> to vector<1x16xf32>
      tpu.vector_store %parallel_loop3A_1619[%parallel_loop3A_1620, %parallel_loop3A_1621], %parallel_loop3A_1624 {strides = array<i32>} : memref<16x768xf32, #tpu.memory_space<vmem>>, vector<1x16xf32>,
      %parallel_loop3A_1625 = arith.constant 23 : i32
      %parallel_loop3A_1626 = arith.index_cast %parallel_loop3A_1625 : i32 to index
      %parallel_loop3A_1627 = arith.index_cast %parallel_loop3A_1507 : i32 to index
      %parallel_loop3A_1628 = tpu.vector_load %arg4[%parallel_loop3A_1626, %parallel_loop3A_1627] {strides = array<i32>} : memref<32x768xf32, #tpu.memory_space<vmem>>, vector<1x16xf32>,
      %parallel_loop3A_1629 = vector.shape_cast %parallel_loop3A_1628 : vector<1x16xf32> to vector<16xf32>
      %parallel_loop3A_1630 = arith.addf %parallel_loop3A_1629, %parallel_loop3A_1512 : vector<16xf32>
      %parallel_loop3A_1631 = arith.constant 7 : i32
      %parallel_loop3A_1632 = arith.constant 0 : i32
      %parallel_loop3A_1633 = arith.constant 0 : i32
      %parallel_loop3A_1634 = tpu.memref_slice %arg8[%parallel_loop3A_1351, %parallel_loop3A_1632, %parallel_loop3A_1633] : memref<2x16x768xf32, #tpu.memory_space<vmem>> -> memref<1x16x768xf32, #tpu.memory_space<vmem>>
      %parallel_loop3A_1635 = tpu.memref_squeeze %parallel_loop3A_1634 : memref<1x16x768xf32, #tpu.memory_space<vmem>> -> memref<16x768xf32, #tpu.memory_space<vmem>>
      %parallel_loop3A_1636 = arith.index_cast %parallel_loop3A_1631 : i32 to index
      %parallel_loop3A_1637 = arith.index_cast %parallel_loop3A_1507 : i32 to index
      %parallel_loop3A_1638 = tpu.vector_load %parallel_loop3A_1635[%parallel_loop3A_1636, %parallel_loop3A_1637] {strides = array<i32>} : memref<16x768xf32, #tpu.memory_space<vmem>>, vector<1x16xf32>,
      %parallel_loop3A_1639 = vector.shape_cast %parallel_loop3A_1638 : vector<1x16xf32> to vector<16xf32>
      %parallel_loop3A_1640 = vector.shape_cast %parallel_loop3A_1630 : vector<16xf32> to vector<1x16xf32>
      tpu.vector_store %parallel_loop3A_1635[%parallel_loop3A_1636, %parallel_loop3A_1637], %parallel_loop3A_1640 {strides = array<i32>} : memref<16x768xf32, #tpu.memory_space<vmem>>, vector<1x16xf32>,
      %parallel_loop3A_1641 = arith.constant 24 : i32
      %parallel_loop3A_1642 = arith.index_cast %parallel_loop3A_1641 : i32 to index
      %parallel_loop3A_1643 = arith.index_cast %parallel_loop3A_1507 : i32 to index
      %parallel_loop3A_1644 = tpu.vector_load %arg4[%parallel_loop3A_1642, %parallel_loop3A_1643] {strides = array<i32>} : memref<32x768xf32, #tpu.memory_space<vmem>>, vector<1x16xf32>,
      %parallel_loop3A_1645 = vector.shape_cast %parallel_loop3A_1644 : vector<1x16xf32> to vector<16xf32>
      %parallel_loop3A_1646 = arith.addf %parallel_loop3A_1645, %parallel_loop3A_1512 : vector<16xf32>
      %parallel_loop3A_1647 = arith.constant 8 : i32
      %parallel_loop3A_1648 = arith.constant 0 : i32
      %parallel_loop3A_1649 = arith.constant 0 : i32
      %parallel_loop3A_1650 = tpu.memref_slice %arg8[%parallel_loop3A_1351, %parallel_loop3A_1648, %parallel_loop3A_1649] : memref<2x16x768xf32, #tpu.memory_space<vmem>> -> memref<1x16x768xf32, #tpu.memory_space<vmem>>
      %parallel_loop3A_1651 = tpu.memref_squeeze %parallel_loop3A_1650 : memref<1x16x768xf32, #tpu.memory_space<vmem>> -> memref<16x768xf32, #tpu.memory_space<vmem>>
      %parallel_loop3A_1652 = arith.index_cast %parallel_loop3A_1647 : i32 to index
      %parallel_loop3A_1653 = arith.index_cast %parallel_loop3A_1507 : i32 to index
      %parallel_loop3A_1654 = tpu.vector_load %parallel_loop3A_1651[%parallel_loop3A_1652, %parallel_loop3A_1653] {strides = array<i32>} : memref<16x768xf32, #tpu.memory_space<vmem>>, vector<1x16xf32>,
      %parallel_loop3A_1655 = vector.shape_cast %parallel_loop3A_1654 : vector<1x16xf32> to vector<16xf32>
      %parallel_loop3A_1656 = vector.shape_cast %parallel_loop3A_1646 : vector<16xf32> to vector<1x16xf32>
      tpu.vector_store %parallel_loop3A_1651[%parallel_loop3A_1652, %parallel_loop3A_1653], %parallel_loop3A_1656 {strides = array<i32>} : memref<16x768xf32, #tpu.memory_space<vmem>>, vector<1x16xf32>,
      %parallel_loop3A_1657 = arith.constant 25 : i32
      %parallel_loop3A_1658 = arith.index_cast %parallel_loop3A_1657 : i32 to index
      %parallel_loop3A_1659 = arith.index_cast %parallel_loop3A_1507 : i32 to index
      %parallel_loop3A_1660 = tpu.vector_load %arg4[%parallel_loop3A_1658, %parallel_loop3A_1659] {strides = array<i32>} : memref<32x768xf32, #tpu.memory_space<vmem>>, vector<1x16xf32>,
      %parallel_loop3A_1661 = vector.shape_cast %parallel_loop3A_1660 : vector<1x16xf32> to vector<16xf32>
      %parallel_loop3A_1662 = arith.addf %parallel_loop3A_1661, %parallel_loop3A_1512 : vector<16xf32>
      %parallel_loop3A_1663 = arith.constant 9 : i32
      %parallel_loop3A_1664 = arith.constant 0 : i32
      %parallel_loop3A_1665 = arith.constant 0 : i32
      %parallel_loop3A_1666 = tpu.memref_slice %arg8[%parallel_loop3A_1351, %parallel_loop3A_1664, %parallel_loop3A_1665] : memref<2x16x768xf32, #tpu.memory_space<vmem>> -> memref<1x16x768xf32, #tpu.memory_space<vmem>>
      %parallel_loop3A_1667 = tpu.memref_squeeze %parallel_loop3A_1666 : memref<1x16x768xf32, #tpu.memory_space<vmem>> -> memref<16x768xf32, #tpu.memory_space<vmem>>
      %parallel_loop3A_1668 = arith.index_cast %parallel_loop3A_1663 : i32 to index
      %parallel_loop3A_1669 = arith.index_cast %parallel_loop3A_1507 : i32 to index
      %parallel_loop3A_1670 = tpu.vector_load %parallel_loop3A_1667[%parallel_loop3A_1668, %parallel_loop3A_1669] {strides = array<i32>} : memref<16x768xf32, #tpu.memory_space<vmem>>, vector<1x16xf32>,
      %parallel_loop3A_1671 = vector.shape_cast %parallel_loop3A_1670 : vector<1x16xf32> to vector<16xf32>
      %parallel_loop3A_1672 = vector.shape_cast %parallel_loop3A_1662 : vector<16xf32> to vector<1x16xf32>
      tpu.vector_store %parallel_loop3A_1667[%parallel_loop3A_1668, %parallel_loop3A_1669], %parallel_loop3A_1672 {strides = array<i32>} : memref<16x768xf32, #tpu.memory_space<vmem>>, vector<1x16xf32>,
      %parallel_loop3A_1673 = arith.constant 26 : i32
      %parallel_loop3A_1674 = arith.index_cast %parallel_loop3A_1673 : i32 to index
      %parallel_loop3A_1675 = arith.index_cast %parallel_loop3A_1507 : i32 to index
      %parallel_loop3A_1676 = tpu.vector_load %arg4[%parallel_loop3A_1674, %parallel_loop3A_1675] {strides = array<i32>} : memref<32x768xf32, #tpu.memory_space<vmem>>, vector<1x16xf32>,
      %parallel_loop3A_1677 = vector.shape_cast %parallel_loop3A_1676 : vector<1x16xf32> to vector<16xf32>
      %parallel_loop3A_1678 = arith.addf %parallel_loop3A_1677, %parallel_loop3A_1512 : vector<16xf32>
      %parallel_loop3A_1679 = arith.constant 10 : i32
      %parallel_loop3A_1680 = arith.constant 0 : i32
      %parallel_loop3A_1681 = arith.constant 0 : i32
      %parallel_loop3A_1682 = tpu.memref_slice %arg8[%parallel_loop3A_1351, %parallel_loop3A_1680, %parallel_loop3A_1681] : memref<2x16x768xf32, #tpu.memory_space<vmem>> -> memref<1x16x768xf32, #tpu.memory_space<vmem>>
      %parallel_loop3A_1683 = tpu.memref_squeeze %parallel_loop3A_1682 : memref<1x16x768xf32, #tpu.memory_space<vmem>> -> memref<16x768xf32, #tpu.memory_space<vmem>>
      %parallel_loop3A_1684 = arith.index_cast %parallel_loop3A_1679 : i32 to index
      %parallel_loop3A_1685 = arith.index_cast %parallel_loop3A_1507 : i32 to index
      %parallel_loop3A_1686 = tpu.vector_load %parallel_loop3A_1683[%parallel_loop3A_1684, %parallel_loop3A_1685] {strides = array<i32>} : memref<16x768xf32, #tpu.memory_space<vmem>>, vector<1x16xf32>,
      %parallel_loop3A_1687 = vector.shape_cast %parallel_loop3A_1686 : vector<1x16xf32> to vector<16xf32>
      %parallel_loop3A_1688 = vector.shape_cast %parallel_loop3A_1678 : vector<16xf32> to vector<1x16xf32>
      tpu.vector_store %parallel_loop3A_1683[%parallel_loop3A_1684, %parallel_loop3A_1685], %parallel_loop3A_1688 {strides = array<i32>} : memref<16x768xf32, #tpu.memory_space<vmem>>, vector<1x16xf32>,
      %parallel_loop3A_1689 = arith.constant 27 : i32
      %parallel_loop3A_1690 = arith.index_cast %parallel_loop3A_1689 : i32 to index
      %parallel_loop3A_1691 = arith.index_cast %parallel_loop3A_1507 : i32 to index
      %parallel_loop3A_1692 = tpu.vector_load %arg4[%parallel_loop3A_1690, %parallel_loop3A_1691] {strides = array<i32>} : memref<32x768xf32, #tpu.memory_space<vmem>>, vector<1x16xf32>,
      %parallel_loop3A_1693 = vector.shape_cast %parallel_loop3A_1692 : vector<1x16xf32> to vector<16xf32>
      %parallel_loop3A_1694 = arith.addf %parallel_loop3A_1693, %parallel_loop3A_1512 : vector<16xf32>
      %parallel_loop3A_1695 = arith.constant 11 : i32
      %parallel_loop3A_1696 = arith.constant 0 : i32
      %parallel_loop3A_1697 = arith.constant 0 : i32
      %parallel_loop3A_1698 = tpu.memref_slice %arg8[%parallel_loop3A_1351, %parallel_loop3A_1696, %parallel_loop3A_1697] : memref<2x16x768xf32, #tpu.memory_space<vmem>> -> memref<1x16x768xf32, #tpu.memory_space<vmem>>
      %parallel_loop3A_1699 = tpu.memref_squeeze %parallel_loop3A_1698 : memref<1x16x768xf32, #tpu.memory_space<vmem>> -> memref<16x768xf32, #tpu.memory_space<vmem>>
      %parallel_loop3A_1700 = arith.index_cast %parallel_loop3A_1695 : i32 to index
      %parallel_loop3A_1701 = arith.index_cast %parallel_loop3A_1507 : i32 to index
      %parallel_loop3A_1702 = tpu.vector_load %parallel_loop3A_1699[%parallel_loop3A_1700, %parallel_loop3A_1701] {strides = array<i32>} : memref<16x768xf32, #tpu.memory_space<vmem>>, vector<1x16xf32>,
      %parallel_loop3A_1703 = vector.shape_cast %parallel_loop3A_1702 : vector<1x16xf32> to vector<16xf32>
      %parallel_loop3A_1704 = vector.shape_cast %parallel_loop3A_1694 : vector<16xf32> to vector<1x16xf32>
      tpu.vector_store %parallel_loop3A_1699[%parallel_loop3A_1700, %parallel_loop3A_1701], %parallel_loop3A_1704 {strides = array<i32>} : memref<16x768xf32, #tpu.memory_space<vmem>>, vector<1x16xf32>,
      %parallel_loop3A_1705 = arith.constant 28 : i32
      %parallel_loop3A_1706 = arith.index_cast %parallel_loop3A_1705 : i32 to index
      %parallel_loop3A_1707 = arith.index_cast %parallel_loop3A_1507 : i32 to index
      %parallel_loop3A_1708 = tpu.vector_load %arg4[%parallel_loop3A_1706, %parallel_loop3A_1707] {strides = array<i32>} : memref<32x768xf32, #tpu.memory_space<vmem>>, vector<1x16xf32>,
      %parallel_loop3A_1709 = vector.shape_cast %parallel_loop3A_1708 : vector<1x16xf32> to vector<16xf32>
      %parallel_loop3A_1710 = arith.addf %parallel_loop3A_1709, %parallel_loop3A_1512 : vector<16xf32>
      %parallel_loop3A_1711 = arith.constant 12 : i32
      %parallel_loop3A_1712 = arith.constant 0 : i32
      %parallel_loop3A_1713 = arith.constant 0 : i32
      %parallel_loop3A_1714 = tpu.memref_slice %arg8[%parallel_loop3A_1351, %parallel_loop3A_1712, %parallel_loop3A_1713] : memref<2x16x768xf32, #tpu.memory_space<vmem>> -> memref<1x16x768xf32, #tpu.memory_space<vmem>>
      %parallel_loop3A_1715 = tpu.memref_squeeze %parallel_loop3A_1714 : memref<1x16x768xf32, #tpu.memory_space<vmem>> -> memref<16x768xf32, #tpu.memory_space<vmem>>
      %parallel_loop3A_1716 = arith.index_cast %parallel_loop3A_1711 : i32 to index
      %parallel_loop3A_1717 = arith.index_cast %parallel_loop3A_1507 : i32 to index
      %parallel_loop3A_1718 = tpu.vector_load %parallel_loop3A_1715[%parallel_loop3A_1716, %parallel_loop3A_1717] {strides = array<i32>} : memref<16x768xf32, #tpu.memory_space<vmem>>, vector<1x16xf32>,
      %parallel_loop3A_1719 = vector.shape_cast %parallel_loop3A_1718 : vector<1x16xf32> to vector<16xf32>
      %parallel_loop3A_1720 = vector.shape_cast %parallel_loop3A_1710 : vector<16xf32> to vector<1x16xf32>
      tpu.vector_store %parallel_loop3A_1715[%parallel_loop3A_1716, %parallel_loop3A_1717], %parallel_loop3A_1720 {strides = array<i32>} : memref<16x768xf32, #tpu.memory_space<vmem>>, vector<1x16xf32>,
      %parallel_loop3A_1721 = arith.constant 29 : i32
      %parallel_loop3A_1722 = arith.index_cast %parallel_loop3A_1721 : i32 to index
      %parallel_loop3A_1723 = arith.index_cast %parallel_loop3A_1507 : i32 to index
      %parallel_loop3A_1724 = tpu.vector_load %arg4[%parallel_loop3A_1722, %parallel_loop3A_1723] {strides = array<i32>} : memref<32x768xf32, #tpu.memory_space<vmem>>, vector<1x16xf32>,
      %parallel_loop3A_1725 = vector.shape_cast %parallel_loop3A_1724 : vector<1x16xf32> to vector<16xf32>
      %parallel_loop3A_1726 = arith.addf %parallel_loop3A_1725, %parallel_loop3A_1512 : vector<16xf32>
      %parallel_loop3A_1727 = arith.constant 13 : i32
      %parallel_loop3A_1728 = arith.constant 0 : i32
      %parallel_loop3A_1729 = arith.constant 0 : i32
      %parallel_loop3A_1730 = tpu.memref_slice %arg8[%parallel_loop3A_1351, %parallel_loop3A_1728, %parallel_loop3A_1729] : memref<2x16x768xf32, #tpu.memory_space<vmem>> -> memref<1x16x768xf32, #tpu.memory_space<vmem>>
      %parallel_loop3A_1731 = tpu.memref_squeeze %parallel_loop3A_1730 : memref<1x16x768xf32, #tpu.memory_space<vmem>> -> memref<16x768xf32, #tpu.memory_space<vmem>>
      %parallel_loop3A_1732 = arith.index_cast %parallel_loop3A_1727 : i32 to index
      %parallel_loop3A_1733 = arith.index_cast %parallel_loop3A_1507 : i32 to index
      %parallel_loop3A_1734 = tpu.vector_load %parallel_loop3A_1731[%parallel_loop3A_1732, %parallel_loop3A_1733] {strides = array<i32>} : memref<16x768xf32, #tpu.memory_space<vmem>>, vector<1x16xf32>,
      %parallel_loop3A_1735 = vector.shape_cast %parallel_loop3A_1734 : vector<1x16xf32> to vector<16xf32>
      %parallel_loop3A_1736 = vector.shape_cast %parallel_loop3A_1726 : vector<16xf32> to vector<1x16xf32>
      tpu.vector_store %parallel_loop3A_1731[%parallel_loop3A_1732, %parallel_loop3A_1733], %parallel_loop3A_1736 {strides = array<i32>} : memref<16x768xf32, #tpu.memory_space<vmem>>, vector<1x16xf32>,
      %parallel_loop3A_1737 = arith.constant 30 : i32
      %parallel_loop3A_1738 = arith.index_cast %parallel_loop3A_1737 : i32 to index
      %parallel_loop3A_1739 = arith.index_cast %parallel_loop3A_1507 : i32 to index
      %parallel_loop3A_1740 = tpu.vector_load %arg4[%parallel_loop3A_1738, %parallel_loop3A_1739] {strides = array<i32>} : memref<32x768xf32, #tpu.memory_space<vmem>>, vector<1x16xf32>,
      %parallel_loop3A_1741 = vector.shape_cast %parallel_loop3A_1740 : vector<1x16xf32> to vector<16xf32>
      %parallel_loop3A_1742 = arith.addf %parallel_loop3A_1741, %parallel_loop3A_1512 : vector<16xf32>
      %parallel_loop3A_1743 = arith.constant 14 : i32
      %parallel_loop3A_1744 = arith.constant 0 : i32
      %parallel_loop3A_1745 = arith.constant 0 : i32
      %parallel_loop3A_1746 = tpu.memref_slice %arg8[%parallel_loop3A_1351, %parallel_loop3A_1744, %parallel_loop3A_1745] : memref<2x16x768xf32, #tpu.memory_space<vmem>> -> memref<1x16x768xf32, #tpu.memory_space<vmem>>
      %parallel_loop3A_1747 = tpu.memref_squeeze %parallel_loop3A_1746 : memref<1x16x768xf32, #tpu.memory_space<vmem>> -> memref<16x768xf32, #tpu.memory_space<vmem>>
      %parallel_loop3A_1748 = arith.index_cast %parallel_loop3A_1743 : i32 to index
      %parallel_loop3A_1749 = arith.index_cast %parallel_loop3A_1507 : i32 to index
      %parallel_loop3A_1750 = tpu.vector_load %parallel_loop3A_1747[%parallel_loop3A_1748, %parallel_loop3A_1749] {strides = array<i32>} : memref<16x768xf32, #tpu.memory_space<vmem>>, vector<1x16xf32>,
      %parallel_loop3A_1751 = vector.shape_cast %parallel_loop3A_1750 : vector<1x16xf32> to vector<16xf32>
      %parallel_loop3A_1752 = vector.shape_cast %parallel_loop3A_1742 : vector<16xf32> to vector<1x16xf32>
      tpu.vector_store %parallel_loop3A_1747[%parallel_loop3A_1748, %parallel_loop3A_1749], %parallel_loop3A_1752 {strides = array<i32>} : memref<16x768xf32, #tpu.memory_space<vmem>>, vector<1x16xf32>,
      %parallel_loop3A_1753 = arith.constant 31 : i32
      %parallel_loop3A_1754 = arith.index_cast %parallel_loop3A_1753 : i32 to index
      %parallel_loop3A_1755 = arith.index_cast %parallel_loop3A_1507 : i32 to index
      %parallel_loop3A_1756 = tpu.vector_load %arg4[%parallel_loop3A_1754, %parallel_loop3A_1755] {strides = array<i32>} : memref<32x768xf32, #tpu.memory_space<vmem>>, vector<1x16xf32>,
      %parallel_loop3A_1757 = vector.shape_cast %parallel_loop3A_1756 : vector<1x16xf32> to vector<16xf32>
      %parallel_loop3A_1758 = arith.addf %parallel_loop3A_1757, %parallel_loop3A_1512 : vector<16xf32>
      %parallel_loop3A_1759 = arith.constant 15 : i32
      %parallel_loop3A_1760 = arith.constant 0 : i32
      %parallel_loop3A_1761 = arith.constant 0 : i32
      %parallel_loop3A_1762 = tpu.memref_slice %arg8[%parallel_loop3A_1351, %parallel_loop3A_1760, %parallel_loop3A_1761] : memref<2x16x768xf32, #tpu.memory_space<vmem>> -> memref<1x16x768xf32, #tpu.memory_space<vmem>>
      %parallel_loop3A_1763 = tpu.memref_squeeze %parallel_loop3A_1762 : memref<1x16x768xf32, #tpu.memory_space<vmem>> -> memref<16x768xf32, #tpu.memory_space<vmem>>
      %parallel_loop3A_1764 = arith.index_cast %parallel_loop3A_1759 : i32 to index
      %parallel_loop3A_1765 = arith.index_cast %parallel_loop3A_1507 : i32 to index
      %parallel_loop3A_1766 = tpu.vector_load %parallel_loop3A_1763[%parallel_loop3A_1764, %parallel_loop3A_1765] {strides = array<i32>} : memref<16x768xf32, #tpu.memory_space<vmem>>, vector<1x16xf32>,
      %parallel_loop3A_1767 = vector.shape_cast %parallel_loop3A_1766 : vector<1x16xf32> to vector<16xf32>
      %parallel_loop3A_1768 = vector.shape_cast %parallel_loop3A_1758 : vector<16xf32> to vector<1x16xf32>
      tpu.vector_store %parallel_loop3A_1763[%parallel_loop3A_1764, %parallel_loop3A_1765], %parallel_loop3A_1768 {strides = array<i32>} : memref<16x768xf32, #tpu.memory_space<vmem>>, vector<1x16xf32>,
    } {sc.loop_unroll_factor = 1 : i64, sc.parallel_access}
    %add3A_1352 = arith.constant 16 : i32
    %add3A_1353 = arith.addi %mul3A_2, %add3A_1352 : i32
    %dma_start3A_1354 = arith.constant 1 : i32
    %dma_start3A_1355 = arith.constant 1 : i32
    %dma_start3A_1356 = arith.constant 0 : i32
    %dma_start3A_1357 = arith.constant 0 : i32
    %dma_start3A_1358 = tpu.memref_slice %arg8[%dma_start3A_1354, %dma_start3A_1356, %dma_start3A_1357] : memref<2x16x768xf32, #tpu.memory_space<vmem>> -> memref<1x16x768xf32, #tpu.memory_space<vmem>>
    %dma_start3A_1359 = tpu.memref_squeeze %dma_start3A_1358 : memref<1x16x768xf32, #tpu.memory_space<vmem>> -> memref<16x768xf32, #tpu.memory_space<vmem>>
    %dma_start3A_1360 = arith.constant 0 : i32
    %dma_start3A_1361 = tpu.memref_slice %arg3[%dma_start3A_1355, %add3A_1353, %dma_start3A_1360] : memref<16x2048x768xf32, #tpu.memory_space<hbm>> -> memref<1x16x768xf32, #tpu.memory_space<hbm>>
    %dma_start3A_1362 = tpu.memref_squeeze %dma_start3A_1361 : memref<1x16x768xf32, #tpu.memory_space<hbm>> -> memref<16x768xf32, #tpu.memory_space<hbm>>
    %dma_start3A_1363 = arith.constant 0 : i32
    %dma_start3A_1364 = tpu.memref_slice %arg3[%dma_start3A_1355, %add3A_1353, %dma_start3A_1363] : memref<16x2048x768xf32, #tpu.memory_space<hbm>> -> memref<1x16x768xf32, #tpu.memory_space<hbm>>
    %dma_start3A_1365 = tpu.memref_squeeze %dma_start3A_1364 : memref<1x16x768xf32, #tpu.memory_space<hbm>> -> memref<16x768xf32, #tpu.memory_space<hbm>>
    %dma_start3A_1366 = arith.constant 0 : i32
    %dma_start3A_1367 = arith.constant 0 : i32
    %dma_start3A_1368 = tpu.memref_slice %arg8[%dma_start3A_1354, %dma_start3A_1366, %dma_start3A_1367] : memref<2x16x768xf32, #tpu.memory_space<vmem>> -> memref<1x16x768xf32, #tpu.memory_space<vmem>>
    %dma_start3A_1369 = tpu.memref_squeeze %dma_start3A_1368 : memref<1x16x768xf32, #tpu.memory_space<vmem>> -> memref<16x768xf32, #tpu.memory_space<vmem>>
    tpu.enqueue_dma source(%dma_start3A_1369 : memref<16x768xf32, #tpu.memory_space<vmem>>) target(%dma_start3A_1365 : memref<16x768xf32, #tpu.memory_space<hbm>>) target_semaphore(%arg12 : memref<!tpu.dma_semaphore, #tpu.memory_space<semaphore_mem>>)
    %dma_wait3A_1370 = arith.constant 0 : i32
    %dma_wait3A_1371 = tpu.memref_slice %arg2[%add3A_13, %dma_wait3A_1370] : memref<2048x768xf32, #tpu.memory_space<hbm>> -> memref<32x768xf32, #tpu.memory_space<hbm>>
    %dma_wait3A_1372 = arith.constant 0 : i32
    %dma_wait3A_1373 = tpu.memref_slice %arg2[%add3A_13, %dma_wait3A_1372] : memref<2048x768xf32, #tpu.memory_space<hbm>> -> memref<32x768xf32, #tpu.memory_space<hbm>>
    tpu.wait_dma2 semaphore(%arg9 : memref<!tpu.dma_semaphore, #tpu.memory_space<semaphore_mem>>) src(%dma_wait3A_1373 : memref<32x768xf32, #tpu.memory_space<hbm>>) dst(%arg5 : memref<32x768xf32, #tpu.memory_space<vmem>>)
    %add3A_1374 = arith.constant 32 : i32
    %add3A_1375 = arith.addi %mul3A_2, %add3A_1374 : i32
    %dma_start3A_1376 = arith.constant 0 : i32
    %dma_start3A_1377 = arith.constant 0 : i32
    %dma_start3A_1378 = tpu.memref_slice %arg3[%dma_start3A_1376, %add3A_1375, %dma_start3A_1377] : memref<16x2048x768xf32, #tpu.memory_space<hbm>> -> memref<1x32x768xf32, #tpu.memory_space<hbm>>
    %dma_start3A_1379 = tpu.memref_squeeze %dma_start3A_1378 : memref<1x32x768xf32, #tpu.memory_space<hbm>> -> memref<32x768xf32, #tpu.memory_space<hbm>>
    %dma_start3A_1380 = arith.constant 0 : i32
    %dma_start3A_1381 = tpu.memref_slice %arg3[%dma_start3A_1376, %add3A_1375, %dma_start3A_1380] : memref<16x2048x768xf32, #tpu.memory_space<hbm>> -> memref<1x32x768xf32, #tpu.memory_space<hbm>>
    %dma_start3A_1382 = tpu.memref_squeeze %dma_start3A_1381 : memref<1x32x768xf32, #tpu.memory_space<hbm>> -> memref<32x768xf32, #tpu.memory_space<hbm>>
    tpu.enqueue_dma source(%arg5 : memref<32x768xf32, #tpu.memory_space<vmem>>) target(%dma_start3A_1382 : memref<32x768xf32, #tpu.memory_space<hbm>>) target_semaphore(%arg10 : memref<!tpu.dma_semaphore, #tpu.memory_space<semaphore_mem>>)
    %dma_wait3A_1383 = arith.constant 0 : i32
    %dma_wait3A_1384 = arith.constant 1 : i32
    %dma_wait3A_1385 = arith.constant 0 : i32
    %dma_wait3A_1386 = arith.constant 0 : i32
    %dma_wait3A_1387 = tpu.memref_slice %arg8[%dma_wait3A_1383, %dma_wait3A_1385, %dma_wait3A_1386] : memref<2x16x768xf32, #tpu.memory_space<vmem>> -> memref<1x16x768xf32, #tpu.memory_space<vmem>>
    %dma_wait3A_1388 = tpu.memref_squeeze %dma_wait3A_1387 : memref<1x16x768xf32, #tpu.memory_space<vmem>> -> memref<16x768xf32, #tpu.memory_space<vmem>>
    %dma_wait3A_1389 = arith.constant 0 : i32
    %dma_wait3A_1390 = tpu.memref_slice %arg3[%dma_wait3A_1384, %add3A_1331, %dma_wait3A_1389] : memref<16x2048x768xf32, #tpu.memory_space<hbm>> -> memref<1x16x768xf32, #tpu.memory_space<hbm>>
    %dma_wait3A_1391 = tpu.memref_squeeze %dma_wait3A_1390 : memref<1x16x768xf32, #tpu.memory_space<hbm>> -> memref<16x768xf32, #tpu.memory_space<hbm>>
    %dma_wait3A_1392 = arith.constant 0 : i32
    %dma_wait3A_1393 = tpu.memref_slice %arg3[%dma_wait3A_1384, %add3A_1331, %dma_wait3A_1392] : memref<16x2048x768xf32, #tpu.memory_space<hbm>> -> memref<1x16x768xf32, #tpu.memory_space<hbm>>
    %dma_wait3A_1394 = tpu.memref_squeeze %dma_wait3A_1393 : memref<1x16x768xf32, #tpu.memory_space<hbm>> -> memref<16x768xf32, #tpu.memory_space<hbm>>
    %dma_wait3A_1395 = arith.constant 0 : i32
    %dma_wait3A_1396 = arith.constant 0 : i32
    %dma_wait3A_1397 = tpu.memref_slice %arg8[%dma_wait3A_1383, %dma_wait3A_1395, %dma_wait3A_1396] : memref<2x16x768xf32, #tpu.memory_space<vmem>> -> memref<1x16x768xf32, #tpu.memory_space<vmem>>
    %dma_wait3A_1398 = tpu.memref_squeeze %dma_wait3A_1397 : memref<1x16x768xf32, #tpu.memory_space<vmem>> -> memref<16x768xf32, #tpu.memory_space<vmem>>
    tpu.wait_dma2 semaphore(%arg11 : memref<!tpu.dma_semaphore, #tpu.memory_space<semaphore_mem>>) src(%dma_wait3A_1398 : memref<16x768xf32, #tpu.memory_space<vmem>>) dst(%dma_wait3A_1394 : memref<16x768xf32, #tpu.memory_space<hbm>>)
    %parallel_loop3A_1399 = arith.constant 0 : i32
    %parallel_loop3A_1400 = arith.constant 48 : i32
    %parallel_loop3A_1401 = arith.constant 1 : i32
    %parallel_loop3A_1402 = arith.constant 0 : i32
    scf.for %parallel_loop3A_1505 = %parallel_loop3A_1399 to %parallel_loop3A_1400 step %parallel_loop3A_1401  : i32 {
      %parallel_loop3A_1506 = arith.constant 16 : i32
      %parallel_loop3A_1507 = arith.muli %parallel_loop3A_1505, %parallel_loop3A_1506 : i32
      %parallel_loop3A_1508 = arith.constant 1 : i32
      %parallel_loop3A_1509 = arith.index_cast %parallel_loop3A_1508 : i32 to index
      %parallel_loop3A_1510 = arith.index_cast %parallel_loop3A_1507 : i32 to index
      %parallel_loop3A_1511 = tpu.vector_load %arg7[%parallel_loop3A_1509, %parallel_loop3A_1510] {strides = array<i32>} : memref<4x768xf32, #tpu.memory_space<vmem>>, vector<1x16xf32>,
      %parallel_loop3A_1512 = vector.shape_cast %parallel_loop3A_1511 : vector<1x16xf32> to vector<16xf32>
      %parallel_loop3A_1513 = arith.constant 0 : i32
      %parallel_loop3A_1514 = arith.index_cast %parallel_loop3A_1513 : i32 to index
      %parallel_loop3A_1515 = arith.index_cast %parallel_loop3A_1507 : i32 to index
      %parallel_loop3A_1516 = tpu.vector_load %arg5[%parallel_loop3A_1514, %parallel_loop3A_1515] {strides = array<i32>} : memref<32x768xf32, #tpu.memory_space<vmem>>, vector<1x16xf32>,
      %parallel_loop3A_1517 = vector.shape_cast %parallel_loop3A_1516 : vector<1x16xf32> to vector<16xf32>
      %parallel_loop3A_1518 = arith.addf %parallel_loop3A_1517, %parallel_loop3A_1512 : vector<16xf32>
      %parallel_loop3A_1519 = arith.constant 0 : i32
      %parallel_loop3A_1520 = arith.constant 0 : i32
      %parallel_loop3A_1521 = arith.constant 0 : i32
      %parallel_loop3A_1522 = tpu.memref_slice %arg8[%parallel_loop3A_1402, %parallel_loop3A_1520, %parallel_loop3A_1521] : memref<2x16x768xf32, #tpu.memory_space<vmem>> -> memref<1x16x768xf32, #tpu.memory_space<vmem>>
      %parallel_loop3A_1523 = tpu.memref_squeeze %parallel_loop3A_1522 : memref<1x16x768xf32, #tpu.memory_space<vmem>> -> memref<16x768xf32, #tpu.memory_space<vmem>>
      %parallel_loop3A_1524 = arith.index_cast %parallel_loop3A_1519 : i32 to index
      %parallel_loop3A_1525 = arith.index_cast %parallel_loop3A_1507 : i32 to index
      %parallel_loop3A_1526 = tpu.vector_load %parallel_loop3A_1523[%parallel_loop3A_1524, %parallel_loop3A_1525] {strides = array<i32>} : memref<16x768xf32, #tpu.memory_space<vmem>>, vector<1x16xf32>,
      %parallel_loop3A_1527 = vector.shape_cast %parallel_loop3A_1526 : vector<1x16xf32> to vector<16xf32>
      %parallel_loop3A_1528 = vector.shape_cast %parallel_loop3A_1518 : vector<16xf32> to vector<1x16xf32>
      tpu.vector_store %parallel_loop3A_1523[%parallel_loop3A_1524, %parallel_loop3A_1525], %parallel_loop3A_1528 {strides = array<i32>} : memref<16x768xf32, #tpu.memory_space<vmem>>, vector<1x16xf32>,
      %parallel_loop3A_1529 = arith.constant 1 : i32
      %parallel_loop3A_1530 = arith.index_cast %parallel_loop3A_1529 : i32 to index
      %parallel_loop3A_1531 = arith.index_cast %parallel_loop3A_1507 : i32 to index
      %parallel_loop3A_1532 = tpu.vector_load %arg5[%parallel_loop3A_1530, %parallel_loop3A_1531] {strides = array<i32>} : memref<32x768xf32, #tpu.memory_space<vmem>>, vector<1x16xf32>,
      %parallel_loop3A_1533 = vector.shape_cast %parallel_loop3A_1532 : vector<1x16xf32> to vector<16xf32>
      %parallel_loop3A_1534 = arith.addf %parallel_loop3A_1533, %parallel_loop3A_1512 : vector<16xf32>
      %parallel_loop3A_1535 = arith.constant 1 : i32
      %parallel_loop3A_1536 = arith.constant 0 : i32
      %parallel_loop3A_1537 = arith.constant 0 : i32
      %parallel_loop3A_1538 = tpu.memref_slice %arg8[%parallel_loop3A_1402, %parallel_loop3A_1536, %parallel_loop3A_1537] : memref<2x16x768xf32, #tpu.memory_space<vmem>> -> memref<1x16x768xf32, #tpu.memory_space<vmem>>
      %parallel_loop3A_1539 = tpu.memref_squeeze %parallel_loop3A_1538 : memref<1x16x768xf32, #tpu.memory_space<vmem>> -> memref<16x768xf32, #tpu.memory_space<vmem>>
      %parallel_loop3A_1540 = arith.index_cast %parallel_loop3A_1535 : i32 to index
      %parallel_loop3A_1541 = arith.index_cast %parallel_loop3A_1507 : i32 to index
      %parallel_loop3A_1542 = tpu.vector_load %parallel_loop3A_1539[%parallel_loop3A_1540, %parallel_loop3A_1541] {strides = array<i32>} : memref<16x768xf32, #tpu.memory_space<vmem>>, vector<1x16xf32>,
      %parallel_loop3A_1543 = vector.shape_cast %parallel_loop3A_1542 : vector<1x16xf32> to vector<16xf32>
      %parallel_loop3A_1544 = vector.shape_cast %parallel_loop3A_1534 : vector<16xf32> to vector<1x16xf32>
      tpu.vector_store %parallel_loop3A_1539[%parallel_loop3A_1540, %parallel_loop3A_1541], %parallel_loop3A_1544 {strides = array<i32>} : memref<16x768xf32, #tpu.memory_space<vmem>>, vector<1x16xf32>,
      %parallel_loop3A_1545 = arith.constant 2 : i32
      %parallel_loop3A_1546 = arith.index_cast %parallel_loop3A_1545 : i32 to index
      %parallel_loop3A_1547 = arith.index_cast %parallel_loop3A_1507 : i32 to index
      %parallel_loop3A_1548 = tpu.vector_load %arg5[%parallel_loop3A_1546, %parallel_loop3A_1547] {strides = array<i32>} : memref<32x768xf32, #tpu.memory_space<vmem>>, vector<1x16xf32>,
      %parallel_loop3A_1549 = vector.shape_cast %parallel_loop3A_1548 : vector<1x16xf32> to vector<16xf32>
      %parallel_loop3A_1550 = arith.addf %parallel_loop3A_1549, %parallel_loop3A_1512 : vector<16xf32>
      %parallel_loop3A_1551 = arith.constant 2 : i32
      %parallel_loop3A_1552 = arith.constant 0 : i32
      %parallel_loop3A_1553 = arith.constant 0 : i32
      %parallel_loop3A_1554 = tpu.memref_slice %arg8[%parallel_loop3A_1402, %parallel_loop3A_1552, %parallel_loop3A_1553] : memref<2x16x768xf32, #tpu.memory_space<vmem>> -> memref<1x16x768xf32, #tpu.memory_space<vmem>>
      %parallel_loop3A_1555 = tpu.memref_squeeze %parallel_loop3A_1554 : memref<1x16x768xf32, #tpu.memory_space<vmem>> -> memref<16x768xf32, #tpu.memory_space<vmem>>
      %parallel_loop3A_1556 = arith.index_cast %parallel_loop3A_1551 : i32 to index
      %parallel_loop3A_1557 = arith.index_cast %parallel_loop3A_1507 : i32 to index
      %parallel_loop3A_1558 = tpu.vector_load %parallel_loop3A_1555[%parallel_loop3A_1556, %parallel_loop3A_1557] {strides = array<i32>} : memref<16x768xf32, #tpu.memory_space<vmem>>, vector<1x16xf32>,
      %parallel_loop3A_1559 = vector.shape_cast %parallel_loop3A_1558 : vector<1x16xf32> to vector<16xf32>
      %parallel_loop3A_1560 = vector.shape_cast %parallel_loop3A_1550 : vector<16xf32> to vector<1x16xf32>
      tpu.vector_store %parallel_loop3A_1555[%parallel_loop3A_1556, %parallel_loop3A_1557], %parallel_loop3A_1560 {strides = array<i32>} : memref<16x768xf32, #tpu.memory_space<vmem>>, vector<1x16xf32>,
      %parallel_loop3A_1561 = arith.constant 3 : i32
      %parallel_loop3A_1562 = arith.index_cast %parallel_loop3A_1561 : i32 to index
      %parallel_loop3A_1563 = arith.index_cast %parallel_loop3A_1507 : i32 to index
      %parallel_loop3A_1564 = tpu.vector_load %arg5[%parallel_loop3A_1562, %parallel_loop3A_1563] {strides = array<i32>} : memref<32x768xf32, #tpu.memory_space<vmem>>, vector<1x16xf32>,
      %parallel_loop3A_1565 = vector.shape_cast %parallel_loop3A_1564 : vector<1x16xf32> to vector<16xf32>
      %parallel_loop3A_1566 = arith.addf %parallel_loop3A_1565, %parallel_loop3A_1512 : vector<16xf32>
      %parallel_loop3A_1567 = arith.constant 3 : i32
      %parallel_loop3A_1568 = arith.constant 0 : i32
      %parallel_loop3A_1569 = arith.constant 0 : i32
      %parallel_loop3A_1570 = tpu.memref_slice %arg8[%parallel_loop3A_1402, %parallel_loop3A_1568, %parallel_loop3A_1569] : memref<2x16x768xf32, #tpu.memory_space<vmem>> -> memref<1x16x768xf32, #tpu.memory_space<vmem>>
      %parallel_loop3A_1571 = tpu.memref_squeeze %parallel_loop3A_1570 : memref<1x16x768xf32, #tpu.memory_space<vmem>> -> memref<16x768xf32, #tpu.memory_space<vmem>>
      %parallel_loop3A_1572 = arith.index_cast %parallel_loop3A_1567 : i32 to index
      %parallel_loop3A_1573 = arith.index_cast %parallel_loop3A_1507 : i32 to index
      %parallel_loop3A_1574 = tpu.vector_load %parallel_loop3A_1571[%parallel_loop3A_1572, %parallel_loop3A_1573] {strides = array<i32>} : memref<16x768xf32, #tpu.memory_space<vmem>>, vector<1x16xf32>,
      %parallel_loop3A_1575 = vector.shape_cast %parallel_loop3A_1574 : vector<1x16xf32> to vector<16xf32>
      %parallel_loop3A_1576 = vector.shape_cast %parallel_loop3A_1566 : vector<16xf32> to vector<1x16xf32>
      tpu.vector_store %parallel_loop3A_1571[%parallel_loop3A_1572, %parallel_loop3A_1573], %parallel_loop3A_1576 {strides = array<i32>} : memref<16x768xf32, #tpu.memory_space<vmem>>, vector<1x16xf32>,
      %parallel_loop3A_1577 = arith.constant 4 : i32
      %parallel_loop3A_1578 = arith.index_cast %parallel_loop3A_1577 : i32 to index
      %parallel_loop3A_1579 = arith.index_cast %parallel_loop3A_1507 : i32 to index
      %parallel_loop3A_1580 = tpu.vector_load %arg5[%parallel_loop3A_1578, %parallel_loop3A_1579] {strides = array<i32>} : memref<32x768xf32, #tpu.memory_space<vmem>>, vector<1x16xf32>,
      %parallel_loop3A_1581 = vector.shape_cast %parallel_loop3A_1580 : vector<1x16xf32> to vector<16xf32>
      %parallel_loop3A_1582 = arith.addf %parallel_loop3A_1581, %parallel_loop3A_1512 : vector<16xf32>
      %parallel_loop3A_1583 = arith.constant 4 : i32
      %parallel_loop3A_1584 = arith.constant 0 : i32
      %parallel_loop3A_1585 = arith.constant 0 : i32
      %parallel_loop3A_1586 = tpu.memref_slice %arg8[%parallel_loop3A_1402, %parallel_loop3A_1584, %parallel_loop3A_1585] : memref<2x16x768xf32, #tpu.memory_space<vmem>> -> memref<1x16x768xf32, #tpu.memory_space<vmem>>
      %parallel_loop3A_1587 = tpu.memref_squeeze %parallel_loop3A_1586 : memref<1x16x768xf32, #tpu.memory_space<vmem>> -> memref<16x768xf32, #tpu.memory_space<vmem>>
      %parallel_loop3A_1588 = arith.index_cast %parallel_loop3A_1583 : i32 to index
      %parallel_loop3A_1589 = arith.index_cast %parallel_loop3A_1507 : i32 to index
      %parallel_loop3A_1590 = tpu.vector_load %parallel_loop3A_1587[%parallel_loop3A_1588, %parallel_loop3A_1589] {strides = array<i32>} : memref<16x768xf32, #tpu.memory_space<vmem>>, vector<1x16xf32>,
      %parallel_loop3A_1591 = vector.shape_cast %parallel_loop3A_1590 : vector<1x16xf32> to vector<16xf32>
      %parallel_loop3A_1592 = vector.shape_cast %parallel_loop3A_1582 : vector<16xf32> to vector<1x16xf32>
      tpu.vector_store %parallel_loop3A_1587[%parallel_loop3A_1588, %parallel_loop3A_1589], %parallel_loop3A_1592 {strides = array<i32>} : memref<16x768xf32, #tpu.memory_space<vmem>>, vector<1x16xf32>,
      %parallel_loop3A_1593 = arith.constant 5 : i32
      %parallel_loop3A_1594 = arith.index_cast %parallel_loop3A_1593 : i32 to index
      %parallel_loop3A_1595 = arith.index_cast %parallel_loop3A_1507 : i32 to index
      %parallel_loop3A_1596 = tpu.vector_load %arg5[%parallel_loop3A_1594, %parallel_loop3A_1595] {strides = array<i32>} : memref<32x768xf32, #tpu.memory_space<vmem>>, vector<1x16xf32>,
      %parallel_loop3A_1597 = vector.shape_cast %parallel_loop3A_1596 : vector<1x16xf32> to vector<16xf32>
      %parallel_loop3A_1598 = arith.addf %parallel_loop3A_1597, %parallel_loop3A_1512 : vector<16xf32>
      %parallel_loop3A_1599 = arith.constant 5 : i32
      %parallel_loop3A_1600 = arith.constant 0 : i32
      %parallel_loop3A_1601 = arith.constant 0 : i32
      %parallel_loop3A_1602 = tpu.memref_slice %arg8[%parallel_loop3A_1402, %parallel_loop3A_1600, %parallel_loop3A_1601] : memref<2x16x768xf32, #tpu.memory_space<vmem>> -> memref<1x16x768xf32, #tpu.memory_space<vmem>>
      %parallel_loop3A_1603 = tpu.memref_squeeze %parallel_loop3A_1602 : memref<1x16x768xf32, #tpu.memory_space<vmem>> -> memref<16x768xf32, #tpu.memory_space<vmem>>
      %parallel_loop3A_1604 = arith.index_cast %parallel_loop3A_1599 : i32 to index
      %parallel_loop3A_1605 = arith.index_cast %parallel_loop3A_1507 : i32 to index
      %parallel_loop3A_1606 = tpu.vector_load %parallel_loop3A_1603[%parallel_loop3A_1604, %parallel_loop3A_1605] {strides = array<i32>} : memref<16x768xf32, #tpu.memory_space<vmem>>, vector<1x16xf32>,
      %parallel_loop3A_1607 = vector.shape_cast %parallel_loop3A_1606 : vector<1x16xf32> to vector<16xf32>
      %parallel_loop3A_1608 = vector.shape_cast %parallel_loop3A_1598 : vector<16xf32> to vector<1x16xf32>
      tpu.vector_store %parallel_loop3A_1603[%parallel_loop3A_1604, %parallel_loop3A_1605], %parallel_loop3A_1608 {strides = array<i32>} : memref<16x768xf32, #tpu.memory_space<vmem>>, vector<1x16xf32>,
      %parallel_loop3A_1609 = arith.constant 6 : i32
      %parallel_loop3A_1610 = arith.index_cast %parallel_loop3A_1609 : i32 to index
      %parallel_loop3A_1611 = arith.index_cast %parallel_loop3A_1507 : i32 to index
      %parallel_loop3A_1612 = tpu.vector_load %arg5[%parallel_loop3A_1610, %parallel_loop3A_1611] {strides = array<i32>} : memref<32x768xf32, #tpu.memory_space<vmem>>, vector<1x16xf32>,
      %parallel_loop3A_1613 = vector.shape_cast %parallel_loop3A_1612 : vector<1x16xf32> to vector<16xf32>
      %parallel_loop3A_1614 = arith.addf %parallel_loop3A_1613, %parallel_loop3A_1512 : vector<16xf32>
      %parallel_loop3A_1615 = arith.constant 6 : i32
      %parallel_loop3A_1616 = arith.constant 0 : i32
      %parallel_loop3A_1617 = arith.constant 0 : i32
      %parallel_loop3A_1618 = tpu.memref_slice %arg8[%parallel_loop3A_1402, %parallel_loop3A_1616, %parallel_loop3A_1617] : memref<2x16x768xf32, #tpu.memory_space<vmem>> -> memref<1x16x768xf32, #tpu.memory_space<vmem>>
      %parallel_loop3A_1619 = tpu.memref_squeeze %parallel_loop3A_1618 : memref<1x16x768xf32, #tpu.memory_space<vmem>> -> memref<16x768xf32, #tpu.memory_space<vmem>>
      %parallel_loop3A_1620 = arith.index_cast %parallel_loop3A_1615 : i32 to index
      %parallel_loop3A_1621 = arith.index_cast %parallel_loop3A_1507 : i32 to index
      %parallel_loop3A_1622 = tpu.vector_load %parallel_loop3A_1619[%parallel_loop3A_1620, %parallel_loop3A_1621] {strides = array<i32>} : memref<16x768xf32, #tpu.memory_space<vmem>>, vector<1x16xf32>,
      %parallel_loop3A_1623 = vector.shape_cast %parallel_loop3A_1622 : vector<1x16xf32> to vector<16xf32>
      %parallel_loop3A_1624 = vector.shape_cast %parallel_loop3A_1614 : vector<16xf32> to vector<1x16xf32>
      tpu.vector_store %parallel_loop3A_1619[%parallel_loop3A_1620, %parallel_loop3A_1621], %parallel_loop3A_1624 {strides = array<i32>} : memref<16x768xf32, #tpu.memory_space<vmem>>, vector<1x16xf32>,
      %parallel_loop3A_1625 = arith.constant 7 : i32
      %parallel_loop3A_1626 = arith.index_cast %parallel_loop3A_1625 : i32 to index
      %parallel_loop3A_1627 = arith.index_cast %parallel_loop3A_1507 : i32 to index
      %parallel_loop3A_1628 = tpu.vector_load %arg5[%parallel_loop3A_1626, %parallel_loop3A_1627] {strides = array<i32>} : memref<32x768xf32, #tpu.memory_space<vmem>>, vector<1x16xf32>,
      %parallel_loop3A_1629 = vector.shape_cast %parallel_loop3A_1628 : vector<1x16xf32> to vector<16xf32>
      %parallel_loop3A_1630 = arith.addf %parallel_loop3A_1629, %parallel_loop3A_1512 : vector<16xf32>
      %parallel_loop3A_1631 = arith.constant 7 : i32
      %parallel_loop3A_1632 = arith.constant 0 : i32
      %parallel_loop3A_1633 = arith.constant 0 : i32
      %parallel_loop3A_1634 = tpu.memref_slice %arg8[%parallel_loop3A_1402, %parallel_loop3A_1632, %parallel_loop3A_1633] : memref<2x16x768xf32, #tpu.memory_space<vmem>> -> memref<1x16x768xf32, #tpu.memory_space<vmem>>
      %parallel_loop3A_1635 = tpu.memref_squeeze %parallel_loop3A_1634 : memref<1x16x768xf32, #tpu.memory_space<vmem>> -> memref<16x768xf32, #tpu.memory_space<vmem>>
      %parallel_loop3A_1636 = arith.index_cast %parallel_loop3A_1631 : i32 to index
      %parallel_loop3A_1637 = arith.index_cast %parallel_loop3A_1507 : i32 to index
      %parallel_loop3A_1638 = tpu.vector_load %parallel_loop3A_1635[%parallel_loop3A_1636, %parallel_loop3A_1637] {strides = array<i32>} : memref<16x768xf32, #tpu.memory_space<vmem>>, vector<1x16xf32>,
      %parallel_loop3A_1639 = vector.shape_cast %parallel_loop3A_1638 : vector<1x16xf32> to vector<16xf32>
      %parallel_loop3A_1640 = vector.shape_cast %parallel_loop3A_1630 : vector<16xf32> to vector<1x16xf32>
      tpu.vector_store %parallel_loop3A_1635[%parallel_loop3A_1636, %parallel_loop3A_1637], %parallel_loop3A_1640 {strides = array<i32>} : memref<16x768xf32, #tpu.memory_space<vmem>>, vector<1x16xf32>,
      %parallel_loop3A_1641 = arith.constant 8 : i32
      %parallel_loop3A_1642 = arith.index_cast %parallel_loop3A_1641 : i32 to index
      %parallel_loop3A_1643 = arith.index_cast %parallel_loop3A_1507 : i32 to index
      %parallel_loop3A_1644 = tpu.vector_load %arg5[%parallel_loop3A_1642, %parallel_loop3A_1643] {strides = array<i32>} : memref<32x768xf32, #tpu.memory_space<vmem>>, vector<1x16xf32>,
      %parallel_loop3A_1645 = vector.shape_cast %parallel_loop3A_1644 : vector<1x16xf32> to vector<16xf32>
      %parallel_loop3A_1646 = arith.addf %parallel_loop3A_1645, %parallel_loop3A_1512 : vector<16xf32>
      %parallel_loop3A_1647 = arith.constant 8 : i32
      %parallel_loop3A_1648 = arith.constant 0 : i32
      %parallel_loop3A_1649 = arith.constant 0 : i32
      %parallel_loop3A_1650 = tpu.memref_slice %arg8[%parallel_loop3A_1402, %parallel_loop3A_1648, %parallel_loop3A_1649] : memref<2x16x768xf32, #tpu.memory_space<vmem>> -> memref<1x16x768xf32, #tpu.memory_space<vmem>>
      %parallel_loop3A_1651 = tpu.memref_squeeze %parallel_loop3A_1650 : memref<1x16x768xf32, #tpu.memory_space<vmem>> -> memref<16x768xf32, #tpu.memory_space<vmem>>
      %parallel_loop3A_1652 = arith.index_cast %parallel_loop3A_1647 : i32 to index
      %parallel_loop3A_1653 = arith.index_cast %parallel_loop3A_1507 : i32 to index
      %parallel_loop3A_1654 = tpu.vector_load %parallel_loop3A_1651[%parallel_loop3A_1652, %parallel_loop3A_1653] {strides = array<i32>} : memref<16x768xf32, #tpu.memory_space<vmem>>, vector<1x16xf32>,
      %parallel_loop3A_1655 = vector.shape_cast %parallel_loop3A_1654 : vector<1x16xf32> to vector<16xf32>
      %parallel_loop3A_1656 = vector.shape_cast %parallel_loop3A_1646 : vector<16xf32> to vector<1x16xf32>
      tpu.vector_store %parallel_loop3A_1651[%parallel_loop3A_1652, %parallel_loop3A_1653], %parallel_loop3A_1656 {strides = array<i32>} : memref<16x768xf32, #tpu.memory_space<vmem>>, vector<1x16xf32>,
      %parallel_loop3A_1657 = arith.constant 9 : i32
      %parallel_loop3A_1658 = arith.index_cast %parallel_loop3A_1657 : i32 to index
      %parallel_loop3A_1659 = arith.index_cast %parallel_loop3A_1507 : i32 to index
      %parallel_loop3A_1660 = tpu.vector_load %arg5[%parallel_loop3A_1658, %parallel_loop3A_1659] {strides = array<i32>} : memref<32x768xf32, #tpu.memory_space<vmem>>, vector<1x16xf32>,
      %parallel_loop3A_1661 = vector.shape_cast %parallel_loop3A_1660 : vector<1x16xf32> to vector<16xf32>
      %parallel_loop3A_1662 = arith.addf %parallel_loop3A_1661, %parallel_loop3A_1512 : vector<16xf32>
      %parallel_loop3A_1663 = arith.constant 9 : i32
      %parallel_loop3A_1664 = arith.constant 0 : i32
      %parallel_loop3A_1665 = arith.constant 0 : i32
      %parallel_loop3A_1666 = tpu.memref_slice %arg8[%parallel_loop3A_1402, %parallel_loop3A_1664, %parallel_loop3A_1665] : memref<2x16x768xf32, #tpu.memory_space<vmem>> -> memref<1x16x768xf32, #tpu.memory_space<vmem>>
      %parallel_loop3A_1667 = tpu.memref_squeeze %parallel_loop3A_1666 : memref<1x16x768xf32, #tpu.memory_space<vmem>> -> memref<16x768xf32, #tpu.memory_space<vmem>>
      %parallel_loop3A_1668 = arith.index_cast %parallel_loop3A_1663 : i32 to index
      %parallel_loop3A_1669 = arith.index_cast %parallel_loop3A_1507 : i32 to index
      %parallel_loop3A_1670 = tpu.vector_load %parallel_loop3A_1667[%parallel_loop3A_1668, %parallel_loop3A_1669] {strides = array<i32>} : memref<16x768xf32, #tpu.memory_space<vmem>>, vector<1x16xf32>,
      %parallel_loop3A_1671 = vector.shape_cast %parallel_loop3A_1670 : vector<1x16xf32> to vector<16xf32>
      %parallel_loop3A_1672 = vector.shape_cast %parallel_loop3A_1662 : vector<16xf32> to vector<1x16xf32>
      tpu.vector_store %parallel_loop3A_1667[%parallel_loop3A_1668, %parallel_loop3A_1669], %parallel_loop3A_1672 {strides = array<i32>} : memref<16x768xf32, #tpu.memory_space<vmem>>, vector<1x16xf32>,
      %parallel_loop3A_1673 = arith.constant 10 : i32
      %parallel_loop3A_1674 = arith.index_cast %parallel_loop3A_1673 : i32 to index
      %parallel_loop3A_1675 = arith.index_cast %parallel_loop3A_1507 : i32 to index
      %parallel_loop3A_1676 = tpu.vector_load %arg5[%parallel_loop3A_1674, %parallel_loop3A_1675] {strides = array<i32>} : memref<32x768xf32, #tpu.memory_space<vmem>>, vector<1x16xf32>,
      %parallel_loop3A_1677 = vector.shape_cast %parallel_loop3A_1676 : vector<1x16xf32> to vector<16xf32>
      %parallel_loop3A_1678 = arith.addf %parallel_loop3A_1677, %parallel_loop3A_1512 : vector<16xf32>
      %parallel_loop3A_1679 = arith.constant 10 : i32
      %parallel_loop3A_1680 = arith.constant 0 : i32
      %parallel_loop3A_1681 = arith.constant 0 : i32
      %parallel_loop3A_1682 = tpu.memref_slice %arg8[%parallel_loop3A_1402, %parallel_loop3A_1680, %parallel_loop3A_1681] : memref<2x16x768xf32, #tpu.memory_space<vmem>> -> memref<1x16x768xf32, #tpu.memory_space<vmem>>
      %parallel_loop3A_1683 = tpu.memref_squeeze %parallel_loop3A_1682 : memref<1x16x768xf32, #tpu.memory_space<vmem>> -> memref<16x768xf32, #tpu.memory_space<vmem>>
      %parallel_loop3A_1684 = arith.index_cast %parallel_loop3A_1679 : i32 to index
      %parallel_loop3A_1685 = arith.index_cast %parallel_loop3A_1507 : i32 to index
      %parallel_loop3A_1686 = tpu.vector_load %parallel_loop3A_1683[%parallel_loop3A_1684, %parallel_loop3A_1685] {strides = array<i32>} : memref<16x768xf32, #tpu.memory_space<vmem>>, vector<1x16xf32>,
      %parallel_loop3A_1687 = vector.shape_cast %parallel_loop3A_1686 : vector<1x16xf32> to vector<16xf32>
      %parallel_loop3A_1688 = vector.shape_cast %parallel_loop3A_1678 : vector<16xf32> to vector<1x16xf32>
      tpu.vector_store %parallel_loop3A_1683[%parallel_loop3A_1684, %parallel_loop3A_1685], %parallel_loop3A_1688 {strides = array<i32>} : memref<16x768xf32, #tpu.memory_space<vmem>>, vector<1x16xf32>,
      %parallel_loop3A_1689 = arith.constant 11 : i32
      %parallel_loop3A_1690 = arith.index_cast %parallel_loop3A_1689 : i32 to index
      %parallel_loop3A_1691 = arith.index_cast %parallel_loop3A_1507 : i32 to index
      %parallel_loop3A_1692 = tpu.vector_load %arg5[%parallel_loop3A_1690, %parallel_loop3A_1691] {strides = array<i32>} : memref<32x768xf32, #tpu.memory_space<vmem>>, vector<1x16xf32>,
      %parallel_loop3A_1693 = vector.shape_cast %parallel_loop3A_1692 : vector<1x16xf32> to vector<16xf32>
      %parallel_loop3A_1694 = arith.addf %parallel_loop3A_1693, %parallel_loop3A_1512 : vector<16xf32>
      %parallel_loop3A_1695 = arith.constant 11 : i32
      %parallel_loop3A_1696 = arith.constant 0 : i32
      %parallel_loop3A_1697 = arith.constant 0 : i32
      %parallel_loop3A_1698 = tpu.memref_slice %arg8[%parallel_loop3A_1402, %parallel_loop3A_1696, %parallel_loop3A_1697] : memref<2x16x768xf32, #tpu.memory_space<vmem>> -> memref<1x16x768xf32, #tpu.memory_space<vmem>>
      %parallel_loop3A_1699 = tpu.memref_squeeze %parallel_loop3A_1698 : memref<1x16x768xf32, #tpu.memory_space<vmem>> -> memref<16x768xf32, #tpu.memory_space<vmem>>
      %parallel_loop3A_1700 = arith.index_cast %parallel_loop3A_1695 : i32 to index
      %parallel_loop3A_1701 = arith.index_cast %parallel_loop3A_1507 : i32 to index
      %parallel_loop3A_1702 = tpu.vector_load %parallel_loop3A_1699[%parallel_loop3A_1700, %parallel_loop3A_1701] {strides = array<i32>} : memref<16x768xf32, #tpu.memory_space<vmem>>, vector<1x16xf32>,
      %parallel_loop3A_1703 = vector.shape_cast %parallel_loop3A_1702 : vector<1x16xf32> to vector<16xf32>
      %parallel_loop3A_1704 = vector.shape_cast %parallel_loop3A_1694 : vector<16xf32> to vector<1x16xf32>
      tpu.vector_store %parallel_loop3A_1699[%parallel_loop3A_1700, %parallel_loop3A_1701], %parallel_loop3A_1704 {strides = array<i32>} : memref<16x768xf32, #tpu.memory_space<vmem>>, vector<1x16xf32>,
      %parallel_loop3A_1705 = arith.constant 12 : i32
      %parallel_loop3A_1706 = arith.index_cast %parallel_loop3A_1705 : i32 to index
      %parallel_loop3A_1707 = arith.index_cast %parallel_loop3A_1507 : i32 to index
      %parallel_loop3A_1708 = tpu.vector_load %arg5[%parallel_loop3A_1706, %parallel_loop3A_1707] {strides = array<i32>} : memref<32x768xf32, #tpu.memory_space<vmem>>, vector<1x16xf32>,
      %parallel_loop3A_1709 = vector.shape_cast %parallel_loop3A_1708 : vector<1x16xf32> to vector<16xf32>
      %parallel_loop3A_1710 = arith.addf %parallel_loop3A_1709, %parallel_loop3A_1512 : vector<16xf32>
      %parallel_loop3A_1711 = arith.constant 12 : i32
      %parallel_loop3A_1712 = arith.constant 0 : i32
      %parallel_loop3A_1713 = arith.constant 0 : i32
      %parallel_loop3A_1714 = tpu.memref_slice %arg8[%parallel_loop3A_1402, %parallel_loop3A_1712, %parallel_loop3A_1713] : memref<2x16x768xf32, #tpu.memory_space<vmem>> -> memref<1x16x768xf32, #tpu.memory_space<vmem>>
      %parallel_loop3A_1715 = tpu.memref_squeeze %parallel_loop3A_1714 : memref<1x16x768xf32, #tpu.memory_space<vmem>> -> memref<16x768xf32, #tpu.memory_space<vmem>>
      %parallel_loop3A_1716 = arith.index_cast %parallel_loop3A_1711 : i32 to index
      %parallel_loop3A_1717 = arith.index_cast %parallel_loop3A_1507 : i32 to index
      %parallel_loop3A_1718 = tpu.vector_load %parallel_loop3A_1715[%parallel_loop3A_1716, %parallel_loop3A_1717] {strides = array<i32>} : memref<16x768xf32, #tpu.memory_space<vmem>>, vector<1x16xf32>,
      %parallel_loop3A_1719 = vector.shape_cast %parallel_loop3A_1718 : vector<1x16xf32> to vector<16xf32>
      %parallel_loop3A_1720 = vector.shape_cast %parallel_loop3A_1710 : vector<16xf32> to vector<1x16xf32>
      tpu.vector_store %parallel_loop3A_1715[%parallel_loop3A_1716, %parallel_loop3A_1717], %parallel_loop3A_1720 {strides = array<i32>} : memref<16x768xf32, #tpu.memory_space<vmem>>, vector<1x16xf32>,
      %parallel_loop3A_1721 = arith.constant 13 : i32
      %parallel_loop3A_1722 = arith.index_cast %parallel_loop3A_1721 : i32 to index
      %parallel_loop3A_1723 = arith.index_cast %parallel_loop3A_1507 : i32 to index
      %parallel_loop3A_1724 = tpu.vector_load %arg5[%parallel_loop3A_1722, %parallel_loop3A_1723] {strides = array<i32>} : memref<32x768xf32, #tpu.memory_space<vmem>>, vector<1x16xf32>,
      %parallel_loop3A_1725 = vector.shape_cast %parallel_loop3A_1724 : vector<1x16xf32> to vector<16xf32>
      %parallel_loop3A_1726 = arith.addf %parallel_loop3A_1725, %parallel_loop3A_1512 : vector<16xf32>
      %parallel_loop3A_1727 = arith.constant 13 : i32
      %parallel_loop3A_1728 = arith.constant 0 : i32
      %parallel_loop3A_1729 = arith.constant 0 : i32
      %parallel_loop3A_1730 = tpu.memref_slice %arg8[%parallel_loop3A_1402, %parallel_loop3A_1728, %parallel_loop3A_1729] : memref<2x16x768xf32, #tpu.memory_space<vmem>> -> memref<1x16x768xf32, #tpu.memory_space<vmem>>
      %parallel_loop3A_1731 = tpu.memref_squeeze %parallel_loop3A_1730 : memref<1x16x768xf32, #tpu.memory_space<vmem>> -> memref<16x768xf32, #tpu.memory_space<vmem>>
      %parallel_loop3A_1732 = arith.index_cast %parallel_loop3A_1727 : i32 to index
      %parallel_loop3A_1733 = arith.index_cast %parallel_loop3A_1507 : i32 to index
      %parallel_loop3A_1734 = tpu.vector_load %parallel_loop3A_1731[%parallel_loop3A_1732, %parallel_loop3A_1733] {strides = array<i32>} : memref<16x768xf32, #tpu.memory_space<vmem>>, vector<1x16xf32>,
      %parallel_loop3A_1735 = vector.shape_cast %parallel_loop3A_1734 : vector<1x16xf32> to vector<16xf32>
      %parallel_loop3A_1736 = vector.shape_cast %parallel_loop3A_1726 : vector<16xf32> to vector<1x16xf32>
      tpu.vector_store %parallel_loop3A_1731[%parallel_loop3A_1732, %parallel_loop3A_1733], %parallel_loop3A_1736 {strides = array<i32>} : memref<16x768xf32, #tpu.memory_space<vmem>>, vector<1x16xf32>,
      %parallel_loop3A_1737 = arith.constant 14 : i32
      %parallel_loop3A_1738 = arith.index_cast %parallel_loop3A_1737 : i32 to index
      %parallel_loop3A_1739 = arith.index_cast %parallel_loop3A_1507 : i32 to index
      %parallel_loop3A_1740 = tpu.vector_load %arg5[%parallel_loop3A_1738, %parallel_loop3A_1739] {strides = array<i32>} : memref<32x768xf32, #tpu.memory_space<vmem>>, vector<1x16xf32>,
      %parallel_loop3A_1741 = vector.shape_cast %parallel_loop3A_1740 : vector<1x16xf32> to vector<16xf32>
      %parallel_loop3A_1742 = arith.addf %parallel_loop3A_1741, %parallel_loop3A_1512 : vector<16xf32>
      %parallel_loop3A_1743 = arith.constant 14 : i32
      %parallel_loop3A_1744 = arith.constant 0 : i32
      %parallel_loop3A_1745 = arith.constant 0 : i32
      %parallel_loop3A_1746 = tpu.memref_slice %arg8[%parallel_loop3A_1402, %parallel_loop3A_1744, %parallel_loop3A_1745] : memref<2x16x768xf32, #tpu.memory_space<vmem>> -> memref<1x16x768xf32, #tpu.memory_space<vmem>>
      %parallel_loop3A_1747 = tpu.memref_squeeze %parallel_loop3A_1746 : memref<1x16x768xf32, #tpu.memory_space<vmem>> -> memref<16x768xf32, #tpu.memory_space<vmem>>
      %parallel_loop3A_1748 = arith.index_cast %parallel_loop3A_1743 : i32 to index
      %parallel_loop3A_1749 = arith.index_cast %parallel_loop3A_1507 : i32 to index
      %parallel_loop3A_1750 = tpu.vector_load %parallel_loop3A_1747[%parallel_loop3A_1748, %parallel_loop3A_1749] {strides = array<i32>} : memref<16x768xf32, #tpu.memory_space<vmem>>, vector<1x16xf32>,
      %parallel_loop3A_1751 = vector.shape_cast %parallel_loop3A_1750 : vector<1x16xf32> to vector<16xf32>
      %parallel_loop3A_1752 = vector.shape_cast %parallel_loop3A_1742 : vector<16xf32> to vector<1x16xf32>
      tpu.vector_store %parallel_loop3A_1747[%parallel_loop3A_1748, %parallel_loop3A_1749], %parallel_loop3A_1752 {strides = array<i32>} : memref<16x768xf32, #tpu.memory_space<vmem>>, vector<1x16xf32>,
      %parallel_loop3A_1753 = arith.constant 15 : i32
      %parallel_loop3A_1754 = arith.index_cast %parallel_loop3A_1753 : i32 to index
      %parallel_loop3A_1755 = arith.index_cast %parallel_loop3A_1507 : i32 to index
      %parallel_loop3A_1756 = tpu.vector_load %arg5[%parallel_loop3A_1754, %parallel_loop3A_1755] {strides = array<i32>} : memref<32x768xf32, #tpu.memory_space<vmem>>, vector<1x16xf32>,
      %parallel_loop3A_1757 = vector.shape_cast %parallel_loop3A_1756 : vector<1x16xf32> to vector<16xf32>
      %parallel_loop3A_1758 = arith.addf %parallel_loop3A_1757, %parallel_loop3A_1512 : vector<16xf32>
      %parallel_loop3A_1759 = arith.constant 15 : i32
      %parallel_loop3A_1760 = arith.constant 0 : i32
      %parallel_loop3A_1761 = arith.constant 0 : i32
      %parallel_loop3A_1762 = tpu.memref_slice %arg8[%parallel_loop3A_1402, %parallel_loop3A_1760, %parallel_loop3A_1761] : memref<2x16x768xf32, #tpu.memory_space<vmem>> -> memref<1x16x768xf32, #tpu.memory_space<vmem>>
      %parallel_loop3A_1763 = tpu.memref_squeeze %parallel_loop3A_1762 : memref<1x16x768xf32, #tpu.memory_space<vmem>> -> memref<16x768xf32, #tpu.memory_space<vmem>>
      %parallel_loop3A_1764 = arith.index_cast %parallel_loop3A_1759 : i32 to index
      %parallel_loop3A_1765 = arith.index_cast %parallel_loop3A_1507 : i32 to index
      %parallel_loop3A_1766 = tpu.vector_load %parallel_loop3A_1763[%parallel_loop3A_1764, %parallel_loop3A_1765] {strides = array<i32>} : memref<16x768xf32, #tpu.memory_space<vmem>>, vector<1x16xf32>,
      %parallel_loop3A_1767 = vector.shape_cast %parallel_loop3A_1766 : vector<1x16xf32> to vector<16xf32>
      %parallel_loop3A_1768 = vector.shape_cast %parallel_loop3A_1758 : vector<16xf32> to vector<1x16xf32>
      tpu.vector_store %parallel_loop3A_1763[%parallel_loop3A_1764, %parallel_loop3A_1765], %parallel_loop3A_1768 {strides = array<i32>} : memref<16x768xf32, #tpu.memory_space<vmem>>, vector<1x16xf32>,
    } {sc.loop_unroll_factor = 1 : i64, sc.parallel_access}
    %add3A_1403 = arith.constant 32 : i32
    %add3A_1404 = arith.addi %mul3A_2, %add3A_1403 : i32
    %dma_start3A_1405 = arith.constant 0 : i32
    %dma_start3A_1406 = arith.constant 1 : i32
    %dma_start3A_1407 = arith.constant 0 : i32
    %dma_start3A_1408 = arith.constant 0 : i32
    %dma_start3A_1409 = tpu.memref_slice %arg8[%dma_start3A_1405, %dma_start3A_1407, %dma_start3A_1408] : memref<2x16x768xf32, #tpu.memory_space<vmem>> -> memref<1x16x768xf32, #tpu.memory_space<vmem>>
    %dma_start3A_1410 = tpu.memref_squeeze %dma_start3A_1409 : memref<1x16x768xf32, #tpu.memory_space<vmem>> -> memref<16x768xf32, #tpu.memory_space<vmem>>
    %dma_start3A_1411 = arith.constant 0 : i32
    %dma_start3A_1412 = tpu.memref_slice %arg3[%dma_start3A_1406, %add3A_1404, %dma_start3A_1411] : memref<16x2048x768xf32, #tpu.memory_space<hbm>> -> memref<1x16x768xf32, #tpu.memory_space<hbm>>
    %dma_start3A_1413 = tpu.memref_squeeze %dma_start3A_1412 : memref<1x16x768xf32, #tpu.memory_space<hbm>> -> memref<16x768xf32, #tpu.memory_space<hbm>>
    %dma_start3A_1414 = arith.constant 0 : i32
    %dma_start3A_1415 = tpu.memref_slice %arg3[%dma_start3A_1406, %add3A_1404, %dma_start3A_1414] : memref<16x2048x768xf32, #tpu.memory_space<hbm>> -> memref<1x16x768xf32, #tpu.memory_space<hbm>>
    %dma_start3A_1416 = tpu.memref_squeeze %dma_start3A_1415 : memref<1x16x768xf32, #tpu.memory_space<hbm>> -> memref<16x768xf32, #tpu.memory_space<hbm>>
    %dma_start3A_1417 = arith.constant 0 : i32
    %dma_start3A_1418 = arith.constant 0 : i32
    %dma_start3A_1419 = tpu.memref_slice %arg8[%dma_start3A_1405, %dma_start3A_1417, %dma_start3A_1418] : memref<2x16x768xf32, #tpu.memory_space<vmem>> -> memref<1x16x768xf32, #tpu.memory_space<vmem>>
    %dma_start3A_1420 = tpu.memref_squeeze %dma_start3A_1419 : memref<1x16x768xf32, #tpu.memory_space<vmem>> -> memref<16x768xf32, #tpu.memory_space<vmem>>
    tpu.enqueue_dma source(%dma_start3A_1420 : memref<16x768xf32, #tpu.memory_space<vmem>>) target(%dma_start3A_1416 : memref<16x768xf32, #tpu.memory_space<hbm>>) target_semaphore(%arg11 : memref<!tpu.dma_semaphore, #tpu.memory_space<semaphore_mem>>)
    %dma_wait3A_1421 = arith.constant 1 : i32
    %dma_wait3A_1422 = arith.constant 1 : i32
    %dma_wait3A_1423 = arith.constant 0 : i32
    %dma_wait3A_1424 = arith.constant 0 : i32
    %dma_wait3A_1425 = tpu.memref_slice %arg8[%dma_wait3A_1421, %dma_wait3A_1423, %dma_wait3A_1424] : memref<2x16x768xf32, #tpu.memory_space<vmem>> -> memref<1x16x768xf32, #tpu.memory_space<vmem>>
    %dma_wait3A_1426 = tpu.memref_squeeze %dma_wait3A_1425 : memref<1x16x768xf32, #tpu.memory_space<vmem>> -> memref<16x768xf32, #tpu.memory_space<vmem>>
    %dma_wait3A_1427 = arith.constant 0 : i32
    %dma_wait3A_1428 = tpu.memref_slice %arg3[%dma_wait3A_1422, %add3A_1353, %dma_wait3A_1427] : memref<16x2048x768xf32, #tpu.memory_space<hbm>> -> memref<1x16x768xf32, #tpu.memory_space<hbm>>
    %dma_wait3A_1429 = tpu.memref_squeeze %dma_wait3A_1428 : memref<1x16x768xf32, #tpu.memory_space<hbm>> -> memref<16x768xf32, #tpu.memory_space<hbm>>
    %dma_wait3A_1430 = arith.constant 0 : i32
    %dma_wait3A_1431 = tpu.memref_slice %arg3[%dma_wait3A_1422, %add3A_1353, %dma_wait3A_1430] : memref<16x2048x768xf32, #tpu.memory_space<hbm>> -> memref<1x16x768xf32, #tpu.memory_space<hbm>>
    %dma_wait3A_1432 = tpu.memref_squeeze %dma_wait3A_1431 : memref<1x16x768xf32, #tpu.memory_space<hbm>> -> memref<16x768xf32, #tpu.memory_space<hbm>>
    %dma_wait3A_1433 = arith.constant 0 : i32
    %dma_wait3A_1434 = arith.constant 0 : i32
    %dma_wait3A_1435 = tpu.memref_slice %arg8[%dma_wait3A_1421, %dma_wait3A_1433, %dma_wait3A_1434] : memref<2x16x768xf32, #tpu.memory_space<vmem>> -> memref<1x16x768xf32, #tpu.memory_space<vmem>>
    %dma_wait3A_1436 = tpu.memref_squeeze %dma_wait3A_1435 : memref<1x16x768xf32, #tpu.memory_space<vmem>> -> memref<16x768xf32, #tpu.memory_space<vmem>>
    tpu.wait_dma2 semaphore(%arg12 : memref<!tpu.dma_semaphore, #tpu.memory_space<semaphore_mem>>) src(%dma_wait3A_1436 : memref<16x768xf32, #tpu.memory_space<vmem>>) dst(%dma_wait3A_1432 : memref<16x768xf32, #tpu.memory_space<hbm>>)
    %parallel_loop3A_1437 = arith.constant 0 : i32
    %parallel_loop3A_1438 = arith.constant 48 : i32
    %parallel_loop3A_1439 = arith.constant 1 : i32
    %parallel_loop3A_1440 = arith.constant 1 : i32
    scf.for %parallel_loop3A_1505 = %parallel_loop3A_1437 to %parallel_loop3A_1438 step %parallel_loop3A_1439  : i32 {
      %parallel_loop3A_1506 = arith.constant 16 : i32
      %parallel_loop3A_1507 = arith.muli %parallel_loop3A_1505, %parallel_loop3A_1506 : i32
      %parallel_loop3A_1508 = arith.constant 1 : i32
      %parallel_loop3A_1509 = arith.index_cast %parallel_loop3A_1508 : i32 to index
      %parallel_loop3A_1510 = arith.index_cast %parallel_loop3A_1507 : i32 to index
      %parallel_loop3A_1511 = tpu.vector_load %arg7[%parallel_loop3A_1509, %parallel_loop3A_1510] {strides = array<i32>} : memref<4x768xf32, #tpu.memory_space<vmem>>, vector<1x16xf32>,
      %parallel_loop3A_1512 = vector.shape_cast %parallel_loop3A_1511 : vector<1x16xf32> to vector<16xf32>
      %parallel_loop3A_1513 = arith.constant 16 : i32
      %parallel_loop3A_1514 = arith.index_cast %parallel_loop3A_1513 : i32 to index
      %parallel_loop3A_1515 = arith.index_cast %parallel_loop3A_1507 : i32 to index
      %parallel_loop3A_1516 = tpu.vector_load %arg5[%parallel_loop3A_1514, %parallel_loop3A_1515] {strides = array<i32>} : memref<32x768xf32, #tpu.memory_space<vmem>>, vector<1x16xf32>,
      %parallel_loop3A_1517 = vector.shape_cast %parallel_loop3A_1516 : vector<1x16xf32> to vector<16xf32>
      %parallel_loop3A_1518 = arith.addf %parallel_loop3A_1517, %parallel_loop3A_1512 : vector<16xf32>
      %parallel_loop3A_1519 = arith.constant 0 : i32
      %parallel_loop3A_1520 = arith.constant 0 : i32
      %parallel_loop3A_1521 = arith.constant 0 : i32
      %parallel_loop3A_1522 = tpu.memref_slice %arg8[%parallel_loop3A_1440, %parallel_loop3A_1520, %parallel_loop3A_1521] : memref<2x16x768xf32, #tpu.memory_space<vmem>> -> memref<1x16x768xf32, #tpu.memory_space<vmem>>
      %parallel_loop3A_1523 = tpu.memref_squeeze %parallel_loop3A_1522 : memref<1x16x768xf32, #tpu.memory_space<vmem>> -> memref<16x768xf32, #tpu.memory_space<vmem>>
      %parallel_loop3A_1524 = arith.index_cast %parallel_loop3A_1519 : i32 to index
      %parallel_loop3A_1525 = arith.index_cast %parallel_loop3A_1507 : i32 to index
      %parallel_loop3A_1526 = tpu.vector_load %parallel_loop3A_1523[%parallel_loop3A_1524, %parallel_loop3A_1525] {strides = array<i32>} : memref<16x768xf32, #tpu.memory_space<vmem>>, vector<1x16xf32>,
      %parallel_loop3A_1527 = vector.shape_cast %parallel_loop3A_1526 : vector<1x16xf32> to vector<16xf32>
      %parallel_loop3A_1528 = vector.shape_cast %parallel_loop3A_1518 : vector<16xf32> to vector<1x16xf32>
      tpu.vector_store %parallel_loop3A_1523[%parallel_loop3A_1524, %parallel_loop3A_1525], %parallel_loop3A_1528 {strides = array<i32>} : memref<16x768xf32, #tpu.memory_space<vmem>>, vector<1x16xf32>,
      %parallel_loop3A_1529 = arith.constant 17 : i32
      %parallel_loop3A_1530 = arith.index_cast %parallel_loop3A_1529 : i32 to index
      %parallel_loop3A_1531 = arith.index_cast %parallel_loop3A_1507 : i32 to index
      %parallel_loop3A_1532 = tpu.vector_load %arg5[%parallel_loop3A_1530, %parallel_loop3A_1531] {strides = array<i32>} : memref<32x768xf32, #tpu.memory_space<vmem>>, vector<1x16xf32>,
      %parallel_loop3A_1533 = vector.shape_cast %parallel_loop3A_1532 : vector<1x16xf32> to vector<16xf32>
      %parallel_loop3A_1534 = arith.addf %parallel_loop3A_1533, %parallel_loop3A_1512 : vector<16xf32>
      %parallel_loop3A_1535 = arith.constant 1 : i32
      %parallel_loop3A_1536 = arith.constant 0 : i32
      %parallel_loop3A_1537 = arith.constant 0 : i32
      %parallel_loop3A_1538 = tpu.memref_slice %arg8[%parallel_loop3A_1440, %parallel_loop3A_1536, %parallel_loop3A_1537] : memref<2x16x768xf32, #tpu.memory_space<vmem>> -> memref<1x16x768xf32, #tpu.memory_space<vmem>>
      %parallel_loop3A_1539 = tpu.memref_squeeze %parallel_loop3A_1538 : memref<1x16x768xf32, #tpu.memory_space<vmem>> -> memref<16x768xf32, #tpu.memory_space<vmem>>
      %parallel_loop3A_1540 = arith.index_cast %parallel_loop3A_1535 : i32 to index
      %parallel_loop3A_1541 = arith.index_cast %parallel_loop3A_1507 : i32 to index
      %parallel_loop3A_1542 = tpu.vector_load %parallel_loop3A_1539[%parallel_loop3A_1540, %parallel_loop3A_1541] {strides = array<i32>} : memref<16x768xf32, #tpu.memory_space<vmem>>, vector<1x16xf32>,
      %parallel_loop3A_1543 = vector.shape_cast %parallel_loop3A_1542 : vector<1x16xf32> to vector<16xf32>
      %parallel_loop3A_1544 = vector.shape_cast %parallel_loop3A_1534 : vector<16xf32> to vector<1x16xf32>
      tpu.vector_store %parallel_loop3A_1539[%parallel_loop3A_1540, %parallel_loop3A_1541], %parallel_loop3A_1544 {strides = array<i32>} : memref<16x768xf32, #tpu.memory_space<vmem>>, vector<1x16xf32>,
      %parallel_loop3A_1545 = arith.constant 18 : i32
      %parallel_loop3A_1546 = arith.index_cast %parallel_loop3A_1545 : i32 to index
      %parallel_loop3A_1547 = arith.index_cast %parallel_loop3A_1507 : i32 to index
      %parallel_loop3A_1548 = tpu.vector_load %arg5[%parallel_loop3A_1546, %parallel_loop3A_1547] {strides = array<i32>} : memref<32x768xf32, #tpu.memory_space<vmem>>, vector<1x16xf32>,
      %parallel_loop3A_1549 = vector.shape_cast %parallel_loop3A_1548 : vector<1x16xf32> to vector<16xf32>
      %parallel_loop3A_1550 = arith.addf %parallel_loop3A_1549, %parallel_loop3A_1512 : vector<16xf32>
      %parallel_loop3A_1551 = arith.constant 2 : i32
      %parallel_loop3A_1552 = arith.constant 0 : i32
      %parallel_loop3A_1553 = arith.constant 0 : i32
      %parallel_loop3A_1554 = tpu.memref_slice %arg8[%parallel_loop3A_1440, %parallel_loop3A_1552, %parallel_loop3A_1553] : memref<2x16x768xf32, #tpu.memory_space<vmem>> -> memref<1x16x768xf32, #tpu.memory_space<vmem>>
      %parallel_loop3A_1555 = tpu.memref_squeeze %parallel_loop3A_1554 : memref<1x16x768xf32, #tpu.memory_space<vmem>> -> memref<16x768xf32, #tpu.memory_space<vmem>>
      %parallel_loop3A_1556 = arith.index_cast %parallel_loop3A_1551 : i32 to index
      %parallel_loop3A_1557 = arith.index_cast %parallel_loop3A_1507 : i32 to index
      %parallel_loop3A_1558 = tpu.vector_load %parallel_loop3A_1555[%parallel_loop3A_1556, %parallel_loop3A_1557] {strides = array<i32>} : memref<16x768xf32, #tpu.memory_space<vmem>>, vector<1x16xf32>,
      %parallel_loop3A_1559 = vector.shape_cast %parallel_loop3A_1558 : vector<1x16xf32> to vector<16xf32>
      %parallel_loop3A_1560 = vector.shape_cast %parallel_loop3A_1550 : vector<16xf32> to vector<1x16xf32>
      tpu.vector_store %parallel_loop3A_1555[%parallel_loop3A_1556, %parallel_loop3A_1557], %parallel_loop3A_1560 {strides = array<i32>} : memref<16x768xf32, #tpu.memory_space<vmem>>, vector<1x16xf32>,
      %parallel_loop3A_1561 = arith.constant 19 : i32
      %parallel_loop3A_1562 = arith.index_cast %parallel_loop3A_1561 : i32 to index
      %parallel_loop3A_1563 = arith.index_cast %parallel_loop3A_1507 : i32 to index
      %parallel_loop3A_1564 = tpu.vector_load %arg5[%parallel_loop3A_1562, %parallel_loop3A_1563] {strides = array<i32>} : memref<32x768xf32, #tpu.memory_space<vmem>>, vector<1x16xf32>,
      %parallel_loop3A_1565 = vector.shape_cast %parallel_loop3A_1564 : vector<1x16xf32> to vector<16xf32>
      %parallel_loop3A_1566 = arith.addf %parallel_loop3A_1565, %parallel_loop3A_1512 : vector<16xf32>
      %parallel_loop3A_1567 = arith.constant 3 : i32
      %parallel_loop3A_1568 = arith.constant 0 : i32
      %parallel_loop3A_1569 = arith.constant 0 : i32
      %parallel_loop3A_1570 = tpu.memref_slice %arg8[%parallel_loop3A_1440, %parallel_loop3A_1568, %parallel_loop3A_1569] : memref<2x16x768xf32, #tpu.memory_space<vmem>> -> memref<1x16x768xf32, #tpu.memory_space<vmem>>
      %parallel_loop3A_1571 = tpu.memref_squeeze %parallel_loop3A_1570 : memref<1x16x768xf32, #tpu.memory_space<vmem>> -> memref<16x768xf32, #tpu.memory_space<vmem>>
      %parallel_loop3A_1572 = arith.index_cast %parallel_loop3A_1567 : i32 to index
      %parallel_loop3A_1573 = arith.index_cast %parallel_loop3A_1507 : i32 to index
      %parallel_loop3A_1574 = tpu.vector_load %parallel_loop3A_1571[%parallel_loop3A_1572, %parallel_loop3A_1573] {strides = array<i32>} : memref<16x768xf32, #tpu.memory_space<vmem>>, vector<1x16xf32>,
      %parallel_loop3A_1575 = vector.shape_cast %parallel_loop3A_1574 : vector<1x16xf32> to vector<16xf32>
      %parallel_loop3A_1576 = vector.shape_cast %parallel_loop3A_1566 : vector<16xf32> to vector<1x16xf32>
      tpu.vector_store %parallel_loop3A_1571[%parallel_loop3A_1572, %parallel_loop3A_1573], %parallel_loop3A_1576 {strides = array<i32>} : memref<16x768xf32, #tpu.memory_space<vmem>>, vector<1x16xf32>,
      %parallel_loop3A_1577 = arith.constant 20 : i32
      %parallel_loop3A_1578 = arith.index_cast %parallel_loop3A_1577 : i32 to index
      %parallel_loop3A_1579 = arith.index_cast %parallel_loop3A_1507 : i32 to index
      %parallel_loop3A_1580 = tpu.vector_load %arg5[%parallel_loop3A_1578, %parallel_loop3A_1579] {strides = array<i32>} : memref<32x768xf32, #tpu.memory_space<vmem>>, vector<1x16xf32>,
      %parallel_loop3A_1581 = vector.shape_cast %parallel_loop3A_1580 : vector<1x16xf32> to vector<16xf32>
      %parallel_loop3A_1582 = arith.addf %parallel_loop3A_1581, %parallel_loop3A_1512 : vector<16xf32>
      %parallel_loop3A_1583 = arith.constant 4 : i32
      %parallel_loop3A_1584 = arith.constant 0 : i32
      %parallel_loop3A_1585 = arith.constant 0 : i32
      %parallel_loop3A_1586 = tpu.memref_slice %arg8[%parallel_loop3A_1440, %parallel_loop3A_1584, %parallel_loop3A_1585] : memref<2x16x768xf32, #tpu.memory_space<vmem>> -> memref<1x16x768xf32, #tpu.memory_space<vmem>>
      %parallel_loop3A_1587 = tpu.memref_squeeze %parallel_loop3A_1586 : memref<1x16x768xf32, #tpu.memory_space<vmem>> -> memref<16x768xf32, #tpu.memory_space<vmem>>
      %parallel_loop3A_1588 = arith.index_cast %parallel_loop3A_1583 : i32 to index
      %parallel_loop3A_1589 = arith.index_cast %parallel_loop3A_1507 : i32 to index
      %parallel_loop3A_1590 = tpu.vector_load %parallel_loop3A_1587[%parallel_loop3A_1588, %parallel_loop3A_1589] {strides = array<i32>} : memref<16x768xf32, #tpu.memory_space<vmem>>, vector<1x16xf32>,
      %parallel_loop3A_1591 = vector.shape_cast %parallel_loop3A_1590 : vector<1x16xf32> to vector<16xf32>
      %parallel_loop3A_1592 = vector.shape_cast %parallel_loop3A_1582 : vector<16xf32> to vector<1x16xf32>
      tpu.vector_store %parallel_loop3A_1587[%parallel_loop3A_1588, %parallel_loop3A_1589], %parallel_loop3A_1592 {strides = array<i32>} : memref<16x768xf32, #tpu.memory_space<vmem>>, vector<1x16xf32>,
      %parallel_loop3A_1593 = arith.constant 21 : i32
      %parallel_loop3A_1594 = arith.index_cast %parallel_loop3A_1593 : i32 to index
      %parallel_loop3A_1595 = arith.index_cast %parallel_loop3A_1507 : i32 to index
      %parallel_loop3A_1596 = tpu.vector_load %arg5[%parallel_loop3A_1594, %parallel_loop3A_1595] {strides = array<i32>} : memref<32x768xf32, #tpu.memory_space<vmem>>, vector<1x16xf32>,
      %parallel_loop3A_1597 = vector.shape_cast %parallel_loop3A_1596 : vector<1x16xf32> to vector<16xf32>
      %parallel_loop3A_1598 = arith.addf %parallel_loop3A_1597, %parallel_loop3A_1512 : vector<16xf32>
      %parallel_loop3A_1599 = arith.constant 5 : i32
      %parallel_loop3A_1600 = arith.constant 0 : i32
      %parallel_loop3A_1601 = arith.constant 0 : i32
      %parallel_loop3A_1602 = tpu.memref_slice %arg8[%parallel_loop3A_1440, %parallel_loop3A_1600, %parallel_loop3A_1601] : memref<2x16x768xf32, #tpu.memory_space<vmem>> -> memref<1x16x768xf32, #tpu.memory_space<vmem>>
      %parallel_loop3A_1603 = tpu.memref_squeeze %parallel_loop3A_1602 : memref<1x16x768xf32, #tpu.memory_space<vmem>> -> memref<16x768xf32, #tpu.memory_space<vmem>>
      %parallel_loop3A_1604 = arith.index_cast %parallel_loop3A_1599 : i32 to index
      %parallel_loop3A_1605 = arith.index_cast %parallel_loop3A_1507 : i32 to index
      %parallel_loop3A_1606 = tpu.vector_load %parallel_loop3A_1603[%parallel_loop3A_1604, %parallel_loop3A_1605] {strides = array<i32>} : memref<16x768xf32, #tpu.memory_space<vmem>>, vector<1x16xf32>,
      %parallel_loop3A_1607 = vector.shape_cast %parallel_loop3A_1606 : vector<1x16xf32> to vector<16xf32>
      %parallel_loop3A_1608 = vector.shape_cast %parallel_loop3A_1598 : vector<16xf32> to vector<1x16xf32>
      tpu.vector_store %parallel_loop3A_1603[%parallel_loop3A_1604, %parallel_loop3A_1605], %parallel_loop3A_1608 {strides = array<i32>} : memref<16x768xf32, #tpu.memory_space<vmem>>, vector<1x16xf32>,
      %parallel_loop3A_1609 = arith.constant 22 : i32
      %parallel_loop3A_1610 = arith.index_cast %parallel_loop3A_1609 : i32 to index
      %parallel_loop3A_1611 = arith.index_cast %parallel_loop3A_1507 : i32 to index
      %parallel_loop3A_1612 = tpu.vector_load %arg5[%parallel_loop3A_1610, %parallel_loop3A_1611] {strides = array<i32>} : memref<32x768xf32, #tpu.memory_space<vmem>>, vector<1x16xf32>,
      %parallel_loop3A_1613 = vector.shape_cast %parallel_loop3A_1612 : vector<1x16xf32> to vector<16xf32>
      %parallel_loop3A_1614 = arith.addf %parallel_loop3A_1613, %parallel_loop3A_1512 : vector<16xf32>
      %parallel_loop3A_1615 = arith.constant 6 : i32
      %parallel_loop3A_1616 = arith.constant 0 : i32
      %parallel_loop3A_1617 = arith.constant 0 : i32
      %parallel_loop3A_1618 = tpu.memref_slice %arg8[%parallel_loop3A_1440, %parallel_loop3A_1616, %parallel_loop3A_1617] : memref<2x16x768xf32, #tpu.memory_space<vmem>> -> memref<1x16x768xf32, #tpu.memory_space<vmem>>
      %parallel_loop3A_1619 = tpu.memref_squeeze %parallel_loop3A_1618 : memref<1x16x768xf32, #tpu.memory_space<vmem>> -> memref<16x768xf32, #tpu.memory_space<vmem>>
      %parallel_loop3A_1620 = arith.index_cast %parallel_loop3A_1615 : i32 to index
      %parallel_loop3A_1621 = arith.index_cast %parallel_loop3A_1507 : i32 to index
      %parallel_loop3A_1622 = tpu.vector_load %parallel_loop3A_1619[%parallel_loop3A_1620, %parallel_loop3A_1621] {strides = array<i32>} : memref<16x768xf32, #tpu.memory_space<vmem>>, vector<1x16xf32>,
      %parallel_loop3A_1623 = vector.shape_cast %parallel_loop3A_1622 : vector<1x16xf32> to vector<16xf32>
      %parallel_loop3A_1624 = vector.shape_cast %parallel_loop3A_1614 : vector<16xf32> to vector<1x16xf32>
      tpu.vector_store %parallel_loop3A_1619[%parallel_loop3A_1620, %parallel_loop3A_1621], %parallel_loop3A_1624 {strides = array<i32>} : memref<16x768xf32, #tpu.memory_space<vmem>>, vector<1x16xf32>,
      %parallel_loop3A_1625 = arith.constant 23 : i32
      %parallel_loop3A_1626 = arith.index_cast %parallel_loop3A_1625 : i32 to index
      %parallel_loop3A_1627 = arith.index_cast %parallel_loop3A_1507 : i32 to index
      %parallel_loop3A_1628 = tpu.vector_load %arg5[%parallel_loop3A_1626, %parallel_loop3A_1627] {strides = array<i32>} : memref<32x768xf32, #tpu.memory_space<vmem>>, vector<1x16xf32>,
      %parallel_loop3A_1629 = vector.shape_cast %parallel_loop3A_1628 : vector<1x16xf32> to vector<16xf32>
      %parallel_loop3A_1630 = arith.addf %parallel_loop3A_1629, %parallel_loop3A_1512 : vector<16xf32>
      %parallel_loop3A_1631 = arith.constant 7 : i32
      %parallel_loop3A_1632 = arith.constant 0 : i32
      %parallel_loop3A_1633 = arith.constant 0 : i32
      %parallel_loop3A_1634 = tpu.memref_slice %arg8[%parallel_loop3A_1440, %parallel_loop3A_1632, %parallel_loop3A_1633] : memref<2x16x768xf32, #tpu.memory_space<vmem>> -> memref<1x16x768xf32, #tpu.memory_space<vmem>>
      %parallel_loop3A_1635 = tpu.memref_squeeze %parallel_loop3A_1634 : memref<1x16x768xf32, #tpu.memory_space<vmem>> -> memref<16x768xf32, #tpu.memory_space<vmem>>
      %parallel_loop3A_1636 = arith.index_cast %parallel_loop3A_1631 : i32 to index
      %parallel_loop3A_1637 = arith.index_cast %parallel_loop3A_1507 : i32 to index
      %parallel_loop3A_1638 = tpu.vector_load %parallel_loop3A_1635[%parallel_loop3A_1636, %parallel_loop3A_1637] {strides = array<i32>} : memref<16x768xf32, #tpu.memory_space<vmem>>, vector<1x16xf32>,
      %parallel_loop3A_1639 = vector.shape_cast %parallel_loop3A_1638 : vector<1x16xf32> to vector<16xf32>
      %parallel_loop3A_1640 = vector.shape_cast %parallel_loop3A_1630 : vector<16xf32> to vector<1x16xf32>
      tpu.vector_store %parallel_loop3A_1635[%parallel_loop3A_1636, %parallel_loop3A_1637], %parallel_loop3A_1640 {strides = array<i32>} : memref<16x768xf32, #tpu.memory_space<vmem>>, vector<1x16xf32>,
      %parallel_loop3A_1641 = arith.constant 24 : i32
      %parallel_loop3A_1642 = arith.index_cast %parallel_loop3A_1641 : i32 to index
      %parallel_loop3A_1643 = arith.index_cast %parallel_loop3A_1507 : i32 to index
      %parallel_loop3A_1644 = tpu.vector_load %arg5[%parallel_loop3A_1642, %parallel_loop3A_1643] {strides = array<i32>} : memref<32x768xf32, #tpu.memory_space<vmem>>, vector<1x16xf32>,
      %parallel_loop3A_1645 = vector.shape_cast %parallel_loop3A_1644 : vector<1x16xf32> to vector<16xf32>
      %parallel_loop3A_1646 = arith.addf %parallel_loop3A_1645, %parallel_loop3A_1512 : vector<16xf32>
      %parallel_loop3A_1647 = arith.constant 8 : i32
      %parallel_loop3A_1648 = arith.constant 0 : i32
      %parallel_loop3A_1649 = arith.constant 0 : i32
      %parallel_loop3A_1650 = tpu.memref_slice %arg8[%parallel_loop3A_1440, %parallel_loop3A_1648, %parallel_loop3A_1649] : memref<2x16x768xf32, #tpu.memory_space<vmem>> -> memref<1x16x768xf32, #tpu.memory_space<vmem>>
      %parallel_loop3A_1651 = tpu.memref_squeeze %parallel_loop3A_1650 : memref<1x16x768xf32, #tpu.memory_space<vmem>> -> memref<16x768xf32, #tpu.memory_space<vmem>>
      %parallel_loop3A_1652 = arith.index_cast %parallel_loop3A_1647 : i32 to index
      %parallel_loop3A_1653 = arith.index_cast %parallel_loop3A_1507 : i32 to index
      %parallel_loop3A_1654 = tpu.vector_load %parallel_loop3A_1651[%parallel_loop3A_1652, %parallel_loop3A_1653] {strides = array<i32>} : memref<16x768xf32, #tpu.memory_space<vmem>>, vector<1x16xf32>,
      %parallel_loop3A_1655 = vector.shape_cast %parallel_loop3A_1654 : vector<1x16xf32> to vector<16xf32>
      %parallel_loop3A_1656 = vector.shape_cast %parallel_loop3A_1646 : vector<16xf32> to vector<1x16xf32>
      tpu.vector_store %parallel_loop3A_1651[%parallel_loop3A_1652, %parallel_loop3A_1653], %parallel_loop3A_1656 {strides = array<i32>} : memref<16x768xf32, #tpu.memory_space<vmem>>, vector<1x16xf32>,
      %parallel_loop3A_1657 = arith.constant 25 : i32
      %parallel_loop3A_1658 = arith.index_cast %parallel_loop3A_1657 : i32 to index
      %parallel_loop3A_1659 = arith.index_cast %parallel_loop3A_1507 : i32 to index
      %parallel_loop3A_1660 = tpu.vector_load %arg5[%parallel_loop3A_1658, %parallel_loop3A_1659] {strides = array<i32>} : memref<32x768xf32, #tpu.memory_space<vmem>>, vector<1x16xf32>,
      %parallel_loop3A_1661 = vector.shape_cast %parallel_loop3A_1660 : vector<1x16xf32> to vector<16xf32>
      %parallel_loop3A_1662 = arith.addf %parallel_loop3A_1661, %parallel_loop3A_1512 : vector<16xf32>
      %parallel_loop3A_1663 = arith.constant 9 : i32
      %parallel_loop3A_1664 = arith.constant 0 : i32
      %parallel_loop3A_1665 = arith.constant 0 : i32
      %parallel_loop3A_1666 = tpu.memref_slice %arg8[%parallel_loop3A_1440, %parallel_loop3A_1664, %parallel_loop3A_1665] : memref<2x16x768xf32, #tpu.memory_space<vmem>> -> memref<1x16x768xf32, #tpu.memory_space<vmem>>
      %parallel_loop3A_1667 = tpu.memref_squeeze %parallel_loop3A_1666 : memref<1x16x768xf32, #tpu.memory_space<vmem>> -> memref<16x768xf32, #tpu.memory_space<vmem>>
      %parallel_loop3A_1668 = arith.index_cast %parallel_loop3A_1663 : i32 to index
      %parallel_loop3A_1669 = arith.index_cast %parallel_loop3A_1507 : i32 to index
      %parallel_loop3A_1670 = tpu.vector_load %parallel_loop3A_1667[%parallel_loop3A_1668, %parallel_loop3A_1669] {strides = array<i32>} : memref<16x768xf32, #tpu.memory_space<vmem>>, vector<1x16xf32>,
      %parallel_loop3A_1671 = vector.shape_cast %parallel_loop3A_1670 : vector<1x16xf32> to vector<16xf32>
      %parallel_loop3A_1672 = vector.shape_cast %parallel_loop3A_1662 : vector<16xf32> to vector<1x16xf32>
      tpu.vector_store %parallel_loop3A_1667[%parallel_loop3A_1668, %parallel_loop3A_1669], %parallel_loop3A_1672 {strides = array<i32>} : memref<16x768xf32, #tpu.memory_space<vmem>>, vector<1x16xf32>,
      %parallel_loop3A_1673 = arith.constant 26 : i32
      %parallel_loop3A_1674 = arith.index_cast %parallel_loop3A_1673 : i32 to index
      %parallel_loop3A_1675 = arith.index_cast %parallel_loop3A_1507 : i32 to index
      %parallel_loop3A_1676 = tpu.vector_load %arg5[%parallel_loop3A_1674, %parallel_loop3A_1675] {strides = array<i32>} : memref<32x768xf32, #tpu.memory_space<vmem>>, vector<1x16xf32>,
      %parallel_loop3A_1677 = vector.shape_cast %parallel_loop3A_1676 : vector<1x16xf32> to vector<16xf32>
      %parallel_loop3A_1678 = arith.addf %parallel_loop3A_1677, %parallel_loop3A_1512 : vector<16xf32>
      %parallel_loop3A_1679 = arith.constant 10 : i32
      %parallel_loop3A_1680 = arith.constant 0 : i32
      %parallel_loop3A_1681 = arith.constant 0 : i32
      %parallel_loop3A_1682 = tpu.memref_slice %arg8[%parallel_loop3A_1440, %parallel_loop3A_1680, %parallel_loop3A_1681] : memref<2x16x768xf32, #tpu.memory_space<vmem>> -> memref<1x16x768xf32, #tpu.memory_space<vmem>>
      %parallel_loop3A_1683 = tpu.memref_squeeze %parallel_loop3A_1682 : memref<1x16x768xf32, #tpu.memory_space<vmem>> -> memref<16x768xf32, #tpu.memory_space<vmem>>
      %parallel_loop3A_1684 = arith.index_cast %parallel_loop3A_1679 : i32 to index
      %parallel_loop3A_1685 = arith.index_cast %parallel_loop3A_1507 : i32 to index
      %parallel_loop3A_1686 = tpu.vector_load %parallel_loop3A_1683[%parallel_loop3A_1684, %parallel_loop3A_1685] {strides = array<i32>} : memref<16x768xf32, #tpu.memory_space<vmem>>, vector<1x16xf32>,
      %parallel_loop3A_1687 = vector.shape_cast %parallel_loop3A_1686 : vector<1x16xf32> to vector<16xf32>
      %parallel_loop3A_1688 = vector.shape_cast %parallel_loop3A_1678 : vector<16xf32> to vector<1x16xf32>
      tpu.vector_store %parallel_loop3A_1683[%parallel_loop3A_1684, %parallel_loop3A_1685], %parallel_loop3A_1688 {strides = array<i32>} : memref<16x768xf32, #tpu.memory_space<vmem>>, vector<1x16xf32>,
      %parallel_loop3A_1689 = arith.constant 27 : i32
      %parallel_loop3A_1690 = arith.index_cast %parallel_loop3A_1689 : i32 to index
      %parallel_loop3A_1691 = arith.index_cast %parallel_loop3A_1507 : i32 to index
      %parallel_loop3A_1692 = tpu.vector_load %arg5[%parallel_loop3A_1690, %parallel_loop3A_1691] {strides = array<i32>} : memref<32x768xf32, #tpu.memory_space<vmem>>, vector<1x16xf32>,
      %parallel_loop3A_1693 = vector.shape_cast %parallel_loop3A_1692 : vector<1x16xf32> to vector<16xf32>
      %parallel_loop3A_1694 = arith.addf %parallel_loop3A_1693, %parallel_loop3A_1512 : vector<16xf32>
      %parallel_loop3A_1695 = arith.constant 11 : i32
      %parallel_loop3A_1696 = arith.constant 0 : i32
      %parallel_loop3A_1697 = arith.constant 0 : i32
      %parallel_loop3A_1698 = tpu.memref_slice %arg8[%parallel_loop3A_1440, %parallel_loop3A_1696, %parallel_loop3A_1697] : memref<2x16x768xf32, #tpu.memory_space<vmem>> -> memref<1x16x768xf32, #tpu.memory_space<vmem>>
      %parallel_loop3A_1699 = tpu.memref_squeeze %parallel_loop3A_1698 : memref<1x16x768xf32, #tpu.memory_space<vmem>> -> memref<16x768xf32, #tpu.memory_space<vmem>>
      %parallel_loop3A_1700 = arith.index_cast %parallel_loop3A_1695 : i32 to index
      %parallel_loop3A_1701 = arith.index_cast %parallel_loop3A_1507 : i32 to index
      %parallel_loop3A_1702 = tpu.vector_load %parallel_loop3A_1699[%parallel_loop3A_1700, %parallel_loop3A_1701] {strides = array<i32>} : memref<16x768xf32, #tpu.memory_space<vmem>>, vector<1x16xf32>,
      %parallel_loop3A_1703 = vector.shape_cast %parallel_loop3A_1702 : vector<1x16xf32> to vector<16xf32>
      %parallel_loop3A_1704 = vector.shape_cast %parallel_loop3A_1694 : vector<16xf32> to vector<1x16xf32>
      tpu.vector_store %parallel_loop3A_1699[%parallel_loop3A_1700, %parallel_loop3A_1701], %parallel_loop3A_1704 {strides = array<i32>} : memref<16x768xf32, #tpu.memory_space<vmem>>, vector<1x16xf32>,
      %parallel_loop3A_1705 = arith.constant 28 : i32
      %parallel_loop3A_1706 = arith.index_cast %parallel_loop3A_1705 : i32 to index
      %parallel_loop3A_1707 = arith.index_cast %parallel_loop3A_1507 : i32 to index
      %parallel_loop3A_1708 = tpu.vector_load %arg5[%parallel_loop3A_1706, %parallel_loop3A_1707] {strides = array<i32>} : memref<32x768xf32, #tpu.memory_space<vmem>>, vector<1x16xf32>,
      %parallel_loop3A_1709 = vector.shape_cast %parallel_loop3A_1708 : vector<1x16xf32> to vector<16xf32>
      %parallel_loop3A_1710 = arith.addf %parallel_loop3A_1709, %parallel_loop3A_1512 : vector<16xf32>
      %parallel_loop3A_1711 = arith.constant 12 : i32
      %parallel_loop3A_1712 = arith.constant 0 : i32
      %parallel_loop3A_1713 = arith.constant 0 : i32
      %parallel_loop3A_1714 = tpu.memref_slice %arg8[%parallel_loop3A_1440, %parallel_loop3A_1712, %parallel_loop3A_1713] : memref<2x16x768xf32, #tpu.memory_space<vmem>> -> memref<1x16x768xf32, #tpu.memory_space<vmem>>
      %parallel_loop3A_1715 = tpu.memref_squeeze %parallel_loop3A_1714 : memref<1x16x768xf32, #tpu.memory_space<vmem>> -> memref<16x768xf32, #tpu.memory_space<vmem>>
      %parallel_loop3A_1716 = arith.index_cast %parallel_loop3A_1711 : i32 to index
      %parallel_loop3A_1717 = arith.index_cast %parallel_loop3A_1507 : i32 to index
      %parallel_loop3A_1718 = tpu.vector_load %parallel_loop3A_1715[%parallel_loop3A_1716, %parallel_loop3A_1717] {strides = array<i32>} : memref<16x768xf32, #tpu.memory_space<vmem>>, vector<1x16xf32>,
      %parallel_loop3A_1719 = vector.shape_cast %parallel_loop3A_1718 : vector<1x16xf32> to vector<16xf32>
      %parallel_loop3A_1720 = vector.shape_cast %parallel_loop3A_1710 : vector<16xf32> to vector<1x16xf32>
      tpu.vector_store %parallel_loop3A_1715[%parallel_loop3A_1716, %parallel_loop3A_1717], %parallel_loop3A_1720 {strides = array<i32>} : memref<16x768xf32, #tpu.memory_space<vmem>>, vector<1x16xf32>,
      %parallel_loop3A_1721 = arith.constant 29 : i32
      %parallel_loop3A_1722 = arith.index_cast %parallel_loop3A_1721 : i32 to index
      %parallel_loop3A_1723 = arith.index_cast %parallel_loop3A_1507 : i32 to index
      %parallel_loop3A_1724 = tpu.vector_load %arg5[%parallel_loop3A_1722, %parallel_loop3A_1723] {strides = array<i32>} : memref<32x768xf32, #tpu.memory_space<vmem>>, vector<1x16xf32>,
      %parallel_loop3A_1725 = vector.shape_cast %parallel_loop3A_1724 : vector<1x16xf32> to vector<16xf32>
      %parallel_loop3A_1726 = arith.addf %parallel_loop3A_1725, %parallel_loop3A_1512 : vector<16xf32>
      %parallel_loop3A_1727 = arith.constant 13 : i32
      %parallel_loop3A_1728 = arith.constant 0 : i32
      %parallel_loop3A_1729 = arith.constant 0 : i32
      %parallel_loop3A_1730 = tpu.memref_slice %arg8[%parallel_loop3A_1440, %parallel_loop3A_1728, %parallel_loop3A_1729] : memref<2x16x768xf32, #tpu.memory_space<vmem>> -> memref<1x16x768xf32, #tpu.memory_space<vmem>>
      %parallel_loop3A_1731 = tpu.memref_squeeze %parallel_loop3A_1730 : memref<1x16x768xf32, #tpu.memory_space<vmem>> -> memref<16x768xf32, #tpu.memory_space<vmem>>
      %parallel_loop3A_1732 = arith.index_cast %parallel_loop3A_1727 : i32 to index
      %parallel_loop3A_1733 = arith.index_cast %parallel_loop3A_1507 : i32 to index
      %parallel_loop3A_1734 = tpu.vector_load %parallel_loop3A_1731[%parallel_loop3A_1732, %parallel_loop3A_1733] {strides = array<i32>} : memref<16x768xf32, #tpu.memory_space<vmem>>, vector<1x16xf32>,
      %parallel_loop3A_1735 = vector.shape_cast %parallel_loop3A_1734 : vector<1x16xf32> to vector<16xf32>
      %parallel_loop3A_1736 = vector.shape_cast %parallel_loop3A_1726 : vector<16xf32> to vector<1x16xf32>
      tpu.vector_store %parallel_loop3A_1731[%parallel_loop3A_1732, %parallel_loop3A_1733], %parallel_loop3A_1736 {strides = array<i32>} : memref<16x768xf32, #tpu.memory_space<vmem>>, vector<1x16xf32>,
      %parallel_loop3A_1737 = arith.constant 30 : i32
      %parallel_loop3A_1738 = arith.index_cast %parallel_loop3A_1737 : i32 to index
      %parallel_loop3A_1739 = arith.index_cast %parallel_loop3A_1507 : i32 to index
      %parallel_loop3A_1740 = tpu.vector_load %arg5[%parallel_loop3A_1738, %parallel_loop3A_1739] {strides = array<i32>} : memref<32x768xf32, #tpu.memory_space<vmem>>, vector<1x16xf32>,
      %parallel_loop3A_1741 = vector.shape_cast %parallel_loop3A_1740 : vector<1x16xf32> to vector<16xf32>
      %parallel_loop3A_1742 = arith.addf %parallel_loop3A_1741, %parallel_loop3A_1512 : vector<16xf32>
      %parallel_loop3A_1743 = arith.constant 14 : i32
      %parallel_loop3A_1744 = arith.constant 0 : i32
      %parallel_loop3A_1745 = arith.constant 0 : i32
      %parallel_loop3A_1746 = tpu.memref_slice %arg8[%parallel_loop3A_1440, %parallel_loop3A_1744, %parallel_loop3A_1745] : memref<2x16x768xf32, #tpu.memory_space<vmem>> -> memref<1x16x768xf32, #tpu.memory_space<vmem>>
      %parallel_loop3A_1747 = tpu.memref_squeeze %parallel_loop3A_1746 : memref<1x16x768xf32, #tpu.memory_space<vmem>> -> memref<16x768xf32, #tpu.memory_space<vmem>>
      %parallel_loop3A_1748 = arith.index_cast %parallel_loop3A_1743 : i32 to index
      %parallel_loop3A_1749 = arith.index_cast %parallel_loop3A_1507 : i32 to index
      %parallel_loop3A_1750 = tpu.vector_load %parallel_loop3A_1747[%parallel_loop3A_1748, %parallel_loop3A_1749] {strides = array<i32>} : memref<16x768xf32, #tpu.memory_space<vmem>>, vector<1x16xf32>,
      %parallel_loop3A_1751 = vector.shape_cast %parallel_loop3A_1750 : vector<1x16xf32> to vector<16xf32>
      %parallel_loop3A_1752 = vector.shape_cast %parallel_loop3A_1742 : vector<16xf32> to vector<1x16xf32>
      tpu.vector_store %parallel_loop3A_1747[%parallel_loop3A_1748, %parallel_loop3A_1749], %parallel_loop3A_1752 {strides = array<i32>} : memref<16x768xf32, #tpu.memory_space<vmem>>, vector<1x16xf32>,
      %parallel_loop3A_1753 = arith.constant 31 : i32
      %parallel_loop3A_1754 = arith.index_cast %parallel_loop3A_1753 : i32 to index
      %parallel_loop3A_1755 = arith.index_cast %parallel_loop3A_1507 : i32 to index
      %parallel_loop3A_1756 = tpu.vector_load %arg5[%parallel_loop3A_1754, %parallel_loop3A_1755] {strides = array<i32>} : memref<32x768xf32, #tpu.memory_space<vmem>>, vector<1x16xf32>,
      %parallel_loop3A_1757 = vector.shape_cast %parallel_loop3A_1756 : vector<1x16xf32> to vector<16xf32>
      %parallel_loop3A_1758 = arith.addf %parallel_loop3A_1757, %parallel_loop3A_1512 : vector<16xf32>
      %parallel_loop3A_1759 = arith.constant 15 : i32
      %parallel_loop3A_1760 = arith.constant 0 : i32
      %parallel_loop3A_1761 = arith.constant 0 : i32
      %parallel_loop3A_1762 = tpu.memref_slice %arg8[%parallel_loop3A_1440, %parallel_loop3A_1760, %parallel_loop3A_1761] : memref<2x16x768xf32, #tpu.memory_space<vmem>> -> memref<1x16x768xf32, #tpu.memory_space<vmem>>
      %parallel_loop3A_1763 = tpu.memref_squeeze %parallel_loop3A_1762 : memref<1x16x768xf32, #tpu.memory_space<vmem>> -> memref<16x768xf32, #tpu.memory_space<vmem>>
      %parallel_loop3A_1764 = arith.index_cast %parallel_loop3A_1759 : i32 to index
      %parallel_loop3A_1765 = arith.index_cast %parallel_loop3A_1507 : i32 to index
      %parallel_loop3A_1766 = tpu.vector_load %parallel_loop3A_1763[%parallel_loop3A_1764, %parallel_loop3A_1765] {strides = array<i32>} : memref<16x768xf32, #tpu.memory_space<vmem>>, vector<1x16xf32>,
      %parallel_loop3A_1767 = vector.shape_cast %parallel_loop3A_1766 : vector<1x16xf32> to vector<16xf32>
      %parallel_loop3A_1768 = vector.shape_cast %parallel_loop3A_1758 : vector<16xf32> to vector<1x16xf32>
      tpu.vector_store %parallel_loop3A_1763[%parallel_loop3A_1764, %parallel_loop3A_1765], %parallel_loop3A_1768 {strides = array<i32>} : memref<16x768xf32, #tpu.memory_space<vmem>>, vector<1x16xf32>,
    } {sc.loop_unroll_factor = 1 : i64, sc.parallel_access}
    %add3A_1441 = arith.constant 48 : i32
    %add3A_1442 = arith.addi %mul3A_2, %add3A_1441 : i32
    %dma_start3A_1443 = arith.constant 1 : i32
    %dma_start3A_1444 = arith.constant 1 : i32
    %dma_start3A_1445 = arith.constant 0 : i32
    %dma_start3A_1446 = arith.constant 0 : i32
    %dma_start3A_1447 = tpu.memref_slice %arg8[%dma_start3A_1443, %dma_start3A_1445, %dma_start3A_1446] : memref<2x16x768xf32, #tpu.memory_space<vmem>> -> memref<1x16x768xf32, #tpu.memory_space<vmem>>
    %dma_start3A_1448 = tpu.memref_squeeze %dma_start3A_1447 : memref<1x16x768xf32, #tpu.memory_space<vmem>> -> memref<16x768xf32, #tpu.memory_space<vmem>>
    %dma_start3A_1449 = arith.constant 0 : i32
    %dma_start3A_1450 = tpu.memref_slice %arg3[%dma_start3A_1444, %add3A_1442, %dma_start3A_1449] : memref<16x2048x768xf32, #tpu.memory_space<hbm>> -> memref<1x16x768xf32, #tpu.memory_space<hbm>>
    %dma_start3A_1451 = tpu.memref_squeeze %dma_start3A_1450 : memref<1x16x768xf32, #tpu.memory_space<hbm>> -> memref<16x768xf32, #tpu.memory_space<hbm>>
    %dma_start3A_1452 = arith.constant 0 : i32
    %dma_start3A_1453 = tpu.memref_slice %arg3[%dma_start3A_1444, %add3A_1442, %dma_start3A_1452] : memref<16x2048x768xf32, #tpu.memory_space<hbm>> -> memref<1x16x768xf32, #tpu.memory_space<hbm>>
    %dma_start3A_1454 = tpu.memref_squeeze %dma_start3A_1453 : memref<1x16x768xf32, #tpu.memory_space<hbm>> -> memref<16x768xf32, #tpu.memory_space<hbm>>
    %dma_start3A_1455 = arith.constant 0 : i32
    %dma_start3A_1456 = arith.constant 0 : i32
    %dma_start3A_1457 = tpu.memref_slice %arg8[%dma_start3A_1443, %dma_start3A_1455, %dma_start3A_1456] : memref<2x16x768xf32, #tpu.memory_space<vmem>> -> memref<1x16x768xf32, #tpu.memory_space<vmem>>
    %dma_start3A_1458 = tpu.memref_squeeze %dma_start3A_1457 : memref<1x16x768xf32, #tpu.memory_space<vmem>> -> memref<16x768xf32, #tpu.memory_space<vmem>>
    tpu.enqueue_dma source(%dma_start3A_1458 : memref<16x768xf32, #tpu.memory_space<vmem>>) target(%dma_start3A_1454 : memref<16x768xf32, #tpu.memory_space<hbm>>) target_semaphore(%arg12 : memref<!tpu.dma_semaphore, #tpu.memory_space<semaphore_mem>>)
    %dma_wait3A_1459 = arith.constant 0 : i32
    %dma_wait3A_1460 = arith.constant 0 : i32
    %dma_wait3A_1461 = tpu.memref_slice %arg3[%dma_wait3A_1459, %mul3A_2, %dma_wait3A_1460] : memref<16x2048x768xf32, #tpu.memory_space<hbm>> -> memref<1x32x768xf32, #tpu.memory_space<hbm>>
    %dma_wait3A_1462 = tpu.memref_squeeze %dma_wait3A_1461 : memref<1x32x768xf32, #tpu.memory_space<hbm>> -> memref<32x768xf32, #tpu.memory_space<hbm>>
    %dma_wait3A_1463 = arith.constant 0 : i32
    %dma_wait3A_1464 = tpu.memref_slice %arg3[%dma_wait3A_1459, %mul3A_2, %dma_wait3A_1463] : memref<16x2048x768xf32, #tpu.memory_space<hbm>> -> memref<1x32x768xf32, #tpu.memory_space<hbm>>
    %dma_wait3A_1465 = tpu.memref_squeeze %dma_wait3A_1464 : memref<1x32x768xf32, #tpu.memory_space<hbm>> -> memref<32x768xf32, #tpu.memory_space<hbm>>
    tpu.wait_dma2 semaphore(%arg10 : memref<!tpu.dma_semaphore, #tpu.memory_space<semaphore_mem>>) src(%arg4 : memref<32x768xf32, #tpu.memory_space<vmem>>) dst(%dma_wait3A_1465 : memref<32x768xf32, #tpu.memory_space<hbm>>)
    %dma_wait3A_1466 = arith.constant 0 : i32
    %dma_wait3A_1467 = arith.constant 0 : i32
    %dma_wait3A_1468 = tpu.memref_slice %arg3[%dma_wait3A_1466, %add3A_1375, %dma_wait3A_1467] : memref<16x2048x768xf32, #tpu.memory_space<hbm>> -> memref<1x32x768xf32, #tpu.memory_space<hbm>>
    %dma_wait3A_1469 = tpu.memref_squeeze %dma_wait3A_1468 : memref<1x32x768xf32, #tpu.memory_space<hbm>> -> memref<32x768xf32, #tpu.memory_space<hbm>>
    %dma_wait3A_1470 = arith.constant 0 : i32
    %dma_wait3A_1471 = tpu.memref_slice %arg3[%dma_wait3A_1466, %add3A_1375, %dma_wait3A_1470] : memref<16x2048x768xf32, #tpu.memory_space<hbm>> -> memref<1x32x768xf32, #tpu.memory_space<hbm>>
    %dma_wait3A_1472 = tpu.memref_squeeze %dma_wait3A_1471 : memref<1x32x768xf32, #tpu.memory_space<hbm>> -> memref<32x768xf32, #tpu.memory_space<hbm>>
    tpu.wait_dma2 semaphore(%arg10 : memref<!tpu.dma_semaphore, #tpu.memory_space<semaphore_mem>>) src(%arg5 : memref<32x768xf32, #tpu.memory_space<vmem>>) dst(%dma_wait3A_1472 : memref<32x768xf32, #tpu.memory_space<hbm>>)
    %dma_wait3A_1473 = arith.constant 0 : i32
    %dma_wait3A_1474 = arith.constant 1 : i32
    %dma_wait3A_1475 = arith.constant 0 : i32
    %dma_wait3A_1476 = arith.constant 0 : i32
    %dma_wait3A_1477 = tpu.memref_slice %arg8[%dma_wait3A_1473, %dma_wait3A_1475, %dma_wait3A_1476] : memref<2x16x768xf32, #tpu.memory_space<vmem>> -> memref<1x16x768xf32, #tpu.memory_space<vmem>>
    %dma_wait3A_1478 = tpu.memref_squeeze %dma_wait3A_1477 : memref<1x16x768xf32, #tpu.memory_space<vmem>> -> memref<16x768xf32, #tpu.memory_space<vmem>>
    %dma_wait3A_1479 = arith.constant 0 : i32
    %dma_wait3A_1480 = tpu.memref_slice %arg3[%dma_wait3A_1474, %add3A_1404, %dma_wait3A_1479] : memref<16x2048x768xf32, #tpu.memory_space<hbm>> -> memref<1x16x768xf32, #tpu.memory_space<hbm>>
    %dma_wait3A_1481 = tpu.memref_squeeze %dma_wait3A_1480 : memref<1x16x768xf32, #tpu.memory_space<hbm>> -> memref<16x768xf32, #tpu.memory_space<hbm>>
    %dma_wait3A_1482 = arith.constant 0 : i32
    %dma_wait3A_1483 = tpu.memref_slice %arg3[%dma_wait3A_1474, %add3A_1404, %dma_wait3A_1482] : memref<16x2048x768xf32, #tpu.memory_space<hbm>> -> memref<1x16x768xf32, #tpu.memory_space<hbm>>
    %dma_wait3A_1484 = tpu.memref_squeeze %dma_wait3A_1483 : memref<1x16x768xf32, #tpu.memory_space<hbm>> -> memref<16x768xf32, #tpu.memory_space<hbm>>
    %dma_wait3A_1485 = arith.constant 0 : i32
    %dma_wait3A_1486 = arith.constant 0 : i32
    %dma_wait3A_1487 = tpu.memref_slice %arg8[%dma_wait3A_1473, %dma_wait3A_1485, %dma_wait3A_1486] : memref<2x16x768xf32, #tpu.memory_space<vmem>> -> memref<1x16x768xf32, #tpu.memory_space<vmem>>
    %dma_wait3A_1488 = tpu.memref_squeeze %dma_wait3A_1487 : memref<1x16x768xf32, #tpu.memory_space<vmem>> -> memref<16x768xf32, #tpu.memory_space<vmem>>
    tpu.wait_dma2 semaphore(%arg11 : memref<!tpu.dma_semaphore, #tpu.memory_space<semaphore_mem>>) src(%dma_wait3A_1488 : memref<16x768xf32, #tpu.memory_space<vmem>>) dst(%dma_wait3A_1484 : memref<16x768xf32, #tpu.memory_space<hbm>>)
    %dma_wait3A_1489 = arith.constant 1 : i32
    %dma_wait3A_1490 = arith.constant 1 : i32
    %dma_wait3A_1491 = arith.constant 0 : i32
    %dma_wait3A_1492 = arith.constant 0 : i32
    %dma_wait3A_1493 = tpu.memref_slice %arg8[%dma_wait3A_1489, %dma_wait3A_1491, %dma_wait3A_1492] : memref<2x16x768xf32, #tpu.memory_space<vmem>> -> memref<1x16x768xf32, #tpu.memory_space<vmem>>
    %dma_wait3A_1494 = tpu.memref_squeeze %dma_wait3A_1493 : memref<1x16x768xf32, #tpu.memory_space<vmem>> -> memref<16x768xf32, #tpu.memory_space<vmem>>
    %dma_wait3A_1495 = arith.constant 0 : i32
    %dma_wait3A_1496 = tpu.memref_slice %arg3[%dma_wait3A_1490, %add3A_1442, %dma_wait3A_1495] : memref<16x2048x768xf32, #tpu.memory_space<hbm>> -> memref<1x16x768xf32, #tpu.memory_space<hbm>>
    %dma_wait3A_1497 = tpu.memref_squeeze %dma_wait3A_1496 : memref<1x16x768xf32, #tpu.memory_space<hbm>> -> memref<16x768xf32, #tpu.memory_space<hbm>>
    %dma_wait3A_1498 = arith.constant 0 : i32
    %dma_wait3A_1499 = tpu.memref_slice %arg3[%dma_wait3A_1490, %add3A_1442, %dma_wait3A_1498] : memref<16x2048x768xf32, #tpu.memory_space<hbm>> -> memref<1x16x768xf32, #tpu.memory_space<hbm>>
    %dma_wait3A_1500 = tpu.memref_squeeze %dma_wait3A_1499 : memref<1x16x768xf32, #tpu.memory_space<hbm>> -> memref<16x768xf32, #tpu.memory_space<hbm>>
    %dma_wait3A_1501 = arith.constant 0 : i32
    %dma_wait3A_1502 = arith.constant 0 : i32
    %dma_wait3A_1503 = tpu.memref_slice %arg8[%dma_wait3A_1489, %dma_wait3A_1501, %dma_wait3A_1502] : memref<2x16x768xf32, #tpu.memory_space<vmem>> -> memref<1x16x768xf32, #tpu.memory_space<vmem>>
    %dma_wait3A_1504 = tpu.memref_squeeze %dma_wait3A_1503 : memref<1x16x768xf32, #tpu.memory_space<vmem>> -> memref<16x768xf32, #tpu.memory_space<vmem>>
    tpu.wait_dma2 semaphore(%arg12 : memref<!tpu.dma_semaphore, #tpu.memory_space<semaphore_mem>>) src(%dma_wait3A_1504 : memref<16x768xf32, #tpu.memory_space<vmem>>) dst(%dma_wait3A_1500 : memref<16x768xf32, #tpu.memory_space<hbm>>)
    return
  }
}

module attributes {stable_mosaic.version = 14 : i64} {
  func.func @_tc_body(%arg0: i32, %arg1: memref<2048x768xf32, #tpu.memory_space<vmem>>, %arg2: memref<16x2048x768xf32, #tpu.memory_space<any>>, %arg3: memref<1x2048x768xf32, #tpu.memory_space<vmem>>) attributes {dimension_semantics = [#tpu.dimension_semantics<arbitrary>], iteration_bounds = array<i64: 14>, scalar_prefetch = 0 : i64, scratch_operands = 0 : i64, tpu.core_type = #tpu.core_type<tc>, window_params = [{pipeline_mode = #tpu.pipeline_mode<synchronous>, transform_indices = @transform_0, window_bounds = array<i64: 2048, 768>}, {}, {transform_indices = @transform_2, window_bounds = array<i64: 1, 2048, 768>}]} {
    %add3A = arith.constant 2 : i32
    %add3A_0 = arith.addi %arg0, %add3A : i32
    %rem3A = arith.constant 4 : i32
    %rem3A_1 = arith.remsi %add3A_0, %rem3A : i32
    %get3A = arith.constant 0 : index
    %get3A_2 = arith.constant 0 : index
    %get3A_3 = vector.load %arg1[%get3A, %get3A_2] : memref<2048x768xf32, #tpu.memory_space<vmem>>, vector<2048x768xf32>
    %slice3A = vector.extract_strided_slice %get3A_3 {offsets = [0, 0], sizes = [1, 768], strides = [1, 1]} : vector<2048x768xf32> to vector<1x768xf32>
    %eq3A = arith.constant 0 : i32
    %eq3A_4 = arith.cmpi eq, %rem3A_1, %eq3A : i32
    %slice3A_5 = vector.extract_strided_slice %get3A_3 {offsets = [0, 0], sizes = [1, 768], strides = [1, 1]} : vector<2048x768xf32> to vector<1x768xf32>
    %jit3A = arith.constant 0.000000e+00 : f32
    %broadcast_in_dim3A = vector.broadcast %jit3A : f32 to vector<1x768xf32>
    %select_n3A = arith.select %eq3A_4, %slice3A_5, %broadcast_in_dim3A : vector<1x768xf32>
    %eq3A_6 = arith.constant 1 : i32
    %eq3A_7 = arith.cmpi eq, %rem3A_1, %eq3A_6 : i32
    %slice3A_8 = vector.extract_strided_slice %get3A_3 {offsets = [1, 0], sizes = [1, 768], strides = [1, 1]} : vector<2048x768xf32> to vector<1x768xf32>
    %jit3A_9 = arith.constant 0.000000e+00 : f32
    %broadcast_in_dim3A_10 = vector.broadcast %jit3A_9 : f32 to vector<1x768xf32>
    %select_n3A_11 = arith.select %eq3A_7, %slice3A_8, %broadcast_in_dim3A_10 : vector<1x768xf32>
    %add3A_12 = arith.addf %select_n3A, %select_n3A_11 : vector<1x768xf32>
    %eq3A_13 = arith.constant 2 : i32
    %eq3A_14 = arith.cmpi eq, %rem3A_1, %eq3A_13 : i32
    %slice3A_15 = vector.extract_strided_slice %get3A_3 {offsets = [2, 0], sizes = [1, 768], strides = [1, 1]} : vector<2048x768xf32> to vector<1x768xf32>
    %jit3A_16 = arith.constant 0.000000e+00 : f32
    %broadcast_in_dim3A_17 = vector.broadcast %jit3A_16 : f32 to vector<1x768xf32>
    %select_n3A_18 = arith.select %eq3A_14, %slice3A_15, %broadcast_in_dim3A_17 : vector<1x768xf32>
    %add3A_19 = arith.addf %add3A_12, %select_n3A_18 : vector<1x768xf32>
    %eq3A_20 = arith.constant 3 : i32
    %eq3A_21 = arith.cmpi eq, %rem3A_1, %eq3A_20 : i32
    %slice3A_22 = vector.extract_strided_slice %get3A_3 {offsets = [3, 0], sizes = [1, 768], strides = [1, 1]} : vector<2048x768xf32> to vector<1x768xf32>
    %jit3A_23 = arith.constant 0.000000e+00 : f32
    %broadcast_in_dim3A_24 = vector.broadcast %jit3A_23 : f32 to vector<1x768xf32>
    %select_n3A_25 = arith.select %eq3A_21, %slice3A_22, %broadcast_in_dim3A_24 : vector<1x768xf32>
    %add3A_26 = arith.addf %add3A_19, %select_n3A_25 : vector<1x768xf32>
    %mul3A = arith.constant 4.000000e-01 : f32
    %mul3A_27 = vector.broadcast %mul3A : f32 to vector<1x768xf32>
    %mul3A_28 = arith.mulf %mul3A_27, %slice3A : vector<1x768xf32>
    %sub3A = arith.subf %add3A_26, %mul3A_28 : vector<1x768xf32>
    %mul3A_29 = arith.constant 0.666666686 : f32
    %mul3A_30 = vector.broadcast %mul3A_29 : f32 to vector<1x768xf32>
    %mul3A_31 = arith.mulf %mul3A_30, %sub3A : vector<1x768xf32>
    %mul3A_32 = arith.constant 4.000000e-01 : f32
    %mul3A_33 = vector.broadcast %mul3A_32 : f32 to vector<1x768xf32>
    %mul3A_34 = arith.mulf %mul3A_33, %slice3A : vector<1x768xf32>
    %sub3A_35 = arith.subf %mul3A_31, %mul3A_34 : vector<1x768xf32>
    %add3A_36 = vector.broadcast %sub3A_35 : vector<1x768xf32> to vector<2048x768xf32>
    %add3A_37 = arith.addf %get3A_3, %add3A_36 : vector<2048x768xf32>
    %swap3A = arith.constant 0 : index
    %swap3A_38 = arith.constant 0 : index
    %swap3A_39 = arith.constant 0 : index
    %swap3A_40 = vector.load %arg3[%swap3A, %swap3A_38, %swap3A_39] : memref<1x2048x768xf32, #tpu.memory_space<vmem>>, vector<1x2048x768xf32>
    %swap3A_41 = vector.shape_cast %swap3A_40 : vector<1x2048x768xf32> to vector<2048x768xf32>
    %swap3A_42 = vector.shape_cast %add3A_37 : vector<2048x768xf32> to vector<1x2048x768xf32>
    tpu.vector_store %arg3[%swap3A, %swap3A_38, %swap3A_39], %swap3A_42 {strides = array<i32>} : memref<1x2048x768xf32, #tpu.memory_space<vmem>>, vector<1x2048x768xf32>,
    return
  }
  func.func @transform_0(%arg0: i32) -> (i32, i32) {
    %c0_i32 = arith.constant 0 : i32
    %c0_i32_0 = arith.constant 0 : i32
    %c0_i32_1 = arith.constant 0 : i32
    return %c0_i32, %c0_i32_0 : i32, i32
  }
  func.func @transform_2(%arg0: i32) -> (i32, i32, i32) {
    %add3A = arith.constant 2 : i32
    %add3A_0 = arith.addi %arg0, %add3A : i32
    %c0_i32 = arith.constant 0 : i32
    %c0_i32_1 = arith.constant 0 : i32
    %c0_i32_2 = arith.constant 0 : i32
    return %add3A_0, %c0_i32, %c0_i32_1 : i32, i32, i32
  }
}

</mosaic_0001>

<sc_bundles>
// kernel: _pe_full.4.cloned.1.call-start
scs
__scs_entry_jumppad:
0x0: {  	(pc) =	sbr.rel $0x88, $3  }
0x1: {  	(tag) =	ssettag $0x0;
	lr =	simm.s32 $0x1  }
0x2: {  	[smem:$0x3FA0] =	sst lr;
	_ =	strace $0xD0000000  }
0x3: {  	_ = 	snop  }
0x4: {  	_ = 	snop  }
0x5: {  	_ = 	snop  }
0x6: {  	_ = 	snop  }
0x7: {  	_ = 	snop  }
__scs_overlays_trampoline_lowered:
0x8: {  	[smem:$0x3FAF] =	sst s0  }
0x9: {  	[smem:$0x3FB0] =	sst s1  }
0xa: {  	[smem:$0x3FB1] =	sst s2  }
0xb: {  	[smem:$0x3FB2] =	sst s3  }
0xc: {  	[smem:$0x3FB3] =	sst s4  }
0xd: {  	[smem:$0x3FB4] =	sst s5  }
0xe: {  	[smem:$0x3FB5] =	sst s6  }
0xf: {  	[smem:$0x3FB6] =	sst s7  }
0x10: {  	[smem:$0x3FB7] =	sst s8  }
0x11: {  	[smem:$0x3FB8] =	sst s9;
	s0 =	simm.s32 @!p0 $0x0  }
0x12: {  	s1 =	sld [smem:$0x3F9E];
	s0 =	simm.s32 @p0 $0x1  }
0x13: {  	[smem:$0x3FB9] =	sst s0;
	s0 =	simm.s32 @!p1 $0x0  }
0x14: {  	s2 =	sld [smem:$0x3F9D];
	s0 =	simm.s32 @p1 $0x1  }
0x15: {  	[smem:$0x3FBA] =	sst s0;
	s0 =	simm.s32 @!p2 $0x0  }
0x16: {  	s3 =	sld [smem:$0x3FDB];
	s0 =	simm.s32 @p2 $0x1  }
0x17: {  	s4 =	simm.s32 $0x1BF5;
	[smem:$0x3FBC] =	sst s0  }
0x18: {  	s0 =	sld [smem:$0x3F9F];
	_ =	swait.ge [sflag:s4], $0x0  }
0x19: {  	s7 =	sld [smem:$0x3FA0]  }
0x1a: {  	s8 =	sadd.s32 $0xFFFFE003, lr  }
0x1b: {  	s9 =	sadd.s32 $0xFFFFFEF7, lr;
	s5 =	simm.s32 $0xFFFFFFFF;
	p2 =	slt.u32 s8, $0xFFFFF086  }
0x1c: {  	p1 =	slt.u32 s9, $0xF7A;
	s5 =	simm.s32 @!p2 $0x0  }
0x1d: {  	s5 =	simm.s32 @p1 $0x1;
	p0 =	seq.s32 s7, s2  }
0x1e: {  	s7 =	smul.u32 @!p0 $0xF7A, s2;
	p2 =	seq.s32 @!p0 s5, $0x0  }
0x1f: {  	s9 =	smul.u32 $0xF7A, s1;
	s8 =	simm.s32 @!p0 $0x1BF5;
	p2 =	por !p2, p0  }
0x20: {  	[sflag:s8] =	ssyncset.s32 @!p0 $0xFFFFF086;
	s6 =	sadd.s32 @!p0 s3, s7;
	s7 =	simm.s32 @!p0 $0x108  }
0x21: {  	s3 =	sadd.s32 s3, s9;
	s6 =	sadd.s32 @!p0 $0x88, s6;
	s7 =	simm.s32 @p2 $0x1082  }
0x22: {  	[simem:s7], [sflag:s8] =	dma.local @!p0 [hbm:s6], $0xF7A  }
0x23: {  	s9 =	sor.u32 $0xD0000000, s2;
	s6 =	simm.s32 $0x108;
	_ =	swait.ge @!p0 [sflag:s8], $0x0  }
0x24: {  	s3 =	sadd.s32 $0x88, s3;
	s6 =	simm.s32 @!p1 $0x1082;
	[sflag:s4] =	ssyncset.s32 $0xFFFFF086  }
0x25: {  	[simem:s6], [sflag:s4] =	dma.local [hbm:s3], $0xF7A  }
0x26: {  	[smem:$0x3FA0] =	sst s1;
	(tag) =	ssettag s2;
	_ =	strace s9  }
0x27: {  	s1 =	sld [smem:$0x3FB0]  }
0x28: {  	s2 =	sld [smem:$0x3FB1]  }
0x29: {  	s4 =	sld [smem:$0x3FB3]  }
0x2a: {  	p0 =	seq.s32 s5, $0x0;
	s5 =	sld [smem:$0x3FB4]  }
0x2b: {  	s6 =	sld [smem:$0x3FB5]  }
0x2c: {  	s7 =	sld [smem:$0x3FB6]  }
0x2d: {  	s3 =	simm.s32 $0x108;
	s8 =	sld [smem:$0x3FB7]  }
0x2e: {  	s3 =	simm.s32 @!p0 $0x1082;
	s9 =	sld [smem:$0x3FB8]  }
0x2f: {  	lr =	sadd.s32 s0, s3;
	s0 =	sld [smem:$0x3FAF]  }
0x30: {  	s3 =	sld [smem:$0x3FB2]  }
0x31: {  	[smem:$0x3FBB] =	sst s10  }
0x32: {  	s10 =	sld [smem:$0x3FB9];
	_ =	sdelay $0x3  }
0x33: {  	p0 =	seq.s32 s10, $0x1;
	s10 =	sld [smem:$0x3FBB];
	_ =	sdelay $0x3  }
0x34: {  	[smem:$0x3FBB] =	sst s10  }
0x35: {  	s10 =	sld [smem:$0x3FBA];
	_ =	sdelay $0x3  }
0x36: {  	p1 =	seq.s32 s10, $0x1;
	s10 =	sld [smem:$0x3FBB];
	_ =	sdelay $0x3  }
0x37: {  	[smem:$0x3FBB] =	sst s10  }
0x38: {  	s10 =	sld [smem:$0x3FBC]  }
0x39: {  	_ = 	snop;
	(pc) =	sbr.ind lr, $3  }
0x3a: {  	_ = 	snop  }
0x3b: {  	_ = 	snop  }
0x3c: {  	p2 =	seq.s32 s10, $0x1;
	s10 =	sld [smem:$0x3FBB]  }
0x3d: {  	_ =	shalt  }
0x3e: {  	_ =	shalt  }
0x3f: {  	_ =	shalt  }
0x40: {  	_ =	shalt  }
0x41: {  	_ =	shalt  }
0x42: {  	_ =	shalt  }
0x43: {  	_ =	shalt  }
0x44: {  	_ =	shalt  }
0x45: {  	_ =	shalt  }
0x46: {  	_ =	shalt  }
0x47: {  	_ =	shalt  }
0x48: {  	_ =	shalt  }
0x49: {  	_ =	shalt  }
0x4a: {  	_ =	shalt  }
0x4b: {  	_ =	shalt  }
0x4c: {  	_ =	shalt  }
0x4d: {  	_ =	shalt  }
0x4e: {  	_ =	shalt  }
0x4f: {  	_ =	shalt  }
0x50: {  	_ =	shalt  }
0x51: {  	_ =	shalt  }
0x52: {  	_ =	shalt  }
0x53: {  	_ =	shalt  }
0x54: {  	_ =	shalt  }
0x55: {  	_ =	shalt  }
0x56: {  	_ =	shalt  }
0x57: {  	_ =	shalt  }
0x58: {  	_ =	shalt  }
0x59: {  	_ =	shalt  }
0x5a: {  	_ =	shalt  }
0x5b: {  	_ =	shalt  }
0x5c: {  	_ =	shalt  }
0x5d: {  	_ =	shalt  }
0x5e: {  	_ =	shalt  }
0x5f: {  	_ =	shalt  }
0x60: {  	_ =	shalt  }
0x61: {  	_ =	shalt  }
0x62: {  	_ =	shalt  }
0x63: {  	_ =	shalt  }
0x64: {  	_ =	shalt  }
0x65: {  	_ =	shalt  }
0x66: {  	_ =	shalt  }
0x67: {  	_ =	shalt  }
0x68: {  	_ =	shalt  }
0x69: {  	_ =	shalt  }
0x6a: {  	_ =	shalt  }
0x6b: {  	_ =	shalt  }
0x6c: {  	_ =	shalt  }
0x6d: {  	_ =	shalt  }
0x6e: {  	_ =	shalt  }
0x6f: {  	_ =	shalt  }
0x70: {  	_ =	shalt  }
0x71: {  	_ =	shalt  }
0x72: {  	_ =	shalt  }
0x73: {  	_ =	shalt  }
0x74: {  	_ =	shalt  }
0x75: {  	_ =	shalt  }
0x76: {  	_ =	shalt  }
0x77: {  	_ =	shalt  }
0x78: {  	_ =	shalt  }
0x79: {  	_ =	shalt  }
0x7a: {  	_ =	shalt  }
0x7b: {  	_ =	shalt  }
0x7c: {  	_ =	shalt  }
0x7d: {  	_ =	shalt  }
0x7e: {  	_ =	shalt  }
0x7f: {  	_ =	shalt  }
0x80: {  	_ =	shalt  }
0x81: {  	_ =	shalt  }
0x82: {  	_ =	shalt  }
0x83: {  	_ =	shalt  }
0x84: {  	_ =	shalt  }
0x85: {  	_ =	shalt  }
0x86: {  	_ =	shalt  }
0x87: {  	_ =	shalt  }
.Lfunc_end0:
.L_simem_size_0:
called_computation_lowered:
.L_overlay_start_0:
0x88: {  	s2 =	sld [smem:$0x3FD9]  }
0x89: {  	s3 =	sld [smem:$0x3FFE];
	_ =	sdelay $0x1  }
0x8a: {  	s1 =	srdreg.scid  }
0x8b: {  	s0 =	sand.u32 $0x1, s1  }
0x8c: {  	s18 =	sshll.u32 s0, $0xA;
	s2 =	sadd.s32 s3, s2  }
0x8d: {  	s2 =	sadd.s32 s2, s18  }
0x8e: {  	[smem:$0x3FC7] =	sst s2  }
0x8f: {  	_ = 	snop  }
0x90: {  	s2 =	sld [smem:$0x3FC9]  }
0x91: {  	s19 =	sld [smem:$0x3FD0];
	(tm) =	ssettm $0x1  }
0x92: {  	s4 =	sld [smem:$0x3FFB];
	_ =	sdelay $0x3  }
0x93: {  	_ =	strace s4  }
0x94: {  	s4 =	sld [smem:$0x3FFC];
	_ =	sdelay $0x3  }
0x95: {  	_ =	strace s4  }
0x96: {  	s4 =	sld [smem:$0x3FFD];
	_ =	sdelay $0x3  }
0x97: {  	_ =	strace s4  }
0x98: {  	_ =	strace $0x8FFFFFFF  }
0x99: {  	s20 =	sld [smem:$0x3FDB];
	_ =	sdelay $0x1  }
0x9a: {  	s5 =	simm.s32 $_scs_section_size  }
0x9b: {  	s6 =	simm.s32 $_size__tile_overlayer_lowered;
	s7 =	simm.s32 $_tile_overlayer_lowered  }
0x9c: {  	s23 =	simm.s32 $0x1BFF;
	s22 =	sshll.u32 s7, $0x1;
	s4 =	sadd.s32 s5, s20  }
0x9d: {  	s8 =	simm.s32 $0x0;
	s21 =	sshll.u32 s6, $0x1;
	s6 =	sadd.s32 s22, s4  }
0x9e: {  	[timem:s8], [sflag:s23] =	dma.local [hbm:s6], s21  }
0x9f: {  	_ =	swait.ge [sflag:s23], s21  }
0xa0: {  	s5 =	ssub.s32 $0x0, s21;
	[sflag:s23] =	ssyncset.done $0x0  }
0xa1: {  	[sflag:s23] =	ssyncadd.s32 s5;
	_ =	sdelay $0x1  }
0xa2: {  	s24 =	simm.s32 $0x1B8B  }
0xa3: {  	_ =	swait.ge [sflag:s24], $0x1  }
0xa4: {  	[sflag:s24] =	ssyncset.done $0x0  }
0xa5: {  	s25 =	simm.s32 $0x1B8E;
	[sflag:s24] =	ssyncadd.s32 $0xFFFFFFFF  }
0xa6: {  	s26 =	simm.s32 $execute0_lowered;
	[smem:$0x3FD2] =	sst s25  }
0xa7: {  	s5 =	sshll.u32 s26, $0x1;
	_ =	strace $0x80000046;
	[dreg:$0x1] =	wrdreg $0xFFFFFFFF  }
0xa8: {  	s28 =	simm.s32 $_size_execute0_lowered;
	s4 =	sadd.s32 s4, s5;
	[dreg:$0x0] =	wrdreg $0x0  }
0xa9: {  	s5 =	sshll.u32 s28, $0x1;
	[dreg:$0x2] =	wrdreg s4  }
0xaa: {  	[dreg:$0x3] =	wrdreg s5  }
0xab: {  	[dreg:$0x4] =	wrdreg $0xC0  }
0xac: {  	_ =	task [dreg:s8], $0x5FFFF  }
0xad: {  	[dreg:$0x1] =	wrdreg $0xFFFFFFFF  }
0xae: {  	[dreg:$0x0] =	wrdreg $0x60  }
0xaf: {  	[dreg:$0x2] =	wrdreg s2  }
0xb0: {  	[dreg:$0x3] =	wrdreg s19  }
0xb1: {  	[dreg:$0x4] =	wrdreg $0x9  }
0xb2: {  	_ =	task.clear_ibuf [dreg:s8], $0x5FFFF;
	_ =	strace $0x90000046  }
0xb3: {  	s29 =	simm.s32 $0x9;
	_ =	strace $0x80000048  }
0xb4: {  	_ =	swait.ge [sflag:s29], $0x1  }
0xb5: {  	[sflag:s29] =	ssyncadd.s32 $0xFFFFFFFF  }
0xb6: {  	_ =	strace $0x90000048  }
0xb7: {  	_ =	sfence  }
0xb8: {  	s30 =	sld [smem:$0x0];
	_ =	sdelay $0x2  }
0xb9: {  	s31 =	sshll.u32 s1, $0xD;
	s1 =	sshrl.u32 s1, $0x2  }
0xba: {  	s3 =	sand.u32 $0x4000, s31;
	s1 =	sadd.s32 s1, s30  }
0xbb: {  	s0 =	sor.u32 s3, s0;
	s1 =	sshll.u32 s1, $0x11  }
0xbc: {  	s0 =	sor.u32 s1, s0  }
0xbd: {  	s0 =	sadd.s32 $0x8F2B, s0  }
0xbe: {  	[sflag:s0] =	ssyncadd.remote.s32 $0x1  }
0xbf: {  	_ =	sfence.sel $0xFFFF  }
0xc0: {  	[dreg:$0x0] =	wrdreg $0xFFFFFFFF;
	(pc) =	sbr.abs _section_cstart, $3  }
0xc1: {  	[dreg:$0x1] =	wrdreg $0xFFFFFFFF  }
0xc2: {  	_ =	task.clear_ibuf [dreg:s8], $0x2FFFF;
	_ =	strace $0x9FFFFFFF  }
0xc3: {  	(tm) =	ssettm $0x7FFFFFFF  }
tec
execute0_lowered:
.L_overlay_start_1:
0x0: {  	(tag) =	ssettag $0x1  }
0x1: {  	s0 =	srdreg.scid;
	s2 =	rddreg [dreg:$0x0]  }
0x2: {  	s3 =	stileid.u32;
	s1 =	rddreg [dreg:$0x1]  }
0x3: {  	s16 =	simm.s32 $0x6000;
	s17 =	simm.s32 $0x1;
	s18 =	simm.s32 $0xD800  }
0x4: {  	s19 =	simm.s32 $0x10800;
	s20 =	simm.s32 $0x3;
	s0 =	sand.u32 $0x1, s0  }
0x5: {  	s21 =	simm.s32 $0x4;
	s3 =	sshll.u32 s3, $0x4;
	s4 =	sshll.u32 s0, $0x3  }
0x6: {  	s22 =	simm.s32 $0x2;
	s0 =	ssub.s32 $0x2, s0;
	s4 =	sor.u32 s4, s3  }
0x7: {  	s3 =	simm.s32 $0x0;
	s5 =	sshrl.u32 s0, $0x1;
	s4 =	smul.u32 $0x1800, s4  }
0x8: {  	s23 =	simm.s32 $0x0;
	[smem:$0x7FF] =	sst s3;
	s0 =	ssub.s32 s0, s5  }
0x9: {  	_ =	strace $0x80000047;
	s12 =	smax.u32 s0, $0x1;
	s31 =	sshrl.u32 s4, $0x3  }
0xa: {  	s4 =	sadd.s32 s2, s31;
	s9 =	sadd.s32 $0xC00, s31;
	s5 =	sadd.s32 s1, s31  }
0xb: {  	s6 =	sadd.s32 s2, s9;
	s7 =	sadd.s32 $0x30000, s5;
	s8 =	sadd.s32 $0x30600, s5  }
0xc: {  	s9 =	sadd.s32 s1, s9;
	s10 =	sadd.s32 $0x30C00, s5;
	s11 =	sadd.s32 $0x31200, s5  }
.LBB2_1:
0xd: {  	s0 =	simm.s32 $0x200;
	s1 =	simm.s32 $0x400;
	s13 =	simm.s32 $0xC000  }
0xe: {  	[tilespmem:s13], [sflag:$0x1] =	stream.strided.gather [hbm4b:s2+s0], $0xC00, s1, s0, $0x38;
	[tilespmem:$0x13800] =	vst v63  }
0xf: {  	_ = 	snop  }
0x10: {  	[tilespmem:s3], [sflag:$0x1] =	stream.linear.gather [hbm4b:s4+s3], $0x6000, $0x38;
	[tilespmem:$0x13800] =	vst v63  }
0x11: {  	_ = 	snop  }
0x12: {  	[tilespmem:s16], [sflag:$0x1] =	stream.linear.gather [hbm4b:s6+s3], $0x6000, $0x38;
	[tilespmem:$0x13800] =	vst v63  }
0x13: {  	_ =	swait.ge [sflag:s17], $0xC00  }
0x14: {  	[sflag:s17] =	ssyncset.done $0x0  }
0x15: {  	[sflag:s17] =	ssyncadd.s32 $0xFFFFF400  }
0x16: {  	_ =	swait.ge [sflag:s17], $0x6000  }
0x17: {  	[sflag:s17] =	ssyncset.done $0x0  }
0x18: {  	[sflag:s17] =	ssyncadd.s32 $0xFFFFA000  }
0x19: {  	[hbm4b:s5+s3] =	stream.linear.scatter [tilespmem:s3], [sflag:$0x2], $0x6000, $0x38;
	[tilespmem:$0x13800] =	vst v63  }
0x1a: {  	v0 =	vld [tilespmem:$0xC000]  }
0x1b: {  	v1 =	vld [tilespmem:$0xC080]  }
0x1c: {  	v2 =	vld [tilespmem:$0xC010]  }
0x1d: {  	v3 =	vld [tilespmem:$0xC090]  }
0x1e: {  	v4 =	vld [tilespmem:$0xC020]  }
0x1f: {  	v5 =	vld [tilespmem:$0xC0A0]  }
0x20: {  	v6 =	vld [tilespmem:$0xC030]  }
0x21: {  	v7 =	vld [tilespmem:$0xC0B0]  }
0x22: {  	v8 =	vld [tilespmem:$0xC040]  }
0x23: {  	v9 =	vld [tilespmem:$0xC0C0]  }
0x24: {  	v10 =	vld [tilespmem:$0xC050]  }
0x25: {  	v11 =	vld [tilespmem:$0xC0D0]  }
0x26: {  	v12 =	vld [tilespmem:$0xC060]  }
0x27: {  	v13 =	vld [tilespmem:$0xC0E0]  }
0x28: {  	v14 =	vld [tilespmem:$0xC070]  }
0x29: {  	v15 =	vld [tilespmem:$0xC0F0]  }
0x2a: {  	v16 =	vld [tilespmem:$0xC200]  }
0x2b: {  	v17 =	vld [tilespmem:$0xC280]  }
0x2c: {  	v18 =	vld [tilespmem:$0xC210]  }
0x2d: {  	v19 =	vld [tilespmem:$0xC290]  }
0x2e: {  	v20 =	vld [tilespmem:$0xC220]  }
0x2f: {  	v21 =	vld [tilespmem:$0xC2A0]  }
0x30: {  	v22 =	vld [tilespmem:$0xC230]  }
0x31: {  	v23 =	vld [tilespmem:$0xC2B0]  }
0x32: {  	v24 =	vld [tilespmem:$0xC240]  }
0x33: {  	v25 =	vld [tilespmem:$0xC2C0]  }
0x34: {  	v26 =	vld [tilespmem:$0xC250]  }
0x35: {  	v27 =	vld [tilespmem:$0xC2D0]  }
0x36: {  	v28 =	vld [tilespmem:$0xC260]  }
0x37: {  	v29 =	vld [tilespmem:$0xC2E0]  }
0x38: {  	v30 =	vld [tilespmem:$0xC270]  }
0x39: {  	v31 =	vld [tilespmem:$0xC2F0]  }
0x3a: {  	v32 =	vld [tilespmem:$0xC400]  }
0x3b: {  	v33 =	vld [tilespmem:$0xC480]  }
0x3c: {  	v34 =	vld [tilespmem:$0xC410]  }
0x3d: {  	v35 =	vld [tilespmem:$0xC490]  }
0x3e: {  	v36 =	vld [tilespmem:$0xC420]  }
0x3f: {  	v37 =	vld [tilespmem:$0xC4A0];
	v0 =	vmul.f32 $4.000000060e-01, v0;
	v2 =	vmul.f32 $4.000000060e-01, v2  }
0x40: {  	v38 =	vld [tilespmem:$0xC430];
	v4 =	vmul.f32 $4.000000060e-01, v4;
	v6 =	vmul.f32 $4.000000060e-01, v6  }
0x41: {  	v39 =	vld [tilespmem:$0xC4B0];
	v8 =	vmul.f32 $4.000000060e-01, v8;
	v10 =	vmul.f32 $4.000000060e-01, v10  }
0x42: {  	v40 =	vld [tilespmem:$0xC440];
	v54 =	vmul.f32 $4.000000060e-01, v16;
	v56 =	vmul.f32 $4.000000060e-01, v18  }
0x43: {  	v41 =	vld [tilespmem:$0xC4C0];
	v20 =	vmul.f32 $4.000000060e-01, v20;
	v22 =	vmul.f32 $4.000000060e-01, v22  }
0x44: {  	v42 =	vld [tilespmem:$0xC450];
	v61 =	vmul.f32 $4.000000060e-01, v24;
	v63 =	vmul.f32 $4.000000060e-01, v26;
	v1 =	vsub.f32 v1, v0  }
0x45: {  	v43 =	vld [tilespmem:$0xC680];
	v49 =	vmul.f32 $4.000000060e-01, v28;
	v3 =	vsub.f32 v3, v2;
	v5 =	vsub.f32 v5, v4  }
0x46: {  	v44 =	vld [tilespmem:$0xC610];
	v51 =	vmul.f32 $4.000000060e-01, v30;
	v7 =	vsub.f32 v7, v6;
	v17 =	vsub.f32 v17, v54  }
0x47: {  	v45 =	vld [tilespmem:$0xC6C0];
	v32 =	vmul.f32 $4.000000060e-01, v32;
	v19 =	vsub.f32 v19, v56;
	v57 =	vsub.f32 v21, v20  }
0x48: {  	v46 =	vld [tilespmem:$0xC650];
	v34 =	vmul.f32 $4.000000060e-01, v34;
	v59 =	vsub.f32 v23, v22;
	v48 =	vsub.f32 v25, v61  }
0x49: {  	v47 =	vld [tilespmem:$0xC8A0];
	v50 =	vsub.f32 v27, v63;
	v29 =	vsub.f32 v29, v49;
	v1 =	vmul.f32 $6.666666860e-01, v1  }
0x4a: {  	v16 =	vld [tilespmem:$0xC4F0];
	v31 =	vsub.f32 v31, v51;
	v3 =	vmul.f32 $6.666666860e-01, v3;
	v58 =	vmul.f32 $6.666666860e-01, v19  }
0x4b: {  	v18 =	vld [tilespmem:$0xC600];
	v53 =	vsub.f32 v33, v32;
	v60 =	vmul.f32 $6.666666860e-01, v57;
	v62 =	vmul.f32 $6.666666860e-01, v59  }
0x4c: {  	v24 =	vld [tilespmem:$0xC6A0];
	v0 =	vsub.f32 v1, v0;
	v1 =	vmul.f32 $6.666666860e-01, v5;
	v5 =	vsub.f32 v9, v8  }
0x4d: {  	v19 =	vld [tilespmem:$0xC810];
	v2 =	vsub.f32 v3, v2;
	v3 =	vmul.f32 $6.666666860e-01, v7;
	v7 =	vsub.f32 v11, v10  }
0x4e: {  	v26 =	vld [tilespmem:$0xC630];
	v52 =	vmul.f32 $6.666666860e-01, v29;
	v1 =	vsub.f32 v1, v4;
	v4 =	vmul.f32 $6.666666860e-01, v5  }
0x4f: {  	v28 =	vld [tilespmem:$0xC6B0];
	v5 =	vmul.f32 $4.000000060e-01, v12;
	v3 =	vsub.f32 v3, v6;
	v6 =	vmul.f32 $6.666666860e-01, v7  }
0x50: {  	v57 =	vmul.f32 $4.000000060e-01, v36;
	v11 =	vld [tilespmem:$0xC460];
	v7 =	vmul.f32 $4.000000060e-01, v14;
	v4 =	vsub.f32 v4, v8  }
0x51: {  	v30 =	vld [tilespmem:$0xC640];
	v59 =	vmul.f32 $4.000000060e-01, v38;
	v8 =	vsub.f32 v13, v5;
	v6 =	vsub.f32 v6, v10  }
0x52: {  	v12 =	vld [tilespmem:$0xC4E0];
	v19 =	vmul.f32 $4.000000060e-01, v19;
	v55 =	vsub.f32 v15, v7;
	v13 =	vsub.f32 v60, v20  }
0x53: {  	v14 =	vld [tilespmem:$0xC470];
	v15 =	vsub.f32 v62, v22;
	v20 =	vmul.f32 $6.666666860e-01, v48;
	v22 =	vmul.f32 $6.666666860e-01, v50  }
0x54: {  	v21 =	vld [tilespmem:$0xC690];
	[tilespmem:$0xCCA0] =	vst v1;
	v1 =	vsub.f32 v52, v49;
	v60 =	vsub.f32 v37, v57;
	v48 =	vmul.f32 $4.000000060e-01, v44  }
0x55: {  	v23 =	vld [tilespmem:$0xC620];
	[tilespmem:$0xCC80] =	vst v0;
	v62 =	vsub.f32 v39, v59;
	v11 =	vmul.f32 $4.000000060e-01, v11;
	v8 =	vmul.f32 $6.666666860e-01, v8  }
0x56: {  	v9 =	vld [tilespmem:$0xC4D0];
	[tilespmem:$0xCC90] =	vst v2;
	v10 =	vmul.f32 $6.666666860e-01, v55;
	v0 =	vsub.f32 v20, v61;
	v2 =	vsub.f32 v22, v63  }
0x57: {  	v49 =	vld [tilespmem:$0xC830];
	v55 =	vsub.f32 v35, v34;
	v61 =	vmul.f32 $4.000000060e-01, v40;
	v63 =	vmul.f32 $4.000000060e-01, v42  }
0x58: {  	v25 =	vld [tilespmem:$0xC6E0];
	[tilespmem:$0xCCB0] =	vst v3;
	v42 =	vmul.f32 $4.000000060e-01, v18;
	v14 =	vmul.f32 $4.000000060e-01, v14;
	v12 =	vsub.f32 v12, v11  }
0x59: {  	v27 =	vld [tilespmem:$0xC670];
	[tilespmem:$0xCCC0] =	vst v4;
	v5 =	vsub.f32 v8, v5;
	v8 =	vmul.f32 $6.666666860e-01, v17;
	v7 =	vsub.f32 v10, v7  }
0x5a: {  	v33 =	vld [tilespmem:$0xC6F0];
	[tilespmem:$0xCCD0] =	vst v6;
	v10 =	vsub.f32 v58, v56;
	v56 =	vmul.f32 $6.666666860e-01, v53;
	v40 =	vsub.f32 v41, v61  }
0x5b: {  	v29 =	vld [tilespmem:$0xC6D0];
	[tilespmem:$0xCEA0] =	vst v13;
	v58 =	vmul.f32 $6.666666860e-01, v55;
	v9 =	vsub.f32 v9, v63;
	v50 =	vsub.f32 v43, v42  }
0x5c: {  	v35 =	vld [tilespmem:$0xC800];
	[tilespmem:$0xCEB0] =	vst v15;
	v53 =	vsub.f32 v21, v48;
	v12 =	vmul.f32 $6.666666860e-01, v12;
	v44 =	vmul.f32 $4.000000060e-01, v49  }
0x5d: {  	v36 =	vld [tilespmem:$0xC880];
	v8 =	vsub.f32 v8, v54;
	v54 =	vmul.f32 $6.666666860e-01, v31;
	[tilespmem:$0xCCE0] =	vst v5;
	v5 =	vmul.f32 $6.666666860e-01, v60  }
0x5e: {  	v52 =	vld [tilespmem:$0xC8B0];
	v41 =	vsub.f32 v16, v14;
	[tilespmem:$0xCCF0] =	vst v7;
	v7 =	vmul.f32 $6.666666860e-01, v62;
	v9 =	vmul.f32 $6.666666860e-01, v9  }
0x5f: {  	v37 =	vld [tilespmem:$0xC870];
	[tilespmem:$0xCEE0] =	vst v1;
	v4 =	vsub.f32 v56, v32;
	v1 =	vmul.f32 $6.666666860e-01, v50;
	v60 =	vmul.f32 $4.000000060e-01, v46  }
0x60: {  	v17 =	vld [tilespmem:$0xC890];
	v6 =	vsub.f32 v58, v34;
	[tilespmem:$0xCE90] =	vst v10;
	v34 =	vmul.f32 $4.000000060e-01, v27;
	v10 =	vmul.f32 $6.666666860e-01, v41  }
0x61: {  	v39 =	vld [tilespmem:$0xC8F0];
	[tilespmem:$0xCEC0] =	vst v0;
	v0 =	vsub.f32 v12, v11;
	v38 =	vmul.f32 $4.000000060e-01, v35;
	v3 =	vsub.f32 v54, v51  }
0x62: {  	v31 =	vld [tilespmem:$0xC660];
	[tilespmem:$0xCE80] =	vst v8;
	v5 =	vsub.f32 v5, v57;
	v8 =	vmul.f32 $6.666666860e-01, v40;
	v7 =	vsub.f32 v7, v59  }
0x63: {  	[tilespmem:$0xCED0] =	vst v2;
	v16 =	vld [tilespmem:$0xC820];
	v9 =	vsub.f32 v9, v63;
	v51 =	vmul.f32 $4.000000060e-01, v23;
	v1 =	vsub.f32 v1, v42  }
0x64: {  	v55 =	vld [tilespmem:$0xC840];
	v54 =	vmul.f32 $4.000000060e-01, v26;
	[tilespmem:$0xD080] =	vst v4;
	v29 =	vsub.f32 v29, v60;
	v40 =	vsub.f32 v33, v34  }
0x65: {  	v49 =	vld [tilespmem:$0xCAA0];
	v57 =	vmul.f32 $4.000000060e-01, v30;
	[tilespmem:$0xD090] =	vst v6;
	v2 =	vsub.f32 v10, v14;
	v43 =	vsub.f32 v17, v19  }
0x66: {  	v58 =	vld [tilespmem:$0xC8C0];
	v8 =	vsub.f32 v8, v61;
	v56 =	vsub.f32 v24, v51;
	[tilespmem:$0xCEF0] =	vst v3;
	v3 =	vmul.f32 $6.666666860e-01, v53  }
0x67: {  	v32 =	vld [tilespmem:$0xC8E0];
	v59 =	vsub.f32 v28, v54;
	[tilespmem:$0xD0B0] =	vst v7;
	v7 =	vmul.f32 $6.666666860e-01, v29;
	v31 =	vmul.f32 $4.000000060e-01, v31  }
0x68: {  	v46 =	vld [tilespmem:$0xCA90];
	v62 =	vsub.f32 v45, v57;
	v16 =	vmul.f32 $4.000000060e-01, v16;
	v53 =	vmul.f32 $4.000000060e-01, v37;
	[tilespmem:$0xD0F0] =	vst v2  }
0x69: {  	v61 =	vld [tilespmem:$0xC850];
	v2 =	vmul.f32 $6.666666860e-01, v40;
	v4 =	vmul.f32 $6.666666860e-01, v56;
	[tilespmem:$0xD0C0] =	vst v8;
	v8 =	vsub.f32 v25, v31  }
0x6a: {  	v63 =	vld [tilespmem:$0xC8D0];
	[tilespmem:$0xD0A0] =	vst v5;
	v3 =	vsub.f32 v3, v48;
	v6 =	vmul.f32 $6.666666860e-01, v59;
	v5 =	vmul.f32 $6.666666860e-01, v62  }
0x6b: {  	v30 =	vld [tilespmem:$0xC860];
	[tilespmem:$0xD0E0] =	vst v0;
	v7 =	vsub.f32 v7, v60;
	v0 =	vmul.f32 $6.666666860e-01, v8;
	v8 =	vsub.f32 v36, v38  }
0x6c: {  	v45 =	vld [tilespmem:$0xCA10];
	v2 =	vsub.f32 v2, v34;
	v4 =	vsub.f32 v4, v51;
	[tilespmem:$0xD290] =	vst v3;
	v3 =	vmul.f32 $6.666666860e-01, v43  }
0x6d: {  	v41 =	vld [tilespmem:$0xCA00];
	[tilespmem:$0xD280] =	vst v1;
	v6 =	vsub.f32 v6, v54;
	v1 =	vmul.f32 $6.666666860e-01, v8;
	v8 =	vsub.f32 v47, v16  }
0x6e: {  	v42 =	vld [tilespmem:$0xCA80];
	v5 =	vsub.f32 v5, v57;
	[tilespmem:$0xD2D0] =	vst v7;
	v50 =	vmul.f32 $4.000000060e-01, v61;
	v3 =	vsub.f32 v3, v19  }
0x6f: {  	v48 =	vld [tilespmem:$0xCA20];
	[tilespmem:$0xD2A0] =	vst v4;
	v0 =	vsub.f32 v0, v31;
	v4 =	vmul.f32 $6.666666860e-01, v8;
	v8 =	vmul.f32 $4.000000060e-01, v55  }
0x70: {  	v56 =	vld [tilespmem:$0xCAC0];
	v15 =	vmul.f32 $4.000000060e-01, v30;
	[tilespmem:$0xD2F0] =	vst v2;
	v47 =	vsub.f32 v52, v44;
	v7 =	vsub.f32 v63, v50  }
0x71: {  	v59 =	vld [tilespmem:$0xCA70];
	v20 =	vmul.f32 $4.000000060e-01, v45;
	[tilespmem:$0xD2C0] =	vst v5;
	v1 =	vsub.f32 v1, v38;
	v5 =	vsub.f32 v58, v8  }
0x72: {  	v51 =	vld [tilespmem:$0xCA30];
	[tilespmem:$0xD2B0] =	vst v6;
	v6 =	vmul.f32 $6.666666860e-01, v47;
	v2 =	vmul.f32 $6.666666860e-01, v7;
	v7 =	vsub.f32 v39, v53  }
0x73: {  	v54 =	vld [tilespmem:$0xCA40];
	[tilespmem:$0xD2E0] =	vst v0;
	v55 =	vmul.f32 $4.000000060e-01, v41;
	v0 =	vmul.f32 $6.666666860e-01, v5;
	v5 =	vsub.f32 v32, v15  }
0x74: {  	v57 =	vld [tilespmem:$0xCA50];
	[tilespmem:$0xD490] =	vst v3;
	v4 =	vsub.f32 v4, v16;
	v6 =	vsub.f32 v6, v44;
	v3 =	vmul.f32 $6.666666860e-01, v7  }
0x75: {  	v52 =	vld [tilespmem:$0xCAB0];
	[tilespmem:$0xD480] =	vst v1;
	v2 =	vsub.f32 v2, v50;
	v1 =	vmul.f32 $6.666666860e-01, v5;
	v5 =	vsub.f32 v42, v55  }
0x76: {  	[tilespmem:$0xD0D0] =	vst v9;
	v7 =	vsub.f32 v46, v20;
	v58 =	vld [tilespmem:$0xCA60];
	v3 =	vsub.f32 v3, v53  }
0x77: {  	[tilespmem:$0xD4A0] =	vst v4;
	v0 =	vsub.f32 v0, v8;
	v8 =	vld [tilespmem:$0xCAD0];
	v4 =	vmul.f32 $6.666666860e-01, v5;
	v5 =	vmul.f32 $4.000000060e-01, v48  }
0x78: {  	v60 =	vld [tilespmem:$0xCAE0];
	[tilespmem:$0xD4B0] =	vst v6;
	v6 =	vmul.f32 $6.666666860e-01, v7;
	v7 =	vmul.f32 $4.000000060e-01, v51;
	v1 =	vsub.f32 v1, v15  }
0x79: {  	v62 =	vld [tilespmem:$0xCAF0];
	v61 =	vmul.f32 $4.000000060e-01, v54;
	[tilespmem:$0xD4C0] =	vst v0;
	v0 =	vsub.f32 v4, v55;
	v4 =	vsub.f32 v49, v5  }
0x7a: {  	v63 =	vmul.f32 $4.000000060e-01, v57;
	[tilespmem:$0xD4D0] =	vst v2;
	v2 =	vsub.f32 v6, v20;
	v6 =	vsub.f32 v52, v7  }
0x7b: {  	v9 =	vmul.f32 $4.000000060e-01, v58;
	[tilespmem:$0xD4E0] =	vst v1;
	v1 =	vmul.f32 $6.666666860e-01, v4;
	v4 =	vsub.f32 v56, v61  }
0x7c: {  	[tilespmem:$0xD4F0] =	vst v3;
	v3 =	vmul.f32 $6.666666860e-01, v6;
	v6 =	vsub.f32 v8, v63;
	v8 =	vmul.f32 $4.000000060e-01, v59  }
0x7d: {  	[tilespmem:$0xD680] =	vst v0;
	v0 =	vsub.f32 v1, v5;
	v1 =	vmul.f32 $6.666666860e-01, v4;
	v4 =	vsub.f32 v60, v9  }
0x7e: {  	[tilespmem:$0xD690] =	vst v2;
	v2 =	vsub.f32 v3, v7;
	v3 =	vmul.f32 $6.666666860e-01, v6;
	v5 =	vsub.f32 v62, v8  }
0x7f: {  	[tilespmem:$0xD6A0] =	vst v0;
	v0 =	vsub.f32 v1, v61;
	v1 =	vmul.f32 $6.666666860e-01, v4  }
0x80: {  	[tilespmem:$0xD6B0] =	vst v2;
	v2 =	vsub.f32 v3, v63;
	v3 =	vmul.f32 $6.666666860e-01, v5  }
0x81: {  	[tilespmem:$0xD6C0] =	vst v0;
	v0 =	vsub.f32 v1, v9  }
0x82: {  	s26 =	simm.s32 $0x0;
	[tilespmem:$0xD6D0] =	vst v2;
	v1 =	vsub.f32 v3, v8  }
0x83: {  	s29 =	simm.s32 $0x0;
	s30 =	sand.u32 $0x70, s3;
	s0 =	sand.u32 $0x3FFFFE00, s26;
	[tilespmem:$0xD6E0] =	vst v0  }
0x84: {  	s1 =	sand.u32 $0xFFFFFC00, s29;
	s0 =	sor.u32 s30, s0;
	[tilespmem:$0xD6F0] =	vst v1  }
0x85: {  	s24 =	sor.u32 s30, s1;
	v0 =	vld [tilespmem:s0+$0xCC80]  }
0x86: {  	v1 =	vld [tilespmem:s24+$0x0];
	_ =	sdelay $0x1  }
0x87: {  	v2 =	vld [tilespmem:s24+$0x80]  }
0x88: {  	v3 =	vld [tilespmem:s24+$0x100]  }
0x89: {  	v4 =	vld [tilespmem:s24+$0x180]  }
0x8a: {  	v5 =	vld [tilespmem:s24+$0x200];
	v1 =	vadd.f32 v1, v0  }
0x8b: {  	v6 =	vld [tilespmem:s24+$0x280]  }
0x8c: {  	[tilespmem:s24+$0xD800] =	vst v1;
	v1 =	vadd.f32 v2, v0;
	v2 =	vld [tilespmem:s24+$0x300]  }
0x8d: {  	v3 =	vadd.f32 v3, v0  }
0x8e: {  	[tilespmem:s24+$0xD880] =	vst v1;
	v1 =	vadd.f32 v4, v0  }
0x8f: {  	[tilespmem:s24+$0xD900] =	vst v3;
	v3 =	vadd.f32 v5, v0  }
0x90: {  	[tilespmem:s24+$0xD980] =	vst v1;
	v1 =	vadd.f32 v6, v0  }
0x91: {  	s31 =	simm.s32 $0x40;
	s14 =	simm.s32 $0x80;
	[tilespmem:s24+$0xDA00] =	vst v3;
	v2 =	vadd.f32 v2, v0  }
0x92: {  	s26 =	sand.u32 $0x3FFFFE00, s31;
	s1 =	sor.u32 s1, s3;
	s0 =	simm.s32 $0x10;
	[tilespmem:s24+$0xDA80] =	vst v1  }
0x93: {  	s13 =	sor.u32 $0x380, s1;
	s1 =	sand.u32 $0xFFFFFC00, s14;
	s25 =	sand.u32 $0x70, s0;
	[tilespmem:s24+$0xDB00] =	vst v2  }
0x94: {  	s26 =	sor.u32 s25, s26;
	s25 =	sor.u32 s25, s1;
	v4 =	vld [tilespmem:s13+$0x0]  }
0x95: {  	v6 =	vld [tilespmem:s25+$0x0]  }
0x96: {  	v1 =	vld [tilespmem:s26+$0xCC80]  }
0x97: {  	v5 =	vld [tilespmem:s25+$0x80]  }
0x98: {  	v2 =	vld [tilespmem:s25+$0x100]  }
0x99: {  	v3 =	vld [tilespmem:s25+$0x180];
	v7 =	vadd.f32 v4, v0  }
0x9a: {  	s28 =	simm.s32 $0x2;
	s26 =	simm.s32 $0x10;
	v4 =	vld [tilespmem:s25+$0x200]  }
.LBB2_2:
0x9b: {  	p0 =	sne.s32 s28, $0x2F;
	v6 =	vadd.f32 v6, v1;
	v8 =	vld [tilespmem:s25+$0x280];
	[tilespmem:s13+$0xD800] =	vst v7  }
0x9c: {  	v5 =	vadd.f32 v5, v1;
	v7 =	vld [tilespmem:s24+$0x1B80]  }
0x9d: {  	[tilespmem:s25+$0xD800] =	vst v6;
	v2 =	vadd.f32 v2, v1;
	v6 =	vld [tilespmem:s25+$0x300]  }
0x9e: {  	[tilespmem:s25+$0xD880] =	vst v5;
	v3 =	vadd.f32 v3, v1;
	v5 =	vld [tilespmem:s24+$0x1800]  }
0x9f: {  	[tilespmem:s25+$0xD900] =	vst v2;
	v2 =	vadd.f32 v4, v1;
	v4 =	vld [tilespmem:s24+$0x1880]  }
0xa0: {  	[tilespmem:s25+$0xD980] =	vst v3;
	v3 =	vadd.f32 v8, v1;
	v8 =	vld [tilespmem:s24+$0x1900]  }
0xa1: {  	[tilespmem:s25+$0xDA00] =	vst v2;
	v2 =	vld [tilespmem:s24+$0x1980];
	v7 =	vadd.f32 v7, v0  }
0xa2: {  	s0 =	sadd.s32 $0x10, s0;
	[tilespmem:s25+$0xDA80] =	vst v3;
	v3 =	vadd.f32 v6, v1;
	v9 =	vld [tilespmem:s24+$0x1A00]  }
0xa3: {  	s13 =	sshll.u32 s28, $0x6;
	s14 =	sshll.u32 s28, $0x7;
	s1 =	sor.u32 s1, s26;
	v5 =	vadd.f32 v5, v0;
	v10 =	vld [tilespmem:s24+$0x1A80];
	[tilespmem:s24+$0xF380] =	vst v7  }
0xa4: {  	s29 =	sand.u32 $0x70, s0;
	s26 =	sand.u32 $0x3FFFFE00, s13;
	s13 =	sor.u32 $0x380, s1;
	[tilespmem:s25+$0xDB00] =	vst v3;
	v3 =	vadd.f32 v4, v0;
	v4 =	vld [tilespmem:s24+$0x1B00]  }
0xa5: {  	s1 =	sand.u32 $0xFFFFFC00, s14;
	s30 =	sor.u32 s29, s26;
	s26 =	smov.u32 s0;
	v7 =	vld [tilespmem:s13+$0x0];
	[tilespmem:s24+$0xF000] =	vst v5;
	v5 =	vadd.f32 v8, v0  }
0xa6: {  	s14 =	sor.u32 s29, s1;
	v8 =	vld [tilespmem:s30+$0xCC80];
	[tilespmem:s24+$0xF080] =	vst v3;
	v2 =	vadd.f32 v2, v0  }
.Ltmp0:
0xa7: {  	v6 =	vld [tilespmem:s14+$0x0];
	[tilespmem:s24+$0xF100] =	vst v5;
	v3 =	vadd.f32 v9, v0;
	(pc) =	sbr.rel @p0 .LBB2_2-.Ltmp0, $4  }
0xa8: {  	v5 =	vld [tilespmem:s14+$0x80];
	[tilespmem:s24+$0xF180] =	vst v2;
	v9 =	vadd.f32 v10, v0  }
0xa9: {  	v2 =	vld [tilespmem:s14+$0x100];
	[tilespmem:s24+$0xF200] =	vst v3;
	v10 =	vadd.f32 v4, v0;
	v0 =	vmov v1  }
0xaa: {  	v3 =	vld [tilespmem:s14+$0x180];
	v7 =	vadd.f32 v7, v0;
	[tilespmem:s24+$0xF280] =	vst v9  }
0xab: {  	s28 =	sadd.s32 $0x1, s28;
	v4 =	vld [tilespmem:s14+$0x200];
	[tilespmem:s24+$0xF300] =	vst v10;
	v1 =	vmov v8;
	s24 =	smov.u32 s25;
	s25 =	smov.u32 s14  }
0xac: {  	v6 =	vadd.f32 v6, v1  }
0xad: {  	v8 =	vld [tilespmem:s25+$0x280]  }
0xae: {  	v5 =	vadd.f32 v5, v1;
	[tilespmem:s25+$0xD800] =	vst v6;
	v6 =	vld [tilespmem:s25+$0x300]  }
0xaf: {  	[tilespmem:s13+$0xD800] =	vst v7;
	v2 =	vadd.f32 v2, v1  }
0xb0: {  	[tilespmem:s25+$0xD880] =	vst v5;
	v3 =	vadd.f32 v3, v1  }
0xb1: {  	[tilespmem:s25+$0xD900] =	vst v2;
	v2 =	vadd.f32 v4, v1  }
0xb2: {  	[tilespmem:s25+$0xD980] =	vst v3;
	v3 =	vadd.f32 v8, v1  }
0xb3: {  	[tilespmem:s25+$0xDA00] =	vst v2;
	v2 =	vadd.f32 v6, v1  }
0xb4: {  	s0 =	sor.u32 s1, s26;
	[tilespmem:s25+$0xDA80] =	vst v3  }
0xb5: {  	s0 =	sor.u32 $0x380, s0;
	v4 =	vld [tilespmem:s24+$0x1B80];
	[tilespmem:s25+$0xDB00] =	vst v2  }
0xb6: {  	v2 =	vld [tilespmem:s0+$0x0]  }
0xb7: {  	v3 =	vld [tilespmem:s24+$0x1800]  }
0xb8: {  	v5 =	vld [tilespmem:s24+$0x1880]  }
0xb9: {  	v6 =	vld [tilespmem:s24+$0x1900]  }
0xba: {  	v7 =	vld [tilespmem:s24+$0x1980];
	v4 =	vadd.f32 v4, v0  }
0xbb: {  	v8 =	vld [tilespmem:s24+$0x1A00];
	v2 =	vadd.f32 v2, v1  }
0xbc: {  	v9 =	vld [tilespmem:s24+$0x1A80];
	[tilespmem:s24+$0xF380] =	vst v4;
	v3 =	vadd.f32 v3, v0  }
0xbd: {  	v4 =	vld [tilespmem:s24+$0x1B00];
	[tilespmem:s0+$0xD800] =	vst v2;
	v2 =	vadd.f32 v5, v0  }
0xbe: {  	[tilespmem:s24+$0xF000] =	vst v3;
	v3 =	vadd.f32 v6, v0;
	v5 =	vld [tilespmem:s25+$0x1B80]  }
0xbf: {  	v6 =	vld [tilespmem:s25+$0x1800];
	[tilespmem:s24+$0xF080] =	vst v2;
	v2 =	vadd.f32 v7, v0  }
0xc0: {  	[tilespmem:s24+$0xF100] =	vst v3;
	v3 =	vadd.f32 v8, v0;
	v7 =	vld [tilespmem:s25+$0x1880]  }
0xc1: {  	v8 =	vld [tilespmem:s25+$0x1900];
	[tilespmem:s24+$0xF180] =	vst v2;
	v2 =	vadd.f32 v9, v0  }
0xc2: {  	[tilespmem:s24+$0xF200] =	vst v3;
	v9 =	vld [tilespmem:s25+$0x1980];
	v0 =	vadd.f32 v4, v0  }
0xc3: {  	v3 =	vadd.f32 v5, v1;
	v5 =	vld [tilespmem:s25+$0x1A00];
	[tilespmem:s24+$0xF280] =	vst v2  }
0xc4: {  	v2 =	vld [tilespmem:s25+$0x1A80];
	v4 =	vadd.f32 v6, v1;
	[tilespmem:s24+$0xF300] =	vst v0  }
0xc5: {  	v0 =	vadd.f32 v7, v1;
	[tilespmem:s25+$0xF380] =	vst v3;
	v3 =	vld [tilespmem:s25+$0x1B00]  }
0xc6: {  	[tilespmem:s25+$0xF000] =	vst v4;
	v4 =	vadd.f32 v8, v1  }
0xc7: {  	[tilespmem:s25+$0xF080] =	vst v0;
	v0 =	vadd.f32 v9, v1  }
0xc8: {  	[tilespmem:s25+$0xF100] =	vst v4;
	v4 =	vadd.f32 v5, v1  }
0xc9: {  	[tilespmem:s25+$0xF180] =	vst v0;
	v0 =	vadd.f32 v2, v1  }
0xca: {  	[tilespmem:s25+$0xF200] =	vst v4;
	v1 =	vadd.f32 v3, v1  }
0xcb: {  	[tilespmem:s25+$0xF280] =	vst v0  }
0xcc: {  	s1 =	simm.s32 $0x0;
	s13 =	simm.s32 $0x0;
	[tilespmem:s25+$0xF300] =	vst v1  }
0xcd: {  	[hbm4b:s7+s1] =	stream.linear.scatter [tilespmem:s18], [sflag:$0x3], $0x3000, $0x38;
	[tilespmem:$0x13800] =	vst v63  }
0xce: {  	s14 =	simm.s32 $0x0;
	s0 =	sand.u32 $0x70, s1;
	s1 =	sand.u32 $0x3FFFFE00, s13  }
0xcf: {  	s13 =	sand.u32 $0xFFFFFC00, s14;
	s1 =	sor.u32 s0, s1  }
0xd0: {  	s26 =	sor.u32 s0, s13;
	v3 =	vld [tilespmem:s1+$0xCC80]  }
0xd1: {  	v0 =	vld [tilespmem:s26+$0x3080];
	_ =	sdelay $0x4  }
0xd2: {  	v0 =	vadd.f32 v0, v3  }
0xd3: {  	s0 =	sadd.s32 $0x10800, s26  }
0xd4: {  	v1 =	vld [tilespmem:s26+$0x3000];
	[tilespmem:s0+$0x80] =	vst v0  }
0xd5: {  	v0 =	vld [tilespmem:s26+$0x3100];
	_ =	sdelay $0x2  }
0xd6: {  	s15 =	simm.s32 $0x40;
	s24 =	simm.s32 $0x10  }
0xd7: {  	s14 =	simm.s32 $0x80;
	s13 =	sand.u32 $0x70, s24;
	s1 =	sand.u32 $0x3FFFFE00, s15;
	v1 =	vadd.f32 v1, v3  }
0xd8: {  	s25 =	sand.u32 $0xFFFFFC00, s14;
	s1 =	sor.u32 s13, s1;
	v2 =	vadd.f32 v0, v3  }
0xd9: {  	s24 =	sor.u32 s13, s25;
	[tilespmem:s26+$0x10800] =	vst v1;
	v0 =	vld [tilespmem:s1+$0xCC80]  }
0xda: {  	[tilespmem:s0+$0x100] =	vst v2;
	v2 =	vld [tilespmem:s24+$0x3080];
	_ =	sdelay $0x1  }
0xdb: {  	v1 =	vld [tilespmem:s26+$0x3180];
	_ =	sdelay $0x2  }
0xdc: {  	v2 =	vadd.f32 v2, v0  }
0xdd: {  	s29 =	sadd.s32 $0x10800, s24  }
0xde: {  	v4 =	vld [tilespmem:s24+$0x3000];
	v1 =	vadd.f32 v1, v3;
	[tilespmem:s29+$0x80] =	vst v2  }
0xdf: {  	v2 =	vld [tilespmem:s24+$0x3100]  }
0xe0: {  	[tilespmem:s0+$0x180] =	vst v1  }
0xe1: {  	v1 =	vld [tilespmem:s26+$0x3200];
	_ =	sdelay $0x1  }
0xe2: {  	s14 =	simm.s32 $0x80;
	s15 =	simm.s32 $0x20;
	v4 =	vadd.f32 v4, v0  }
0xe3: {  	s13 =	sand.u32 $0x70, s15;
	s1 =	sand.u32 $0x3FFFFE00, s14;
	v2 =	vadd.f32 v2, v0  }
0xe4: {  	s25 =	simm.s32 $0x100;
	s1 =	sor.u32 s13, s1;
	[tilespmem:s24+$0x10800] =	vst v4  }
0xe5: {  	v5 =	vadd.f32 v1, v3;
	v1 =	vld [tilespmem:s1+$0xCC80];
	s1 =	sand.u32 $0xFFFFFC00, s25;
	[tilespmem:s29+$0x100] =	vst v2  }
0xe6: {  	s25 =	sor.u32 s13, s1;
	v4 =	vld [tilespmem:s24+$0x3180]  }
0xe7: {  	[tilespmem:s0+$0x200] =	vst v5;
	v5 =	vld [tilespmem:s25+$0x3080]  }
0xe8: {  	v2 =	vld [tilespmem:s26+$0x3280];
	_ =	sdelay $0x2  }
0xe9: {  	v4 =	vadd.f32 v4, v0  }
0xea: {  	v5 =	vadd.f32 v5, v1  }
0xeb: {  	v6 =	vld [tilespmem:s25+$0x3000];
	s30 =	sadd.s32 $0x10800, s25;
	v2 =	vadd.f32 v2, v3;
	[tilespmem:s29+$0x180] =	vst v4  }
0xec: {  	[tilespmem:s30+$0x80] =	vst v5;
	v4 =	vld [tilespmem:s24+$0x3200]  }
0xed: {  	[tilespmem:s0+$0x280] =	vst v2;
	v5 =	vld [tilespmem:s25+$0x3100]  }
0xee: {  	v2 =	vld [tilespmem:s26+$0x3300];
	_ =	sdelay $0x1  }
0xef: {  	v6 =	vadd.f32 v6, v1  }
0xf0: {  	s15 =	simm.s32 $0x30;
	s14 =	simm.s32 $0xC0;
	v4 =	vadd.f32 v4, v0  }
0xf1: {  	s13 =	sand.u32 $0x70, s15;
	s1 =	sand.u32 $0x3FFFFE00, s14;
	[tilespmem:s25+$0x10800] =	vst v6;
	v5 =	vadd.f32 v5, v1  }
0xf2: {  	s1 =	sor.u32 s13, s1;
	v7 =	vadd.f32 v2, v3;
	[tilespmem:s29+$0x200] =	vst v4  }
0xf3: {  	v2 =	vld [tilespmem:s1+$0xCC80];
	[tilespmem:s30+$0x100] =	vst v5  }
0xf4: {  	s14 =	simm.s32 $0x180;
	[tilespmem:s0+$0x300] =	vst v7;
	v5 =	vld [tilespmem:s24+$0x3280]  }
0xf5: {  	s1 =	sand.u32 $0xFFFFFC00, s14;
	v4 =	vld [tilespmem:s26+$0x3380]  }
0xf6: {  	s28 =	sor.u32 s13, s1;
	v6 =	vld [tilespmem:s25+$0x3180]  }
0xf7: {  	v7 =	vld [tilespmem:s28+$0x3080];
	_ =	sdelay $0x1  }
0xf8: {  	v5 =	vadd.f32 v5, v0  }
0xf9: {  	v8 =	vld [tilespmem:s28+$0x3000];
	v4 =	vadd.f32 v4, v3  }
0xfa: {  	v6 =	vadd.f32 v6, v1;
	[tilespmem:s29+$0x280] =	vst v5  }
0xfb: {  	[tilespmem:s0+$0x380] =	vst v4;
	v4 =	vadd.f32 v7, v2;
	v9 =	vld [tilespmem:s24+$0x3300]  }
0xfc: {  	s31 =	sadd.s32 $0x10800, s28;
	[tilespmem:s30+$0x180] =	vst v6;
	v7 =	vld [tilespmem:s26+$0x4B80]  }
0xfd: {  	[tilespmem:s31+$0x80] =	vst v4;
	v4 =	vld [tilespmem:s25+$0x3200]  }
0xfe: {  	v8 =	vadd.f32 v8, v2;
	v10 =	vld [tilespmem:s28+$0x3100]  }
0xff: {  	v11 =	vld [tilespmem:s26+$0x4800]  }
0x100: {  	s15 =	simm.s32 $0x100;
	s0 =	simm.s32 $0x40;
	v5 =	vld [tilespmem:s26+$0x4880];
	[tilespmem:s28+$0x10800] =	vst v8;
	v8 =	vadd.f32 v9, v0  }
0x101: {  	s1 =	sand.u32 $0x3FFFFE00, s15;
	v6 =	vld [tilespmem:s26+$0x4900];
	s14 =	sand.u32 $0x70, s0;
	v12 =	vadd.f32 v7, v3  }
0x102: {  	s1 =	sor.u32 s14, s1;
	v7 =	vld [tilespmem:s26+$0x4980];
	v9 =	vadd.f32 v4, v1;
	[tilespmem:s29+$0x300] =	vst v8  }
0x103: {  	v4 =	vld [tilespmem:s1+$0xCC80];
	[tilespmem:s26+$0x12380] =	vst v12;
	v10 =	vadd.f32 v10, v2  }
0x104: {  	s13 =	simm.s32 $0x200;
	s1 =	simm.s32 $0x5;
	v8 =	vld [tilespmem:s24+$0x3380];
	[tilespmem:s30+$0x200] =	vst v9;
	v9 =	vadd.f32 v11, v3  }
.LBB2_4:
0x105: {  	p0 =	sne.s32 s1, $0x2F;
	s13 =	sand.u32 $0xFFFFFC00, s13;
	[tilespmem:s31+$0x100] =	vst v10;
	v10 =	vld [tilespmem:s25+$0x3280];
	v5 =	vadd.f32 v5, v3  }
0x106: {  	s13 =	sor.u32 s14, s13;
	v11 =	vld [tilespmem:s28+$0x3180];
	[tilespmem:s26+$0x12000] =	vst v9;
	v6 =	vadd.f32 v6, v3  }
0x107: {  	v9 =	vld [tilespmem:s13+$0x3080];
	[tilespmem:s26+$0x12080] =	vst v5;
	v5 =	vadd.f32 v7, v3  }
0x108: {  	[tilespmem:s26+$0x12100] =	vst v6;
	v6 =	vld [tilespmem:s26+$0x4A00]  }
0x109: {  	v7 =	vadd.f32 v8, v0;
	[tilespmem:s26+$0x12180] =	vst v5;
	v5 =	vld [tilespmem:s26+$0x4A80]  }
0x10a: {  	v8 =	vadd.f32 v10, v1;
	v10 =	vld [tilespmem:s26+$0x4B00]  }
0x10b: {  	v12 =	vld [tilespmem:s13+$0x3000];
	v11 =	vadd.f32 v11, v2;
	[tilespmem:s29+$0x380] =	vst v7;
	s29 =	smov.u32 s30;
	s30 =	smov.u32 s31  }
0x10c: {  	v7 =	vadd.f32 v9, v4;
	[tilespmem:s29+$0x280] =	vst v8;
	v8 =	vld [tilespmem:s24+$0x4B80]  }
0x10d: {  	s31 =	sadd.s32 $0x10800, s13;
	[tilespmem:s30+$0x180] =	vst v11;
	v9 =	vld [tilespmem:s25+$0x3300];
	v6 =	vadd.f32 v6, v3  }
0x10e: {  	[tilespmem:s31+$0x80] =	vst v7;
	v7 =	vld [tilespmem:s28+$0x3200];
	v5 =	vadd.f32 v5, v3  }
0x10f: {  	v11 =	vld [tilespmem:s13+$0x3100];
	[tilespmem:s26+$0x12200] =	vst v6;
	v6 =	vadd.f32 v10, v3;
	v3 =	vmovc v0;
	v0 =	vmovc v1;
	v1 =	vmov v2;
	v2 =	vmov v4  }
0x110: {  	v4 =	vadd.f32 v12, v2;
	v12 =	vld [tilespmem:s24+$0x4800];
	[tilespmem:s26+$0x12280] =	vst v5  }
.Ltmp1:
0x111: {  	s15 =	sshll.u32 s1, $0x6;
	s0 =	sadd.s32 $0x10, s0;
	v5 =	vld [tilespmem:s24+$0x4880];
	v8 =	vadd.f32 v8, v3;
	[tilespmem:s26+$0x12300] =	vst v6;
	(pc) =	sbr.rel @p0 .LBB2_4-.Ltmp1, $4  }
0x112: {  	s14 =	sand.u32 $0x70, s0;
	s15 =	sand.u32 $0x3FFFFE00, s15;
	s26 =	smov.u32 s24;
	[tilespmem:s13+$0x10800] =	vst v4;
	v9 =	vadd.f32 v9, v0;
	v6 =	vld [tilespmem:s24+$0x4900]  }
0x113: {  	s15 =	sor.u32 s14, s15;
	s24 =	smov.u32 s25;
	s25 =	smov.u32 s28;
	v13 =	vadd.f32 v7, v1;
	v7 =	vld [tilespmem:s26+$0x4980];
	[tilespmem:s26+$0x12380] =	vst v8  }
0x114: {  	s28 =	smov.u32 s13;
	v4 =	vld [tilespmem:s15+$0xCC80];
	v10 =	vadd.f32 v11, v2;
	[tilespmem:s29+$0x300] =	vst v9  }
0x115: {  	s13 =	sshll.u32 s1, $0x7;
	s1 =	sadd.s32 $0x1, s1;
	[tilespmem:s30+$0x200] =	vst v13;
	v8 =	vld [tilespmem:s24+$0x3380];
	v9 =	vadd.f32 v12, v3  }
0x116: {  	s0 =	sand.u32 $0xFFFFFC00, s13  }
0x117: {  	s1 =	sor.u32 s14, s0  }
0x118: {  	[tilespmem:s31+$0x100] =	vst v10;
	v44 =	vld [tilespmem:s1+$0x3080]  }
0x119: {  	v11 =	vld [tilespmem:s28+$0x3180];
	_ =	sdelay $0x3  }
0x11a: {  	v10 =	vadd.f32 v44, v4  }
0x11b: {  	s0 =	sadd.s32 $0x10800, s1;
	v11 =	vadd.f32 v11, v2  }
0x11c: {  	v12 =	vld [tilespmem:s1+$0x3000];
	[tilespmem:s0+$0x80] =	vst v10  }
0x11d: {  	[tilespmem:s31+$0x180] =	vst v11;
	v10 =	vld [tilespmem:s1+$0x3100]  }
0x11e: {  	v11 =	vld [tilespmem:s28+$0x3200]  }
0x11f: {  	v13 =	vld [tilespmem:s25+$0x3280];
	_ =	sdelay $0x1  }
0x120: {  	v12 =	vadd.f32 v12, v4  }
0x121: {  	[tilespmem:s26+$0x12000] =	vst v9;
	v45 =	vadd.f32 v10, v4  }
0x122: {  	[tilespmem:s1+$0x10800] =	vst v12;
	v46 =	vadd.f32 v11, v2  }
0x123: {  	v47 =	vadd.f32 v13, v1;
	[tilespmem:s0+$0x100] =	vst v45  }
0x124: {  	v5 =	vadd.f32 v5, v3;
	[tilespmem:s31+$0x200] =	vst v46;
	v9 =	vld [tilespmem:s1+$0x3180]  }
0x125: {  	[tilespmem:s30+$0x280] =	vst v47;
	v10 =	vld [tilespmem:s28+$0x3280]  }
0x126: {  	v6 =	vadd.f32 v6, v3;
	[tilespmem:s26+$0x12080] =	vst v5;
	v5 =	vld [tilespmem:s25+$0x3300]  }
0x127: {  	v7 =	vadd.f32 v7, v3  }
0x128: {  	[tilespmem:s26+$0x12100] =	vst v6  }
0x129: {  	v6 =	vld [tilespmem:s26+$0x4A00];
	[tilespmem:s26+$0x12180] =	vst v7;
	v7 =	vadd.f32 v9, v4  }
0x12a: {  	v10 =	vadd.f32 v10, v2  }
0x12b: {  	v48 =	vld [tilespmem:s26+$0x4A80];
	v5 =	vadd.f32 v5, v1;
	[tilespmem:s0+$0x180] =	vst v7  }
0x12c: {  	[tilespmem:s31+$0x280] =	vst v10;
	v7 =	vadd.f32 v8, v0;
	v8 =	vld [tilespmem:s1+$0x3200]  }
0x12d: {  	[tilespmem:s30+$0x300] =	vst v5;
	v5 =	vld [tilespmem:s28+$0x3300]  }
0x12e: {  	v6 =	vadd.f32 v6, v3;
	[tilespmem:s29+$0x380] =	vst v7;
	v7 =	vld [tilespmem:s25+$0x3380]  }
0x12f: {  	v49 =	vld [tilespmem:s26+$0x4B00]  }
0x130: {  	[tilespmem:s26+$0x12200] =	vst v6;
	v9 =	vadd.f32 v48, v3;
	v6 =	vld [tilespmem:s24+$0x4880]  }
0x131: {  	v50 =	vld [tilespmem:s24+$0x4B80];
	v8 =	vadd.f32 v8, v4  }
0x132: {  	[tilespmem:s26+$0x12280] =	vst v9;
	v51 =	vld [tilespmem:s24+$0x4800];
	v5 =	vadd.f32 v5, v2  }
0x133: {  	v52 =	vld [tilespmem:s24+$0x4900];
	v7 =	vadd.f32 v7, v1;
	[tilespmem:s0+$0x200] =	vst v8  }
0x134: {  	v3 =	vadd.f32 v49, v3;
	[tilespmem:s31+$0x300] =	vst v5;
	v5 =	vld [tilespmem:s1+$0x3280]  }
0x135: {  	v6 =	vadd.f32 v6, v0;
	[tilespmem:s30+$0x380] =	vst v7;
	v7 =	vld [tilespmem:s28+$0x3380]  }
0x136: {  	[tilespmem:s26+$0x12300] =	vst v3;
	v8 =	vld [tilespmem:s24+$0x4980];
	v10 =	vadd.f32 v50, v0  }
0x137: {  	v12 =	vadd.f32 v51, v0;
	[tilespmem:s24+$0x12080] =	vst v6;
	v6 =	vld [tilespmem:s25+$0x4880]  }
0x138: {  	v9 =	vadd.f32 v52, v0;
	[tilespmem:s24+$0x12380] =	vst v10;
	v54 =	vld [tilespmem:s25+$0x4800]  }
0x139: {  	v3 =	vld [tilespmem:s24+$0x4A00];
	[tilespmem:s24+$0x12000] =	vst v12;
	v5 =	vadd.f32 v5, v4  }
0x13a: {  	[tilespmem:s24+$0x12100] =	vst v9;
	v55 =	vld [tilespmem:s25+$0x4900];
	v7 =	vadd.f32 v7, v2  }
0x13b: {  	v53 =	vld [tilespmem:s25+$0x4B80];
	v8 =	vadd.f32 v8, v0;
	[tilespmem:s0+$0x280] =	vst v5  }
0x13c: {  	v6 =	vadd.f32 v6, v1;
	[tilespmem:s31+$0x380] =	vst v7;
	v7 =	vld [tilespmem:s1+$0x3300]  }
0x13d: {  	v56 =	vld [tilespmem:s25+$0x4980];
	[tilespmem:s24+$0x12180] =	vst v8;
	v5 =	vadd.f32 v54, v1  }
0x13e: {  	v3 =	vadd.f32 v3, v0;
	v8 =	vld [tilespmem:s25+$0x4A00];
	[tilespmem:s25+$0x12080] =	vst v6  }
0x13f: {  	v6 =	vld [tilespmem:s28+$0x4880];
	[tilespmem:s25+$0x12000] =	vst v5;
	v5 =	vadd.f32 v55, v1  }
0x140: {  	[tilespmem:s24+$0x12200] =	vst v3;
	v10 =	vadd.f32 v53, v1;
	v58 =	vld [tilespmem:s28+$0x4800]  }
0x141: {  	[tilespmem:s25+$0x12100] =	vst v5;
	v5 =	vld [tilespmem:s28+$0x4900];
	v7 =	vadd.f32 v7, v4  }
0x142: {  	v11 =	vadd.f32 v56, v1;
	[tilespmem:s25+$0x12380] =	vst v10;
	v57 =	vld [tilespmem:s28+$0x4B80]  }
0x143: {  	v60 =	vld [tilespmem:s24+$0x4A80];
	v8 =	vadd.f32 v8, v1;
	[tilespmem:s0+$0x300] =	vst v7  }
0x144: {  	[tilespmem:s25+$0x12180] =	vst v11;
	v6 =	vadd.f32 v6, v2;
	v61 =	vld [tilespmem:s1+$0x3380]  }
0x145: {  	v62 =	vld [tilespmem:s24+$0x4B00];
	[tilespmem:s25+$0x12200] =	vst v8;
	v7 =	vadd.f32 v58, v2  }
0x146: {  	v59 =	vld [tilespmem:s28+$0x4980];
	[tilespmem:s28+$0x12080] =	vst v6;
	v5 =	vadd.f32 v5, v2  }
0x147: {  	v10 =	vadd.f32 v57, v2;
	[tilespmem:s28+$0x12000] =	vst v7;
	v7 =	vld [tilespmem:s25+$0x4A80]  }
0x148: {  	v6 =	vld [tilespmem:s25+$0x4B00];
	[tilespmem:s28+$0x12100] =	vst v5;
	v5 =	vadd.f32 v60, v0  }
0x149: {  	v3 =	vld [tilespmem:s28+$0x4A00];
	[tilespmem:s28+$0x12380] =	vst v10;
	v9 =	vadd.f32 v61, v4  }
0x14a: {  	v0 =	vadd.f32 v62, v0;
	[tilespmem:s24+$0x12280] =	vst v5;
	v5 =	vld [tilespmem:s28+$0x4A80]  }
0x14b: {  	v63 =	vld [tilespmem:s28+$0x4B00];
	v11 =	vadd.f32 v59, v2;
	[tilespmem:s0+$0x380] =	vst v9  }
0x14c: {  	[tilespmem:s24+$0x12300] =	vst v0;
	v0 =	vadd.f32 v7, v1;
	v7 =	vld [tilespmem:s1+$0x4B80]  }
0x14d: {  	[tilespmem:s28+$0x12180] =	vst v11;
	v1 =	vadd.f32 v6, v1;
	v6 =	vld [tilespmem:s1+$0x4800]  }
0x14e: {  	[tilespmem:s25+$0x12280] =	vst v0;
	v0 =	vadd.f32 v3, v2;
	v3 =	vld [tilespmem:s1+$0x4880]  }
0x14f: {  	[tilespmem:s25+$0x12300] =	vst v1;
	v1 =	vadd.f32 v5, v2;
	v5 =	vld [tilespmem:s1+$0x4900]  }
0x150: {  	[tilespmem:s28+$0x12200] =	vst v0;
	v0 =	vadd.f32 v63, v2;
	v2 =	vld [tilespmem:s1+$0x4980]  }
0x151: {  	[tilespmem:s28+$0x12280] =	vst v1;
	v1 =	vadd.f32 v7, v4;
	v7 =	vld [tilespmem:s1+$0x4A00]  }
0x152: {  	[tilespmem:s28+$0x12300] =	vst v0;
	v0 =	vadd.f32 v6, v4;
	v6 =	vld [tilespmem:s1+$0x4A80]  }
0x153: {  	[tilespmem:s1+$0x12380] =	vst v1;
	v1 =	vadd.f32 v3, v4;
	v3 =	vld [tilespmem:s1+$0x4B00]  }
0x154: {  	[tilespmem:s1+$0x12000] =	vst v0;
	v0 =	vadd.f32 v5, v4  }
0x155: {  	[tilespmem:s1+$0x12080] =	vst v1;
	v1 =	vadd.f32 v2, v4  }
0x156: {  	[tilespmem:s1+$0x12100] =	vst v0;
	v0 =	vadd.f32 v7, v4  }
0x157: {  	[tilespmem:s1+$0x12180] =	vst v1;
	v1 =	vadd.f32 v6, v4  }
0x158: {  	[tilespmem:s1+$0x12200] =	vst v0;
	v0 =	vadd.f32 v3, v4  }
0x159: {  	[tilespmem:s1+$0x12280] =	vst v1  }
0x15a: {  	s31 =	simm.s32 $0x0;
	[tilespmem:s1+$0x12300] =	vst v0  }
0x15b: {  	[hbm4b:s8+s31] =	stream.linear.scatter [tilespmem:s19], [sflag:$0x4], $0x3000, $0x38;
	[tilespmem:$0x13800] =	vst v63  }
0x15c: {  	_ =	swait.ge [sflag:s17], $0x6000  }
0x15d: {  	[sflag:s17] =	ssyncset.done $0x0  }
0x15e: {  	[sflag:s17] =	ssyncadd.s32 $0xFFFFA000  }
0x15f: {  	[hbm4b:s9+s31] =	stream.linear.scatter [tilespmem:s16], [sflag:$0x2], $0x6000, $0x38;
	[tilespmem:$0x13800] =	vst v63  }
0x160: {  	s26 =	simm.s32 $0x0;
	s25 =	simm.s32 $0x0;
	_ =	swait.ge [sflag:s20], $0x3000  }
0x161: {  	s29 =	sand.u32 $0x70, s31;
	s0 =	sand.u32 $0x3FFFFE00, s25;
	[sflag:s20] =	ssyncset.done $0x0  }
0x162: {  	s13 =	sand.u32 $0xFFFFFC00, s26;
	s0 =	sor.u32 s29, s0;
	[sflag:s20] =	ssyncadd.s32 $0xFFFFD000  }
0x163: {  	s24 =	sor.u32 s29, s13;
	v0 =	vld [tilespmem:s0+$0xCC80]  }
0x164: {  	v1 =	vld [tilespmem:s24+$0x6000];
	_ =	sdelay $0x1  }
0x165: {  	v2 =	vld [tilespmem:s24+$0x6080]  }
0x166: {  	v3 =	vld [tilespmem:s24+$0x6100]  }
0x167: {  	v4 =	vld [tilespmem:s24+$0x6180]  }
0x168: {  	v5 =	vld [tilespmem:s24+$0x6200];
	v1 =	vadd.f32 v1, v0  }
0x169: {  	v6 =	vld [tilespmem:s24+$0x6280]  }
0x16a: {  	[tilespmem:s24+$0xD800] =	vst v1;
	v1 =	vadd.f32 v2, v0;
	v2 =	vld [tilespmem:s24+$0x6300]  }
0x16b: {  	v3 =	vadd.f32 v3, v0  }
0x16c: {  	[tilespmem:s24+$0xD880] =	vst v1;
	v1 =	vadd.f32 v4, v0  }
0x16d: {  	[tilespmem:s24+$0xD900] =	vst v3;
	v3 =	vadd.f32 v5, v0  }
0x16e: {  	[tilespmem:s24+$0xD980] =	vst v1;
	v1 =	vadd.f32 v6, v0  }
0x16f: {  	s15 =	simm.s32 $0x80;
	[tilespmem:s24+$0xDA00] =	vst v3;
	v2 =	vadd.f32 v2, v0  }
0x170: {  	s30 =	simm.s32 $0x40;
	s1 =	sor.u32 s13, s31;
	s0 =	simm.s32 $0x10;
	[tilespmem:s24+$0xDA80] =	vst v1  }
0x171: {  	s13 =	sor.u32 $0x380, s1;
	s1 =	sand.u32 $0xFFFFFC00, s15;
	s31 =	sand.u32 $0x70, s0;
	[tilespmem:s24+$0xDB00] =	vst v2  }
0x172: {  	s14 =	sand.u32 $0x3FFFFE00, s30;
	s25 =	sor.u32 s31, s1;
	v4 =	vld [tilespmem:s13+$0x6000]  }
0x173: {  	s14 =	sor.u32 s31, s14;
	v6 =	vld [tilespmem:s25+$0x6000]  }
0x174: {  	v1 =	vld [tilespmem:s14+$0xCC80]  }
0x175: {  	v5 =	vld [tilespmem:s25+$0x6080]  }
0x176: {  	v2 =	vld [tilespmem:s25+$0x6100]  }
0x177: {  	v3 =	vld [tilespmem:s25+$0x6180];
	v7 =	vadd.f32 v4, v0  }
0x178: {  	s26 =	simm.s32 $0x10;
	s28 =	simm.s32 $0x2;
	v4 =	vld [tilespmem:s25+$0x6200]  }
.LBB2_6:
0x179: {  	p0 =	sne.s32 s28, $0x2F;
	v6 =	vadd.f32 v6, v1;
	v8 =	vld [tilespmem:s25+$0x6280];
	[tilespmem:s13+$0xD800] =	vst v7  }
0x17a: {  	v5 =	vadd.f32 v5, v1;
	v7 =	vld [tilespmem:s24+$0x7B80]  }
0x17b: {  	[tilespmem:s25+$0xD800] =	vst v6;
	v2 =	vadd.f32 v2, v1;
	v6 =	vld [tilespmem:s25+$0x6300]  }
0x17c: {  	[tilespmem:s25+$0xD880] =	vst v5;
	v3 =	vadd.f32 v3, v1;
	v5 =	vld [tilespmem:s24+$0x7800]  }
0x17d: {  	[tilespmem:s25+$0xD900] =	vst v2;
	v2 =	vadd.f32 v4, v1;
	v4 =	vld [tilespmem:s24+$0x7880]  }
0x17e: {  	[tilespmem:s25+$0xD980] =	vst v3;
	v3 =	vadd.f32 v8, v1;
	v8 =	vld [tilespmem:s24+$0x7900]  }
0x17f: {  	[tilespmem:s25+$0xDA00] =	vst v2;
	v2 =	vld [tilespmem:s24+$0x7980];
	v7 =	vadd.f32 v7, v0  }
0x180: {  	s0 =	sadd.s32 $0x10, s0;
	[tilespmem:s25+$0xDA80] =	vst v3;
	v3 =	vadd.f32 v6, v1;
	v9 =	vld [tilespmem:s24+$0x7A00]  }
0x181: {  	s13 =	sshll.u32 s28, $0x6;
	s14 =	sshll.u32 s28, $0x7;
	s1 =	sor.u32 s1, s26;
	v5 =	vadd.f32 v5, v0;
	v10 =	vld [tilespmem:s24+$0x7A80];
	[tilespmem:s24+$0xF380] =	vst v7  }
0x182: {  	s15 =	sand.u32 $0x70, s0;
	s26 =	sand.u32 $0x3FFFFE00, s13;
	s13 =	sor.u32 $0x380, s1;
	[tilespmem:s25+$0xDB00] =	vst v3;
	v3 =	vadd.f32 v4, v0;
	v4 =	vld [tilespmem:s24+$0x7B00]  }
0x183: {  	s1 =	sand.u32 $0xFFFFFC00, s14;
	s29 =	sor.u32 s15, s26;
	s26 =	smov.u32 s0;
	v7 =	vld [tilespmem:s13+$0x6000];
	[tilespmem:s24+$0xF000] =	vst v5;
	v5 =	vadd.f32 v8, v0  }
0x184: {  	s14 =	sor.u32 s15, s1;
	v8 =	vld [tilespmem:s29+$0xCC80];
	[tilespmem:s24+$0xF080] =	vst v3;
	v2 =	vadd.f32 v2, v0  }
.Ltmp2:
0x185: {  	v6 =	vld [tilespmem:s14+$0x6000];
	[tilespmem:s24+$0xF100] =	vst v5;
	v3 =	vadd.f32 v9, v0;
	(pc) =	sbr.rel @p0 .LBB2_6-.Ltmp2, $4  }
0x186: {  	v5 =	vld [tilespmem:s14+$0x6080];
	[tilespmem:s24+$0xF180] =	vst v2;
	v9 =	vadd.f32 v10, v0  }
0x187: {  	v2 =	vld [tilespmem:s14+$0x6100];
	[tilespmem:s24+$0xF200] =	vst v3;
	v10 =	vadd.f32 v4, v0;
	v0 =	vmov v1  }
0x188: {  	v3 =	vld [tilespmem:s14+$0x6180];
	v7 =	vadd.f32 v7, v0;
	[tilespmem:s24+$0xF280] =	vst v9  }
0x189: {  	s28 =	sadd.s32 $0x1, s28;
	v4 =	vld [tilespmem:s14+$0x6200];
	[tilespmem:s24+$0xF300] =	vst v10;
	v1 =	vmov v8;
	s24 =	smov.u32 s25;
	s25 =	smov.u32 s14  }
0x18a: {  	v6 =	vadd.f32 v6, v1  }
0x18b: {  	v8 =	vld [tilespmem:s25+$0x6280]  }
0x18c: {  	v5 =	vadd.f32 v5, v1;
	[tilespmem:s25+$0xD800] =	vst v6;
	v6 =	vld [tilespmem:s25+$0x6300]  }
0x18d: {  	[tilespmem:s13+$0xD800] =	vst v7;
	v2 =	vadd.f32 v2, v1  }
0x18e: {  	[tilespmem:s25+$0xD880] =	vst v5;
	v3 =	vadd.f32 v3, v1  }
0x18f: {  	[tilespmem:s25+$0xD900] =	vst v2;
	v2 =	vadd.f32 v4, v1  }
0x190: {  	[tilespmem:s25+$0xD980] =	vst v3;
	v3 =	vadd.f32 v8, v1  }
0x191: {  	[tilespmem:s25+$0xDA00] =	vst v2;
	v2 =	vadd.f32 v6, v1  }
0x192: {  	s0 =	sor.u32 s1, s26;
	[tilespmem:s25+$0xDA80] =	vst v3  }
0x193: {  	s0 =	sor.u32 $0x380, s0;
	v4 =	vld [tilespmem:s24+$0x7B80];
	[tilespmem:s25+$0xDB00] =	vst v2  }
0x194: {  	v2 =	vld [tilespmem:s0+$0x6000]  }
0x195: {  	v3 =	vld [tilespmem:s24+$0x7800]  }
0x196: {  	v5 =	vld [tilespmem:s24+$0x7880]  }
0x197: {  	v6 =	vld [tilespmem:s24+$0x7900]  }
0x198: {  	v7 =	vld [tilespmem:s24+$0x7980];
	v4 =	vadd.f32 v4, v0  }
0x199: {  	v8 =	vld [tilespmem:s24+$0x7A00];
	v2 =	vadd.f32 v2, v1  }
0x19a: {  	v9 =	vld [tilespmem:s24+$0x7A80];
	[tilespmem:s24+$0xF380] =	vst v4;
	v3 =	vadd.f32 v3, v0  }
0x19b: {  	v4 =	vld [tilespmem:s24+$0x7B00];
	[tilespmem:s0+$0xD800] =	vst v2;
	v2 =	vadd.f32 v5, v0  }
0x19c: {  	[tilespmem:s24+$0xF000] =	vst v3;
	v3 =	vadd.f32 v6, v0;
	v5 =	vld [tilespmem:s25+$0x7B80]  }
0x19d: {  	v6 =	vld [tilespmem:s25+$0x7800];
	[tilespmem:s24+$0xF080] =	vst v2;
	v2 =	vadd.f32 v7, v0  }
0x19e: {  	[tilespmem:s24+$0xF100] =	vst v3;
	v3 =	vadd.f32 v8, v0;
	v7 =	vld [tilespmem:s25+$0x7880]  }
0x19f: {  	v8 =	vld [tilespmem:s25+$0x7900];
	[tilespmem:s24+$0xF180] =	vst v2;
	v2 =	vadd.f32 v9, v0  }
0x1a0: {  	[tilespmem:s24+$0xF200] =	vst v3;
	v9 =	vld [tilespmem:s25+$0x7980];
	v0 =	vadd.f32 v4, v0  }
0x1a1: {  	v3 =	vadd.f32 v5, v1;
	v5 =	vld [tilespmem:s25+$0x7A00];
	[tilespmem:s24+$0xF280] =	vst v2  }
0x1a2: {  	v2 =	vld [tilespmem:s25+$0x7A80];
	v4 =	vadd.f32 v6, v1;
	[tilespmem:s24+$0xF300] =	vst v0  }
0x1a3: {  	v0 =	vadd.f32 v7, v1;
	[tilespmem:s25+$0xF380] =	vst v3;
	v3 =	vld [tilespmem:s25+$0x7B00]  }
0x1a4: {  	[tilespmem:s25+$0xF000] =	vst v4;
	v4 =	vadd.f32 v8, v1  }
0x1a5: {  	[tilespmem:s25+$0xF080] =	vst v0;
	v0 =	vadd.f32 v9, v1  }
0x1a6: {  	[tilespmem:s25+$0xF100] =	vst v4;
	v4 =	vadd.f32 v5, v1  }
0x1a7: {  	[tilespmem:s25+$0xF180] =	vst v0;
	v0 =	vadd.f32 v2, v1  }
0x1a8: {  	[tilespmem:s25+$0xF200] =	vst v4;
	v1 =	vadd.f32 v3, v1  }
0x1a9: {  	[tilespmem:s25+$0xF280] =	vst v0  }
0x1aa: {  	s1 =	simm.s32 $0x0;
	[tilespmem:s25+$0xF300] =	vst v1  }
0x1ab: {  	[hbm4b:s10+s1] =	stream.linear.scatter [tilespmem:s18], [sflag:$0x3], $0x3000, $0x38;
	[tilespmem:$0x13800] =	vst v63  }
0x1ac: {  	s13 =	simm.s32 $0x0;
	s14 =	simm.s32 $0x0;
	_ =	swait.ge [sflag:s21], $0x3000  }
0x1ad: {  	s0 =	sand.u32 $0x70, s1;
	s1 =	sand.u32 $0x3FFFFE00, s13;
	[sflag:s21] =	ssyncset.done $0x0  }
0x1ae: {  	s13 =	sand.u32 $0xFFFFFC00, s14;
	s1 =	sor.u32 s0, s1;
	[sflag:s21] =	ssyncadd.s32 $0xFFFFD000  }
0x1af: {  	s26 =	sor.u32 s0, s13;
	v3 =	vld [tilespmem:s1+$0xCC80]  }
0x1b0: {  	v0 =	vld [tilespmem:s26+$0x9080];
	_ =	sdelay $0x4  }
0x1b1: {  	v0 =	vadd.f32 v0, v3  }
0x1b2: {  	s0 =	sadd.s32 $0x10800, s26  }
0x1b3: {  	v1 =	vld [tilespmem:s26+$0x9000];
	[tilespmem:s0+$0x80] =	vst v0  }
0x1b4: {  	v0 =	vld [tilespmem:s26+$0x9100];
	_ =	sdelay $0x2  }
0x1b5: {  	s15 =	simm.s32 $0x40;
	s24 =	simm.s32 $0x10  }
0x1b6: {  	s14 =	simm.s32 $0x80;
	s13 =	sand.u32 $0x70, s24;
	s1 =	sand.u32 $0x3FFFFE00, s15;
	v1 =	vadd.f32 v1, v3  }
0x1b7: {  	s25 =	sand.u32 $0xFFFFFC00, s14;
	s1 =	sor.u32 s13, s1;
	v2 =	vadd.f32 v0, v3  }
0x1b8: {  	s24 =	sor.u32 s13, s25;
	[tilespmem:s26+$0x10800] =	vst v1;
	v0 =	vld [tilespmem:s1+$0xCC80]  }
0x1b9: {  	[tilespmem:s0+$0x100] =	vst v2;
	v2 =	vld [tilespmem:s24+$0x9080];
	_ =	sdelay $0x1  }
0x1ba: {  	v1 =	vld [tilespmem:s26+$0x9180];
	_ =	sdelay $0x2  }
0x1bb: {  	v2 =	vadd.f32 v2, v0  }
0x1bc: {  	s29 =	sadd.s32 $0x10800, s24  }
0x1bd: {  	v4 =	vld [tilespmem:s24+$0x9000];
	v1 =	vadd.f32 v1, v3;
	[tilespmem:s29+$0x80] =	vst v2  }
0x1be: {  	v2 =	vld [tilespmem:s24+$0x9100]  }
0x1bf: {  	[tilespmem:s0+$0x180] =	vst v1  }
0x1c0: {  	v1 =	vld [tilespmem:s26+$0x9200];
	_ =	sdelay $0x1  }
0x1c1: {  	s14 =	simm.s32 $0x80;
	s15 =	simm.s32 $0x20;
	v4 =	vadd.f32 v4, v0  }
0x1c2: {  	s13 =	sand.u32 $0x70, s15;
	s1 =	sand.u32 $0x3FFFFE00, s14;
	v2 =	vadd.f32 v2, v0  }
0x1c3: {  	s25 =	simm.s32 $0x100;
	s1 =	sor.u32 s13, s1;
	[tilespmem:s24+$0x10800] =	vst v4  }
0x1c4: {  	v5 =	vadd.f32 v1, v3;
	v1 =	vld [tilespmem:s1+$0xCC80];
	s1 =	sand.u32 $0xFFFFFC00, s25;
	[tilespmem:s29+$0x100] =	vst v2  }
0x1c5: {  	s25 =	sor.u32 s13, s1;
	v4 =	vld [tilespmem:s24+$0x9180]  }
0x1c6: {  	[tilespmem:s0+$0x200] =	vst v5;
	v5 =	vld [tilespmem:s25+$0x9080]  }
0x1c7: {  	v2 =	vld [tilespmem:s26+$0x9280];
	_ =	sdelay $0x2  }
0x1c8: {  	v4 =	vadd.f32 v4, v0  }
0x1c9: {  	v5 =	vadd.f32 v5, v1  }
0x1ca: {  	v6 =	vld [tilespmem:s25+$0x9000];
	s30 =	sadd.s32 $0x10800, s25;
	v2 =	vadd.f32 v2, v3;
	[tilespmem:s29+$0x180] =	vst v4  }
0x1cb: {  	[tilespmem:s30+$0x80] =	vst v5;
	v4 =	vld [tilespmem:s24+$0x9200]  }
0x1cc: {  	[tilespmem:s0+$0x280] =	vst v2;
	v5 =	vld [tilespmem:s25+$0x9100]  }
0x1cd: {  	v2 =	vld [tilespmem:s26+$0x9300];
	_ =	sdelay $0x1  }
0x1ce: {  	v6 =	vadd.f32 v6, v1  }
0x1cf: {  	s15 =	simm.s32 $0x30;
	s14 =	simm.s32 $0xC0;
	v4 =	vadd.f32 v4, v0  }
0x1d0: {  	s13 =	sand.u32 $0x70, s15;
	s1 =	sand.u32 $0x3FFFFE00, s14;
	[tilespmem:s25+$0x10800] =	vst v6;
	v5 =	vadd.f32 v5, v1  }
0x1d1: {  	s1 =	sor.u32 s13, s1;
	v7 =	vadd.f32 v2, v3;
	[tilespmem:s29+$0x200] =	vst v4  }
0x1d2: {  	v2 =	vld [tilespmem:s1+$0xCC80];
	[tilespmem:s30+$0x100] =	vst v5  }
0x1d3: {  	s14 =	simm.s32 $0x180;
	[tilespmem:s0+$0x300] =	vst v7;
	v5 =	vld [tilespmem:s24+$0x9280]  }
0x1d4: {  	s1 =	sand.u32 $0xFFFFFC00, s14;
	v4 =	vld [tilespmem:s26+$0x9380]  }
0x1d5: {  	s28 =	sor.u32 s13, s1;
	v6 =	vld [tilespmem:s25+$0x9180]  }
0x1d6: {  	v7 =	vld [tilespmem:s28+$0x9080];
	_ =	sdelay $0x1  }
0x1d7: {  	v5 =	vadd.f32 v5, v0  }
0x1d8: {  	v8 =	vld [tilespmem:s28+$0x9000];
	v4 =	vadd.f32 v4, v3  }
0x1d9: {  	v6 =	vadd.f32 v6, v1;
	[tilespmem:s29+$0x280] =	vst v5  }
0x1da: {  	[tilespmem:s0+$0x380] =	vst v4;
	v4 =	vadd.f32 v7, v2;
	v9 =	vld [tilespmem:s24+$0x9300]  }
0x1db: {  	s31 =	sadd.s32 $0x10800, s28;
	[tilespmem:s30+$0x180] =	vst v6;
	v7 =	vld [tilespmem:s26+$0xAB80]  }
0x1dc: {  	[tilespmem:s31+$0x80] =	vst v4;
	v4 =	vld [tilespmem:s25+$0x9200]  }
0x1dd: {  	v8 =	vadd.f32 v8, v2;
	v10 =	vld [tilespmem:s28+$0x9100]  }
0x1de: {  	v11 =	vld [tilespmem:s26+$0xA800]  }
0x1df: {  	s15 =	simm.s32 $0x100;
	s0 =	simm.s32 $0x40;
	v5 =	vld [tilespmem:s26+$0xA880];
	[tilespmem:s28+$0x10800] =	vst v8;
	v8 =	vadd.f32 v9, v0  }
0x1e0: {  	s1 =	sand.u32 $0x3FFFFE00, s15;
	v6 =	vld [tilespmem:s26+$0xA900];
	s14 =	sand.u32 $0x70, s0;
	v12 =	vadd.f32 v7, v3  }
0x1e1: {  	s1 =	sor.u32 s14, s1;
	v7 =	vld [tilespmem:s26+$0xA980];
	v9 =	vadd.f32 v4, v1;
	[tilespmem:s29+$0x300] =	vst v8  }
0x1e2: {  	v4 =	vld [tilespmem:s1+$0xCC80];
	[tilespmem:s26+$0x12380] =	vst v12;
	v10 =	vadd.f32 v10, v2  }
0x1e3: {  	s13 =	simm.s32 $0x200;
	s1 =	simm.s32 $0x5;
	v8 =	vld [tilespmem:s24+$0x9380];
	[tilespmem:s30+$0x200] =	vst v9;
	v9 =	vadd.f32 v11, v3  }
.LBB2_8:
0x1e4: {  	p0 =	sne.s32 s1, $0x2F;
	s13 =	sand.u32 $0xFFFFFC00, s13;
	[tilespmem:s31+$0x100] =	vst v10;
	v10 =	vld [tilespmem:s25+$0x9280];
	v5 =	vadd.f32 v5, v3  }
0x1e5: {  	s13 =	sor.u32 s14, s13;
	v11 =	vld [tilespmem:s28+$0x9180];
	[tilespmem:s26+$0x12000] =	vst v9;
	v6 =	vadd.f32 v6, v3  }
0x1e6: {  	v9 =	vld [tilespmem:s13+$0x9080];
	[tilespmem:s26+$0x12080] =	vst v5;
	v5 =	vadd.f32 v7, v3  }
0x1e7: {  	[tilespmem:s26+$0x12100] =	vst v6;
	v6 =	vld [tilespmem:s26+$0xAA00]  }
0x1e8: {  	v7 =	vadd.f32 v8, v0;
	[tilespmem:s26+$0x12180] =	vst v5;
	v5 =	vld [tilespmem:s26+$0xAA80]  }
0x1e9: {  	v8 =	vadd.f32 v10, v1;
	v10 =	vld [tilespmem:s26+$0xAB00]  }
0x1ea: {  	v12 =	vld [tilespmem:s13+$0x9000];
	v11 =	vadd.f32 v11, v2;
	[tilespmem:s29+$0x380] =	vst v7;
	s29 =	smov.u32 s30;
	s30 =	smov.u32 s31  }
0x1eb: {  	v7 =	vadd.f32 v9, v4;
	[tilespmem:s29+$0x280] =	vst v8;
	v8 =	vld [tilespmem:s24+$0xAB80]  }
0x1ec: {  	s31 =	sadd.s32 $0x10800, s13;
	[tilespmem:s30+$0x180] =	vst v11;
	v9 =	vld [tilespmem:s25+$0x9300];
	v6 =	vadd.f32 v6, v3  }
0x1ed: {  	[tilespmem:s31+$0x80] =	vst v7;
	v7 =	vld [tilespmem:s28+$0x9200];
	v5 =	vadd.f32 v5, v3  }
0x1ee: {  	v11 =	vld [tilespmem:s13+$0x9100];
	[tilespmem:s26+$0x12200] =	vst v6;
	v6 =	vadd.f32 v10, v3;
	v3 =	vmovc v0;
	v0 =	vmovc v1;
	v1 =	vmov v2;
	v2 =	vmov v4  }
0x1ef: {  	v4 =	vadd.f32 v12, v2;
	v12 =	vld [tilespmem:s24+$0xA800];
	[tilespmem:s26+$0x12280] =	vst v5  }
.Ltmp3:
0x1f0: {  	s15 =	sshll.u32 s1, $0x6;
	s0 =	sadd.s32 $0x10, s0;
	v5 =	vld [tilespmem:s24+$0xA880];
	v8 =	vadd.f32 v8, v3;
	[tilespmem:s26+$0x12300] =	vst v6;
	(pc) =	sbr.rel @p0 .LBB2_8-.Ltmp3, $4  }
0x1f1: {  	s14 =	sand.u32 $0x70, s0;
	s15 =	sand.u32 $0x3FFFFE00, s15;
	s26 =	smov.u32 s24;
	[tilespmem:s13+$0x10800] =	vst v4;
	v9 =	vadd.f32 v9, v0;
	v6 =	vld [tilespmem:s24+$0xA900]  }
0x1f2: {  	s15 =	sor.u32 s14, s15;
	s24 =	smov.u32 s25;
	s25 =	smov.u32 s28;
	v13 =	vadd.f32 v7, v1;
	v7 =	vld [tilespmem:s26+$0xA980];
	[tilespmem:s26+$0x12380] =	vst v8  }
0x1f3: {  	s28 =	smov.u32 s13;
	v4 =	vld [tilespmem:s15+$0xCC80];
	v10 =	vadd.f32 v11, v2;
	[tilespmem:s29+$0x300] =	vst v9  }
0x1f4: {  	s13 =	sshll.u32 s1, $0x7;
	s1 =	sadd.s32 $0x1, s1;
	[tilespmem:s30+$0x200] =	vst v13;
	v8 =	vld [tilespmem:s24+$0x9380];
	v9 =	vadd.f32 v12, v3  }
0x1f5: {  	s0 =	sand.u32 $0xFFFFFC00, s13  }
0x1f6: {  	s1 =	sor.u32 s14, s0  }
0x1f7: {  	v44 =	vld [tilespmem:s1+$0x9080];
	_ =	sdelay $0x4  }
0x1f8: {  	[tilespmem:s31+$0x100] =	vst v10;
	v10 =	vadd.f32 v44, v4  }
0x1f9: {  	v11 =	vld [tilespmem:s28+$0x9180];
	s0 =	sadd.s32 $0x10800, s1  }
0x1fa: {  	v12 =	vld [tilespmem:s1+$0x9000];
	[tilespmem:s0+$0x80] =	vst v10  }
0x1fb: {  	v10 =	vld [tilespmem:s1+$0x9100];
	_ =	sdelay $0x2  }
0x1fc: {  	v11 =	vadd.f32 v11, v2  }
0x1fd: {  	v13 =	vld [tilespmem:s25+$0x9280];
	v12 =	vadd.f32 v12, v4  }
0x1fe: {  	[tilespmem:s31+$0x180] =	vst v11;
	v45 =	vadd.f32 v10, v4  }
0x1ff: {  	v11 =	vld [tilespmem:s28+$0x9200];
	[tilespmem:s1+$0x10800] =	vst v12  }
0x200: {  	[tilespmem:s0+$0x100] =	vst v45  }
0x201: {  	[tilespmem:s26+$0x12000] =	vst v9;
	v9 =	vld [tilespmem:s1+$0x9180]  }
0x202: {  	v47 =	vadd.f32 v13, v1;
	_ =	sdelay $0x1  }
0x203: {  	[tilespmem:s30+$0x280] =	vst v47;
	v46 =	vadd.f32 v11, v2  }
0x204: {  	v5 =	vadd.f32 v5, v3;
	v48 =	vld [tilespmem:s25+$0x9300]  }
0x205: {  	v49 =	vld [tilespmem:s26+$0xAA00];
	[tilespmem:s31+$0x200] =	vst v46;
	v50 =	vadd.f32 v9, v4  }
0x206: {  	[tilespmem:s26+$0x12080] =	vst v5;
	v53 =	vadd.f32 v8, v0;
	v10 =	vld [tilespmem:s28+$0x9280]  }
0x207: {  	v52 =	vld [tilespmem:s26+$0xAB00];
	v6 =	vadd.f32 v6, v3;
	[tilespmem:s0+$0x180] =	vst v50  }
0x208: {  	v7 =	vadd.f32 v7, v3;
	[tilespmem:s29+$0x380] =	vst v53;
	v54 =	vld [tilespmem:s1+$0x9200]  }
0x209: {  	[tilespmem:s26+$0x12100] =	vst v6;
	v58 =	vld [tilespmem:s24+$0xA800];
	v5 =	vadd.f32 v48, v1  }
0x20a: {  	[tilespmem:s26+$0x12180] =	vst v7;
	v6 =	vadd.f32 v49, v3;
	v59 =	vld [tilespmem:s24+$0xA880]  }
0x20b: {  	v32 =	vld [tilespmem:s24+$0xAA80];
	[tilespmem:s30+$0x300] =	vst v5;
	v10 =	vadd.f32 v10, v2  }
0x20c: {  	v18 =	vadd.f32 v52, v3;
	[tilespmem:s26+$0x12200] =	vst v6;
	v56 =	vld [tilespmem:s25+$0x9380]  }
0x20d: {  	v35 =	vld [tilespmem:s24+$0xAB00];
	[tilespmem:s31+$0x280] =	vst v10;
	v8 =	vadd.f32 v54, v4  }
0x20e: {  	[tilespmem:s26+$0x12300] =	vst v18;
	v12 =	vadd.f32 v58, v0;
	v55 =	vld [tilespmem:s28+$0x9300]  }
0x20f: {  	v51 =	vld [tilespmem:s26+$0xAA80];
	v6 =	vadd.f32 v59, v0;
	[tilespmem:s0+$0x200] =	vst v8  }
0x210: {  	v38 =	vadd.f32 v32, v0;
	[tilespmem:s24+$0x12000] =	vst v12;
	v62 =	vld [tilespmem:s1+$0x9280]  }
0x211: {  	v21 =	vld [tilespmem:s24+$0xAA00];
	[tilespmem:s24+$0x12080] =	vst v6;
	v7 =	vadd.f32 v56, v1  }
0x212: {  	v57 =	vld [tilespmem:s24+$0xAB80];
	v40 =	vadd.f32 v35, v0;
	[tilespmem:s24+$0x12280] =	vst v38  }
0x213: {  	v60 =	vld [tilespmem:s24+$0xA900];
	[tilespmem:s30+$0x380] =	vst v7;
	v5 =	vadd.f32 v55, v2  }
0x214: {  	[tilespmem:s24+$0x12300] =	vst v40;
	v9 =	vadd.f32 v51, v3;
	v16 =	vld [tilespmem:s25+$0xAB80]  }
0x215: {  	v17 =	vld [tilespmem:s25+$0xA800];
	[tilespmem:s31+$0x300] =	vst v5;
	v5 =	vadd.f32 v62, v4  }
0x216: {  	v3 =	vadd.f32 v21, v0;
	[tilespmem:s26+$0x12280] =	vst v9;
	v63 =	vld [tilespmem:s28+$0x9380]  }
0x217: {  	v10 =	vadd.f32 v57, v0;
	v19 =	vld [tilespmem:s25+$0xA880];
	[tilespmem:s0+$0x280] =	vst v5  }
0x218: {  	v9 =	vadd.f32 v60, v0;
	[tilespmem:s24+$0x12200] =	vst v3;
	v24 =	vld [tilespmem:s1+$0x9300]  }
0x219: {  	v20 =	vld [tilespmem:s25+$0xA900];
	[tilespmem:s24+$0x12380] =	vst v10;
	v10 =	vadd.f32 v16, v1  }
0x21a: {  	v22 =	vld [tilespmem:s25+$0xA980];
	[tilespmem:s24+$0x12100] =	vst v9;
	v23 =	vadd.f32 v17, v1  }
0x21b: {  	v36 =	vld [tilespmem:s25+$0xAA80];
	[tilespmem:s25+$0x12380] =	vst v10;
	v7 =	vadd.f32 v63, v2  }
0x21c: {  	v61 =	vld [tilespmem:s24+$0xA980];
	v6 =	vadd.f32 v19, v1;
	[tilespmem:s25+$0x12000] =	vst v23  }
0x21d: {  	v37 =	vld [tilespmem:s25+$0xAB00];
	[tilespmem:s31+$0x380] =	vst v7;
	v7 =	vadd.f32 v24, v4  }
0x21e: {  	v30 =	vld [tilespmem:s25+$0xAA00];
	v26 =	vadd.f32 v20, v1;
	[tilespmem:s25+$0x12080] =	vst v6  }
0x21f: {  	v11 =	vadd.f32 v22, v1;
	v25 =	vld [tilespmem:s28+$0xAB80];
	[tilespmem:s0+$0x300] =	vst v7  }
0x220: {  	v43 =	vadd.f32 v36, v1;
	[tilespmem:s25+$0x12100] =	vst v26;
	v34 =	vld [tilespmem:s1+$0x9380]  }
0x221: {  	[tilespmem:s25+$0x12180] =	vst v11;
	v8 =	vadd.f32 v61, v0;
	v27 =	vld [tilespmem:s28+$0xA800]  }
0x222: {  	v45 =	vadd.f32 v37, v1;
	[tilespmem:s25+$0x12280] =	vst v43;
	v28 =	vld [tilespmem:s28+$0xA880]  }
0x223: {  	[tilespmem:s24+$0x12180] =	vst v8;
	v8 =	vadd.f32 v30, v1;
	v29 =	vld [tilespmem:s28+$0xA900]  }
0x224: {  	[tilespmem:s25+$0x12300] =	vst v45;
	v31 =	vld [tilespmem:s28+$0xA980];
	v10 =	vadd.f32 v25, v2  }
0x225: {  	[tilespmem:s25+$0x12200] =	vst v8;
	v39 =	vld [tilespmem:s28+$0xAA00];
	v9 =	vadd.f32 v34, v4  }
0x226: {  	v41 =	vld [tilespmem:s28+$0xAA80];
	v33 =	vadd.f32 v27, v2;
	[tilespmem:s28+$0x12380] =	vst v10  }
0x227: {  	v42 =	vld [tilespmem:s28+$0xAB00];
	v6 =	vadd.f32 v28, v2;
	[tilespmem:s0+$0x380] =	vst v9  }
0x228: {  	v5 =	vadd.f32 v29, v2;
	[tilespmem:s28+$0x12000] =	vst v33;
	v44 =	vld [tilespmem:s1+$0xAB80]  }
0x229: {  	v11 =	vadd.f32 v31, v2;
	[tilespmem:s28+$0x12080] =	vst v6;
	v46 =	vld [tilespmem:s1+$0xA800]  }
0x22a: {  	v47 =	vadd.f32 v39, v2;
	[tilespmem:s28+$0x12100] =	vst v5;
	v48 =	vld [tilespmem:s1+$0xA880]  }
0x22b: {  	v49 =	vadd.f32 v41, v2;
	[tilespmem:s28+$0x12180] =	vst v11;
	v50 =	vld [tilespmem:s1+$0xA900]  }
0x22c: {  	v51 =	vadd.f32 v42, v2;
	[tilespmem:s28+$0x12200] =	vst v47;
	v52 =	vld [tilespmem:s1+$0xA980]  }
0x22d: {  	[tilespmem:s28+$0x12280] =	vst v49;
	v54 =	vld [tilespmem:s1+$0xAA00];
	v53 =	vadd.f32 v44, v4  }
0x22e: {  	[tilespmem:s28+$0x12300] =	vst v51;
	v56 =	vld [tilespmem:s1+$0xAA80];
	v55 =	vadd.f32 v46, v4  }
0x22f: {  	v58 =	vld [tilespmem:s1+$0xAB00];
	v57 =	vadd.f32 v48, v4;
	[tilespmem:s1+$0x12380] =	vst v53  }
0x230: {  	v59 =	vadd.f32 v50, v4;
	[tilespmem:s1+$0x12000] =	vst v55  }
0x231: {  	v60 =	vadd.f32 v52, v4;
	[tilespmem:s1+$0x12080] =	vst v57  }
0x232: {  	v61 =	vadd.f32 v54, v4;
	[tilespmem:s1+$0x12100] =	vst v59  }
0x233: {  	v62 =	vadd.f32 v56, v4;
	[tilespmem:s1+$0x12180] =	vst v60  }
0x234: {  	v63 =	vadd.f32 v58, v4;
	[tilespmem:s1+$0x12200] =	vst v61  }
0x235: {  	[tilespmem:s1+$0x12280] =	vst v62  }
0x236: {  	[tilespmem:s1+$0x12300] =	vst v63  }
0x237: {  	[hbm4b:s11+s3] =	stream.linear.scatter [tilespmem:s19], [sflag:$0x4], $0x3000, $0x38;
	[tilespmem:$0x13800] =	vst v63  }
0x238: {  	_ =	swait.ge [sflag:s22], $0x6000  }
0x239: {  	[sflag:s22] =	ssyncset.done $0x0  }
0x23a: {  	[sflag:s22] =	ssyncadd.s32 $0xFFFFA000  }
0x23b: {  	_ =	swait.ge [sflag:s22], $0x6000  }
0x23c: {  	[sflag:s22] =	ssyncset.done $0x0  }
0x23d: {  	s23 =	sadd.s32 $0x1, s23;
	[sflag:s22] =	ssyncadd.s32 $0xFFFFA000  }
0x23e: {  	p0 =	sne.s32 s23, s12;
	_ =	swait.ge [sflag:s20], $0x3000  }
.Ltmp4:
0x23f: {  	[sflag:s20] =	ssyncset.done $0x0;
	(pc) =	sbr.rel @p0 .LBB2_1-.Ltmp4, $4  }
0x240: {  	[sflag:s20] =	ssyncadd.s32 $0xFFFFD000  }
0x241: {  	_ =	swait.ge [sflag:s21], $0x3000  }
0x242: {  	[sflag:s21] =	ssyncset.done $0x0  }
0x243: {  	[sflag:s21] =	ssyncadd.s32 $0xFFFFD000  }
0x244: {  	_ =	sfence.sel $0x180000  }
0x245: {  	[bflag:$0x0] =	sbarrier.arrive $0xFFFF  }
0x246: {  	_ =	strace $0x90000047  }
0x247: {  	s0 =	stileid.u32;
	[bflag:$0x2] =	sbarrier.arrive $0xFFFF  }
0x248: {  	p0 =	sne.s32 s0, $0x0;
	s0 =	rddreg [dreg:$0x2]  }
0x249: {  	s0 =	sadd.s32 @!p0 $0x100000, s0  }
0x24a: {  	[sflag:s0] =	ssyncadd.tile.s32 @!p0 $0x1;
	_ =	shalt  }
.Lfunc_end2:
_tile_overlayer_lowered:
.L_overlay_start_2:
0x24b: {  	(tag) =	ssettag $0x2  }
0x24c: {  	s0 =	rddreg [dreg:$0x0];
	s2 =	stileid.u32  }
0x24d: {  	s1 =	rddreg [dreg:$0x1];
	p0 =	sne.s32 s2, $0x0  }
0x24e: {  	s3 =	rddreg [dreg:$0x2];
	[bflag:$0x3] =	sbarrier.arrive $0xFFFF;
	s2 =	simm.s32 @!p0 $0x1C05  }
0x24f: {  	[timem:s3], [sflag:s2] =	dma.local @!p0 [hbm:s0], s1  }
0x250: {  	s0 =	simm.s32 @!p0 $0x5  }
0x251: {  	_ =	swait.ge @!p0 [sflag:s0], s1  }
0x252: {  	s1 =	ssub.s32 @!p0 $0x0, s1;
	[sflag:s0] =	ssyncset.done @!p0 $0x0  }
0x253: {  	[sflag:s0] =	ssyncadd.s32 @!p0 s1  }
0x254: {  	[bflag:$0x3] =	sbarrier.arrive $0xFFFF  }
0x255: {  	_ =	shalt  }

</sc_bundles>
